<compile_context>
chip_gen: v7x
topology: tpu7x:2x2x1
jax: 0.10.2.dev20260603
libtpu: 0.0.44.dev20260713+nightly
codegen_flags: <defaults>
</compile_context>

<pallas_src>
import functools

import jax
import jax.numpy as jnp
from jax import lax
from jax.experimental import pallas as pl
from jax.experimental.pallas import tpu as pltpu
from jax.experimental.pallas import tpu_sc as plsc

_N = 10000
_G = 32
_GP = _G + 2
_C = 256
_NOFF = 27
_NW = 32
_PPW = 320
_NPAD = _NW * _PPW
_NZ = _NPAD - _N
_CHUNK = 4
_NCHUNK = _PPW // _CHUNK
_ROWS = _NOFF * _CHUNK
_ROWS_PAD = 112
_TBL = 39312
_L = 16
_NBUF = 4


def _rne16(x):
    xi = lax.bitcast_convert_type(x, jnp.int32)
    return lax.shift_right_logical(xi + 0x8000, 16)


def _mm_body(f_ref, w_ref, y_ref):
    f = f_ref[...]
    for o in range(_NOFF):
        y = jnp.dot(f, w_ref[o], preferred_element_type=jnp.float32)
        lo = _rne16(y[:, : _C // 2])
        hi = _rne16(y[:, _C // 2 :])
        y_ref[o] = jnp.bitwise_or(lo, lax.shift_left(hi, 16))


def _compute_y(fpad, w27):
    mtile = 512
    return pl.pallas_call(
        _mm_body,
        grid=(_NPAD // mtile,),
        in_specs=[
            pl.BlockSpec((mtile, _C), lambda i: (i, 0)),
            pl.BlockSpec((_NOFF, _C, _C), lambda i: (0, 0, 0)),
        ],
        out_specs=pl.BlockSpec((_NOFF, mtile, _C // 2), lambda i: (0, i, 0)),
        out_shape=jax.ShapeDtypeStruct((_NOFF, _NPAD, _C // 2), jnp.int32),
    )(fpad, w27)


_DELTAS = []
for _dx in range(-1, 2):
    for _dy in range(-1, 2):
        for _dz in range(-1, 2):
            _DELTAS.append(_dx * (_GP * _GP) + _dy * _GP + _dz)


def _sc_gather_reduce(y_flat, lin_pad):
    mesh = plsc.VectorSubcoreMesh(core_axis_name="c", subcore_axis_name="s")

    @functools.partial(
        pl.kernel,
        mesh=mesh,
        out_type=jax.ShapeDtypeStruct((_NPAD, _C), jnp.float32),
        compiler_params=pltpu.CompilerParams(needs_layout_passes=False),
        scratch_types=[
            pltpu.VMEM((_TBL,), jnp.int32),
            pltpu.VMEM((_NPAD,), jnp.int32),
            pltpu.VMEM((_NCHUNK * _ROWS_PAD,), jnp.int32),
            pltpu.VMEM((_NBUF, _ROWS_PAD, _C // 2), jnp.int32),
            pltpu.VMEM((_NBUF, _CHUNK, _C), jnp.float32),
            pltpu.SemaphoreType.DMA((_NBUF,)),
            pltpu.SemaphoreType.DMA((_NBUF,)),
        ],
    )
    def k(y_hbm, lin_hbm, out_hbm, tbl, lin_v, idx_v, stag, acc, gsem, osem):
        cid = lax.axis_index("c")
        sid = lax.axis_index("s")
        wid = sid * 2 + cid
        base = wid * _PPW
        pltpu.sync_copy(lin_hbm, lin_v)

        lane = lax.iota(jnp.int32, _L)

        def zb(i, _):
            tbl[pl.ds(i * _L, _L)] = jnp.full((_L,), -1, jnp.int32)
            return 0

        lax.fori_loop(0, _TBL // _L, zb, 0)

        def sb(q, _):
            lv = lin_v[pl.ds(q * _L, _L)]
            ids = q * _L + lane
            plsc.store_scatter(tbl, [lv], ids)
            return 0

        lax.fori_loop(0, _NPAD // _L, sb, 0)

        def gb(g, _):
            pid = g * _L + lane
            lv = lin_v[pl.ds(base + g * _L, _L)]
            ci = lax.shift_right_logical(pid, 2)
            prem = jnp.bitwise_and(pid, 3)
            pos_base = ci * _ROWS_PAD + prem
            for o in range(_NOFF):
                nl = jnp.maximum(lv + _DELTAS[o], 0)
                t = plsc.load_gather(tbl, [nl])
                spread = o * _NPAD + _N + jnp.remainder(pid + o * 9, _NZ)
                gi = jnp.where(t >= 0, o * _NPAD + t, spread)
                plsc.store_scatter(idx_v, [pos_base + o * _CHUNK], gi)
            return 0

        lax.fori_loop(0, _PPW // _L, gb, 0)

        def pb(f, _):
            cis = f * _L + lane
            for kk in range(_ROWS_PAD - _ROWS):
                pos = cis * _ROWS_PAD + _ROWS + kk
                val = kk * _NPAD + _N + jnp.remainder(cis * 4 + kk * 61, _NZ)
                plsc.store_scatter(idx_v, [pos], val)
            return 0

        lax.fori_loop(0, _NCHUNK // _L, pb, 0)

        def fire(ci, b):
            pltpu.async_copy(
                y_hbm.at[idx_v.at[pl.ds(ci * _ROWS_PAD, _ROWS_PAD)]],
                stag.at[b],
                gsem.at[b],
            )

        def drain_gather(b):
            pltpu.make_async_copy(
                y_hbm.at[pl.ds(0, _ROWS_PAD)], stag.at[b], gsem.at[b]
            ).wait()

        def reduce(b):
            def cbody(c, _):
                def pbody(p, _):
                    vals = [
                        plsc.bitcast(
                            stag[b, o * _CHUNK + p, pl.ds(c * _L, _L)],
                            jnp.bfloat16,
                        )
                        for o in range(_NOFF)
                    ]
                    while len(vals) > 1:
                        nxt = [
                            vals[i] + vals[i + 1]
                            for i in range(0, len(vals) - 1, 2)
                        ]
                        if len(vals) % 2:
                            nxt.append(vals[-1])
                        vals = nxt
                    ae, ao = plsc.unpack(
                        vals[0], format=plsc.PackFormat.INTERLEAVED
                    )
                    acc[b, p, pl.ds(c * _L, _L)] = ae
                    acc[b, p, pl.ds(_C // 2 + c * _L, _L)] = ao
                    return 0

                lax.fori_loop(0, _CHUNK, pbody, 0)
                return 0

            lax.fori_loop(0, _C // (2 * _L), cbody, 0)

        for b in range(_NBUF):
            fire(b, b)

        def outer(t, _):
            for b in range(_NBUF):
                ci = t * _NBUF + b
                drain_gather(b)

                @pl.when(t > 0)
                def _drain_out():
                    pltpu.make_async_copy(
                        y_hbm.at[pl.ds(0, _CHUNK)], acc.at[b], osem.at[b]
                    ).wait()

                reduce(b)

                @pl.when(t < _NCHUNK // _NBUF - 1)
                def _fire_next():
                    fire(ci + _NBUF, b)

                pltpu.async_copy(
                    acc.at[b],
                    out_hbm.at[pl.ds(base + ci * _CHUNK, _CHUNK)],
                    osem.at[b],
                )
            return 0

        lax.fori_loop(0, _NCHUNK // _NBUF, outer, 0)
        for b in range(_NBUF):
            pltpu.make_async_copy(
                y_hbm.at[pl.ds(0, _CHUNK)], acc.at[b], osem.at[b]
            ).wait()

    return k(y_flat, lin_pad)


def kernel(features, inp_positions, W, voxel_size):
    v = jnp.floor(inp_positions / voxel_size).astype(jnp.int32)
    lin = (v[:, 0] + 1) * (_GP * _GP) + (v[:, 1] + 1) * _GP + (v[:, 2] + 1)
    lin_pad = jnp.pad(lin, (0, _NPAD - _N))

    fpad = jnp.pad(features, ((0, _NPAD - _N), (0, 0))).astype(jnp.bfloat16)
    w27 = W.reshape(_NOFF, _C, _C).astype(jnp.bfloat16)
    y = _compute_y(fpad, w27).reshape(_NOFF * _NPAD, _C // 2)
    out = _sc_gather_reduce(y, lin_pad)
    return out[:_N]

# --- scband reference (transcript-rebuilt; emitter-appended) ---
"""Pipeline reference for scband-submanifold-sparse-conv-16441134809108 (READ-ONLY COPY).

The authoritative reference and input builder live on the scoring server;
editing this copy changes nothing except your own understanding.
"""

import jax, jax.numpy as jnp
import numpy as np

N = 10000
G = 32          # voxel grid extent; positions are integer voxel coords in [0, G)
C_IN = 256
C_OUT = 256
K = 3           # kernel_size (3,3,3), odd -> offset = 0.0 (submanifold)


def setup_inputs(seed: int = 0) -> dict:
    key = jax.random.key(seed)
    k1, k2, k3 = jax.random.split(key, 3)
    features = jax.random.normal(k1, (N, C_IN), dtype=jnp.float32)
    # Unique voxel positions (submanifold sparse conv: one feature per occupied voxel).
    perm = jax.random.permutation(k2, G * G * G)[:N]
    px = perm // (G * G)
    py = (perm // G) % G
    pz = perm % G
    inp_positions = jnp.stack([px, py, pz], axis=1).astype(jnp.float32)
    # SparseConv kernel: [k, k, k, in_channels, filters]
    W = jax.random.normal(k3, (K, K, K, C_IN, C_OUT), dtype=jnp.float32) * (1.0 / np.sqrt(K * K * K * C_IN))
    return {"features": features, "inp_positions": inp_positions, "W": W, "voxel_size": 1.0}


def reference(features, inp_positions, W, voxel_size=1.0):
    # Submanifold sparse conv: out_positions == inp_positions, kernel offset = 0.0,
    # use_bias=False, normalize=False.
    Gp = G + 2  # pad by 1 on each side so neighbor lookups never go out of bounds
    v = jnp.floor(inp_positions / voxel_size).astype(jnp.int32)
    lin = (v[:, 0] + 1) * (Gp * Gp) + (v[:, 1] + 1) * Gp + (v[:, 2] + 1)
    # Dense voxel -> point-index lookup table (hash map equivalent); -1 = empty voxel.
    table = jnp.full((Gp * Gp * Gp,), -1, dtype=jnp.int32).at[lin].set(
        jnp.arange(N, dtype=jnp.int32))
    out = jnp.zeros((N, C_OUT), dtype=jnp.float32)
    for dx in range(-1, 2):
        for dy in range(-1, 2):
            for dz in range(-1, 2):
                nlin = lin + dx * (Gp * Gp) + dy * Gp + dz
                nidx = table[nlin]                      # gather: neighbor point index or -1
                valid = nidx >= 0
                safe = jnp.clip(nidx, 0, N - 1)
                gathered = jnp.where(valid[:, None], features[safe], 0.0)  # gather feats
                out = out + gathered @ W[dx + 1, dy + 1, dz + 1]
    return out

if __name__ == "__main__":
    import jax
    _d = setup_inputs()
    print(jax.jit(kernel)(*tuple(_d.values())))

</pallas_src>

<mosaic_0001>
#map = affine_map<(d0, d1) -> (0, 0)>
#map1 = affine_map<(d0, d1) -> (0)>
module attributes {stable_mosaic.version = 14 : i64} {
  func.func @k(%arg0: i32, %arg1: i32, %arg2: memref<276480x128xi32, #tpu.memory_space<hbm>>, %arg3: memref<10240xi32, #tpu.memory_space<hbm>>, %arg4: memref<10240x256xf32, #tpu.memory_space<hbm>>, %arg5: memref<39312xi32, #tpu.memory_space<vmem>>, %arg6: memref<10240xi32, #tpu.memory_space<vmem>>, %arg7: memref<8960xi32, #tpu.memory_space<vmem>>, %arg8: memref<4x112x128xi32, #tpu.memory_space<vmem>>, %arg9: memref<4x4x256xf32, #tpu.memory_space<vmem>>, %arg10: memref<4x!tpu.dma_semaphore, #tpu.memory_space<semaphore_mem>>, %arg11: memref<4x!tpu.dma_semaphore, #tpu.memory_space<semaphore_mem>>) attributes {dimension_semantics = [#tpu.dimension_semantics<core_parallel>, #tpu.dimension_semantics<subcore_parallel>], iteration_bounds = array<i64: 2, 16>, scalar_prefetch = 0 : i64, scratch_operands = 7 : i64, tpu.core_type = #tpu.core_type<sc_vector_subcore>, window_params = [{transform_indices = #map}, {transform_indices = #map1}, {transform_indices = #map}]} {
    %mul3A = arith.constant 2 : i32
    %mul3A_0 = arith.muli %arg1, %mul3A : i32
    %add3A = arith.addi %mul3A_0, %arg0 : i32
    %mul3A_1 = arith.constant 320 : i32
    %mul3A_2 = arith.muli %add3A, %mul3A_1 : i32
    "tpu.region"() ({
      %run_scoped3A = tpu.sem_alloc : memref<!tpu.dma_semaphore, #tpu.memory_space<semaphore_mem>>
      tpu.enqueue_dma source(%arg3 : memref<10240xi32, #tpu.memory_space<hbm>>) target(%arg6 : memref<10240xi32, #tpu.memory_space<vmem>>) target_semaphore(%run_scoped3A : memref<!tpu.dma_semaphore, #tpu.memory_space<semaphore_mem>>)
      tpu.wait_dma2 semaphore(%run_scoped3A : memref<!tpu.dma_semaphore, #tpu.memory_space<semaphore_mem>>) src(%arg3 : memref<10240xi32, #tpu.memory_space<hbm>>) dst(%arg6 : memref<10240xi32, #tpu.memory_space<vmem>>)
      tpu.yield
    }) : () -> ()
    %iota3A = tpu.iota {dimensions = array<i32: 0>} : vector<16xi32>
    %scan3A = arith.constant 0 : i32
    %scan3A_3 = arith.constant 0 : i32
    %scan3A_4 = arith.constant 2457 : i32
    %scan3A_5 = arith.addi %scan3A_3, %scan3A_4 : i32
    %scan3A_6 = arith.constant 1 : i32
    %scan3A_7 = scf.for %scan3A_159 = %scan3A_3 to %scan3A_5 step %scan3A_6 iter_args(%scan3A_160 = %scan3A) -> (i32)  : i32 {
      %broadcast_in_dim3A = arith.constant -1 : i32
      %broadcast_in_dim3A_161 = vector.broadcast %broadcast_in_dim3A : i32 to vector<16xi32>
      %mul3A_162 = arith.constant 16 : i32
      %mul3A_163 = arith.muli %scan3A_159, %mul3A_162 : i32
      %swap3A = arith.index_cast %mul3A_163 : i32 to index
      %swap3A_164 = tpu.vector_load %arg5[%swap3A] {strides = array<i32>} : memref<39312xi32, #tpu.memory_space<vmem>>, vector<16xi32>,
      tpu.vector_store %arg5[%swap3A], %broadcast_in_dim3A_161 {strides = array<i32>} : memref<39312xi32, #tpu.memory_space<vmem>>, vector<16xi32>,
      %scan3A_165 = arith.constant 0 : i32
      scf.yield %scan3A_165 : i32
    }
    %scan3A_8 = arith.constant 2457 : i32
    %scan3A_9 = arith.constant 0 : i32
    %scan3A_10 = arith.constant 0 : i32
    %scan3A_11 = arith.constant 640 : i32
    %scan3A_12 = arith.addi %scan3A_10, %scan3A_11 : i32
    %scan3A_13 = arith.constant 1 : i32
    %scan3A_14 = scf.for %scan3A_159 = %scan3A_10 to %scan3A_12 step %scan3A_13 iter_args(%scan3A_160 = %scan3A_9) -> (i32)  : i32 {
      %mul3A_161 = arith.constant 16 : i32
      %mul3A_162 = arith.muli %scan3A_159, %mul3A_161 : i32
      %get3A = arith.index_cast %mul3A_162 : i32 to index
      %get3A_163 = tpu.vector_load %arg6[%get3A] {strides = array<i32>} : memref<10240xi32, #tpu.memory_space<vmem>>, vector<16xi32>,
      %mul3A_164 = arith.constant 16 : i32
      %mul3A_165 = arith.muli %scan3A_159, %mul3A_164 : i32
      %add3A_166 = vector.broadcast %mul3A_165 : i32 to vector<16xi32>
      %add3A_167 = arith.addi %add3A_166, %iota3A : vector<16xi32>
      tpu.vector_store_idx %arg5[%get3A_163], %add3A_167 : memref<39312xi32, #tpu.memory_space<vmem>>[vector<16xi32>], vector<16xi32>,
      %scan3A_168 = arith.constant 0 : i32
      scf.yield %scan3A_168 : i32
    }
    %scan3A_15 = arith.constant 640 : i32
    %scan3A_16 = arith.constant 0 : i32
    %scan3A_17 = arith.constant 0 : i32
    %scan3A_18 = arith.constant 20 : i32
    %scan3A_19 = arith.addi %scan3A_17, %scan3A_18 : i32
    %scan3A_20 = arith.constant 1 : i32
    %scan3A_21 = scf.for %scan3A_159 = %scan3A_17 to %scan3A_19 step %scan3A_20 iter_args(%scan3A_160 = %scan3A_16) -> (i32)  : i32 {
      %mul3A_161 = arith.constant 16 : i32
      %mul3A_162 = arith.muli %scan3A_159, %mul3A_161 : i32
      %add3A_163 = vector.broadcast %mul3A_162 : i32 to vector<16xi32>
      %add3A_164 = arith.addi %add3A_163, %iota3A : vector<16xi32>
      %mul3A_165 = arith.constant 16 : i32
      %mul3A_166 = arith.muli %scan3A_159, %mul3A_165 : i32
      %add3A_167 = arith.addi %mul3A_2, %mul3A_166 : i32
      %get3A = arith.index_cast %add3A_167 : i32 to index
      %get3A_168 = tpu.vector_load %arg6[%get3A] {strides = array<i32>} : memref<10240xi32, #tpu.memory_space<vmem>>, vector<16xi32>,
      %shift_right_logical3A = arith.constant 2 : i32
      %shift_right_logical3A_169 = vector.broadcast %shift_right_logical3A : i32 to vector<16xi32>
      %shift_right_logical3A_170 = arith.shrui %add3A_164, %shift_right_logical3A_169 : vector<16xi32>
      %and3A = arith.constant 3 : i32
      %and3A_171 = vector.broadcast %and3A : i32 to vector<16xi32>
      %and3A_172 = arith.andi %add3A_164, %and3A_171 : vector<16xi32>
      %mul3A_173 = arith.constant 112 : i32
      %mul3A_174 = vector.broadcast %mul3A_173 : i32 to vector<16xi32>
      %mul3A_175 = arith.muli %shift_right_logical3A_170, %mul3A_174 : vector<16xi32>
      %add3A_176 = arith.addi %mul3A_175, %and3A_172 : vector<16xi32>
      %add3A_177 = arith.constant -1191 : i32
      %add3A_178 = vector.broadcast %add3A_177 : i32 to vector<16xi32>
      %add3A_179 = arith.addi %get3A_168, %add3A_178 : vector<16xi32>
      %max3A = arith.constant 0 : i32
      %max3A_180 = vector.broadcast %max3A : i32 to vector<16xi32>
      %max3A_181 = arith.maxsi %add3A_179, %max3A_180 : vector<16xi32>
      %gather3A = tpu.vector_load_idx %arg5[%max3A_181] : memref<39312xi32, #tpu.memory_space<vmem>>[vector<16xi32>], vector<16xi32>,
      %add3A_182 = arith.constant 0 : i32
      %add3A_183 = vector.broadcast %add3A_182 : i32 to vector<16xi32>
      %add3A_184 = arith.addi %add3A_164, %add3A_183 : vector<16xi32>
      %jit3A = arith.constant 240 : i32
      %eq3A = arith.constant 0 : i32
      %eq3A_185 = arith.cmpi eq, %jit3A, %eq3A : i32
      %jit3A_186 = arith.constant 1 : i32
      %select_n3A = arith.select %eq3A_185, %jit3A_186, %jit3A : i32
      %rem3A = vector.broadcast %select_n3A : i32 to vector<16xi32>
      %rem3A_187 = arith.remsi %add3A_184, %rem3A : vector<16xi32>
      %ne3A = arith.constant 0 : i32
      %ne3A_188 = vector.broadcast %ne3A : i32 to vector<16xi32>
      %ne3A_189 = arith.cmpi ne, %rem3A_187, %ne3A_188 : vector<16xi32>
      %lt3A = arith.constant 0 : i32
      %lt3A_190 = vector.broadcast %lt3A : i32 to vector<16xi32>
      %lt3A_191 = arith.cmpi slt, %rem3A_187, %lt3A_190 : vector<16xi32>
      %lt3A_192 = arith.constant 0 : i32
      %lt3A_193 = arith.cmpi slt, %select_n3A, %lt3A_192 : i32
      %ne3A_194 = vector.broadcast %lt3A_193 : i1 to vector<16xi1>
      %ne3A_195 = vector.broadcast %ne3A_194 : vector<16xi1> to vector<16xi1>
      %ne3A_196 = arith.xori %lt3A_191, %ne3A_195 : vector<16xi1>
      %and3A_197 = arith.andi %ne3A_196, %ne3A_189 : vector<16xi1>
      %add3A_198 = vector.broadcast %select_n3A : i32 to vector<16xi32>
      %add3A_199 = arith.addi %rem3A_187, %add3A_198 : vector<16xi32>
      %select_n3A_200 = arith.select %and3A_197, %add3A_199, %rem3A_187 : vector<16xi1>, vector<16xi32>
      %add3A_201 = arith.constant 10000 : i32
      %add3A_202 = vector.broadcast %add3A_201 : i32 to vector<16xi32>
      %add3A_203 = arith.addi %add3A_202, %select_n3A_200 : vector<16xi32>
      %ge3A = arith.constant 0 : i32
      %ge3A_204 = vector.broadcast %ge3A : i32 to vector<16xi32>
      %ge3A_205 = arith.cmpi sge, %gather3A, %ge3A_204 : vector<16xi32>
      %add3A_206 = arith.constant 0 : i32
      %add3A_207 = vector.broadcast %add3A_206 : i32 to vector<16xi32>
      %add3A_208 = arith.addi %add3A_207, %gather3A : vector<16xi32>
      %select_n3A_209 = arith.select %ge3A_205, %add3A_208, %add3A_203 : vector<16xi1>, vector<16xi32>
      %add3A_210 = arith.constant 0 : i32
      %add3A_211 = vector.broadcast %add3A_210 : i32 to vector<16xi32>
      %add3A_212 = arith.addi %add3A_176, %add3A_211 : vector<16xi32>
      tpu.vector_store_idx %arg7[%add3A_212], %select_n3A_209 : memref<8960xi32, #tpu.memory_space<vmem>>[vector<16xi32>], vector<16xi32>,
      %add3A_213 = arith.constant -1190 : i32
      %add3A_214 = vector.broadcast %add3A_213 : i32 to vector<16xi32>
      %add3A_215 = arith.addi %get3A_168, %add3A_214 : vector<16xi32>
      %max3A_216 = arith.constant 0 : i32
      %max3A_217 = vector.broadcast %max3A_216 : i32 to vector<16xi32>
      %max3A_218 = arith.maxsi %add3A_215, %max3A_217 : vector<16xi32>
      %gather3A_219 = tpu.vector_load_idx %arg5[%max3A_218] : memref<39312xi32, #tpu.memory_space<vmem>>[vector<16xi32>], vector<16xi32>,
      %add3A_220 = arith.constant 9 : i32
      %add3A_221 = vector.broadcast %add3A_220 : i32 to vector<16xi32>
      %add3A_222 = arith.addi %add3A_164, %add3A_221 : vector<16xi32>
      %jit3A_223 = arith.constant 240 : i32
      %eq3A_224 = arith.constant 0 : i32
      %eq3A_225 = arith.cmpi eq, %jit3A_223, %eq3A_224 : i32
      %jit3A_226 = arith.constant 1 : i32
      %select_n3A_227 = arith.select %eq3A_225, %jit3A_226, %jit3A_223 : i32
      %rem3A_228 = vector.broadcast %select_n3A_227 : i32 to vector<16xi32>
      %rem3A_229 = arith.remsi %add3A_222, %rem3A_228 : vector<16xi32>
      %ne3A_230 = arith.constant 0 : i32
      %ne3A_231 = vector.broadcast %ne3A_230 : i32 to vector<16xi32>
      %ne3A_232 = arith.cmpi ne, %rem3A_229, %ne3A_231 : vector<16xi32>
      %lt3A_233 = arith.constant 0 : i32
      %lt3A_234 = vector.broadcast %lt3A_233 : i32 to vector<16xi32>
      %lt3A_235 = arith.cmpi slt, %rem3A_229, %lt3A_234 : vector<16xi32>
      %lt3A_236 = arith.constant 0 : i32
      %lt3A_237 = arith.cmpi slt, %select_n3A_227, %lt3A_236 : i32
      %ne3A_238 = vector.broadcast %lt3A_237 : i1 to vector<16xi1>
      %ne3A_239 = vector.broadcast %ne3A_238 : vector<16xi1> to vector<16xi1>
      %ne3A_240 = arith.xori %lt3A_235, %ne3A_239 : vector<16xi1>
      %and3A_241 = arith.andi %ne3A_240, %ne3A_232 : vector<16xi1>
      %add3A_242 = vector.broadcast %select_n3A_227 : i32 to vector<16xi32>
      %add3A_243 = arith.addi %rem3A_229, %add3A_242 : vector<16xi32>
      %select_n3A_244 = arith.select %and3A_241, %add3A_243, %rem3A_229 : vector<16xi1>, vector<16xi32>
      %add3A_245 = arith.constant 20240 : i32
      %add3A_246 = vector.broadcast %add3A_245 : i32 to vector<16xi32>
      %add3A_247 = arith.addi %add3A_246, %select_n3A_244 : vector<16xi32>
      %ge3A_248 = arith.constant 0 : i32
      %ge3A_249 = vector.broadcast %ge3A_248 : i32 to vector<16xi32>
      %ge3A_250 = arith.cmpi sge, %gather3A_219, %ge3A_249 : vector<16xi32>
      %add3A_251 = arith.constant 10240 : i32
      %add3A_252 = vector.broadcast %add3A_251 : i32 to vector<16xi32>
      %add3A_253 = arith.addi %add3A_252, %gather3A_219 : vector<16xi32>
      %select_n3A_254 = arith.select %ge3A_250, %add3A_253, %add3A_247 : vector<16xi1>, vector<16xi32>
      %add3A_255 = arith.constant 4 : i32
      %add3A_256 = vector.broadcast %add3A_255 : i32 to vector<16xi32>
      %add3A_257 = arith.addi %add3A_176, %add3A_256 : vector<16xi32>
      tpu.vector_store_idx %arg7[%add3A_257], %select_n3A_254 : memref<8960xi32, #tpu.memory_space<vmem>>[vector<16xi32>], vector<16xi32>,
      %add3A_258 = arith.constant -1189 : i32
      %add3A_259 = vector.broadcast %add3A_258 : i32 to vector<16xi32>
      %add3A_260 = arith.addi %get3A_168, %add3A_259 : vector<16xi32>
      %max3A_261 = arith.constant 0 : i32
      %max3A_262 = vector.broadcast %max3A_261 : i32 to vector<16xi32>
      %max3A_263 = arith.maxsi %add3A_260, %max3A_262 : vector<16xi32>
      %gather3A_264 = tpu.vector_load_idx %arg5[%max3A_263] : memref<39312xi32, #tpu.memory_space<vmem>>[vector<16xi32>], vector<16xi32>,
      %add3A_265 = arith.constant 18 : i32
      %add3A_266 = vector.broadcast %add3A_265 : i32 to vector<16xi32>
      %add3A_267 = arith.addi %add3A_164, %add3A_266 : vector<16xi32>
      %jit3A_268 = arith.constant 240 : i32
      %eq3A_269 = arith.constant 0 : i32
      %eq3A_270 = arith.cmpi eq, %jit3A_268, %eq3A_269 : i32
      %jit3A_271 = arith.constant 1 : i32
      %select_n3A_272 = arith.select %eq3A_270, %jit3A_271, %jit3A_268 : i32
      %rem3A_273 = vector.broadcast %select_n3A_272 : i32 to vector<16xi32>
      %rem3A_274 = arith.remsi %add3A_267, %rem3A_273 : vector<16xi32>
      %ne3A_275 = arith.constant 0 : i32
      %ne3A_276 = vector.broadcast %ne3A_275 : i32 to vector<16xi32>
      %ne3A_277 = arith.cmpi ne, %rem3A_274, %ne3A_276 : vector<16xi32>
      %lt3A_278 = arith.constant 0 : i32
      %lt3A_279 = vector.broadcast %lt3A_278 : i32 to vector<16xi32>
      %lt3A_280 = arith.cmpi slt, %rem3A_274, %lt3A_279 : vector<16xi32>
      %lt3A_281 = arith.constant 0 : i32
      %lt3A_282 = arith.cmpi slt, %select_n3A_272, %lt3A_281 : i32
      %ne3A_283 = vector.broadcast %lt3A_282 : i1 to vector<16xi1>
      %ne3A_284 = vector.broadcast %ne3A_283 : vector<16xi1> to vector<16xi1>
      %ne3A_285 = arith.xori %lt3A_280, %ne3A_284 : vector<16xi1>
      %and3A_286 = arith.andi %ne3A_285, %ne3A_277 : vector<16xi1>
      %add3A_287 = vector.broadcast %select_n3A_272 : i32 to vector<16xi32>
      %add3A_288 = arith.addi %rem3A_274, %add3A_287 : vector<16xi32>
      %select_n3A_289 = arith.select %and3A_286, %add3A_288, %rem3A_274 : vector<16xi1>, vector<16xi32>
      %add3A_290 = arith.constant 30480 : i32
      %add3A_291 = vector.broadcast %add3A_290 : i32 to vector<16xi32>
      %add3A_292 = arith.addi %add3A_291, %select_n3A_289 : vector<16xi32>
      %ge3A_293 = arith.constant 0 : i32
      %ge3A_294 = vector.broadcast %ge3A_293 : i32 to vector<16xi32>
      %ge3A_295 = arith.cmpi sge, %gather3A_264, %ge3A_294 : vector<16xi32>
      %add3A_296 = arith.constant 20480 : i32
      %add3A_297 = vector.broadcast %add3A_296 : i32 to vector<16xi32>
      %add3A_298 = arith.addi %add3A_297, %gather3A_264 : vector<16xi32>
      %select_n3A_299 = arith.select %ge3A_295, %add3A_298, %add3A_292 : vector<16xi1>, vector<16xi32>
      %add3A_300 = arith.constant 8 : i32
      %add3A_301 = vector.broadcast %add3A_300 : i32 to vector<16xi32>
      %add3A_302 = arith.addi %add3A_176, %add3A_301 : vector<16xi32>
      tpu.vector_store_idx %arg7[%add3A_302], %select_n3A_299 : memref<8960xi32, #tpu.memory_space<vmem>>[vector<16xi32>], vector<16xi32>,
      %add3A_303 = arith.constant -1157 : i32
      %add3A_304 = vector.broadcast %add3A_303 : i32 to vector<16xi32>
      %add3A_305 = arith.addi %get3A_168, %add3A_304 : vector<16xi32>
      %max3A_306 = arith.constant 0 : i32
      %max3A_307 = vector.broadcast %max3A_306 : i32 to vector<16xi32>
      %max3A_308 = arith.maxsi %add3A_305, %max3A_307 : vector<16xi32>
      %gather3A_309 = tpu.vector_load_idx %arg5[%max3A_308] : memref<39312xi32, #tpu.memory_space<vmem>>[vector<16xi32>], vector<16xi32>,
      %add3A_310 = arith.constant 27 : i32
      %add3A_311 = vector.broadcast %add3A_310 : i32 to vector<16xi32>
      %add3A_312 = arith.addi %add3A_164, %add3A_311 : vector<16xi32>
      %jit3A_313 = arith.constant 240 : i32
      %eq3A_314 = arith.constant 0 : i32
      %eq3A_315 = arith.cmpi eq, %jit3A_313, %eq3A_314 : i32
      %jit3A_316 = arith.constant 1 : i32
      %select_n3A_317 = arith.select %eq3A_315, %jit3A_316, %jit3A_313 : i32
      %rem3A_318 = vector.broadcast %select_n3A_317 : i32 to vector<16xi32>
      %rem3A_319 = arith.remsi %add3A_312, %rem3A_318 : vector<16xi32>
      %ne3A_320 = arith.constant 0 : i32
      %ne3A_321 = vector.broadcast %ne3A_320 : i32 to vector<16xi32>
      %ne3A_322 = arith.cmpi ne, %rem3A_319, %ne3A_321 : vector<16xi32>
      %lt3A_323 = arith.constant 0 : i32
      %lt3A_324 = vector.broadcast %lt3A_323 : i32 to vector<16xi32>
      %lt3A_325 = arith.cmpi slt, %rem3A_319, %lt3A_324 : vector<16xi32>
      %lt3A_326 = arith.constant 0 : i32
      %lt3A_327 = arith.cmpi slt, %select_n3A_317, %lt3A_326 : i32
      %ne3A_328 = vector.broadcast %lt3A_327 : i1 to vector<16xi1>
      %ne3A_329 = vector.broadcast %ne3A_328 : vector<16xi1> to vector<16xi1>
      %ne3A_330 = arith.xori %lt3A_325, %ne3A_329 : vector<16xi1>
      %and3A_331 = arith.andi %ne3A_330, %ne3A_322 : vector<16xi1>
      %add3A_332 = vector.broadcast %select_n3A_317 : i32 to vector<16xi32>
      %add3A_333 = arith.addi %rem3A_319, %add3A_332 : vector<16xi32>
      %select_n3A_334 = arith.select %and3A_331, %add3A_333, %rem3A_319 : vector<16xi1>, vector<16xi32>
      %add3A_335 = arith.constant 40720 : i32
      %add3A_336 = vector.broadcast %add3A_335 : i32 to vector<16xi32>
      %add3A_337 = arith.addi %add3A_336, %select_n3A_334 : vector<16xi32>
      %ge3A_338 = arith.constant 0 : i32
      %ge3A_339 = vector.broadcast %ge3A_338 : i32 to vector<16xi32>
      %ge3A_340 = arith.cmpi sge, %gather3A_309, %ge3A_339 : vector<16xi32>
      %add3A_341 = arith.constant 30720 : i32
      %add3A_342 = vector.broadcast %add3A_341 : i32 to vector<16xi32>
      %add3A_343 = arith.addi %add3A_342, %gather3A_309 : vector<16xi32>
      %select_n3A_344 = arith.select %ge3A_340, %add3A_343, %add3A_337 : vector<16xi1>, vector<16xi32>
      %add3A_345 = arith.constant 12 : i32
      %add3A_346 = vector.broadcast %add3A_345 : i32 to vector<16xi32>
      %add3A_347 = arith.addi %add3A_176, %add3A_346 : vector<16xi32>
      tpu.vector_store_idx %arg7[%add3A_347], %select_n3A_344 : memref<8960xi32, #tpu.memory_space<vmem>>[vector<16xi32>], vector<16xi32>,
      %add3A_348 = arith.constant -1156 : i32
      %add3A_349 = vector.broadcast %add3A_348 : i32 to vector<16xi32>
      %add3A_350 = arith.addi %get3A_168, %add3A_349 : vector<16xi32>
      %max3A_351 = arith.constant 0 : i32
      %max3A_352 = vector.broadcast %max3A_351 : i32 to vector<16xi32>
      %max3A_353 = arith.maxsi %add3A_350, %max3A_352 : vector<16xi32>
      %gather3A_354 = tpu.vector_load_idx %arg5[%max3A_353] : memref<39312xi32, #tpu.memory_space<vmem>>[vector<16xi32>], vector<16xi32>,
      %add3A_355 = arith.constant 36 : i32
      %add3A_356 = vector.broadcast %add3A_355 : i32 to vector<16xi32>
      %add3A_357 = arith.addi %add3A_164, %add3A_356 : vector<16xi32>
      %jit3A_358 = arith.constant 240 : i32
      %eq3A_359 = arith.constant 0 : i32
      %eq3A_360 = arith.cmpi eq, %jit3A_358, %eq3A_359 : i32
      %jit3A_361 = arith.constant 1 : i32
      %select_n3A_362 = arith.select %eq3A_360, %jit3A_361, %jit3A_358 : i32
      %rem3A_363 = vector.broadcast %select_n3A_362 : i32 to vector<16xi32>
      %rem3A_364 = arith.remsi %add3A_357, %rem3A_363 : vector<16xi32>
      %ne3A_365 = arith.constant 0 : i32
      %ne3A_366 = vector.broadcast %ne3A_365 : i32 to vector<16xi32>
      %ne3A_367 = arith.cmpi ne, %rem3A_364, %ne3A_366 : vector<16xi32>
      %lt3A_368 = arith.constant 0 : i32
      %lt3A_369 = vector.broadcast %lt3A_368 : i32 to vector<16xi32>
      %lt3A_370 = arith.cmpi slt, %rem3A_364, %lt3A_369 : vector<16xi32>
      %lt3A_371 = arith.constant 0 : i32
      %lt3A_372 = arith.cmpi slt, %select_n3A_362, %lt3A_371 : i32
      %ne3A_373 = vector.broadcast %lt3A_372 : i1 to vector<16xi1>
      %ne3A_374 = vector.broadcast %ne3A_373 : vector<16xi1> to vector<16xi1>
      %ne3A_375 = arith.xori %lt3A_370, %ne3A_374 : vector<16xi1>
      %and3A_376 = arith.andi %ne3A_375, %ne3A_367 : vector<16xi1>
      %add3A_377 = vector.broadcast %select_n3A_362 : i32 to vector<16xi32>
      %add3A_378 = arith.addi %rem3A_364, %add3A_377 : vector<16xi32>
      %select_n3A_379 = arith.select %and3A_376, %add3A_378, %rem3A_364 : vector<16xi1>, vector<16xi32>
      %add3A_380 = arith.constant 50960 : i32
      %add3A_381 = vector.broadcast %add3A_380 : i32 to vector<16xi32>
      %add3A_382 = arith.addi %add3A_381, %select_n3A_379 : vector<16xi32>
      %ge3A_383 = arith.constant 0 : i32
      %ge3A_384 = vector.broadcast %ge3A_383 : i32 to vector<16xi32>
      %ge3A_385 = arith.cmpi sge, %gather3A_354, %ge3A_384 : vector<16xi32>
      %add3A_386 = arith.constant 40960 : i32
      %add3A_387 = vector.broadcast %add3A_386 : i32 to vector<16xi32>
      %add3A_388 = arith.addi %add3A_387, %gather3A_354 : vector<16xi32>
      %select_n3A_389 = arith.select %ge3A_385, %add3A_388, %add3A_382 : vector<16xi1>, vector<16xi32>
      %add3A_390 = arith.constant 16 : i32
      %add3A_391 = vector.broadcast %add3A_390 : i32 to vector<16xi32>
      %add3A_392 = arith.addi %add3A_176, %add3A_391 : vector<16xi32>
      tpu.vector_store_idx %arg7[%add3A_392], %select_n3A_389 : memref<8960xi32, #tpu.memory_space<vmem>>[vector<16xi32>], vector<16xi32>,
      %add3A_393 = arith.constant -1155 : i32
      %add3A_394 = vector.broadcast %add3A_393 : i32 to vector<16xi32>
      %add3A_395 = arith.addi %get3A_168, %add3A_394 : vector<16xi32>
      %max3A_396 = arith.constant 0 : i32
      %max3A_397 = vector.broadcast %max3A_396 : i32 to vector<16xi32>
      %max3A_398 = arith.maxsi %add3A_395, %max3A_397 : vector<16xi32>
      %gather3A_399 = tpu.vector_load_idx %arg5[%max3A_398] : memref<39312xi32, #tpu.memory_space<vmem>>[vector<16xi32>], vector<16xi32>,
      %add3A_400 = arith.constant 45 : i32
      %add3A_401 = vector.broadcast %add3A_400 : i32 to vector<16xi32>
      %add3A_402 = arith.addi %add3A_164, %add3A_401 : vector<16xi32>
      %jit3A_403 = arith.constant 240 : i32
      %eq3A_404 = arith.constant 0 : i32
      %eq3A_405 = arith.cmpi eq, %jit3A_403, %eq3A_404 : i32
      %jit3A_406 = arith.constant 1 : i32
      %select_n3A_407 = arith.select %eq3A_405, %jit3A_406, %jit3A_403 : i32
      %rem3A_408 = vector.broadcast %select_n3A_407 : i32 to vector<16xi32>
      %rem3A_409 = arith.remsi %add3A_402, %rem3A_408 : vector<16xi32>
      %ne3A_410 = arith.constant 0 : i32
      %ne3A_411 = vector.broadcast %ne3A_410 : i32 to vector<16xi32>
      %ne3A_412 = arith.cmpi ne, %rem3A_409, %ne3A_411 : vector<16xi32>
      %lt3A_413 = arith.constant 0 : i32
      %lt3A_414 = vector.broadcast %lt3A_413 : i32 to vector<16xi32>
      %lt3A_415 = arith.cmpi slt, %rem3A_409, %lt3A_414 : vector<16xi32>
      %lt3A_416 = arith.constant 0 : i32
      %lt3A_417 = arith.cmpi slt, %select_n3A_407, %lt3A_416 : i32
      %ne3A_418 = vector.broadcast %lt3A_417 : i1 to vector<16xi1>
      %ne3A_419 = vector.broadcast %ne3A_418 : vector<16xi1> to vector<16xi1>
      %ne3A_420 = arith.xori %lt3A_415, %ne3A_419 : vector<16xi1>
      %and3A_421 = arith.andi %ne3A_420, %ne3A_412 : vector<16xi1>
      %add3A_422 = vector.broadcast %select_n3A_407 : i32 to vector<16xi32>
      %add3A_423 = arith.addi %rem3A_409, %add3A_422 : vector<16xi32>
      %select_n3A_424 = arith.select %and3A_421, %add3A_423, %rem3A_409 : vector<16xi1>, vector<16xi32>
      %add3A_425 = arith.constant 61200 : i32
      %add3A_426 = vector.broadcast %add3A_425 : i32 to vector<16xi32>
      %add3A_427 = arith.addi %add3A_426, %select_n3A_424 : vector<16xi32>
      %ge3A_428 = arith.constant 0 : i32
      %ge3A_429 = vector.broadcast %ge3A_428 : i32 to vector<16xi32>
      %ge3A_430 = arith.cmpi sge, %gather3A_399, %ge3A_429 : vector<16xi32>
      %add3A_431 = arith.constant 51200 : i32
      %add3A_432 = vector.broadcast %add3A_431 : i32 to vector<16xi32>
      %add3A_433 = arith.addi %add3A_432, %gather3A_399 : vector<16xi32>
      %select_n3A_434 = arith.select %ge3A_430, %add3A_433, %add3A_427 : vector<16xi1>, vector<16xi32>
      %add3A_435 = arith.constant 20 : i32
      %add3A_436 = vector.broadcast %add3A_435 : i32 to vector<16xi32>
      %add3A_437 = arith.addi %add3A_176, %add3A_436 : vector<16xi32>
      tpu.vector_store_idx %arg7[%add3A_437], %select_n3A_434 : memref<8960xi32, #tpu.memory_space<vmem>>[vector<16xi32>], vector<16xi32>,
      %add3A_438 = arith.constant -1123 : i32
      %add3A_439 = vector.broadcast %add3A_438 : i32 to vector<16xi32>
      %add3A_440 = arith.addi %get3A_168, %add3A_439 : vector<16xi32>
      %max3A_441 = arith.constant 0 : i32
      %max3A_442 = vector.broadcast %max3A_441 : i32 to vector<16xi32>
      %max3A_443 = arith.maxsi %add3A_440, %max3A_442 : vector<16xi32>
      %gather3A_444 = tpu.vector_load_idx %arg5[%max3A_443] : memref<39312xi32, #tpu.memory_space<vmem>>[vector<16xi32>], vector<16xi32>,
      %add3A_445 = arith.constant 54 : i32
      %add3A_446 = vector.broadcast %add3A_445 : i32 to vector<16xi32>
      %add3A_447 = arith.addi %add3A_164, %add3A_446 : vector<16xi32>
      %jit3A_448 = arith.constant 240 : i32
      %eq3A_449 = arith.constant 0 : i32
      %eq3A_450 = arith.cmpi eq, %jit3A_448, %eq3A_449 : i32
      %jit3A_451 = arith.constant 1 : i32
      %select_n3A_452 = arith.select %eq3A_450, %jit3A_451, %jit3A_448 : i32
      %rem3A_453 = vector.broadcast %select_n3A_452 : i32 to vector<16xi32>
      %rem3A_454 = arith.remsi %add3A_447, %rem3A_453 : vector<16xi32>
      %ne3A_455 = arith.constant 0 : i32
      %ne3A_456 = vector.broadcast %ne3A_455 : i32 to vector<16xi32>
      %ne3A_457 = arith.cmpi ne, %rem3A_454, %ne3A_456 : vector<16xi32>
      %lt3A_458 = arith.constant 0 : i32
      %lt3A_459 = vector.broadcast %lt3A_458 : i32 to vector<16xi32>
      %lt3A_460 = arith.cmpi slt, %rem3A_454, %lt3A_459 : vector<16xi32>
      %lt3A_461 = arith.constant 0 : i32
      %lt3A_462 = arith.cmpi slt, %select_n3A_452, %lt3A_461 : i32
      %ne3A_463 = vector.broadcast %lt3A_462 : i1 to vector<16xi1>
      %ne3A_464 = vector.broadcast %ne3A_463 : vector<16xi1> to vector<16xi1>
      %ne3A_465 = arith.xori %lt3A_460, %ne3A_464 : vector<16xi1>
      %and3A_466 = arith.andi %ne3A_465, %ne3A_457 : vector<16xi1>
      %add3A_467 = vector.broadcast %select_n3A_452 : i32 to vector<16xi32>
      %add3A_468 = arith.addi %rem3A_454, %add3A_467 : vector<16xi32>
      %select_n3A_469 = arith.select %and3A_466, %add3A_468, %rem3A_454 : vector<16xi1>, vector<16xi32>
      %add3A_470 = arith.constant 71440 : i32
      %add3A_471 = vector.broadcast %add3A_470 : i32 to vector<16xi32>
      %add3A_472 = arith.addi %add3A_471, %select_n3A_469 : vector<16xi32>
      %ge3A_473 = arith.constant 0 : i32
      %ge3A_474 = vector.broadcast %ge3A_473 : i32 to vector<16xi32>
      %ge3A_475 = arith.cmpi sge, %gather3A_444, %ge3A_474 : vector<16xi32>
      %add3A_476 = arith.constant 61440 : i32
      %add3A_477 = vector.broadcast %add3A_476 : i32 to vector<16xi32>
      %add3A_478 = arith.addi %add3A_477, %gather3A_444 : vector<16xi32>
      %select_n3A_479 = arith.select %ge3A_475, %add3A_478, %add3A_472 : vector<16xi1>, vector<16xi32>
      %add3A_480 = arith.constant 24 : i32
      %add3A_481 = vector.broadcast %add3A_480 : i32 to vector<16xi32>
      %add3A_482 = arith.addi %add3A_176, %add3A_481 : vector<16xi32>
      tpu.vector_store_idx %arg7[%add3A_482], %select_n3A_479 : memref<8960xi32, #tpu.memory_space<vmem>>[vector<16xi32>], vector<16xi32>,
      %add3A_483 = arith.constant -1122 : i32
      %add3A_484 = vector.broadcast %add3A_483 : i32 to vector<16xi32>
      %add3A_485 = arith.addi %get3A_168, %add3A_484 : vector<16xi32>
      %max3A_486 = arith.constant 0 : i32
      %max3A_487 = vector.broadcast %max3A_486 : i32 to vector<16xi32>
      %max3A_488 = arith.maxsi %add3A_485, %max3A_487 : vector<16xi32>
      %gather3A_489 = tpu.vector_load_idx %arg5[%max3A_488] : memref<39312xi32, #tpu.memory_space<vmem>>[vector<16xi32>], vector<16xi32>,
      %add3A_490 = arith.constant 63 : i32
      %add3A_491 = vector.broadcast %add3A_490 : i32 to vector<16xi32>
      %add3A_492 = arith.addi %add3A_164, %add3A_491 : vector<16xi32>
      %jit3A_493 = arith.constant 240 : i32
      %eq3A_494 = arith.constant 0 : i32
      %eq3A_495 = arith.cmpi eq, %jit3A_493, %eq3A_494 : i32
      %jit3A_496 = arith.constant 1 : i32
      %select_n3A_497 = arith.select %eq3A_495, %jit3A_496, %jit3A_493 : i32
      %rem3A_498 = vector.broadcast %select_n3A_497 : i32 to vector<16xi32>
      %rem3A_499 = arith.remsi %add3A_492, %rem3A_498 : vector<16xi32>
      %ne3A_500 = arith.constant 0 : i32
      %ne3A_501 = vector.broadcast %ne3A_500 : i32 to vector<16xi32>
      %ne3A_502 = arith.cmpi ne, %rem3A_499, %ne3A_501 : vector<16xi32>
      %lt3A_503 = arith.constant 0 : i32
      %lt3A_504 = vector.broadcast %lt3A_503 : i32 to vector<16xi32>
      %lt3A_505 = arith.cmpi slt, %rem3A_499, %lt3A_504 : vector<16xi32>
      %lt3A_506 = arith.constant 0 : i32
      %lt3A_507 = arith.cmpi slt, %select_n3A_497, %lt3A_506 : i32
      %ne3A_508 = vector.broadcast %lt3A_507 : i1 to vector<16xi1>
      %ne3A_509 = vector.broadcast %ne3A_508 : vector<16xi1> to vector<16xi1>
      %ne3A_510 = arith.xori %lt3A_505, %ne3A_509 : vector<16xi1>
      %and3A_511 = arith.andi %ne3A_510, %ne3A_502 : vector<16xi1>
      %add3A_512 = vector.broadcast %select_n3A_497 : i32 to vector<16xi32>
      %add3A_513 = arith.addi %rem3A_499, %add3A_512 : vector<16xi32>
      %select_n3A_514 = arith.select %and3A_511, %add3A_513, %rem3A_499 : vector<16xi1>, vector<16xi32>
      %add3A_515 = arith.constant 81680 : i32
      %add3A_516 = vector.broadcast %add3A_515 : i32 to vector<16xi32>
      %add3A_517 = arith.addi %add3A_516, %select_n3A_514 : vector<16xi32>
      %ge3A_518 = arith.constant 0 : i32
      %ge3A_519 = vector.broadcast %ge3A_518 : i32 to vector<16xi32>
      %ge3A_520 = arith.cmpi sge, %gather3A_489, %ge3A_519 : vector<16xi32>
      %add3A_521 = arith.constant 71680 : i32
      %add3A_522 = vector.broadcast %add3A_521 : i32 to vector<16xi32>
      %add3A_523 = arith.addi %add3A_522, %gather3A_489 : vector<16xi32>
      %select_n3A_524 = arith.select %ge3A_520, %add3A_523, %add3A_517 : vector<16xi1>, vector<16xi32>
      %add3A_525 = arith.constant 28 : i32
      %add3A_526 = vector.broadcast %add3A_525 : i32 to vector<16xi32>
      %add3A_527 = arith.addi %add3A_176, %add3A_526 : vector<16xi32>
      tpu.vector_store_idx %arg7[%add3A_527], %select_n3A_524 : memref<8960xi32, #tpu.memory_space<vmem>>[vector<16xi32>], vector<16xi32>,
      %add3A_528 = arith.constant -1121 : i32
      %add3A_529 = vector.broadcast %add3A_528 : i32 to vector<16xi32>
      %add3A_530 = arith.addi %get3A_168, %add3A_529 : vector<16xi32>
      %max3A_531 = arith.constant 0 : i32
      %max3A_532 = vector.broadcast %max3A_531 : i32 to vector<16xi32>
      %max3A_533 = arith.maxsi %add3A_530, %max3A_532 : vector<16xi32>
      %gather3A_534 = tpu.vector_load_idx %arg5[%max3A_533] : memref<39312xi32, #tpu.memory_space<vmem>>[vector<16xi32>], vector<16xi32>,
      %add3A_535 = arith.constant 72 : i32
      %add3A_536 = vector.broadcast %add3A_535 : i32 to vector<16xi32>
      %add3A_537 = arith.addi %add3A_164, %add3A_536 : vector<16xi32>
      %jit3A_538 = arith.constant 240 : i32
      %eq3A_539 = arith.constant 0 : i32
      %eq3A_540 = arith.cmpi eq, %jit3A_538, %eq3A_539 : i32
      %jit3A_541 = arith.constant 1 : i32
      %select_n3A_542 = arith.select %eq3A_540, %jit3A_541, %jit3A_538 : i32
      %rem3A_543 = vector.broadcast %select_n3A_542 : i32 to vector<16xi32>
      %rem3A_544 = arith.remsi %add3A_537, %rem3A_543 : vector<16xi32>
      %ne3A_545 = arith.constant 0 : i32
      %ne3A_546 = vector.broadcast %ne3A_545 : i32 to vector<16xi32>
      %ne3A_547 = arith.cmpi ne, %rem3A_544, %ne3A_546 : vector<16xi32>
      %lt3A_548 = arith.constant 0 : i32
      %lt3A_549 = vector.broadcast %lt3A_548 : i32 to vector<16xi32>
      %lt3A_550 = arith.cmpi slt, %rem3A_544, %lt3A_549 : vector<16xi32>
      %lt3A_551 = arith.constant 0 : i32
      %lt3A_552 = arith.cmpi slt, %select_n3A_542, %lt3A_551 : i32
      %ne3A_553 = vector.broadcast %lt3A_552 : i1 to vector<16xi1>
      %ne3A_554 = vector.broadcast %ne3A_553 : vector<16xi1> to vector<16xi1>
      %ne3A_555 = arith.xori %lt3A_550, %ne3A_554 : vector<16xi1>
      %and3A_556 = arith.andi %ne3A_555, %ne3A_547 : vector<16xi1>
      %add3A_557 = vector.broadcast %select_n3A_542 : i32 to vector<16xi32>
      %add3A_558 = arith.addi %rem3A_544, %add3A_557 : vector<16xi32>
      %select_n3A_559 = arith.select %and3A_556, %add3A_558, %rem3A_544 : vector<16xi1>, vector<16xi32>
      %add3A_560 = arith.constant 91920 : i32
      %add3A_561 = vector.broadcast %add3A_560 : i32 to vector<16xi32>
      %add3A_562 = arith.addi %add3A_561, %select_n3A_559 : vector<16xi32>
      %ge3A_563 = arith.constant 0 : i32
      %ge3A_564 = vector.broadcast %ge3A_563 : i32 to vector<16xi32>
      %ge3A_565 = arith.cmpi sge, %gather3A_534, %ge3A_564 : vector<16xi32>
      %add3A_566 = arith.constant 81920 : i32
      %add3A_567 = vector.broadcast %add3A_566 : i32 to vector<16xi32>
      %add3A_568 = arith.addi %add3A_567, %gather3A_534 : vector<16xi32>
      %select_n3A_569 = arith.select %ge3A_565, %add3A_568, %add3A_562 : vector<16xi1>, vector<16xi32>
      %add3A_570 = arith.constant 32 : i32
      %add3A_571 = vector.broadcast %add3A_570 : i32 to vector<16xi32>
      %add3A_572 = arith.addi %add3A_176, %add3A_571 : vector<16xi32>
      tpu.vector_store_idx %arg7[%add3A_572], %select_n3A_569 : memref<8960xi32, #tpu.memory_space<vmem>>[vector<16xi32>], vector<16xi32>,
      %add3A_573 = arith.constant -35 : i32
      %add3A_574 = vector.broadcast %add3A_573 : i32 to vector<16xi32>
      %add3A_575 = arith.addi %get3A_168, %add3A_574 : vector<16xi32>
      %max3A_576 = arith.constant 0 : i32
      %max3A_577 = vector.broadcast %max3A_576 : i32 to vector<16xi32>
      %max3A_578 = arith.maxsi %add3A_575, %max3A_577 : vector<16xi32>
      %gather3A_579 = tpu.vector_load_idx %arg5[%max3A_578] : memref<39312xi32, #tpu.memory_space<vmem>>[vector<16xi32>], vector<16xi32>,
      %add3A_580 = arith.constant 81 : i32
      %add3A_581 = vector.broadcast %add3A_580 : i32 to vector<16xi32>
      %add3A_582 = arith.addi %add3A_164, %add3A_581 : vector<16xi32>
      %jit3A_583 = arith.constant 240 : i32
      %eq3A_584 = arith.constant 0 : i32
      %eq3A_585 = arith.cmpi eq, %jit3A_583, %eq3A_584 : i32
      %jit3A_586 = arith.constant 1 : i32
      %select_n3A_587 = arith.select %eq3A_585, %jit3A_586, %jit3A_583 : i32
      %rem3A_588 = vector.broadcast %select_n3A_587 : i32 to vector<16xi32>
      %rem3A_589 = arith.remsi %add3A_582, %rem3A_588 : vector<16xi32>
      %ne3A_590 = arith.constant 0 : i32
      %ne3A_591 = vector.broadcast %ne3A_590 : i32 to vector<16xi32>
      %ne3A_592 = arith.cmpi ne, %rem3A_589, %ne3A_591 : vector<16xi32>
      %lt3A_593 = arith.constant 0 : i32
      %lt3A_594 = vector.broadcast %lt3A_593 : i32 to vector<16xi32>
      %lt3A_595 = arith.cmpi slt, %rem3A_589, %lt3A_594 : vector<16xi32>
      %lt3A_596 = arith.constant 0 : i32
      %lt3A_597 = arith.cmpi slt, %select_n3A_587, %lt3A_596 : i32
      %ne3A_598 = vector.broadcast %lt3A_597 : i1 to vector<16xi1>
      %ne3A_599 = vector.broadcast %ne3A_598 : vector<16xi1> to vector<16xi1>
      %ne3A_600 = arith.xori %lt3A_595, %ne3A_599 : vector<16xi1>
      %and3A_601 = arith.andi %ne3A_600, %ne3A_592 : vector<16xi1>
      %add3A_602 = vector.broadcast %select_n3A_587 : i32 to vector<16xi32>
      %add3A_603 = arith.addi %rem3A_589, %add3A_602 : vector<16xi32>
      %select_n3A_604 = arith.select %and3A_601, %add3A_603, %rem3A_589 : vector<16xi1>, vector<16xi32>
      %add3A_605 = arith.constant 102160 : i32
      %add3A_606 = vector.broadcast %add3A_605 : i32 to vector<16xi32>
      %add3A_607 = arith.addi %add3A_606, %select_n3A_604 : vector<16xi32>
      %ge3A_608 = arith.constant 0 : i32
      %ge3A_609 = vector.broadcast %ge3A_608 : i32 to vector<16xi32>
      %ge3A_610 = arith.cmpi sge, %gather3A_579, %ge3A_609 : vector<16xi32>
      %add3A_611 = arith.constant 92160 : i32
      %add3A_612 = vector.broadcast %add3A_611 : i32 to vector<16xi32>
      %add3A_613 = arith.addi %add3A_612, %gather3A_579 : vector<16xi32>
      %select_n3A_614 = arith.select %ge3A_610, %add3A_613, %add3A_607 : vector<16xi1>, vector<16xi32>
      %add3A_615 = arith.constant 36 : i32
      %add3A_616 = vector.broadcast %add3A_615 : i32 to vector<16xi32>
      %add3A_617 = arith.addi %add3A_176, %add3A_616 : vector<16xi32>
      tpu.vector_store_idx %arg7[%add3A_617], %select_n3A_614 : memref<8960xi32, #tpu.memory_space<vmem>>[vector<16xi32>], vector<16xi32>,
      %add3A_618 = arith.constant -34 : i32
      %add3A_619 = vector.broadcast %add3A_618 : i32 to vector<16xi32>
      %add3A_620 = arith.addi %get3A_168, %add3A_619 : vector<16xi32>
      %max3A_621 = arith.constant 0 : i32
      %max3A_622 = vector.broadcast %max3A_621 : i32 to vector<16xi32>
      %max3A_623 = arith.maxsi %add3A_620, %max3A_622 : vector<16xi32>
      %gather3A_624 = tpu.vector_load_idx %arg5[%max3A_623] : memref<39312xi32, #tpu.memory_space<vmem>>[vector<16xi32>], vector<16xi32>,
      %add3A_625 = arith.constant 90 : i32
      %add3A_626 = vector.broadcast %add3A_625 : i32 to vector<16xi32>
      %add3A_627 = arith.addi %add3A_164, %add3A_626 : vector<16xi32>
      %jit3A_628 = arith.constant 240 : i32
      %eq3A_629 = arith.constant 0 : i32
      %eq3A_630 = arith.cmpi eq, %jit3A_628, %eq3A_629 : i32
      %jit3A_631 = arith.constant 1 : i32
      %select_n3A_632 = arith.select %eq3A_630, %jit3A_631, %jit3A_628 : i32
      %rem3A_633 = vector.broadcast %select_n3A_632 : i32 to vector<16xi32>
      %rem3A_634 = arith.remsi %add3A_627, %rem3A_633 : vector<16xi32>
      %ne3A_635 = arith.constant 0 : i32
      %ne3A_636 = vector.broadcast %ne3A_635 : i32 to vector<16xi32>
      %ne3A_637 = arith.cmpi ne, %rem3A_634, %ne3A_636 : vector<16xi32>
      %lt3A_638 = arith.constant 0 : i32
      %lt3A_639 = vector.broadcast %lt3A_638 : i32 to vector<16xi32>
      %lt3A_640 = arith.cmpi slt, %rem3A_634, %lt3A_639 : vector<16xi32>
      %lt3A_641 = arith.constant 0 : i32
      %lt3A_642 = arith.cmpi slt, %select_n3A_632, %lt3A_641 : i32
      %ne3A_643 = vector.broadcast %lt3A_642 : i1 to vector<16xi1>
      %ne3A_644 = vector.broadcast %ne3A_643 : vector<16xi1> to vector<16xi1>
      %ne3A_645 = arith.xori %lt3A_640, %ne3A_644 : vector<16xi1>
      %and3A_646 = arith.andi %ne3A_645, %ne3A_637 : vector<16xi1>
      %add3A_647 = vector.broadcast %select_n3A_632 : i32 to vector<16xi32>
      %add3A_648 = arith.addi %rem3A_634, %add3A_647 : vector<16xi32>
      %select_n3A_649 = arith.select %and3A_646, %add3A_648, %rem3A_634 : vector<16xi1>, vector<16xi32>
      %add3A_650 = arith.constant 112400 : i32
      %add3A_651 = vector.broadcast %add3A_650 : i32 to vector<16xi32>
      %add3A_652 = arith.addi %add3A_651, %select_n3A_649 : vector<16xi32>
      %ge3A_653 = arith.constant 0 : i32
      %ge3A_654 = vector.broadcast %ge3A_653 : i32 to vector<16xi32>
      %ge3A_655 = arith.cmpi sge, %gather3A_624, %ge3A_654 : vector<16xi32>
      %add3A_656 = arith.constant 102400 : i32
      %add3A_657 = vector.broadcast %add3A_656 : i32 to vector<16xi32>
      %add3A_658 = arith.addi %add3A_657, %gather3A_624 : vector<16xi32>
      %select_n3A_659 = arith.select %ge3A_655, %add3A_658, %add3A_652 : vector<16xi1>, vector<16xi32>
      %add3A_660 = arith.constant 40 : i32
      %add3A_661 = vector.broadcast %add3A_660 : i32 to vector<16xi32>
      %add3A_662 = arith.addi %add3A_176, %add3A_661 : vector<16xi32>
      tpu.vector_store_idx %arg7[%add3A_662], %select_n3A_659 : memref<8960xi32, #tpu.memory_space<vmem>>[vector<16xi32>], vector<16xi32>,
      %add3A_663 = arith.constant -33 : i32
      %add3A_664 = vector.broadcast %add3A_663 : i32 to vector<16xi32>
      %add3A_665 = arith.addi %get3A_168, %add3A_664 : vector<16xi32>
      %max3A_666 = arith.constant 0 : i32
      %max3A_667 = vector.broadcast %max3A_666 : i32 to vector<16xi32>
      %max3A_668 = arith.maxsi %add3A_665, %max3A_667 : vector<16xi32>
      %gather3A_669 = tpu.vector_load_idx %arg5[%max3A_668] : memref<39312xi32, #tpu.memory_space<vmem>>[vector<16xi32>], vector<16xi32>,
      %add3A_670 = arith.constant 99 : i32
      %add3A_671 = vector.broadcast %add3A_670 : i32 to vector<16xi32>
      %add3A_672 = arith.addi %add3A_164, %add3A_671 : vector<16xi32>
      %jit3A_673 = arith.constant 240 : i32
      %eq3A_674 = arith.constant 0 : i32
      %eq3A_675 = arith.cmpi eq, %jit3A_673, %eq3A_674 : i32
      %jit3A_676 = arith.constant 1 : i32
      %select_n3A_677 = arith.select %eq3A_675, %jit3A_676, %jit3A_673 : i32
      %rem3A_678 = vector.broadcast %select_n3A_677 : i32 to vector<16xi32>
      %rem3A_679 = arith.remsi %add3A_672, %rem3A_678 : vector<16xi32>
      %ne3A_680 = arith.constant 0 : i32
      %ne3A_681 = vector.broadcast %ne3A_680 : i32 to vector<16xi32>
      %ne3A_682 = arith.cmpi ne, %rem3A_679, %ne3A_681 : vector<16xi32>
      %lt3A_683 = arith.constant 0 : i32
      %lt3A_684 = vector.broadcast %lt3A_683 : i32 to vector<16xi32>
      %lt3A_685 = arith.cmpi slt, %rem3A_679, %lt3A_684 : vector<16xi32>
      %lt3A_686 = arith.constant 0 : i32
      %lt3A_687 = arith.cmpi slt, %select_n3A_677, %lt3A_686 : i32
      %ne3A_688 = vector.broadcast %lt3A_687 : i1 to vector<16xi1>
      %ne3A_689 = vector.broadcast %ne3A_688 : vector<16xi1> to vector<16xi1>
      %ne3A_690 = arith.xori %lt3A_685, %ne3A_689 : vector<16xi1>
      %and3A_691 = arith.andi %ne3A_690, %ne3A_682 : vector<16xi1>
      %add3A_692 = vector.broadcast %select_n3A_677 : i32 to vector<16xi32>
      %add3A_693 = arith.addi %rem3A_679, %add3A_692 : vector<16xi32>
      %select_n3A_694 = arith.select %and3A_691, %add3A_693, %rem3A_679 : vector<16xi1>, vector<16xi32>
      %add3A_695 = arith.constant 122640 : i32
      %add3A_696 = vector.broadcast %add3A_695 : i32 to vector<16xi32>
      %add3A_697 = arith.addi %add3A_696, %select_n3A_694 : vector<16xi32>
      %ge3A_698 = arith.constant 0 : i32
      %ge3A_699 = vector.broadcast %ge3A_698 : i32 to vector<16xi32>
      %ge3A_700 = arith.cmpi sge, %gather3A_669, %ge3A_699 : vector<16xi32>
      %add3A_701 = arith.constant 112640 : i32
      %add3A_702 = vector.broadcast %add3A_701 : i32 to vector<16xi32>
      %add3A_703 = arith.addi %add3A_702, %gather3A_669 : vector<16xi32>
      %select_n3A_704 = arith.select %ge3A_700, %add3A_703, %add3A_697 : vector<16xi1>, vector<16xi32>
      %add3A_705 = arith.constant 44 : i32
      %add3A_706 = vector.broadcast %add3A_705 : i32 to vector<16xi32>
      %add3A_707 = arith.addi %add3A_176, %add3A_706 : vector<16xi32>
      tpu.vector_store_idx %arg7[%add3A_707], %select_n3A_704 : memref<8960xi32, #tpu.memory_space<vmem>>[vector<16xi32>], vector<16xi32>,
      %add3A_708 = arith.constant -1 : i32
      %add3A_709 = vector.broadcast %add3A_708 : i32 to vector<16xi32>
      %add3A_710 = arith.addi %get3A_168, %add3A_709 : vector<16xi32>
      %max3A_711 = arith.constant 0 : i32
      %max3A_712 = vector.broadcast %max3A_711 : i32 to vector<16xi32>
      %max3A_713 = arith.maxsi %add3A_710, %max3A_712 : vector<16xi32>
      %gather3A_714 = tpu.vector_load_idx %arg5[%max3A_713] : memref<39312xi32, #tpu.memory_space<vmem>>[vector<16xi32>], vector<16xi32>,
      %add3A_715 = arith.constant 108 : i32
      %add3A_716 = vector.broadcast %add3A_715 : i32 to vector<16xi32>
      %add3A_717 = arith.addi %add3A_164, %add3A_716 : vector<16xi32>
      %jit3A_718 = arith.constant 240 : i32
      %eq3A_719 = arith.constant 0 : i32
      %eq3A_720 = arith.cmpi eq, %jit3A_718, %eq3A_719 : i32
      %jit3A_721 = arith.constant 1 : i32
      %select_n3A_722 = arith.select %eq3A_720, %jit3A_721, %jit3A_718 : i32
      %rem3A_723 = vector.broadcast %select_n3A_722 : i32 to vector<16xi32>
      %rem3A_724 = arith.remsi %add3A_717, %rem3A_723 : vector<16xi32>
      %ne3A_725 = arith.constant 0 : i32
      %ne3A_726 = vector.broadcast %ne3A_725 : i32 to vector<16xi32>
      %ne3A_727 = arith.cmpi ne, %rem3A_724, %ne3A_726 : vector<16xi32>
      %lt3A_728 = arith.constant 0 : i32
      %lt3A_729 = vector.broadcast %lt3A_728 : i32 to vector<16xi32>
      %lt3A_730 = arith.cmpi slt, %rem3A_724, %lt3A_729 : vector<16xi32>
      %lt3A_731 = arith.constant 0 : i32
      %lt3A_732 = arith.cmpi slt, %select_n3A_722, %lt3A_731 : i32
      %ne3A_733 = vector.broadcast %lt3A_732 : i1 to vector<16xi1>
      %ne3A_734 = vector.broadcast %ne3A_733 : vector<16xi1> to vector<16xi1>
      %ne3A_735 = arith.xori %lt3A_730, %ne3A_734 : vector<16xi1>
      %and3A_736 = arith.andi %ne3A_735, %ne3A_727 : vector<16xi1>
      %add3A_737 = vector.broadcast %select_n3A_722 : i32 to vector<16xi32>
      %add3A_738 = arith.addi %rem3A_724, %add3A_737 : vector<16xi32>
      %select_n3A_739 = arith.select %and3A_736, %add3A_738, %rem3A_724 : vector<16xi1>, vector<16xi32>
      %add3A_740 = arith.constant 132880 : i32
      %add3A_741 = vector.broadcast %add3A_740 : i32 to vector<16xi32>
      %add3A_742 = arith.addi %add3A_741, %select_n3A_739 : vector<16xi32>
      %ge3A_743 = arith.constant 0 : i32
      %ge3A_744 = vector.broadcast %ge3A_743 : i32 to vector<16xi32>
      %ge3A_745 = arith.cmpi sge, %gather3A_714, %ge3A_744 : vector<16xi32>
      %add3A_746 = arith.constant 122880 : i32
      %add3A_747 = vector.broadcast %add3A_746 : i32 to vector<16xi32>
      %add3A_748 = arith.addi %add3A_747, %gather3A_714 : vector<16xi32>
      %select_n3A_749 = arith.select %ge3A_745, %add3A_748, %add3A_742 : vector<16xi1>, vector<16xi32>
      %add3A_750 = arith.constant 48 : i32
      %add3A_751 = vector.broadcast %add3A_750 : i32 to vector<16xi32>
      %add3A_752 = arith.addi %add3A_176, %add3A_751 : vector<16xi32>
      tpu.vector_store_idx %arg7[%add3A_752], %select_n3A_749 : memref<8960xi32, #tpu.memory_space<vmem>>[vector<16xi32>], vector<16xi32>,
      %add3A_753 = arith.constant 0 : i32
      %add3A_754 = vector.broadcast %add3A_753 : i32 to vector<16xi32>
      %add3A_755 = arith.addi %get3A_168, %add3A_754 : vector<16xi32>
      %max3A_756 = arith.constant 0 : i32
      %max3A_757 = vector.broadcast %max3A_756 : i32 to vector<16xi32>
      %max3A_758 = arith.maxsi %add3A_755, %max3A_757 : vector<16xi32>
      %gather3A_759 = tpu.vector_load_idx %arg5[%max3A_758] : memref<39312xi32, #tpu.memory_space<vmem>>[vector<16xi32>], vector<16xi32>,
      %add3A_760 = arith.constant 117 : i32
      %add3A_761 = vector.broadcast %add3A_760 : i32 to vector<16xi32>
      %add3A_762 = arith.addi %add3A_164, %add3A_761 : vector<16xi32>
      %jit3A_763 = arith.constant 240 : i32
      %eq3A_764 = arith.constant 0 : i32
      %eq3A_765 = arith.cmpi eq, %jit3A_763, %eq3A_764 : i32
      %jit3A_766 = arith.constant 1 : i32
      %select_n3A_767 = arith.select %eq3A_765, %jit3A_766, %jit3A_763 : i32
      %rem3A_768 = vector.broadcast %select_n3A_767 : i32 to vector<16xi32>
      %rem3A_769 = arith.remsi %add3A_762, %rem3A_768 : vector<16xi32>
      %ne3A_770 = arith.constant 0 : i32
      %ne3A_771 = vector.broadcast %ne3A_770 : i32 to vector<16xi32>
      %ne3A_772 = arith.cmpi ne, %rem3A_769, %ne3A_771 : vector<16xi32>
      %lt3A_773 = arith.constant 0 : i32
      %lt3A_774 = vector.broadcast %lt3A_773 : i32 to vector<16xi32>
      %lt3A_775 = arith.cmpi slt, %rem3A_769, %lt3A_774 : vector<16xi32>
      %lt3A_776 = arith.constant 0 : i32
      %lt3A_777 = arith.cmpi slt, %select_n3A_767, %lt3A_776 : i32
      %ne3A_778 = vector.broadcast %lt3A_777 : i1 to vector<16xi1>
      %ne3A_779 = vector.broadcast %ne3A_778 : vector<16xi1> to vector<16xi1>
      %ne3A_780 = arith.xori %lt3A_775, %ne3A_779 : vector<16xi1>
      %and3A_781 = arith.andi %ne3A_780, %ne3A_772 : vector<16xi1>
      %add3A_782 = vector.broadcast %select_n3A_767 : i32 to vector<16xi32>
      %add3A_783 = arith.addi %rem3A_769, %add3A_782 : vector<16xi32>
      %select_n3A_784 = arith.select %and3A_781, %add3A_783, %rem3A_769 : vector<16xi1>, vector<16xi32>
      %add3A_785 = arith.constant 143120 : i32
      %add3A_786 = vector.broadcast %add3A_785 : i32 to vector<16xi32>
      %add3A_787 = arith.addi %add3A_786, %select_n3A_784 : vector<16xi32>
      %ge3A_788 = arith.constant 0 : i32
      %ge3A_789 = vector.broadcast %ge3A_788 : i32 to vector<16xi32>
      %ge3A_790 = arith.cmpi sge, %gather3A_759, %ge3A_789 : vector<16xi32>
      %add3A_791 = arith.constant 133120 : i32
      %add3A_792 = vector.broadcast %add3A_791 : i32 to vector<16xi32>
      %add3A_793 = arith.addi %add3A_792, %gather3A_759 : vector<16xi32>
      %select_n3A_794 = arith.select %ge3A_790, %add3A_793, %add3A_787 : vector<16xi1>, vector<16xi32>
      %add3A_795 = arith.constant 52 : i32
      %add3A_796 = vector.broadcast %add3A_795 : i32 to vector<16xi32>
      %add3A_797 = arith.addi %add3A_176, %add3A_796 : vector<16xi32>
      tpu.vector_store_idx %arg7[%add3A_797], %select_n3A_794 : memref<8960xi32, #tpu.memory_space<vmem>>[vector<16xi32>], vector<16xi32>,
      %add3A_798 = arith.constant 1 : i32
      %add3A_799 = vector.broadcast %add3A_798 : i32 to vector<16xi32>
      %add3A_800 = arith.addi %get3A_168, %add3A_799 : vector<16xi32>
      %max3A_801 = arith.constant 0 : i32
      %max3A_802 = vector.broadcast %max3A_801 : i32 to vector<16xi32>
      %max3A_803 = arith.maxsi %add3A_800, %max3A_802 : vector<16xi32>
      %gather3A_804 = tpu.vector_load_idx %arg5[%max3A_803] : memref<39312xi32, #tpu.memory_space<vmem>>[vector<16xi32>], vector<16xi32>,
      %add3A_805 = arith.constant 126 : i32
      %add3A_806 = vector.broadcast %add3A_805 : i32 to vector<16xi32>
      %add3A_807 = arith.addi %add3A_164, %add3A_806 : vector<16xi32>
      %jit3A_808 = arith.constant 240 : i32
      %eq3A_809 = arith.constant 0 : i32
      %eq3A_810 = arith.cmpi eq, %jit3A_808, %eq3A_809 : i32
      %jit3A_811 = arith.constant 1 : i32
      %select_n3A_812 = arith.select %eq3A_810, %jit3A_811, %jit3A_808 : i32
      %rem3A_813 = vector.broadcast %select_n3A_812 : i32 to vector<16xi32>
      %rem3A_814 = arith.remsi %add3A_807, %rem3A_813 : vector<16xi32>
      %ne3A_815 = arith.constant 0 : i32
      %ne3A_816 = vector.broadcast %ne3A_815 : i32 to vector<16xi32>
      %ne3A_817 = arith.cmpi ne, %rem3A_814, %ne3A_816 : vector<16xi32>
      %lt3A_818 = arith.constant 0 : i32
      %lt3A_819 = vector.broadcast %lt3A_818 : i32 to vector<16xi32>
      %lt3A_820 = arith.cmpi slt, %rem3A_814, %lt3A_819 : vector<16xi32>
      %lt3A_821 = arith.constant 0 : i32
      %lt3A_822 = arith.cmpi slt, %select_n3A_812, %lt3A_821 : i32
      %ne3A_823 = vector.broadcast %lt3A_822 : i1 to vector<16xi1>
      %ne3A_824 = vector.broadcast %ne3A_823 : vector<16xi1> to vector<16xi1>
      %ne3A_825 = arith.xori %lt3A_820, %ne3A_824 : vector<16xi1>
      %and3A_826 = arith.andi %ne3A_825, %ne3A_817 : vector<16xi1>
      %add3A_827 = vector.broadcast %select_n3A_812 : i32 to vector<16xi32>
      %add3A_828 = arith.addi %rem3A_814, %add3A_827 : vector<16xi32>
      %select_n3A_829 = arith.select %and3A_826, %add3A_828, %rem3A_814 : vector<16xi1>, vector<16xi32>
      %add3A_830 = arith.constant 153360 : i32
      %add3A_831 = vector.broadcast %add3A_830 : i32 to vector<16xi32>
      %add3A_832 = arith.addi %add3A_831, %select_n3A_829 : vector<16xi32>
      %ge3A_833 = arith.constant 0 : i32
      %ge3A_834 = vector.broadcast %ge3A_833 : i32 to vector<16xi32>
      %ge3A_835 = arith.cmpi sge, %gather3A_804, %ge3A_834 : vector<16xi32>
      %add3A_836 = arith.constant 143360 : i32
      %add3A_837 = vector.broadcast %add3A_836 : i32 to vector<16xi32>
      %add3A_838 = arith.addi %add3A_837, %gather3A_804 : vector<16xi32>
      %select_n3A_839 = arith.select %ge3A_835, %add3A_838, %add3A_832 : vector<16xi1>, vector<16xi32>
      %add3A_840 = arith.constant 56 : i32
      %add3A_841 = vector.broadcast %add3A_840 : i32 to vector<16xi32>
      %add3A_842 = arith.addi %add3A_176, %add3A_841 : vector<16xi32>
      tpu.vector_store_idx %arg7[%add3A_842], %select_n3A_839 : memref<8960xi32, #tpu.memory_space<vmem>>[vector<16xi32>], vector<16xi32>,
      %add3A_843 = arith.constant 33 : i32
      %add3A_844 = vector.broadcast %add3A_843 : i32 to vector<16xi32>
      %add3A_845 = arith.addi %get3A_168, %add3A_844 : vector<16xi32>
      %max3A_846 = arith.constant 0 : i32
      %max3A_847 = vector.broadcast %max3A_846 : i32 to vector<16xi32>
      %max3A_848 = arith.maxsi %add3A_845, %max3A_847 : vector<16xi32>
      %gather3A_849 = tpu.vector_load_idx %arg5[%max3A_848] : memref<39312xi32, #tpu.memory_space<vmem>>[vector<16xi32>], vector<16xi32>,
      %add3A_850 = arith.constant 135 : i32
      %add3A_851 = vector.broadcast %add3A_850 : i32 to vector<16xi32>
      %add3A_852 = arith.addi %add3A_164, %add3A_851 : vector<16xi32>
      %jit3A_853 = arith.constant 240 : i32
      %eq3A_854 = arith.constant 0 : i32
      %eq3A_855 = arith.cmpi eq, %jit3A_853, %eq3A_854 : i32
      %jit3A_856 = arith.constant 1 : i32
      %select_n3A_857 = arith.select %eq3A_855, %jit3A_856, %jit3A_853 : i32
      %rem3A_858 = vector.broadcast %select_n3A_857 : i32 to vector<16xi32>
      %rem3A_859 = arith.remsi %add3A_852, %rem3A_858 : vector<16xi32>
      %ne3A_860 = arith.constant 0 : i32
      %ne3A_861 = vector.broadcast %ne3A_860 : i32 to vector<16xi32>
      %ne3A_862 = arith.cmpi ne, %rem3A_859, %ne3A_861 : vector<16xi32>
      %lt3A_863 = arith.constant 0 : i32
      %lt3A_864 = vector.broadcast %lt3A_863 : i32 to vector<16xi32>
      %lt3A_865 = arith.cmpi slt, %rem3A_859, %lt3A_864 : vector<16xi32>
      %lt3A_866 = arith.constant 0 : i32
      %lt3A_867 = arith.cmpi slt, %select_n3A_857, %lt3A_866 : i32
      %ne3A_868 = vector.broadcast %lt3A_867 : i1 to vector<16xi1>
      %ne3A_869 = vector.broadcast %ne3A_868 : vector<16xi1> to vector<16xi1>
      %ne3A_870 = arith.xori %lt3A_865, %ne3A_869 : vector<16xi1>
      %and3A_871 = arith.andi %ne3A_870, %ne3A_862 : vector<16xi1>
      %add3A_872 = vector.broadcast %select_n3A_857 : i32 to vector<16xi32>
      %add3A_873 = arith.addi %rem3A_859, %add3A_872 : vector<16xi32>
      %select_n3A_874 = arith.select %and3A_871, %add3A_873, %rem3A_859 : vector<16xi1>, vector<16xi32>
      %add3A_875 = arith.constant 163600 : i32
      %add3A_876 = vector.broadcast %add3A_875 : i32 to vector<16xi32>
      %add3A_877 = arith.addi %add3A_876, %select_n3A_874 : vector<16xi32>
      %ge3A_878 = arith.constant 0 : i32
      %ge3A_879 = vector.broadcast %ge3A_878 : i32 to vector<16xi32>
      %ge3A_880 = arith.cmpi sge, %gather3A_849, %ge3A_879 : vector<16xi32>
      %add3A_881 = arith.constant 153600 : i32
      %add3A_882 = vector.broadcast %add3A_881 : i32 to vector<16xi32>
      %add3A_883 = arith.addi %add3A_882, %gather3A_849 : vector<16xi32>
      %select_n3A_884 = arith.select %ge3A_880, %add3A_883, %add3A_877 : vector<16xi1>, vector<16xi32>
      %add3A_885 = arith.constant 60 : i32
      %add3A_886 = vector.broadcast %add3A_885 : i32 to vector<16xi32>
      %add3A_887 = arith.addi %add3A_176, %add3A_886 : vector<16xi32>
      tpu.vector_store_idx %arg7[%add3A_887], %select_n3A_884 : memref<8960xi32, #tpu.memory_space<vmem>>[vector<16xi32>], vector<16xi32>,
      %add3A_888 = arith.constant 34 : i32
      %add3A_889 = vector.broadcast %add3A_888 : i32 to vector<16xi32>
      %add3A_890 = arith.addi %get3A_168, %add3A_889 : vector<16xi32>
      %max3A_891 = arith.constant 0 : i32
      %max3A_892 = vector.broadcast %max3A_891 : i32 to vector<16xi32>
      %max3A_893 = arith.maxsi %add3A_890, %max3A_892 : vector<16xi32>
      %gather3A_894 = tpu.vector_load_idx %arg5[%max3A_893] : memref<39312xi32, #tpu.memory_space<vmem>>[vector<16xi32>], vector<16xi32>,
      %add3A_895 = arith.constant 144 : i32
      %add3A_896 = vector.broadcast %add3A_895 : i32 to vector<16xi32>
      %add3A_897 = arith.addi %add3A_164, %add3A_896 : vector<16xi32>
      %jit3A_898 = arith.constant 240 : i32
      %eq3A_899 = arith.constant 0 : i32
      %eq3A_900 = arith.cmpi eq, %jit3A_898, %eq3A_899 : i32
      %jit3A_901 = arith.constant 1 : i32
      %select_n3A_902 = arith.select %eq3A_900, %jit3A_901, %jit3A_898 : i32
      %rem3A_903 = vector.broadcast %select_n3A_902 : i32 to vector<16xi32>
      %rem3A_904 = arith.remsi %add3A_897, %rem3A_903 : vector<16xi32>
      %ne3A_905 = arith.constant 0 : i32
      %ne3A_906 = vector.broadcast %ne3A_905 : i32 to vector<16xi32>
      %ne3A_907 = arith.cmpi ne, %rem3A_904, %ne3A_906 : vector<16xi32>
      %lt3A_908 = arith.constant 0 : i32
      %lt3A_909 = vector.broadcast %lt3A_908 : i32 to vector<16xi32>
      %lt3A_910 = arith.cmpi slt, %rem3A_904, %lt3A_909 : vector<16xi32>
      %lt3A_911 = arith.constant 0 : i32
      %lt3A_912 = arith.cmpi slt, %select_n3A_902, %lt3A_911 : i32
      %ne3A_913 = vector.broadcast %lt3A_912 : i1 to vector<16xi1>
      %ne3A_914 = vector.broadcast %ne3A_913 : vector<16xi1> to vector<16xi1>
      %ne3A_915 = arith.xori %lt3A_910, %ne3A_914 : vector<16xi1>
      %and3A_916 = arith.andi %ne3A_915, %ne3A_907 : vector<16xi1>
      %add3A_917 = vector.broadcast %select_n3A_902 : i32 to vector<16xi32>
      %add3A_918 = arith.addi %rem3A_904, %add3A_917 : vector<16xi32>
      %select_n3A_919 = arith.select %and3A_916, %add3A_918, %rem3A_904 : vector<16xi1>, vector<16xi32>
      %add3A_920 = arith.constant 173840 : i32
      %add3A_921 = vector.broadcast %add3A_920 : i32 to vector<16xi32>
      %add3A_922 = arith.addi %add3A_921, %select_n3A_919 : vector<16xi32>
      %ge3A_923 = arith.constant 0 : i32
      %ge3A_924 = vector.broadcast %ge3A_923 : i32 to vector<16xi32>
      %ge3A_925 = arith.cmpi sge, %gather3A_894, %ge3A_924 : vector<16xi32>
      %add3A_926 = arith.constant 163840 : i32
      %add3A_927 = vector.broadcast %add3A_926 : i32 to vector<16xi32>
      %add3A_928 = arith.addi %add3A_927, %gather3A_894 : vector<16xi32>
      %select_n3A_929 = arith.select %ge3A_925, %add3A_928, %add3A_922 : vector<16xi1>, vector<16xi32>
      %add3A_930 = arith.constant 64 : i32
      %add3A_931 = vector.broadcast %add3A_930 : i32 to vector<16xi32>
      %add3A_932 = arith.addi %add3A_176, %add3A_931 : vector<16xi32>
      tpu.vector_store_idx %arg7[%add3A_932], %select_n3A_929 : memref<8960xi32, #tpu.memory_space<vmem>>[vector<16xi32>], vector<16xi32>,
      %add3A_933 = arith.constant 35 : i32
      %add3A_934 = vector.broadcast %add3A_933 : i32 to vector<16xi32>
      %add3A_935 = arith.addi %get3A_168, %add3A_934 : vector<16xi32>
      %max3A_936 = arith.constant 0 : i32
      %max3A_937 = vector.broadcast %max3A_936 : i32 to vector<16xi32>
      %max3A_938 = arith.maxsi %add3A_935, %max3A_937 : vector<16xi32>
      %gather3A_939 = tpu.vector_load_idx %arg5[%max3A_938] : memref<39312xi32, #tpu.memory_space<vmem>>[vector<16xi32>], vector<16xi32>,
      %add3A_940 = arith.constant 153 : i32
      %add3A_941 = vector.broadcast %add3A_940 : i32 to vector<16xi32>
      %add3A_942 = arith.addi %add3A_164, %add3A_941 : vector<16xi32>
      %jit3A_943 = arith.constant 240 : i32
      %eq3A_944 = arith.constant 0 : i32
      %eq3A_945 = arith.cmpi eq, %jit3A_943, %eq3A_944 : i32
      %jit3A_946 = arith.constant 1 : i32
      %select_n3A_947 = arith.select %eq3A_945, %jit3A_946, %jit3A_943 : i32
      %rem3A_948 = vector.broadcast %select_n3A_947 : i32 to vector<16xi32>
      %rem3A_949 = arith.remsi %add3A_942, %rem3A_948 : vector<16xi32>
      %ne3A_950 = arith.constant 0 : i32
      %ne3A_951 = vector.broadcast %ne3A_950 : i32 to vector<16xi32>
      %ne3A_952 = arith.cmpi ne, %rem3A_949, %ne3A_951 : vector<16xi32>
      %lt3A_953 = arith.constant 0 : i32
      %lt3A_954 = vector.broadcast %lt3A_953 : i32 to vector<16xi32>
      %lt3A_955 = arith.cmpi slt, %rem3A_949, %lt3A_954 : vector<16xi32>
      %lt3A_956 = arith.constant 0 : i32
      %lt3A_957 = arith.cmpi slt, %select_n3A_947, %lt3A_956 : i32
      %ne3A_958 = vector.broadcast %lt3A_957 : i1 to vector<16xi1>
      %ne3A_959 = vector.broadcast %ne3A_958 : vector<16xi1> to vector<16xi1>
      %ne3A_960 = arith.xori %lt3A_955, %ne3A_959 : vector<16xi1>
      %and3A_961 = arith.andi %ne3A_960, %ne3A_952 : vector<16xi1>
      %add3A_962 = vector.broadcast %select_n3A_947 : i32 to vector<16xi32>
      %add3A_963 = arith.addi %rem3A_949, %add3A_962 : vector<16xi32>
      %select_n3A_964 = arith.select %and3A_961, %add3A_963, %rem3A_949 : vector<16xi1>, vector<16xi32>
      %add3A_965 = arith.constant 184080 : i32
      %add3A_966 = vector.broadcast %add3A_965 : i32 to vector<16xi32>
      %add3A_967 = arith.addi %add3A_966, %select_n3A_964 : vector<16xi32>
      %ge3A_968 = arith.constant 0 : i32
      %ge3A_969 = vector.broadcast %ge3A_968 : i32 to vector<16xi32>
      %ge3A_970 = arith.cmpi sge, %gather3A_939, %ge3A_969 : vector<16xi32>
      %add3A_971 = arith.constant 174080 : i32
      %add3A_972 = vector.broadcast %add3A_971 : i32 to vector<16xi32>
      %add3A_973 = arith.addi %add3A_972, %gather3A_939 : vector<16xi32>
      %select_n3A_974 = arith.select %ge3A_970, %add3A_973, %add3A_967 : vector<16xi1>, vector<16xi32>
      %add3A_975 = arith.constant 68 : i32
      %add3A_976 = vector.broadcast %add3A_975 : i32 to vector<16xi32>
      %add3A_977 = arith.addi %add3A_176, %add3A_976 : vector<16xi32>
      tpu.vector_store_idx %arg7[%add3A_977], %select_n3A_974 : memref<8960xi32, #tpu.memory_space<vmem>>[vector<16xi32>], vector<16xi32>,
      %add3A_978 = arith.constant 1121 : i32
      %add3A_979 = vector.broadcast %add3A_978 : i32 to vector<16xi32>
      %add3A_980 = arith.addi %get3A_168, %add3A_979 : vector<16xi32>
      %max3A_981 = arith.constant 0 : i32
      %max3A_982 = vector.broadcast %max3A_981 : i32 to vector<16xi32>
      %max3A_983 = arith.maxsi %add3A_980, %max3A_982 : vector<16xi32>
      %gather3A_984 = tpu.vector_load_idx %arg5[%max3A_983] : memref<39312xi32, #tpu.memory_space<vmem>>[vector<16xi32>], vector<16xi32>,
      %add3A_985 = arith.constant 162 : i32
      %add3A_986 = vector.broadcast %add3A_985 : i32 to vector<16xi32>
      %add3A_987 = arith.addi %add3A_164, %add3A_986 : vector<16xi32>
      %jit3A_988 = arith.constant 240 : i32
      %eq3A_989 = arith.constant 0 : i32
      %eq3A_990 = arith.cmpi eq, %jit3A_988, %eq3A_989 : i32
      %jit3A_991 = arith.constant 1 : i32
      %select_n3A_992 = arith.select %eq3A_990, %jit3A_991, %jit3A_988 : i32
      %rem3A_993 = vector.broadcast %select_n3A_992 : i32 to vector<16xi32>
      %rem3A_994 = arith.remsi %add3A_987, %rem3A_993 : vector<16xi32>
      %ne3A_995 = arith.constant 0 : i32
      %ne3A_996 = vector.broadcast %ne3A_995 : i32 to vector<16xi32>
      %ne3A_997 = arith.cmpi ne, %rem3A_994, %ne3A_996 : vector<16xi32>
      %lt3A_998 = arith.constant 0 : i32
      %lt3A_999 = vector.broadcast %lt3A_998 : i32 to vector<16xi32>
      %lt3A_1000 = arith.cmpi slt, %rem3A_994, %lt3A_999 : vector<16xi32>
      %lt3A_1001 = arith.constant 0 : i32
      %lt3A_1002 = arith.cmpi slt, %select_n3A_992, %lt3A_1001 : i32
      %ne3A_1003 = vector.broadcast %lt3A_1002 : i1 to vector<16xi1>
      %ne3A_1004 = vector.broadcast %ne3A_1003 : vector<16xi1> to vector<16xi1>
      %ne3A_1005 = arith.xori %lt3A_1000, %ne3A_1004 : vector<16xi1>
      %and3A_1006 = arith.andi %ne3A_1005, %ne3A_997 : vector<16xi1>
      %add3A_1007 = vector.broadcast %select_n3A_992 : i32 to vector<16xi32>
      %add3A_1008 = arith.addi %rem3A_994, %add3A_1007 : vector<16xi32>
      %select_n3A_1009 = arith.select %and3A_1006, %add3A_1008, %rem3A_994 : vector<16xi1>, vector<16xi32>
      %add3A_1010 = arith.constant 194320 : i32
      %add3A_1011 = vector.broadcast %add3A_1010 : i32 to vector<16xi32>
      %add3A_1012 = arith.addi %add3A_1011, %select_n3A_1009 : vector<16xi32>
      %ge3A_1013 = arith.constant 0 : i32
      %ge3A_1014 = vector.broadcast %ge3A_1013 : i32 to vector<16xi32>
      %ge3A_1015 = arith.cmpi sge, %gather3A_984, %ge3A_1014 : vector<16xi32>
      %add3A_1016 = arith.constant 184320 : i32
      %add3A_1017 = vector.broadcast %add3A_1016 : i32 to vector<16xi32>
      %add3A_1018 = arith.addi %add3A_1017, %gather3A_984 : vector<16xi32>
      %select_n3A_1019 = arith.select %ge3A_1015, %add3A_1018, %add3A_1012 : vector<16xi1>, vector<16xi32>
      %add3A_1020 = arith.constant 72 : i32
      %add3A_1021 = vector.broadcast %add3A_1020 : i32 to vector<16xi32>
      %add3A_1022 = arith.addi %add3A_176, %add3A_1021 : vector<16xi32>
      tpu.vector_store_idx %arg7[%add3A_1022], %select_n3A_1019 : memref<8960xi32, #tpu.memory_space<vmem>>[vector<16xi32>], vector<16xi32>,
      %add3A_1023 = arith.constant 1122 : i32
      %add3A_1024 = vector.broadcast %add3A_1023 : i32 to vector<16xi32>
      %add3A_1025 = arith.addi %get3A_168, %add3A_1024 : vector<16xi32>
      %max3A_1026 = arith.constant 0 : i32
      %max3A_1027 = vector.broadcast %max3A_1026 : i32 to vector<16xi32>
      %max3A_1028 = arith.maxsi %add3A_1025, %max3A_1027 : vector<16xi32>
      %gather3A_1029 = tpu.vector_load_idx %arg5[%max3A_1028] : memref<39312xi32, #tpu.memory_space<vmem>>[vector<16xi32>], vector<16xi32>,
      %add3A_1030 = arith.constant 171 : i32
      %add3A_1031 = vector.broadcast %add3A_1030 : i32 to vector<16xi32>
      %add3A_1032 = arith.addi %add3A_164, %add3A_1031 : vector<16xi32>
      %jit3A_1033 = arith.constant 240 : i32
      %eq3A_1034 = arith.constant 0 : i32
      %eq3A_1035 = arith.cmpi eq, %jit3A_1033, %eq3A_1034 : i32
      %jit3A_1036 = arith.constant 1 : i32
      %select_n3A_1037 = arith.select %eq3A_1035, %jit3A_1036, %jit3A_1033 : i32
      %rem3A_1038 = vector.broadcast %select_n3A_1037 : i32 to vector<16xi32>
      %rem3A_1039 = arith.remsi %add3A_1032, %rem3A_1038 : vector<16xi32>
      %ne3A_1040 = arith.constant 0 : i32
      %ne3A_1041 = vector.broadcast %ne3A_1040 : i32 to vector<16xi32>
      %ne3A_1042 = arith.cmpi ne, %rem3A_1039, %ne3A_1041 : vector<16xi32>
      %lt3A_1043 = arith.constant 0 : i32
      %lt3A_1044 = vector.broadcast %lt3A_1043 : i32 to vector<16xi32>
      %lt3A_1045 = arith.cmpi slt, %rem3A_1039, %lt3A_1044 : vector<16xi32>
      %lt3A_1046 = arith.constant 0 : i32
      %lt3A_1047 = arith.cmpi slt, %select_n3A_1037, %lt3A_1046 : i32
      %ne3A_1048 = vector.broadcast %lt3A_1047 : i1 to vector<16xi1>
      %ne3A_1049 = vector.broadcast %ne3A_1048 : vector<16xi1> to vector<16xi1>
      %ne3A_1050 = arith.xori %lt3A_1045, %ne3A_1049 : vector<16xi1>
      %and3A_1051 = arith.andi %ne3A_1050, %ne3A_1042 : vector<16xi1>
      %add3A_1052 = vector.broadcast %select_n3A_1037 : i32 to vector<16xi32>
      %add3A_1053 = arith.addi %rem3A_1039, %add3A_1052 : vector<16xi32>
      %select_n3A_1054 = arith.select %and3A_1051, %add3A_1053, %rem3A_1039 : vector<16xi1>, vector<16xi32>
      %add3A_1055 = arith.constant 204560 : i32
      %add3A_1056 = vector.broadcast %add3A_1055 : i32 to vector<16xi32>
      %add3A_1057 = arith.addi %add3A_1056, %select_n3A_1054 : vector<16xi32>
      %ge3A_1058 = arith.constant 0 : i32
      %ge3A_1059 = vector.broadcast %ge3A_1058 : i32 to vector<16xi32>
      %ge3A_1060 = arith.cmpi sge, %gather3A_1029, %ge3A_1059 : vector<16xi32>
      %add3A_1061 = arith.constant 194560 : i32
      %add3A_1062 = vector.broadcast %add3A_1061 : i32 to vector<16xi32>
      %add3A_1063 = arith.addi %add3A_1062, %gather3A_1029 : vector<16xi32>
      %select_n3A_1064 = arith.select %ge3A_1060, %add3A_1063, %add3A_1057 : vector<16xi1>, vector<16xi32>
      %add3A_1065 = arith.constant 76 : i32
      %add3A_1066 = vector.broadcast %add3A_1065 : i32 to vector<16xi32>
      %add3A_1067 = arith.addi %add3A_176, %add3A_1066 : vector<16xi32>
      tpu.vector_store_idx %arg7[%add3A_1067], %select_n3A_1064 : memref<8960xi32, #tpu.memory_space<vmem>>[vector<16xi32>], vector<16xi32>,
      %add3A_1068 = arith.constant 1123 : i32
      %add3A_1069 = vector.broadcast %add3A_1068 : i32 to vector<16xi32>
      %add3A_1070 = arith.addi %get3A_168, %add3A_1069 : vector<16xi32>
      %max3A_1071 = arith.constant 0 : i32
      %max3A_1072 = vector.broadcast %max3A_1071 : i32 to vector<16xi32>
      %max3A_1073 = arith.maxsi %add3A_1070, %max3A_1072 : vector<16xi32>
      %gather3A_1074 = tpu.vector_load_idx %arg5[%max3A_1073] : memref<39312xi32, #tpu.memory_space<vmem>>[vector<16xi32>], vector<16xi32>,
      %add3A_1075 = arith.constant 180 : i32
      %add3A_1076 = vector.broadcast %add3A_1075 : i32 to vector<16xi32>
      %add3A_1077 = arith.addi %add3A_164, %add3A_1076 : vector<16xi32>
      %jit3A_1078 = arith.constant 240 : i32
      %eq3A_1079 = arith.constant 0 : i32
      %eq3A_1080 = arith.cmpi eq, %jit3A_1078, %eq3A_1079 : i32
      %jit3A_1081 = arith.constant 1 : i32
      %select_n3A_1082 = arith.select %eq3A_1080, %jit3A_1081, %jit3A_1078 : i32
      %rem3A_1083 = vector.broadcast %select_n3A_1082 : i32 to vector<16xi32>
      %rem3A_1084 = arith.remsi %add3A_1077, %rem3A_1083 : vector<16xi32>
      %ne3A_1085 = arith.constant 0 : i32
      %ne3A_1086 = vector.broadcast %ne3A_1085 : i32 to vector<16xi32>
      %ne3A_1087 = arith.cmpi ne, %rem3A_1084, %ne3A_1086 : vector<16xi32>
      %lt3A_1088 = arith.constant 0 : i32
      %lt3A_1089 = vector.broadcast %lt3A_1088 : i32 to vector<16xi32>
      %lt3A_1090 = arith.cmpi slt, %rem3A_1084, %lt3A_1089 : vector<16xi32>
      %lt3A_1091 = arith.constant 0 : i32
      %lt3A_1092 = arith.cmpi slt, %select_n3A_1082, %lt3A_1091 : i32
      %ne3A_1093 = vector.broadcast %lt3A_1092 : i1 to vector<16xi1>
      %ne3A_1094 = vector.broadcast %ne3A_1093 : vector<16xi1> to vector<16xi1>
      %ne3A_1095 = arith.xori %lt3A_1090, %ne3A_1094 : vector<16xi1>
      %and3A_1096 = arith.andi %ne3A_1095, %ne3A_1087 : vector<16xi1>
      %add3A_1097 = vector.broadcast %select_n3A_1082 : i32 to vector<16xi32>
      %add3A_1098 = arith.addi %rem3A_1084, %add3A_1097 : vector<16xi32>
      %select_n3A_1099 = arith.select %and3A_1096, %add3A_1098, %rem3A_1084 : vector<16xi1>, vector<16xi32>
      %add3A_1100 = arith.constant 214800 : i32
      %add3A_1101 = vector.broadcast %add3A_1100 : i32 to vector<16xi32>
      %add3A_1102 = arith.addi %add3A_1101, %select_n3A_1099 : vector<16xi32>
      %ge3A_1103 = arith.constant 0 : i32
      %ge3A_1104 = vector.broadcast %ge3A_1103 : i32 to vector<16xi32>
      %ge3A_1105 = arith.cmpi sge, %gather3A_1074, %ge3A_1104 : vector<16xi32>
      %add3A_1106 = arith.constant 204800 : i32
      %add3A_1107 = vector.broadcast %add3A_1106 : i32 to vector<16xi32>
      %add3A_1108 = arith.addi %add3A_1107, %gather3A_1074 : vector<16xi32>
      %select_n3A_1109 = arith.select %ge3A_1105, %add3A_1108, %add3A_1102 : vector<16xi1>, vector<16xi32>
      %add3A_1110 = arith.constant 80 : i32
      %add3A_1111 = vector.broadcast %add3A_1110 : i32 to vector<16xi32>
      %add3A_1112 = arith.addi %add3A_176, %add3A_1111 : vector<16xi32>
      tpu.vector_store_idx %arg7[%add3A_1112], %select_n3A_1109 : memref<8960xi32, #tpu.memory_space<vmem>>[vector<16xi32>], vector<16xi32>,
      %add3A_1113 = arith.constant 1155 : i32
      %add3A_1114 = vector.broadcast %add3A_1113 : i32 to vector<16xi32>
      %add3A_1115 = arith.addi %get3A_168, %add3A_1114 : vector<16xi32>
      %max3A_1116 = arith.constant 0 : i32
      %max3A_1117 = vector.broadcast %max3A_1116 : i32 to vector<16xi32>
      %max3A_1118 = arith.maxsi %add3A_1115, %max3A_1117 : vector<16xi32>
      %gather3A_1119 = tpu.vector_load_idx %arg5[%max3A_1118] : memref<39312xi32, #tpu.memory_space<vmem>>[vector<16xi32>], vector<16xi32>,
      %add3A_1120 = arith.constant 189 : i32
      %add3A_1121 = vector.broadcast %add3A_1120 : i32 to vector<16xi32>
      %add3A_1122 = arith.addi %add3A_164, %add3A_1121 : vector<16xi32>
      %jit3A_1123 = arith.constant 240 : i32
      %eq3A_1124 = arith.constant 0 : i32
      %eq3A_1125 = arith.cmpi eq, %jit3A_1123, %eq3A_1124 : i32
      %jit3A_1126 = arith.constant 1 : i32
      %select_n3A_1127 = arith.select %eq3A_1125, %jit3A_1126, %jit3A_1123 : i32
      %rem3A_1128 = vector.broadcast %select_n3A_1127 : i32 to vector<16xi32>
      %rem3A_1129 = arith.remsi %add3A_1122, %rem3A_1128 : vector<16xi32>
      %ne3A_1130 = arith.constant 0 : i32
      %ne3A_1131 = vector.broadcast %ne3A_1130 : i32 to vector<16xi32>
      %ne3A_1132 = arith.cmpi ne, %rem3A_1129, %ne3A_1131 : vector<16xi32>
      %lt3A_1133 = arith.constant 0 : i32
      %lt3A_1134 = vector.broadcast %lt3A_1133 : i32 to vector<16xi32>
      %lt3A_1135 = arith.cmpi slt, %rem3A_1129, %lt3A_1134 : vector<16xi32>
      %lt3A_1136 = arith.constant 0 : i32
      %lt3A_1137 = arith.cmpi slt, %select_n3A_1127, %lt3A_1136 : i32
      %ne3A_1138 = vector.broadcast %lt3A_1137 : i1 to vector<16xi1>
      %ne3A_1139 = vector.broadcast %ne3A_1138 : vector<16xi1> to vector<16xi1>
      %ne3A_1140 = arith.xori %lt3A_1135, %ne3A_1139 : vector<16xi1>
      %and3A_1141 = arith.andi %ne3A_1140, %ne3A_1132 : vector<16xi1>
      %add3A_1142 = vector.broadcast %select_n3A_1127 : i32 to vector<16xi32>
      %add3A_1143 = arith.addi %rem3A_1129, %add3A_1142 : vector<16xi32>
      %select_n3A_1144 = arith.select %and3A_1141, %add3A_1143, %rem3A_1129 : vector<16xi1>, vector<16xi32>
      %add3A_1145 = arith.constant 225040 : i32
      %add3A_1146 = vector.broadcast %add3A_1145 : i32 to vector<16xi32>
      %add3A_1147 = arith.addi %add3A_1146, %select_n3A_1144 : vector<16xi32>
      %ge3A_1148 = arith.constant 0 : i32
      %ge3A_1149 = vector.broadcast %ge3A_1148 : i32 to vector<16xi32>
      %ge3A_1150 = arith.cmpi sge, %gather3A_1119, %ge3A_1149 : vector<16xi32>
      %add3A_1151 = arith.constant 215040 : i32
      %add3A_1152 = vector.broadcast %add3A_1151 : i32 to vector<16xi32>
      %add3A_1153 = arith.addi %add3A_1152, %gather3A_1119 : vector<16xi32>
      %select_n3A_1154 = arith.select %ge3A_1150, %add3A_1153, %add3A_1147 : vector<16xi1>, vector<16xi32>
      %add3A_1155 = arith.constant 84 : i32
      %add3A_1156 = vector.broadcast %add3A_1155 : i32 to vector<16xi32>
      %add3A_1157 = arith.addi %add3A_176, %add3A_1156 : vector<16xi32>
      tpu.vector_store_idx %arg7[%add3A_1157], %select_n3A_1154 : memref<8960xi32, #tpu.memory_space<vmem>>[vector<16xi32>], vector<16xi32>,
      %add3A_1158 = arith.constant 1156 : i32
      %add3A_1159 = vector.broadcast %add3A_1158 : i32 to vector<16xi32>
      %add3A_1160 = arith.addi %get3A_168, %add3A_1159 : vector<16xi32>
      %max3A_1161 = arith.constant 0 : i32
      %max3A_1162 = vector.broadcast %max3A_1161 : i32 to vector<16xi32>
      %max3A_1163 = arith.maxsi %add3A_1160, %max3A_1162 : vector<16xi32>
      %gather3A_1164 = tpu.vector_load_idx %arg5[%max3A_1163] : memref<39312xi32, #tpu.memory_space<vmem>>[vector<16xi32>], vector<16xi32>,
      %add3A_1165 = arith.constant 198 : i32
      %add3A_1166 = vector.broadcast %add3A_1165 : i32 to vector<16xi32>
      %add3A_1167 = arith.addi %add3A_164, %add3A_1166 : vector<16xi32>
      %jit3A_1168 = arith.constant 240 : i32
      %eq3A_1169 = arith.constant 0 : i32
      %eq3A_1170 = arith.cmpi eq, %jit3A_1168, %eq3A_1169 : i32
      %jit3A_1171 = arith.constant 1 : i32
      %select_n3A_1172 = arith.select %eq3A_1170, %jit3A_1171, %jit3A_1168 : i32
      %rem3A_1173 = vector.broadcast %select_n3A_1172 : i32 to vector<16xi32>
      %rem3A_1174 = arith.remsi %add3A_1167, %rem3A_1173 : vector<16xi32>
      %ne3A_1175 = arith.constant 0 : i32
      %ne3A_1176 = vector.broadcast %ne3A_1175 : i32 to vector<16xi32>
      %ne3A_1177 = arith.cmpi ne, %rem3A_1174, %ne3A_1176 : vector<16xi32>
      %lt3A_1178 = arith.constant 0 : i32
      %lt3A_1179 = vector.broadcast %lt3A_1178 : i32 to vector<16xi32>
      %lt3A_1180 = arith.cmpi slt, %rem3A_1174, %lt3A_1179 : vector<16xi32>
      %lt3A_1181 = arith.constant 0 : i32
      %lt3A_1182 = arith.cmpi slt, %select_n3A_1172, %lt3A_1181 : i32
      %ne3A_1183 = vector.broadcast %lt3A_1182 : i1 to vector<16xi1>
      %ne3A_1184 = vector.broadcast %ne3A_1183 : vector<16xi1> to vector<16xi1>
      %ne3A_1185 = arith.xori %lt3A_1180, %ne3A_1184 : vector<16xi1>
      %and3A_1186 = arith.andi %ne3A_1185, %ne3A_1177 : vector<16xi1>
      %add3A_1187 = vector.broadcast %select_n3A_1172 : i32 to vector<16xi32>
      %add3A_1188 = arith.addi %rem3A_1174, %add3A_1187 : vector<16xi32>
      %select_n3A_1189 = arith.select %and3A_1186, %add3A_1188, %rem3A_1174 : vector<16xi1>, vector<16xi32>
      %add3A_1190 = arith.constant 235280 : i32
      %add3A_1191 = vector.broadcast %add3A_1190 : i32 to vector<16xi32>
      %add3A_1192 = arith.addi %add3A_1191, %select_n3A_1189 : vector<16xi32>
      %ge3A_1193 = arith.constant 0 : i32
      %ge3A_1194 = vector.broadcast %ge3A_1193 : i32 to vector<16xi32>
      %ge3A_1195 = arith.cmpi sge, %gather3A_1164, %ge3A_1194 : vector<16xi32>
      %add3A_1196 = arith.constant 225280 : i32
      %add3A_1197 = vector.broadcast %add3A_1196 : i32 to vector<16xi32>
      %add3A_1198 = arith.addi %add3A_1197, %gather3A_1164 : vector<16xi32>
      %select_n3A_1199 = arith.select %ge3A_1195, %add3A_1198, %add3A_1192 : vector<16xi1>, vector<16xi32>
      %add3A_1200 = arith.constant 88 : i32
      %add3A_1201 = vector.broadcast %add3A_1200 : i32 to vector<16xi32>
      %add3A_1202 = arith.addi %add3A_176, %add3A_1201 : vector<16xi32>
      tpu.vector_store_idx %arg7[%add3A_1202], %select_n3A_1199 : memref<8960xi32, #tpu.memory_space<vmem>>[vector<16xi32>], vector<16xi32>,
      %add3A_1203 = arith.constant 1157 : i32
      %add3A_1204 = vector.broadcast %add3A_1203 : i32 to vector<16xi32>
      %add3A_1205 = arith.addi %get3A_168, %add3A_1204 : vector<16xi32>
      %max3A_1206 = arith.constant 0 : i32
      %max3A_1207 = vector.broadcast %max3A_1206 : i32 to vector<16xi32>
      %max3A_1208 = arith.maxsi %add3A_1205, %max3A_1207 : vector<16xi32>
      %gather3A_1209 = tpu.vector_load_idx %arg5[%max3A_1208] : memref<39312xi32, #tpu.memory_space<vmem>>[vector<16xi32>], vector<16xi32>,
      %add3A_1210 = arith.constant 207 : i32
      %add3A_1211 = vector.broadcast %add3A_1210 : i32 to vector<16xi32>
      %add3A_1212 = arith.addi %add3A_164, %add3A_1211 : vector<16xi32>
      %jit3A_1213 = arith.constant 240 : i32
      %eq3A_1214 = arith.constant 0 : i32
      %eq3A_1215 = arith.cmpi eq, %jit3A_1213, %eq3A_1214 : i32
      %jit3A_1216 = arith.constant 1 : i32
      %select_n3A_1217 = arith.select %eq3A_1215, %jit3A_1216, %jit3A_1213 : i32
      %rem3A_1218 = vector.broadcast %select_n3A_1217 : i32 to vector<16xi32>
      %rem3A_1219 = arith.remsi %add3A_1212, %rem3A_1218 : vector<16xi32>
      %ne3A_1220 = arith.constant 0 : i32
      %ne3A_1221 = vector.broadcast %ne3A_1220 : i32 to vector<16xi32>
      %ne3A_1222 = arith.cmpi ne, %rem3A_1219, %ne3A_1221 : vector<16xi32>
      %lt3A_1223 = arith.constant 0 : i32
      %lt3A_1224 = vector.broadcast %lt3A_1223 : i32 to vector<16xi32>
      %lt3A_1225 = arith.cmpi slt, %rem3A_1219, %lt3A_1224 : vector<16xi32>
      %lt3A_1226 = arith.constant 0 : i32
      %lt3A_1227 = arith.cmpi slt, %select_n3A_1217, %lt3A_1226 : i32
      %ne3A_1228 = vector.broadcast %lt3A_1227 : i1 to vector<16xi1>
      %ne3A_1229 = vector.broadcast %ne3A_1228 : vector<16xi1> to vector<16xi1>
      %ne3A_1230 = arith.xori %lt3A_1225, %ne3A_1229 : vector<16xi1>
      %and3A_1231 = arith.andi %ne3A_1230, %ne3A_1222 : vector<16xi1>
      %add3A_1232 = vector.broadcast %select_n3A_1217 : i32 to vector<16xi32>
      %add3A_1233 = arith.addi %rem3A_1219, %add3A_1232 : vector<16xi32>
      %select_n3A_1234 = arith.select %and3A_1231, %add3A_1233, %rem3A_1219 : vector<16xi1>, vector<16xi32>
      %add3A_1235 = arith.constant 245520 : i32
      %add3A_1236 = vector.broadcast %add3A_1235 : i32 to vector<16xi32>
      %add3A_1237 = arith.addi %add3A_1236, %select_n3A_1234 : vector<16xi32>
      %ge3A_1238 = arith.constant 0 : i32
      %ge3A_1239 = vector.broadcast %ge3A_1238 : i32 to vector<16xi32>
      %ge3A_1240 = arith.cmpi sge, %gather3A_1209, %ge3A_1239 : vector<16xi32>
      %add3A_1241 = arith.constant 235520 : i32
      %add3A_1242 = vector.broadcast %add3A_1241 : i32 to vector<16xi32>
      %add3A_1243 = arith.addi %add3A_1242, %gather3A_1209 : vector<16xi32>
      %select_n3A_1244 = arith.select %ge3A_1240, %add3A_1243, %add3A_1237 : vector<16xi1>, vector<16xi32>
      %add3A_1245 = arith.constant 92 : i32
      %add3A_1246 = vector.broadcast %add3A_1245 : i32 to vector<16xi32>
      %add3A_1247 = arith.addi %add3A_176, %add3A_1246 : vector<16xi32>
      tpu.vector_store_idx %arg7[%add3A_1247], %select_n3A_1244 : memref<8960xi32, #tpu.memory_space<vmem>>[vector<16xi32>], vector<16xi32>,
      %add3A_1248 = arith.constant 1189 : i32
      %add3A_1249 = vector.broadcast %add3A_1248 : i32 to vector<16xi32>
      %add3A_1250 = arith.addi %get3A_168, %add3A_1249 : vector<16xi32>
      %max3A_1251 = arith.constant 0 : i32
      %max3A_1252 = vector.broadcast %max3A_1251 : i32 to vector<16xi32>
      %max3A_1253 = arith.maxsi %add3A_1250, %max3A_1252 : vector<16xi32>
      %gather3A_1254 = tpu.vector_load_idx %arg5[%max3A_1253] : memref<39312xi32, #tpu.memory_space<vmem>>[vector<16xi32>], vector<16xi32>,
      %add3A_1255 = arith.constant 216 : i32
      %add3A_1256 = vector.broadcast %add3A_1255 : i32 to vector<16xi32>
      %add3A_1257 = arith.addi %add3A_164, %add3A_1256 : vector<16xi32>
      %jit3A_1258 = arith.constant 240 : i32
      %eq3A_1259 = arith.constant 0 : i32
      %eq3A_1260 = arith.cmpi eq, %jit3A_1258, %eq3A_1259 : i32
      %jit3A_1261 = arith.constant 1 : i32
      %select_n3A_1262 = arith.select %eq3A_1260, %jit3A_1261, %jit3A_1258 : i32
      %rem3A_1263 = vector.broadcast %select_n3A_1262 : i32 to vector<16xi32>
      %rem3A_1264 = arith.remsi %add3A_1257, %rem3A_1263 : vector<16xi32>
      %ne3A_1265 = arith.constant 0 : i32
      %ne3A_1266 = vector.broadcast %ne3A_1265 : i32 to vector<16xi32>
      %ne3A_1267 = arith.cmpi ne, %rem3A_1264, %ne3A_1266 : vector<16xi32>
      %lt3A_1268 = arith.constant 0 : i32
      %lt3A_1269 = vector.broadcast %lt3A_1268 : i32 to vector<16xi32>
      %lt3A_1270 = arith.cmpi slt, %rem3A_1264, %lt3A_1269 : vector<16xi32>
      %lt3A_1271 = arith.constant 0 : i32
      %lt3A_1272 = arith.cmpi slt, %select_n3A_1262, %lt3A_1271 : i32
      %ne3A_1273 = vector.broadcast %lt3A_1272 : i1 to vector<16xi1>
      %ne3A_1274 = vector.broadcast %ne3A_1273 : vector<16xi1> to vector<16xi1>
      %ne3A_1275 = arith.xori %lt3A_1270, %ne3A_1274 : vector<16xi1>
      %and3A_1276 = arith.andi %ne3A_1275, %ne3A_1267 : vector<16xi1>
      %add3A_1277 = vector.broadcast %select_n3A_1262 : i32 to vector<16xi32>
      %add3A_1278 = arith.addi %rem3A_1264, %add3A_1277 : vector<16xi32>
      %select_n3A_1279 = arith.select %and3A_1276, %add3A_1278, %rem3A_1264 : vector<16xi1>, vector<16xi32>
      %add3A_1280 = arith.constant 255760 : i32
      %add3A_1281 = vector.broadcast %add3A_1280 : i32 to vector<16xi32>
      %add3A_1282 = arith.addi %add3A_1281, %select_n3A_1279 : vector<16xi32>
      %ge3A_1283 = arith.constant 0 : i32
      %ge3A_1284 = vector.broadcast %ge3A_1283 : i32 to vector<16xi32>
      %ge3A_1285 = arith.cmpi sge, %gather3A_1254, %ge3A_1284 : vector<16xi32>
      %add3A_1286 = arith.constant 245760 : i32
      %add3A_1287 = vector.broadcast %add3A_1286 : i32 to vector<16xi32>
      %add3A_1288 = arith.addi %add3A_1287, %gather3A_1254 : vector<16xi32>
      %select_n3A_1289 = arith.select %ge3A_1285, %add3A_1288, %add3A_1282 : vector<16xi1>, vector<16xi32>
      %add3A_1290 = arith.constant 96 : i32
      %add3A_1291 = vector.broadcast %add3A_1290 : i32 to vector<16xi32>
      %add3A_1292 = arith.addi %add3A_176, %add3A_1291 : vector<16xi32>
      tpu.vector_store_idx %arg7[%add3A_1292], %select_n3A_1289 : memref<8960xi32, #tpu.memory_space<vmem>>[vector<16xi32>], vector<16xi32>,
      %add3A_1293 = arith.constant 1190 : i32
      %add3A_1294 = vector.broadcast %add3A_1293 : i32 to vector<16xi32>
      %add3A_1295 = arith.addi %get3A_168, %add3A_1294 : vector<16xi32>
      %max3A_1296 = arith.constant 0 : i32
      %max3A_1297 = vector.broadcast %max3A_1296 : i32 to vector<16xi32>
      %max3A_1298 = arith.maxsi %add3A_1295, %max3A_1297 : vector<16xi32>
      %gather3A_1299 = tpu.vector_load_idx %arg5[%max3A_1298] : memref<39312xi32, #tpu.memory_space<vmem>>[vector<16xi32>], vector<16xi32>,
      %add3A_1300 = arith.constant 225 : i32
      %add3A_1301 = vector.broadcast %add3A_1300 : i32 to vector<16xi32>
      %add3A_1302 = arith.addi %add3A_164, %add3A_1301 : vector<16xi32>
      %jit3A_1303 = arith.constant 240 : i32
      %eq3A_1304 = arith.constant 0 : i32
      %eq3A_1305 = arith.cmpi eq, %jit3A_1303, %eq3A_1304 : i32
      %jit3A_1306 = arith.constant 1 : i32
      %select_n3A_1307 = arith.select %eq3A_1305, %jit3A_1306, %jit3A_1303 : i32
      %rem3A_1308 = vector.broadcast %select_n3A_1307 : i32 to vector<16xi32>
      %rem3A_1309 = arith.remsi %add3A_1302, %rem3A_1308 : vector<16xi32>
      %ne3A_1310 = arith.constant 0 : i32
      %ne3A_1311 = vector.broadcast %ne3A_1310 : i32 to vector<16xi32>
      %ne3A_1312 = arith.cmpi ne, %rem3A_1309, %ne3A_1311 : vector<16xi32>
      %lt3A_1313 = arith.constant 0 : i32
      %lt3A_1314 = vector.broadcast %lt3A_1313 : i32 to vector<16xi32>
      %lt3A_1315 = arith.cmpi slt, %rem3A_1309, %lt3A_1314 : vector<16xi32>
      %lt3A_1316 = arith.constant 0 : i32
      %lt3A_1317 = arith.cmpi slt, %select_n3A_1307, %lt3A_1316 : i32
      %ne3A_1318 = vector.broadcast %lt3A_1317 : i1 to vector<16xi1>
      %ne3A_1319 = vector.broadcast %ne3A_1318 : vector<16xi1> to vector<16xi1>
      %ne3A_1320 = arith.xori %lt3A_1315, %ne3A_1319 : vector<16xi1>
      %and3A_1321 = arith.andi %ne3A_1320, %ne3A_1312 : vector<16xi1>
      %add3A_1322 = vector.broadcast %select_n3A_1307 : i32 to vector<16xi32>
      %add3A_1323 = arith.addi %rem3A_1309, %add3A_1322 : vector<16xi32>
      %select_n3A_1324 = arith.select %and3A_1321, %add3A_1323, %rem3A_1309 : vector<16xi1>, vector<16xi32>
      %add3A_1325 = arith.constant 266000 : i32
      %add3A_1326 = vector.broadcast %add3A_1325 : i32 to vector<16xi32>
      %add3A_1327 = arith.addi %add3A_1326, %select_n3A_1324 : vector<16xi32>
      %ge3A_1328 = arith.constant 0 : i32
      %ge3A_1329 = vector.broadcast %ge3A_1328 : i32 to vector<16xi32>
      %ge3A_1330 = arith.cmpi sge, %gather3A_1299, %ge3A_1329 : vector<16xi32>
      %add3A_1331 = arith.constant 256000 : i32
      %add3A_1332 = vector.broadcast %add3A_1331 : i32 to vector<16xi32>
      %add3A_1333 = arith.addi %add3A_1332, %gather3A_1299 : vector<16xi32>
      %select_n3A_1334 = arith.select %ge3A_1330, %add3A_1333, %add3A_1327 : vector<16xi1>, vector<16xi32>
      %add3A_1335 = arith.constant 100 : i32
      %add3A_1336 = vector.broadcast %add3A_1335 : i32 to vector<16xi32>
      %add3A_1337 = arith.addi %add3A_176, %add3A_1336 : vector<16xi32>
      tpu.vector_store_idx %arg7[%add3A_1337], %select_n3A_1334 : memref<8960xi32, #tpu.memory_space<vmem>>[vector<16xi32>], vector<16xi32>,
      %add3A_1338 = arith.constant 1191 : i32
      %add3A_1339 = vector.broadcast %add3A_1338 : i32 to vector<16xi32>
      %add3A_1340 = arith.addi %get3A_168, %add3A_1339 : vector<16xi32>
      %max3A_1341 = arith.constant 0 : i32
      %max3A_1342 = vector.broadcast %max3A_1341 : i32 to vector<16xi32>
      %max3A_1343 = arith.maxsi %add3A_1340, %max3A_1342 : vector<16xi32>
      %gather3A_1344 = tpu.vector_load_idx %arg5[%max3A_1343] : memref<39312xi32, #tpu.memory_space<vmem>>[vector<16xi32>], vector<16xi32>,
      %add3A_1345 = arith.constant 234 : i32
      %add3A_1346 = vector.broadcast %add3A_1345 : i32 to vector<16xi32>
      %add3A_1347 = arith.addi %add3A_164, %add3A_1346 : vector<16xi32>
      %jit3A_1348 = arith.constant 240 : i32
      %eq3A_1349 = arith.constant 0 : i32
      %eq3A_1350 = arith.cmpi eq, %jit3A_1348, %eq3A_1349 : i32
      %jit3A_1351 = arith.constant 1 : i32
      %select_n3A_1352 = arith.select %eq3A_1350, %jit3A_1351, %jit3A_1348 : i32
      %rem3A_1353 = vector.broadcast %select_n3A_1352 : i32 to vector<16xi32>
      %rem3A_1354 = arith.remsi %add3A_1347, %rem3A_1353 : vector<16xi32>
      %ne3A_1355 = arith.constant 0 : i32
      %ne3A_1356 = vector.broadcast %ne3A_1355 : i32 to vector<16xi32>
      %ne3A_1357 = arith.cmpi ne, %rem3A_1354, %ne3A_1356 : vector<16xi32>
      %lt3A_1358 = arith.constant 0 : i32
      %lt3A_1359 = vector.broadcast %lt3A_1358 : i32 to vector<16xi32>
      %lt3A_1360 = arith.cmpi slt, %rem3A_1354, %lt3A_1359 : vector<16xi32>
      %lt3A_1361 = arith.constant 0 : i32
      %lt3A_1362 = arith.cmpi slt, %select_n3A_1352, %lt3A_1361 : i32
      %ne3A_1363 = vector.broadcast %lt3A_1362 : i1 to vector<16xi1>
      %ne3A_1364 = vector.broadcast %ne3A_1363 : vector<16xi1> to vector<16xi1>
      %ne3A_1365 = arith.xori %lt3A_1360, %ne3A_1364 : vector<16xi1>
      %and3A_1366 = arith.andi %ne3A_1365, %ne3A_1357 : vector<16xi1>
      %add3A_1367 = vector.broadcast %select_n3A_1352 : i32 to vector<16xi32>
      %add3A_1368 = arith.addi %rem3A_1354, %add3A_1367 : vector<16xi32>
      %select_n3A_1369 = arith.select %and3A_1366, %add3A_1368, %rem3A_1354 : vector<16xi1>, vector<16xi32>
      %add3A_1370 = arith.constant 276240 : i32
      %add3A_1371 = vector.broadcast %add3A_1370 : i32 to vector<16xi32>
      %add3A_1372 = arith.addi %add3A_1371, %select_n3A_1369 : vector<16xi32>
      %ge3A_1373 = arith.constant 0 : i32
      %ge3A_1374 = vector.broadcast %ge3A_1373 : i32 to vector<16xi32>
      %ge3A_1375 = arith.cmpi sge, %gather3A_1344, %ge3A_1374 : vector<16xi32>
      %add3A_1376 = arith.constant 266240 : i32
      %add3A_1377 = vector.broadcast %add3A_1376 : i32 to vector<16xi32>
      %add3A_1378 = arith.addi %add3A_1377, %gather3A_1344 : vector<16xi32>
      %select_n3A_1379 = arith.select %ge3A_1375, %add3A_1378, %add3A_1372 : vector<16xi1>, vector<16xi32>
      %add3A_1380 = arith.constant 104 : i32
      %add3A_1381 = vector.broadcast %add3A_1380 : i32 to vector<16xi32>
      %add3A_1382 = arith.addi %add3A_176, %add3A_1381 : vector<16xi32>
      tpu.vector_store_idx %arg7[%add3A_1382], %select_n3A_1379 : memref<8960xi32, #tpu.memory_space<vmem>>[vector<16xi32>], vector<16xi32>,
      %scan3A_1383 = arith.constant 0 : i32
      scf.yield %scan3A_1383 : i32
    }
    %scan3A_22 = arith.constant 20 : i32
    %scan3A_23 = arith.constant 0 : i32
    %scan3A_24 = arith.constant 0 : i32
    %scan3A_25 = arith.constant 5 : i32
    %scan3A_26 = arith.addi %scan3A_24, %scan3A_25 : i32
    %scan3A_27 = arith.constant 1 : i32
    %scan3A_28 = scf.for %scan3A_159 = %scan3A_24 to %scan3A_26 step %scan3A_27 iter_args(%scan3A_160 = %scan3A_23) -> (i32)  : i32 {
      %mul3A_161 = arith.constant 16 : i32
      %mul3A_162 = arith.muli %scan3A_159, %mul3A_161 : i32
      %add3A_163 = vector.broadcast %mul3A_162 : i32 to vector<16xi32>
      %add3A_164 = arith.addi %add3A_163, %iota3A : vector<16xi32>
      %mul3A_165 = arith.constant 112 : i32
      %mul3A_166 = vector.broadcast %mul3A_165 : i32 to vector<16xi32>
      %mul3A_167 = arith.muli %add3A_164, %mul3A_166 : vector<16xi32>
      %add3A_168 = arith.constant 108 : i32
      %add3A_169 = vector.broadcast %add3A_168 : i32 to vector<16xi32>
      %add3A_170 = arith.addi %mul3A_167, %add3A_169 : vector<16xi32>
      %add3A_171 = arith.constant 0 : i32
      %add3A_172 = vector.broadcast %add3A_171 : i32 to vector<16xi32>
      %add3A_173 = arith.addi %add3A_170, %add3A_172 : vector<16xi32>
      %mul3A_174 = arith.constant 4 : i32
      %mul3A_175 = vector.broadcast %mul3A_174 : i32 to vector<16xi32>
      %mul3A_176 = arith.muli %add3A_164, %mul3A_175 : vector<16xi32>
      %add3A_177 = arith.constant 0 : i32
      %add3A_178 = vector.broadcast %add3A_177 : i32 to vector<16xi32>
      %add3A_179 = arith.addi %mul3A_176, %add3A_178 : vector<16xi32>
      %jit3A = arith.constant 240 : i32
      %eq3A = arith.constant 0 : i32
      %eq3A_180 = arith.cmpi eq, %jit3A, %eq3A : i32
      %jit3A_181 = arith.constant 1 : i32
      %select_n3A = arith.select %eq3A_180, %jit3A_181, %jit3A : i32
      %rem3A = vector.broadcast %select_n3A : i32 to vector<16xi32>
      %rem3A_182 = arith.remsi %add3A_179, %rem3A : vector<16xi32>
      %ne3A = arith.constant 0 : i32
      %ne3A_183 = vector.broadcast %ne3A : i32 to vector<16xi32>
      %ne3A_184 = arith.cmpi ne, %rem3A_182, %ne3A_183 : vector<16xi32>
      %lt3A = arith.constant 0 : i32
      %lt3A_185 = vector.broadcast %lt3A : i32 to vector<16xi32>
      %lt3A_186 = arith.cmpi slt, %rem3A_182, %lt3A_185 : vector<16xi32>
      %lt3A_187 = arith.constant 0 : i32
      %lt3A_188 = arith.cmpi slt, %select_n3A, %lt3A_187 : i32
      %ne3A_189 = vector.broadcast %lt3A_188 : i1 to vector<16xi1>
      %ne3A_190 = vector.broadcast %ne3A_189 : vector<16xi1> to vector<16xi1>
      %ne3A_191 = arith.xori %lt3A_186, %ne3A_190 : vector<16xi1>
      %and3A = arith.andi %ne3A_191, %ne3A_184 : vector<16xi1>
      %add3A_192 = vector.broadcast %select_n3A : i32 to vector<16xi32>
      %add3A_193 = arith.addi %rem3A_182, %add3A_192 : vector<16xi32>
      %select_n3A_194 = arith.select %and3A, %add3A_193, %rem3A_182 : vector<16xi1>, vector<16xi32>
      %add3A_195 = arith.constant 10000 : i32
      %add3A_196 = vector.broadcast %add3A_195 : i32 to vector<16xi32>
      %add3A_197 = arith.addi %add3A_196, %select_n3A_194 : vector<16xi32>
      tpu.vector_store_idx %arg7[%add3A_173], %add3A_197 : memref<8960xi32, #tpu.memory_space<vmem>>[vector<16xi32>], vector<16xi32>,
      %mul3A_198 = arith.constant 112 : i32
      %mul3A_199 = vector.broadcast %mul3A_198 : i32 to vector<16xi32>
      %mul3A_200 = arith.muli %add3A_164, %mul3A_199 : vector<16xi32>
      %add3A_201 = arith.constant 108 : i32
      %add3A_202 = vector.broadcast %add3A_201 : i32 to vector<16xi32>
      %add3A_203 = arith.addi %mul3A_200, %add3A_202 : vector<16xi32>
      %add3A_204 = arith.constant 1 : i32
      %add3A_205 = vector.broadcast %add3A_204 : i32 to vector<16xi32>
      %add3A_206 = arith.addi %add3A_203, %add3A_205 : vector<16xi32>
      %mul3A_207 = arith.constant 4 : i32
      %mul3A_208 = vector.broadcast %mul3A_207 : i32 to vector<16xi32>
      %mul3A_209 = arith.muli %add3A_164, %mul3A_208 : vector<16xi32>
      %add3A_210 = arith.constant 61 : i32
      %add3A_211 = vector.broadcast %add3A_210 : i32 to vector<16xi32>
      %add3A_212 = arith.addi %mul3A_209, %add3A_211 : vector<16xi32>
      %jit3A_213 = arith.constant 240 : i32
      %eq3A_214 = arith.constant 0 : i32
      %eq3A_215 = arith.cmpi eq, %jit3A_213, %eq3A_214 : i32
      %jit3A_216 = arith.constant 1 : i32
      %select_n3A_217 = arith.select %eq3A_215, %jit3A_216, %jit3A_213 : i32
      %rem3A_218 = vector.broadcast %select_n3A_217 : i32 to vector<16xi32>
      %rem3A_219 = arith.remsi %add3A_212, %rem3A_218 : vector<16xi32>
      %ne3A_220 = arith.constant 0 : i32
      %ne3A_221 = vector.broadcast %ne3A_220 : i32 to vector<16xi32>
      %ne3A_222 = arith.cmpi ne, %rem3A_219, %ne3A_221 : vector<16xi32>
      %lt3A_223 = arith.constant 0 : i32
      %lt3A_224 = vector.broadcast %lt3A_223 : i32 to vector<16xi32>
      %lt3A_225 = arith.cmpi slt, %rem3A_219, %lt3A_224 : vector<16xi32>
      %lt3A_226 = arith.constant 0 : i32
      %lt3A_227 = arith.cmpi slt, %select_n3A_217, %lt3A_226 : i32
      %ne3A_228 = vector.broadcast %lt3A_227 : i1 to vector<16xi1>
      %ne3A_229 = vector.broadcast %ne3A_228 : vector<16xi1> to vector<16xi1>
      %ne3A_230 = arith.xori %lt3A_225, %ne3A_229 : vector<16xi1>
      %and3A_231 = arith.andi %ne3A_230, %ne3A_222 : vector<16xi1>
      %add3A_232 = vector.broadcast %select_n3A_217 : i32 to vector<16xi32>
      %add3A_233 = arith.addi %rem3A_219, %add3A_232 : vector<16xi32>
      %select_n3A_234 = arith.select %and3A_231, %add3A_233, %rem3A_219 : vector<16xi1>, vector<16xi32>
      %add3A_235 = arith.constant 20240 : i32
      %add3A_236 = vector.broadcast %add3A_235 : i32 to vector<16xi32>
      %add3A_237 = arith.addi %add3A_236, %select_n3A_234 : vector<16xi32>
      tpu.vector_store_idx %arg7[%add3A_206], %add3A_237 : memref<8960xi32, #tpu.memory_space<vmem>>[vector<16xi32>], vector<16xi32>,
      %mul3A_238 = arith.constant 112 : i32
      %mul3A_239 = vector.broadcast %mul3A_238 : i32 to vector<16xi32>
      %mul3A_240 = arith.muli %add3A_164, %mul3A_239 : vector<16xi32>
      %add3A_241 = arith.constant 108 : i32
      %add3A_242 = vector.broadcast %add3A_241 : i32 to vector<16xi32>
      %add3A_243 = arith.addi %mul3A_240, %add3A_242 : vector<16xi32>
      %add3A_244 = arith.constant 2 : i32
      %add3A_245 = vector.broadcast %add3A_244 : i32 to vector<16xi32>
      %add3A_246 = arith.addi %add3A_243, %add3A_245 : vector<16xi32>
      %mul3A_247 = arith.constant 4 : i32
      %mul3A_248 = vector.broadcast %mul3A_247 : i32 to vector<16xi32>
      %mul3A_249 = arith.muli %add3A_164, %mul3A_248 : vector<16xi32>
      %add3A_250 = arith.constant 122 : i32
      %add3A_251 = vector.broadcast %add3A_250 : i32 to vector<16xi32>
      %add3A_252 = arith.addi %mul3A_249, %add3A_251 : vector<16xi32>
      %jit3A_253 = arith.constant 240 : i32
      %eq3A_254 = arith.constant 0 : i32
      %eq3A_255 = arith.cmpi eq, %jit3A_253, %eq3A_254 : i32
      %jit3A_256 = arith.constant 1 : i32
      %select_n3A_257 = arith.select %eq3A_255, %jit3A_256, %jit3A_253 : i32
      %rem3A_258 = vector.broadcast %select_n3A_257 : i32 to vector<16xi32>
      %rem3A_259 = arith.remsi %add3A_252, %rem3A_258 : vector<16xi32>
      %ne3A_260 = arith.constant 0 : i32
      %ne3A_261 = vector.broadcast %ne3A_260 : i32 to vector<16xi32>
      %ne3A_262 = arith.cmpi ne, %rem3A_259, %ne3A_261 : vector<16xi32>
      %lt3A_263 = arith.constant 0 : i32
      %lt3A_264 = vector.broadcast %lt3A_263 : i32 to vector<16xi32>
      %lt3A_265 = arith.cmpi slt, %rem3A_259, %lt3A_264 : vector<16xi32>
      %lt3A_266 = arith.constant 0 : i32
      %lt3A_267 = arith.cmpi slt, %select_n3A_257, %lt3A_266 : i32
      %ne3A_268 = vector.broadcast %lt3A_267 : i1 to vector<16xi1>
      %ne3A_269 = vector.broadcast %ne3A_268 : vector<16xi1> to vector<16xi1>
      %ne3A_270 = arith.xori %lt3A_265, %ne3A_269 : vector<16xi1>
      %and3A_271 = arith.andi %ne3A_270, %ne3A_262 : vector<16xi1>
      %add3A_272 = vector.broadcast %select_n3A_257 : i32 to vector<16xi32>
      %add3A_273 = arith.addi %rem3A_259, %add3A_272 : vector<16xi32>
      %select_n3A_274 = arith.select %and3A_271, %add3A_273, %rem3A_259 : vector<16xi1>, vector<16xi32>
      %add3A_275 = arith.constant 30480 : i32
      %add3A_276 = vector.broadcast %add3A_275 : i32 to vector<16xi32>
      %add3A_277 = arith.addi %add3A_276, %select_n3A_274 : vector<16xi32>
      tpu.vector_store_idx %arg7[%add3A_246], %add3A_277 : memref<8960xi32, #tpu.memory_space<vmem>>[vector<16xi32>], vector<16xi32>,
      %mul3A_278 = arith.constant 112 : i32
      %mul3A_279 = vector.broadcast %mul3A_278 : i32 to vector<16xi32>
      %mul3A_280 = arith.muli %add3A_164, %mul3A_279 : vector<16xi32>
      %add3A_281 = arith.constant 108 : i32
      %add3A_282 = vector.broadcast %add3A_281 : i32 to vector<16xi32>
      %add3A_283 = arith.addi %mul3A_280, %add3A_282 : vector<16xi32>
      %add3A_284 = arith.constant 3 : i32
      %add3A_285 = vector.broadcast %add3A_284 : i32 to vector<16xi32>
      %add3A_286 = arith.addi %add3A_283, %add3A_285 : vector<16xi32>
      %mul3A_287 = arith.constant 4 : i32
      %mul3A_288 = vector.broadcast %mul3A_287 : i32 to vector<16xi32>
      %mul3A_289 = arith.muli %add3A_164, %mul3A_288 : vector<16xi32>
      %add3A_290 = arith.constant 183 : i32
      %add3A_291 = vector.broadcast %add3A_290 : i32 to vector<16xi32>
      %add3A_292 = arith.addi %mul3A_289, %add3A_291 : vector<16xi32>
      %jit3A_293 = arith.constant 240 : i32
      %eq3A_294 = arith.constant 0 : i32
      %eq3A_295 = arith.cmpi eq, %jit3A_293, %eq3A_294 : i32
      %jit3A_296 = arith.constant 1 : i32
      %select_n3A_297 = arith.select %eq3A_295, %jit3A_296, %jit3A_293 : i32
      %rem3A_298 = vector.broadcast %select_n3A_297 : i32 to vector<16xi32>
      %rem3A_299 = arith.remsi %add3A_292, %rem3A_298 : vector<16xi32>
      %ne3A_300 = arith.constant 0 : i32
      %ne3A_301 = vector.broadcast %ne3A_300 : i32 to vector<16xi32>
      %ne3A_302 = arith.cmpi ne, %rem3A_299, %ne3A_301 : vector<16xi32>
      %lt3A_303 = arith.constant 0 : i32
      %lt3A_304 = vector.broadcast %lt3A_303 : i32 to vector<16xi32>
      %lt3A_305 = arith.cmpi slt, %rem3A_299, %lt3A_304 : vector<16xi32>
      %lt3A_306 = arith.constant 0 : i32
      %lt3A_307 = arith.cmpi slt, %select_n3A_297, %lt3A_306 : i32
      %ne3A_308 = vector.broadcast %lt3A_307 : i1 to vector<16xi1>
      %ne3A_309 = vector.broadcast %ne3A_308 : vector<16xi1> to vector<16xi1>
      %ne3A_310 = arith.xori %lt3A_305, %ne3A_309 : vector<16xi1>
      %and3A_311 = arith.andi %ne3A_310, %ne3A_302 : vector<16xi1>
      %add3A_312 = vector.broadcast %select_n3A_297 : i32 to vector<16xi32>
      %add3A_313 = arith.addi %rem3A_299, %add3A_312 : vector<16xi32>
      %select_n3A_314 = arith.select %and3A_311, %add3A_313, %rem3A_299 : vector<16xi1>, vector<16xi32>
      %add3A_315 = arith.constant 40720 : i32
      %add3A_316 = vector.broadcast %add3A_315 : i32 to vector<16xi32>
      %add3A_317 = arith.addi %add3A_316, %select_n3A_314 : vector<16xi32>
      tpu.vector_store_idx %arg7[%add3A_286], %add3A_317 : memref<8960xi32, #tpu.memory_space<vmem>>[vector<16xi32>], vector<16xi32>,
      %scan3A_318 = arith.constant 0 : i32
      scf.yield %scan3A_318 : i32
    }
    %scan3A_29 = arith.constant 5 : i32
    %dma_start3A = arith.constant 0 : i32
    %dma_start3A_30 = arith.constant 0 : i32
    %dma_start3A_31 = arith.constant 0 : i32
    %dma_start3A_32 = arith.constant 0 : i32
    %dma_start3A_33 = tpu.memref_slice %arg8[%dma_start3A, %dma_start3A_31, %dma_start3A_32] : memref<4x112x128xi32, #tpu.memory_space<vmem>> -> memref<1x112x128xi32, #tpu.memory_space<vmem>>
    %dma_start3A_34 = tpu.memref_squeeze %dma_start3A_33 : memref<1x112x128xi32, #tpu.memory_space<vmem>> -> memref<112x128xi32, #tpu.memory_space<vmem>>
    %dma_start3A_35 = arith.constant 0 : i32
    %dma_start3A_36 = tpu.memref_slice %arg7[%dma_start3A_35] : memref<8960xi32, #tpu.memory_space<vmem>> -> memref<112xi32, #tpu.memory_space<vmem>>
    %dma_start3A_37 = arith.constant 0 : i32
    %dma_start3A_38 = arith.constant 0 : i32
    %dma_start3A_39 = tpu.memref_slice %arg2[%dma_start3A_37, %dma_start3A_38] : memref<276480x128xi32, #tpu.memory_space<hbm>> -> memref<276480x128xi32, #tpu.memory_space<hbm>>
    %dma_start3A_40 = tpu.memref_slice %arg10[%dma_start3A_30] : memref<4x!tpu.dma_semaphore, #tpu.memory_space<semaphore_mem>> -> memref<1x!tpu.dma_semaphore, #tpu.memory_space<semaphore_mem>>
    %dma_start3A_41 = tpu.memref_squeeze %dma_start3A_40 : memref<1x!tpu.dma_semaphore, #tpu.memory_space<semaphore_mem>> -> memref<!tpu.dma_semaphore, #tpu.memory_space<semaphore_mem>>
    tpu.enqueue_indirect_dma source(%dma_start3A_39 : memref<276480x128xi32, #tpu.memory_space<hbm>>) target(%dma_start3A_34 : memref<112x128xi32, #tpu.memory_space<vmem>>) offsets(%dma_start3A_36 : memref<112xi32, #tpu.memory_space<vmem>>) semaphore(%dma_start3A_41 : memref<!tpu.dma_semaphore, #tpu.memory_space<semaphore_mem>>)
    %dma_start3A_42 = arith.constant 1 : i32
    %dma_start3A_43 = arith.constant 1 : i32
    %dma_start3A_44 = arith.constant 0 : i32
    %dma_start3A_45 = arith.constant 0 : i32
    %dma_start3A_46 = tpu.memref_slice %arg8[%dma_start3A_42, %dma_start3A_44, %dma_start3A_45] : memref<4x112x128xi32, #tpu.memory_space<vmem>> -> memref<1x112x128xi32, #tpu.memory_space<vmem>>
    %dma_start3A_47 = tpu.memref_squeeze %dma_start3A_46 : memref<1x112x128xi32, #tpu.memory_space<vmem>> -> memref<112x128xi32, #tpu.memory_space<vmem>>
    %dma_start3A_48 = arith.constant 112 : i32
    %dma_start3A_49 = tpu.memref_slice %arg7[%dma_start3A_48] : memref<8960xi32, #tpu.memory_space<vmem>> -> memref<112xi32, #tpu.memory_space<vmem>>
    %dma_start3A_50 = arith.constant 0 : i32
    %dma_start3A_51 = arith.constant 0 : i32
    %dma_start3A_52 = tpu.memref_slice %arg2[%dma_start3A_50, %dma_start3A_51] : memref<276480x128xi32, #tpu.memory_space<hbm>> -> memref<276480x128xi32, #tpu.memory_space<hbm>>
    %dma_start3A_53 = tpu.memref_slice %arg10[%dma_start3A_43] : memref<4x!tpu.dma_semaphore, #tpu.memory_space<semaphore_mem>> -> memref<1x!tpu.dma_semaphore, #tpu.memory_space<semaphore_mem>>
    %dma_start3A_54 = tpu.memref_squeeze %dma_start3A_53 : memref<1x!tpu.dma_semaphore, #tpu.memory_space<semaphore_mem>> -> memref<!tpu.dma_semaphore, #tpu.memory_space<semaphore_mem>>
    tpu.enqueue_indirect_dma source(%dma_start3A_52 : memref<276480x128xi32, #tpu.memory_space<hbm>>) target(%dma_start3A_47 : memref<112x128xi32, #tpu.memory_space<vmem>>) offsets(%dma_start3A_49 : memref<112xi32, #tpu.memory_space<vmem>>) semaphore(%dma_start3A_54 : memref<!tpu.dma_semaphore, #tpu.memory_space<semaphore_mem>>)
    %dma_start3A_55 = arith.constant 2 : i32
    %dma_start3A_56 = arith.constant 2 : i32
    %dma_start3A_57 = arith.constant 0 : i32
    %dma_start3A_58 = arith.constant 0 : i32
    %dma_start3A_59 = tpu.memref_slice %arg8[%dma_start3A_55, %dma_start3A_57, %dma_start3A_58] : memref<4x112x128xi32, #tpu.memory_space<vmem>> -> memref<1x112x128xi32, #tpu.memory_space<vmem>>
    %dma_start3A_60 = tpu.memref_squeeze %dma_start3A_59 : memref<1x112x128xi32, #tpu.memory_space<vmem>> -> memref<112x128xi32, #tpu.memory_space<vmem>>
    %dma_start3A_61 = arith.constant 224 : i32
    %dma_start3A_62 = tpu.memref_slice %arg7[%dma_start3A_61] : memref<8960xi32, #tpu.memory_space<vmem>> -> memref<112xi32, #tpu.memory_space<vmem>>
    %dma_start3A_63 = arith.constant 0 : i32
    %dma_start3A_64 = arith.constant 0 : i32
    %dma_start3A_65 = tpu.memref_slice %arg2[%dma_start3A_63, %dma_start3A_64] : memref<276480x128xi32, #tpu.memory_space<hbm>> -> memref<276480x128xi32, #tpu.memory_space<hbm>>
    %dma_start3A_66 = tpu.memref_slice %arg10[%dma_start3A_56] : memref<4x!tpu.dma_semaphore, #tpu.memory_space<semaphore_mem>> -> memref<1x!tpu.dma_semaphore, #tpu.memory_space<semaphore_mem>>
    %dma_start3A_67 = tpu.memref_squeeze %dma_start3A_66 : memref<1x!tpu.dma_semaphore, #tpu.memory_space<semaphore_mem>> -> memref<!tpu.dma_semaphore, #tpu.memory_space<semaphore_mem>>
    tpu.enqueue_indirect_dma source(%dma_start3A_65 : memref<276480x128xi32, #tpu.memory_space<hbm>>) target(%dma_start3A_60 : memref<112x128xi32, #tpu.memory_space<vmem>>) offsets(%dma_start3A_62 : memref<112xi32, #tpu.memory_space<vmem>>) semaphore(%dma_start3A_67 : memref<!tpu.dma_semaphore, #tpu.memory_space<semaphore_mem>>)
    %dma_start3A_68 = arith.constant 3 : i32
    %dma_start3A_69 = arith.constant 3 : i32
    %dma_start3A_70 = arith.constant 0 : i32
    %dma_start3A_71 = arith.constant 0 : i32
    %dma_start3A_72 = tpu.memref_slice %arg8[%dma_start3A_68, %dma_start3A_70, %dma_start3A_71] : memref<4x112x128xi32, #tpu.memory_space<vmem>> -> memref<1x112x128xi32, #tpu.memory_space<vmem>>
    %dma_start3A_73 = tpu.memref_squeeze %dma_start3A_72 : memref<1x112x128xi32, #tpu.memory_space<vmem>> -> memref<112x128xi32, #tpu.memory_space<vmem>>
    %dma_start3A_74 = arith.constant 336 : i32
    %dma_start3A_75 = tpu.memref_slice %arg7[%dma_start3A_74] : memref<8960xi32, #tpu.memory_space<vmem>> -> memref<112xi32, #tpu.memory_space<vmem>>
    %dma_start3A_76 = arith.constant 0 : i32
    %dma_start3A_77 = arith.constant 0 : i32
    %dma_start3A_78 = tpu.memref_slice %arg2[%dma_start3A_76, %dma_start3A_77] : memref<276480x128xi32, #tpu.memory_space<hbm>> -> memref<276480x128xi32, #tpu.memory_space<hbm>>
    %dma_start3A_79 = tpu.memref_slice %arg10[%dma_start3A_69] : memref<4x!tpu.dma_semaphore, #tpu.memory_space<semaphore_mem>> -> memref<1x!tpu.dma_semaphore, #tpu.memory_space<semaphore_mem>>
    %dma_start3A_80 = tpu.memref_squeeze %dma_start3A_79 : memref<1x!tpu.dma_semaphore, #tpu.memory_space<semaphore_mem>> -> memref<!tpu.dma_semaphore, #tpu.memory_space<semaphore_mem>>
    tpu.enqueue_indirect_dma source(%dma_start3A_78 : memref<276480x128xi32, #tpu.memory_space<hbm>>) target(%dma_start3A_73 : memref<112x128xi32, #tpu.memory_space<vmem>>) offsets(%dma_start3A_75 : memref<112xi32, #tpu.memory_space<vmem>>) semaphore(%dma_start3A_80 : memref<!tpu.dma_semaphore, #tpu.memory_space<semaphore_mem>>)
    %scan3A_81 = arith.constant 0 : i32
    %scan3A_82 = arith.constant 0 : i32
    %scan3A_83 = arith.constant 20 : i32
    %scan3A_84 = arith.addi %scan3A_82, %scan3A_83 : i32
    %scan3A_85 = arith.constant 1 : i32
    %scan3A_86 = scf.for %scan3A_159 = %scan3A_82 to %scan3A_84 step %scan3A_85 iter_args(%scan3A_160 = %scan3A_81) -> (i32)  : i32 {
      %mul3A_161 = arith.constant 4 : i32
      %mul3A_162 = arith.muli %scan3A_159, %mul3A_161 : i32
      %add3A_163 = arith.constant 0 : i32
      %add3A_164 = arith.addi %mul3A_162, %add3A_163 : i32
      %dma_wait3A_165 = arith.constant 0 : i32
      %dma_wait3A_166 = arith.constant 0 : i32
      %dma_wait3A_167 = arith.constant 0 : i32
      %dma_wait3A_168 = arith.constant 0 : i32
      %dma_wait3A_169 = tpu.memref_slice %arg8[%dma_wait3A_165, %dma_wait3A_167, %dma_wait3A_168] : memref<4x112x128xi32, #tpu.memory_space<vmem>> -> memref<1x112x128xi32, #tpu.memory_space<vmem>>
      %dma_wait3A_170 = tpu.memref_squeeze %dma_wait3A_169 : memref<1x112x128xi32, #tpu.memory_space<vmem>> -> memref<112x128xi32, #tpu.memory_space<vmem>>
      %dma_wait3A_171 = arith.constant 0 : i32
      %dma_wait3A_172 = arith.constant 0 : i32
      %dma_wait3A_173 = tpu.memref_slice %arg2[%dma_wait3A_171, %dma_wait3A_172] : memref<276480x128xi32, #tpu.memory_space<hbm>> -> memref<112x128xi32, #tpu.memory_space<hbm>>
      %dma_wait3A_174 = tpu.memref_slice %arg10[%dma_wait3A_166] : memref<4x!tpu.dma_semaphore, #tpu.memory_space<semaphore_mem>> -> memref<1x!tpu.dma_semaphore, #tpu.memory_space<semaphore_mem>>
      %dma_wait3A_175 = tpu.memref_squeeze %dma_wait3A_174 : memref<1x!tpu.dma_semaphore, #tpu.memory_space<semaphore_mem>> -> memref<!tpu.dma_semaphore, #tpu.memory_space<semaphore_mem>>
      %dma_wait3A_176 = arith.constant 0 : i32
      %dma_wait3A_177 = arith.constant 0 : i32
      %dma_wait3A_178 = tpu.memref_slice %arg8[%dma_wait3A_165, %dma_wait3A_176, %dma_wait3A_177] : memref<4x112x128xi32, #tpu.memory_space<vmem>> -> memref<1x112x128xi32, #tpu.memory_space<vmem>>
      %dma_wait3A_179 = tpu.memref_squeeze %dma_wait3A_178 : memref<1x112x128xi32, #tpu.memory_space<vmem>> -> memref<112x128xi32, #tpu.memory_space<vmem>>
      %dma_wait3A_180 = arith.constant 0 : i32
      %dma_wait3A_181 = arith.constant 0 : i32
      %dma_wait3A_182 = tpu.memref_slice %arg2[%dma_wait3A_180, %dma_wait3A_181] : memref<276480x128xi32, #tpu.memory_space<hbm>> -> memref<112x128xi32, #tpu.memory_space<hbm>>
      tpu.wait_dma2 semaphore(%dma_wait3A_175 : memref<!tpu.dma_semaphore, #tpu.memory_space<semaphore_mem>>) src(%dma_wait3A_182 : memref<112x128xi32, #tpu.memory_space<hbm>>) dst(%dma_wait3A_179 : memref<112x128xi32, #tpu.memory_space<vmem>>)
      %gt3A = arith.constant 0 : i32
      %gt3A_183 = arith.cmpi sgt, %scan3A_159, %gt3A : i32
      %convert_element_type3A = arith.extui %gt3A_183 : i1 to i32
      %cond3A = arith.constant 0 : i32
      %cond3A_184 = arith.cmpi ne, %convert_element_type3A, %cond3A : i32
      scf.if %cond3A_184 {
        %dma_wait3A_390 = arith.constant 0 : i32
        %dma_wait3A_391 = arith.constant 0 : i32
        %dma_wait3A_392 = arith.constant 0 : i32
        %dma_wait3A_393 = arith.constant 0 : i32
        %dma_wait3A_394 = tpu.memref_slice %arg9[%dma_wait3A_390, %dma_wait3A_392, %dma_wait3A_393] : memref<4x4x256xf32, #tpu.memory_space<vmem>> -> memref<1x4x256xf32, #tpu.memory_space<vmem>>
        %dma_wait3A_395 = tpu.memref_squeeze %dma_wait3A_394 : memref<1x4x256xf32, #tpu.memory_space<vmem>> -> memref<4x256xf32, #tpu.memory_space<vmem>>
        %dma_wait3A_396 = arith.constant 0 : i32
        %dma_wait3A_397 = arith.constant 0 : i32
        %dma_wait3A_398 = tpu.memref_slice %arg2[%dma_wait3A_396, %dma_wait3A_397] : memref<276480x128xi32, #tpu.memory_space<hbm>> -> memref<4x128xi32, #tpu.memory_space<hbm>>
        %dma_wait3A_399 = tpu.memref_slice %arg11[%dma_wait3A_391] : memref<4x!tpu.dma_semaphore, #tpu.memory_space<semaphore_mem>> -> memref<1x!tpu.dma_semaphore, #tpu.memory_space<semaphore_mem>>
        %dma_wait3A_400 = tpu.memref_squeeze %dma_wait3A_399 : memref<1x!tpu.dma_semaphore, #tpu.memory_space<semaphore_mem>> -> memref<!tpu.dma_semaphore, #tpu.memory_space<semaphore_mem>>
        %dma_wait3A_401 = arith.constant 0 : i32
        %dma_wait3A_402 = arith.constant 0 : i32
        %dma_wait3A_403 = tpu.memref_slice %arg9[%dma_wait3A_390, %dma_wait3A_401, %dma_wait3A_402] : memref<4x4x256xf32, #tpu.memory_space<vmem>> -> memref<1x4x256xf32, #tpu.memory_space<vmem>>
        %dma_wait3A_404 = tpu.memref_squeeze %dma_wait3A_403 : memref<1x4x256xf32, #tpu.memory_space<vmem>> -> memref<4x256xf32, #tpu.memory_space<vmem>>
        %dma_wait3A_405 = arith.constant 0 : i32
        %dma_wait3A_406 = arith.constant 0 : i32
        %dma_wait3A_407 = tpu.memref_slice %arg2[%dma_wait3A_405, %dma_wait3A_406] : memref<276480x128xi32, #tpu.memory_space<hbm>> -> memref<4x128xi32, #tpu.memory_space<hbm>>
        tpu.wait_dma2 semaphore(%dma_wait3A_400 : memref<!tpu.dma_semaphore, #tpu.memory_space<semaphore_mem>>) src(%dma_wait3A_407 : memref<4x128xi32, #tpu.memory_space<hbm>>) dst(%dma_wait3A_404 : memref<4x256xf32, #tpu.memory_space<vmem>>)
      } else {
      }
      %scan3A_185 = arith.constant 0 : i32
      %scan3A_186 = arith.constant 0 : i32
      %scan3A_187 = arith.constant 8 : i32
      %scan3A_188 = arith.addi %scan3A_186, %scan3A_187 : i32
      %scan3A_189 = arith.constant 1 : i32
      %scan3A_190 = scf.for %scan3A_390 = %scan3A_186 to %scan3A_188 step %scan3A_189 iter_args(%scan3A_391 = %scan3A_185) -> (i32)  : i32 {
        %scan3A_392 = arith.constant 0 : i32
        %scan3A_393 = arith.constant 0 : i32
        %scan3A_394 = arith.constant 4 : i32
        %scan3A_395 = arith.addi %scan3A_393, %scan3A_394 : i32
        %scan3A_396 = arith.constant 1 : i32
        %scan3A_397 = scf.for %scan3A_400 = %scan3A_393 to %scan3A_395 step %scan3A_396 iter_args(%scan3A_401 = %scan3A_392) -> (i32)  : i32 {
          %add3A_402 = arith.constant 0 : i32
          %add3A_403 = arith.addi %add3A_402, %scan3A_400 : i32
          %mul3A_404 = arith.constant 16 : i32
          %mul3A_405 = arith.muli %scan3A_390, %mul3A_404 : i32
          %get3A = arith.constant 0 : i32
          %get3A_406 = arith.index_cast %get3A : i32 to index
          %get3A_407 = arith.index_cast %add3A_403 : i32 to index
          %get3A_408 = arith.index_cast %mul3A_405 : i32 to index
          %get3A_409 = tpu.vector_load %arg8[%get3A_406, %get3A_407, %get3A_408] {strides = array<i32>} : memref<4x112x128xi32, #tpu.memory_space<vmem>>, vector<16xi32>,
          %bitcast3A = vector.bitcast %get3A_409 : vector<16xi32> to vector<32xbf16>
          %add3A_410 = arith.constant 4 : i32
          %add3A_411 = arith.addi %add3A_410, %scan3A_400 : i32
          %mul3A_412 = arith.constant 16 : i32
          %mul3A_413 = arith.muli %scan3A_390, %mul3A_412 : i32
          %get3A_414 = arith.constant 0 : i32
          %get3A_415 = arith.index_cast %get3A_414 : i32 to index
          %get3A_416 = arith.index_cast %add3A_411 : i32 to index
          %get3A_417 = arith.index_cast %mul3A_413 : i32 to index
          %get3A_418 = tpu.vector_load %arg8[%get3A_415, %get3A_416, %get3A_417] {strides = array<i32>} : memref<4x112x128xi32, #tpu.memory_space<vmem>>, vector<16xi32>,
          %bitcast3A_419 = vector.bitcast %get3A_418 : vector<16xi32> to vector<32xbf16>
          %add3A_420 = arith.constant 8 : i32
          %add3A_421 = arith.addi %add3A_420, %scan3A_400 : i32
          %mul3A_422 = arith.constant 16 : i32
          %mul3A_423 = arith.muli %scan3A_390, %mul3A_422 : i32
          %get3A_424 = arith.constant 0 : i32
          %get3A_425 = arith.index_cast %get3A_424 : i32 to index
          %get3A_426 = arith.index_cast %add3A_421 : i32 to index
          %get3A_427 = arith.index_cast %mul3A_423 : i32 to index
          %get3A_428 = tpu.vector_load %arg8[%get3A_425, %get3A_426, %get3A_427] {strides = array<i32>} : memref<4x112x128xi32, #tpu.memory_space<vmem>>, vector<16xi32>,
          %bitcast3A_429 = vector.bitcast %get3A_428 : vector<16xi32> to vector<32xbf16>
          %add3A_430 = arith.constant 12 : i32
          %add3A_431 = arith.addi %add3A_430, %scan3A_400 : i32
          %mul3A_432 = arith.constant 16 : i32
          %mul3A_433 = arith.muli %scan3A_390, %mul3A_432 : i32
          %get3A_434 = arith.constant 0 : i32
          %get3A_435 = arith.index_cast %get3A_434 : i32 to index
          %get3A_436 = arith.index_cast %add3A_431 : i32 to index
          %get3A_437 = arith.index_cast %mul3A_433 : i32 to index
          %get3A_438 = tpu.vector_load %arg8[%get3A_435, %get3A_436, %get3A_437] {strides = array<i32>} : memref<4x112x128xi32, #tpu.memory_space<vmem>>, vector<16xi32>,
          %bitcast3A_439 = vector.bitcast %get3A_438 : vector<16xi32> to vector<32xbf16>
          %add3A_440 = arith.constant 16 : i32
          %add3A_441 = arith.addi %add3A_440, %scan3A_400 : i32
          %mul3A_442 = arith.constant 16 : i32
          %mul3A_443 = arith.muli %scan3A_390, %mul3A_442 : i32
          %get3A_444 = arith.constant 0 : i32
          %get3A_445 = arith.index_cast %get3A_444 : i32 to index
          %get3A_446 = arith.index_cast %add3A_441 : i32 to index
          %get3A_447 = arith.index_cast %mul3A_443 : i32 to index
          %get3A_448 = tpu.vector_load %arg8[%get3A_445, %get3A_446, %get3A_447] {strides = array<i32>} : memref<4x112x128xi32, #tpu.memory_space<vmem>>, vector<16xi32>,
          %bitcast3A_449 = vector.bitcast %get3A_448 : vector<16xi32> to vector<32xbf16>
          %add3A_450 = arith.constant 20 : i32
          %add3A_451 = arith.addi %add3A_450, %scan3A_400 : i32
          %mul3A_452 = arith.constant 16 : i32
          %mul3A_453 = arith.muli %scan3A_390, %mul3A_452 : i32
          %get3A_454 = arith.constant 0 : i32
          %get3A_455 = arith.index_cast %get3A_454 : i32 to index
          %get3A_456 = arith.index_cast %add3A_451 : i32 to index
          %get3A_457 = arith.index_cast %mul3A_453 : i32 to index
          %get3A_458 = tpu.vector_load %arg8[%get3A_455, %get3A_456, %get3A_457] {strides = array<i32>} : memref<4x112x128xi32, #tpu.memory_space<vmem>>, vector<16xi32>,
          %bitcast3A_459 = vector.bitcast %get3A_458 : vector<16xi32> to vector<32xbf16>
          %add3A_460 = arith.constant 24 : i32
          %add3A_461 = arith.addi %add3A_460, %scan3A_400 : i32
          %mul3A_462 = arith.constant 16 : i32
          %mul3A_463 = arith.muli %scan3A_390, %mul3A_462 : i32
          %get3A_464 = arith.constant 0 : i32
          %get3A_465 = arith.index_cast %get3A_464 : i32 to index
          %get3A_466 = arith.index_cast %add3A_461 : i32 to index
          %get3A_467 = arith.index_cast %mul3A_463 : i32 to index
          %get3A_468 = tpu.vector_load %arg8[%get3A_465, %get3A_466, %get3A_467] {strides = array<i32>} : memref<4x112x128xi32, #tpu.memory_space<vmem>>, vector<16xi32>,
          %bitcast3A_469 = vector.bitcast %get3A_468 : vector<16xi32> to vector<32xbf16>
          %add3A_470 = arith.constant 28 : i32
          %add3A_471 = arith.addi %add3A_470, %scan3A_400 : i32
          %mul3A_472 = arith.constant 16 : i32
          %mul3A_473 = arith.muli %scan3A_390, %mul3A_472 : i32
          %get3A_474 = arith.constant 0 : i32
          %get3A_475 = arith.index_cast %get3A_474 : i32 to index
          %get3A_476 = arith.index_cast %add3A_471 : i32 to index
          %get3A_477 = arith.index_cast %mul3A_473 : i32 to index
          %get3A_478 = tpu.vector_load %arg8[%get3A_475, %get3A_476, %get3A_477] {strides = array<i32>} : memref<4x112x128xi32, #tpu.memory_space<vmem>>, vector<16xi32>,
          %bitcast3A_479 = vector.bitcast %get3A_478 : vector<16xi32> to vector<32xbf16>
          %add3A_480 = arith.constant 32 : i32
          %add3A_481 = arith.addi %add3A_480, %scan3A_400 : i32
          %mul3A_482 = arith.constant 16 : i32
          %mul3A_483 = arith.muli %scan3A_390, %mul3A_482 : i32
          %get3A_484 = arith.constant 0 : i32
          %get3A_485 = arith.index_cast %get3A_484 : i32 to index
          %get3A_486 = arith.index_cast %add3A_481 : i32 to index
          %get3A_487 = arith.index_cast %mul3A_483 : i32 to index
          %get3A_488 = tpu.vector_load %arg8[%get3A_485, %get3A_486, %get3A_487] {strides = array<i32>} : memref<4x112x128xi32, #tpu.memory_space<vmem>>, vector<16xi32>,
          %bitcast3A_489 = vector.bitcast %get3A_488 : vector<16xi32> to vector<32xbf16>
          %add3A_490 = arith.constant 36 : i32
          %add3A_491 = arith.addi %add3A_490, %scan3A_400 : i32
          %mul3A_492 = arith.constant 16 : i32
          %mul3A_493 = arith.muli %scan3A_390, %mul3A_492 : i32
          %get3A_494 = arith.constant 0 : i32
          %get3A_495 = arith.index_cast %get3A_494 : i32 to index
          %get3A_496 = arith.index_cast %add3A_491 : i32 to index
          %get3A_497 = arith.index_cast %mul3A_493 : i32 to index
          %get3A_498 = tpu.vector_load %arg8[%get3A_495, %get3A_496, %get3A_497] {strides = array<i32>} : memref<4x112x128xi32, #tpu.memory_space<vmem>>, vector<16xi32>,
          %bitcast3A_499 = vector.bitcast %get3A_498 : vector<16xi32> to vector<32xbf16>
          %add3A_500 = arith.constant 40 : i32
          %add3A_501 = arith.addi %add3A_500, %scan3A_400 : i32
          %mul3A_502 = arith.constant 16 : i32
          %mul3A_503 = arith.muli %scan3A_390, %mul3A_502 : i32
          %get3A_504 = arith.constant 0 : i32
          %get3A_505 = arith.index_cast %get3A_504 : i32 to index
          %get3A_506 = arith.index_cast %add3A_501 : i32 to index
          %get3A_507 = arith.index_cast %mul3A_503 : i32 to index
          %get3A_508 = tpu.vector_load %arg8[%get3A_505, %get3A_506, %get3A_507] {strides = array<i32>} : memref<4x112x128xi32, #tpu.memory_space<vmem>>, vector<16xi32>,
          %bitcast3A_509 = vector.bitcast %get3A_508 : vector<16xi32> to vector<32xbf16>
          %add3A_510 = arith.constant 44 : i32
          %add3A_511 = arith.addi %add3A_510, %scan3A_400 : i32
          %mul3A_512 = arith.constant 16 : i32
          %mul3A_513 = arith.muli %scan3A_390, %mul3A_512 : i32
          %get3A_514 = arith.constant 0 : i32
          %get3A_515 = arith.index_cast %get3A_514 : i32 to index
          %get3A_516 = arith.index_cast %add3A_511 : i32 to index
          %get3A_517 = arith.index_cast %mul3A_513 : i32 to index
          %get3A_518 = tpu.vector_load %arg8[%get3A_515, %get3A_516, %get3A_517] {strides = array<i32>} : memref<4x112x128xi32, #tpu.memory_space<vmem>>, vector<16xi32>,
          %bitcast3A_519 = vector.bitcast %get3A_518 : vector<16xi32> to vector<32xbf16>
          %add3A_520 = arith.constant 48 : i32
          %add3A_521 = arith.addi %add3A_520, %scan3A_400 : i32
          %mul3A_522 = arith.constant 16 : i32
          %mul3A_523 = arith.muli %scan3A_390, %mul3A_522 : i32
          %get3A_524 = arith.constant 0 : i32
          %get3A_525 = arith.index_cast %get3A_524 : i32 to index
          %get3A_526 = arith.index_cast %add3A_521 : i32 to index
          %get3A_527 = arith.index_cast %mul3A_523 : i32 to index
          %get3A_528 = tpu.vector_load %arg8[%get3A_525, %get3A_526, %get3A_527] {strides = array<i32>} : memref<4x112x128xi32, #tpu.memory_space<vmem>>, vector<16xi32>,
          %bitcast3A_529 = vector.bitcast %get3A_528 : vector<16xi32> to vector<32xbf16>
          %add3A_530 = arith.constant 52 : i32
          %add3A_531 = arith.addi %add3A_530, %scan3A_400 : i32
          %mul3A_532 = arith.constant 16 : i32
          %mul3A_533 = arith.muli %scan3A_390, %mul3A_532 : i32
          %get3A_534 = arith.constant 0 : i32
          %get3A_535 = arith.index_cast %get3A_534 : i32 to index
          %get3A_536 = arith.index_cast %add3A_531 : i32 to index
          %get3A_537 = arith.index_cast %mul3A_533 : i32 to index
          %get3A_538 = tpu.vector_load %arg8[%get3A_535, %get3A_536, %get3A_537] {strides = array<i32>} : memref<4x112x128xi32, #tpu.memory_space<vmem>>, vector<16xi32>,
          %bitcast3A_539 = vector.bitcast %get3A_538 : vector<16xi32> to vector<32xbf16>
          %add3A_540 = arith.constant 56 : i32
          %add3A_541 = arith.addi %add3A_540, %scan3A_400 : i32
          %mul3A_542 = arith.constant 16 : i32
          %mul3A_543 = arith.muli %scan3A_390, %mul3A_542 : i32
          %get3A_544 = arith.constant 0 : i32
          %get3A_545 = arith.index_cast %get3A_544 : i32 to index
          %get3A_546 = arith.index_cast %add3A_541 : i32 to index
          %get3A_547 = arith.index_cast %mul3A_543 : i32 to index
          %get3A_548 = tpu.vector_load %arg8[%get3A_545, %get3A_546, %get3A_547] {strides = array<i32>} : memref<4x112x128xi32, #tpu.memory_space<vmem>>, vector<16xi32>,
          %bitcast3A_549 = vector.bitcast %get3A_548 : vector<16xi32> to vector<32xbf16>
          %add3A_550 = arith.constant 60 : i32
          %add3A_551 = arith.addi %add3A_550, %scan3A_400 : i32
          %mul3A_552 = arith.constant 16 : i32
          %mul3A_553 = arith.muli %scan3A_390, %mul3A_552 : i32
          %get3A_554 = arith.constant 0 : i32
          %get3A_555 = arith.index_cast %get3A_554 : i32 to index
          %get3A_556 = arith.index_cast %add3A_551 : i32 to index
          %get3A_557 = arith.index_cast %mul3A_553 : i32 to index
          %get3A_558 = tpu.vector_load %arg8[%get3A_555, %get3A_556, %get3A_557] {strides = array<i32>} : memref<4x112x128xi32, #tpu.memory_space<vmem>>, vector<16xi32>,
          %bitcast3A_559 = vector.bitcast %get3A_558 : vector<16xi32> to vector<32xbf16>
          %add3A_560 = arith.constant 64 : i32
          %add3A_561 = arith.addi %add3A_560, %scan3A_400 : i32
          %mul3A_562 = arith.constant 16 : i32
          %mul3A_563 = arith.muli %scan3A_390, %mul3A_562 : i32
          %get3A_564 = arith.constant 0 : i32
          %get3A_565 = arith.index_cast %get3A_564 : i32 to index
          %get3A_566 = arith.index_cast %add3A_561 : i32 to index
          %get3A_567 = arith.index_cast %mul3A_563 : i32 to index
          %get3A_568 = tpu.vector_load %arg8[%get3A_565, %get3A_566, %get3A_567] {strides = array<i32>} : memref<4x112x128xi32, #tpu.memory_space<vmem>>, vector<16xi32>,
          %bitcast3A_569 = vector.bitcast %get3A_568 : vector<16xi32> to vector<32xbf16>
          %add3A_570 = arith.constant 68 : i32
          %add3A_571 = arith.addi %add3A_570, %scan3A_400 : i32
          %mul3A_572 = arith.constant 16 : i32
          %mul3A_573 = arith.muli %scan3A_390, %mul3A_572 : i32
          %get3A_574 = arith.constant 0 : i32
          %get3A_575 = arith.index_cast %get3A_574 : i32 to index
          %get3A_576 = arith.index_cast %add3A_571 : i32 to index
          %get3A_577 = arith.index_cast %mul3A_573 : i32 to index
          %get3A_578 = tpu.vector_load %arg8[%get3A_575, %get3A_576, %get3A_577] {strides = array<i32>} : memref<4x112x128xi32, #tpu.memory_space<vmem>>, vector<16xi32>,
          %bitcast3A_579 = vector.bitcast %get3A_578 : vector<16xi32> to vector<32xbf16>
          %add3A_580 = arith.constant 72 : i32
          %add3A_581 = arith.addi %add3A_580, %scan3A_400 : i32
          %mul3A_582 = arith.constant 16 : i32
          %mul3A_583 = arith.muli %scan3A_390, %mul3A_582 : i32
          %get3A_584 = arith.constant 0 : i32
          %get3A_585 = arith.index_cast %get3A_584 : i32 to index
          %get3A_586 = arith.index_cast %add3A_581 : i32 to index
          %get3A_587 = arith.index_cast %mul3A_583 : i32 to index
          %get3A_588 = tpu.vector_load %arg8[%get3A_585, %get3A_586, %get3A_587] {strides = array<i32>} : memref<4x112x128xi32, #tpu.memory_space<vmem>>, vector<16xi32>,
          %bitcast3A_589 = vector.bitcast %get3A_588 : vector<16xi32> to vector<32xbf16>
          %add3A_590 = arith.constant 76 : i32
          %add3A_591 = arith.addi %add3A_590, %scan3A_400 : i32
          %mul3A_592 = arith.constant 16 : i32
          %mul3A_593 = arith.muli %scan3A_390, %mul3A_592 : i32
          %get3A_594 = arith.constant 0 : i32
          %get3A_595 = arith.index_cast %get3A_594 : i32 to index
          %get3A_596 = arith.index_cast %add3A_591 : i32 to index
          %get3A_597 = arith.index_cast %mul3A_593 : i32 to index
          %get3A_598 = tpu.vector_load %arg8[%get3A_595, %get3A_596, %get3A_597] {strides = array<i32>} : memref<4x112x128xi32, #tpu.memory_space<vmem>>, vector<16xi32>,
          %bitcast3A_599 = vector.bitcast %get3A_598 : vector<16xi32> to vector<32xbf16>
          %add3A_600 = arith.constant 80 : i32
          %add3A_601 = arith.addi %add3A_600, %scan3A_400 : i32
          %mul3A_602 = arith.constant 16 : i32
          %mul3A_603 = arith.muli %scan3A_390, %mul3A_602 : i32
          %get3A_604 = arith.constant 0 : i32
          %get3A_605 = arith.index_cast %get3A_604 : i32 to index
          %get3A_606 = arith.index_cast %add3A_601 : i32 to index
          %get3A_607 = arith.index_cast %mul3A_603 : i32 to index
          %get3A_608 = tpu.vector_load %arg8[%get3A_605, %get3A_606, %get3A_607] {strides = array<i32>} : memref<4x112x128xi32, #tpu.memory_space<vmem>>, vector<16xi32>,
          %bitcast3A_609 = vector.bitcast %get3A_608 : vector<16xi32> to vector<32xbf16>
          %add3A_610 = arith.constant 84 : i32
          %add3A_611 = arith.addi %add3A_610, %scan3A_400 : i32
          %mul3A_612 = arith.constant 16 : i32
          %mul3A_613 = arith.muli %scan3A_390, %mul3A_612 : i32
          %get3A_614 = arith.constant 0 : i32
          %get3A_615 = arith.index_cast %get3A_614 : i32 to index
          %get3A_616 = arith.index_cast %add3A_611 : i32 to index
          %get3A_617 = arith.index_cast %mul3A_613 : i32 to index
          %get3A_618 = tpu.vector_load %arg8[%get3A_615, %get3A_616, %get3A_617] {strides = array<i32>} : memref<4x112x128xi32, #tpu.memory_space<vmem>>, vector<16xi32>,
          %bitcast3A_619 = vector.bitcast %get3A_618 : vector<16xi32> to vector<32xbf16>
          %add3A_620 = arith.constant 88 : i32
          %add3A_621 = arith.addi %add3A_620, %scan3A_400 : i32
          %mul3A_622 = arith.constant 16 : i32
          %mul3A_623 = arith.muli %scan3A_390, %mul3A_622 : i32
          %get3A_624 = arith.constant 0 : i32
          %get3A_625 = arith.index_cast %get3A_624 : i32 to index
          %get3A_626 = arith.index_cast %add3A_621 : i32 to index
          %get3A_627 = arith.index_cast %mul3A_623 : i32 to index
          %get3A_628 = tpu.vector_load %arg8[%get3A_625, %get3A_626, %get3A_627] {strides = array<i32>} : memref<4x112x128xi32, #tpu.memory_space<vmem>>, vector<16xi32>,
          %bitcast3A_629 = vector.bitcast %get3A_628 : vector<16xi32> to vector<32xbf16>
          %add3A_630 = arith.constant 92 : i32
          %add3A_631 = arith.addi %add3A_630, %scan3A_400 : i32
          %mul3A_632 = arith.constant 16 : i32
          %mul3A_633 = arith.muli %scan3A_390, %mul3A_632 : i32
          %get3A_634 = arith.constant 0 : i32
          %get3A_635 = arith.index_cast %get3A_634 : i32 to index
          %get3A_636 = arith.index_cast %add3A_631 : i32 to index
          %get3A_637 = arith.index_cast %mul3A_633 : i32 to index
          %get3A_638 = tpu.vector_load %arg8[%get3A_635, %get3A_636, %get3A_637] {strides = array<i32>} : memref<4x112x128xi32, #tpu.memory_space<vmem>>, vector<16xi32>,
          %bitcast3A_639 = vector.bitcast %get3A_638 : vector<16xi32> to vector<32xbf16>
          %add3A_640 = arith.constant 96 : i32
          %add3A_641 = arith.addi %add3A_640, %scan3A_400 : i32
          %mul3A_642 = arith.constant 16 : i32
          %mul3A_643 = arith.muli %scan3A_390, %mul3A_642 : i32
          %get3A_644 = arith.constant 0 : i32
          %get3A_645 = arith.index_cast %get3A_644 : i32 to index
          %get3A_646 = arith.index_cast %add3A_641 : i32 to index
          %get3A_647 = arith.index_cast %mul3A_643 : i32 to index
          %get3A_648 = tpu.vector_load %arg8[%get3A_645, %get3A_646, %get3A_647] {strides = array<i32>} : memref<4x112x128xi32, #tpu.memory_space<vmem>>, vector<16xi32>,
          %bitcast3A_649 = vector.bitcast %get3A_648 : vector<16xi32> to vector<32xbf16>
          %add3A_650 = arith.constant 100 : i32
          %add3A_651 = arith.addi %add3A_650, %scan3A_400 : i32
          %mul3A_652 = arith.constant 16 : i32
          %mul3A_653 = arith.muli %scan3A_390, %mul3A_652 : i32
          %get3A_654 = arith.constant 0 : i32
          %get3A_655 = arith.index_cast %get3A_654 : i32 to index
          %get3A_656 = arith.index_cast %add3A_651 : i32 to index
          %get3A_657 = arith.index_cast %mul3A_653 : i32 to index
          %get3A_658 = tpu.vector_load %arg8[%get3A_655, %get3A_656, %get3A_657] {strides = array<i32>} : memref<4x112x128xi32, #tpu.memory_space<vmem>>, vector<16xi32>,
          %bitcast3A_659 = vector.bitcast %get3A_658 : vector<16xi32> to vector<32xbf16>
          %add3A_660 = arith.constant 104 : i32
          %add3A_661 = arith.addi %add3A_660, %scan3A_400 : i32
          %mul3A_662 = arith.constant 16 : i32
          %mul3A_663 = arith.muli %scan3A_390, %mul3A_662 : i32
          %get3A_664 = arith.constant 0 : i32
          %get3A_665 = arith.index_cast %get3A_664 : i32 to index
          %get3A_666 = arith.index_cast %add3A_661 : i32 to index
          %get3A_667 = arith.index_cast %mul3A_663 : i32 to index
          %get3A_668 = tpu.vector_load %arg8[%get3A_665, %get3A_666, %get3A_667] {strides = array<i32>} : memref<4x112x128xi32, #tpu.memory_space<vmem>>, vector<16xi32>,
          %bitcast3A_669 = vector.bitcast %get3A_668 : vector<16xi32> to vector<32xbf16>
          %add3A_670 = arith.addf %bitcast3A, %bitcast3A_419 : vector<32xbf16>
          %add3A_671 = arith.addf %bitcast3A_429, %bitcast3A_439 : vector<32xbf16>
          %add3A_672 = arith.addf %bitcast3A_449, %bitcast3A_459 : vector<32xbf16>
          %add3A_673 = arith.addf %bitcast3A_469, %bitcast3A_479 : vector<32xbf16>
          %add3A_674 = arith.addf %bitcast3A_489, %bitcast3A_499 : vector<32xbf16>
          %add3A_675 = arith.addf %bitcast3A_509, %bitcast3A_519 : vector<32xbf16>
          %add3A_676 = arith.addf %bitcast3A_529, %bitcast3A_539 : vector<32xbf16>
          %add3A_677 = arith.addf %bitcast3A_549, %bitcast3A_559 : vector<32xbf16>
          %add3A_678 = arith.addf %bitcast3A_569, %bitcast3A_579 : vector<32xbf16>
          %add3A_679 = arith.addf %bitcast3A_589, %bitcast3A_599 : vector<32xbf16>
          %add3A_680 = arith.addf %bitcast3A_609, %bitcast3A_619 : vector<32xbf16>
          %add3A_681 = arith.addf %bitcast3A_629, %bitcast3A_639 : vector<32xbf16>
          %add3A_682 = arith.addf %bitcast3A_649, %bitcast3A_659 : vector<32xbf16>
          %add3A_683 = arith.addf %add3A_670, %add3A_671 : vector<32xbf16>
          %add3A_684 = arith.addf %add3A_672, %add3A_673 : vector<32xbf16>
          %add3A_685 = arith.addf %add3A_674, %add3A_675 : vector<32xbf16>
          %add3A_686 = arith.addf %add3A_676, %add3A_677 : vector<32xbf16>
          %add3A_687 = arith.addf %add3A_678, %add3A_679 : vector<32xbf16>
          %add3A_688 = arith.addf %add3A_680, %add3A_681 : vector<32xbf16>
          %add3A_689 = arith.addf %add3A_682, %bitcast3A_669 : vector<32xbf16>
          %add3A_690 = arith.addf %add3A_683, %add3A_684 : vector<32xbf16>
          %add3A_691 = arith.addf %add3A_685, %add3A_686 : vector<32xbf16>
          %add3A_692 = arith.addf %add3A_687, %add3A_688 : vector<32xbf16>
          %add3A_693 = arith.addf %add3A_690, %add3A_691 : vector<32xbf16>
          %add3A_694 = arith.addf %add3A_692, %add3A_689 : vector<32xbf16>
          %add3A_695 = arith.addf %add3A_693, %add3A_694 : vector<32xbf16>
          %unpack3A = tpu.unpack_subelements %add3A_695, 0 {pack_format = #tpu.pack_format<interleaved>} : vector<32xbf16> -> vector<16xf32>
          %unpack3A_696 = tpu.unpack_subelements %add3A_695, 1 {pack_format = #tpu.pack_format<interleaved>} : vector<32xbf16> -> vector<16xf32>
          %mul3A_697 = arith.constant 16 : i32
          %mul3A_698 = arith.muli %scan3A_390, %mul3A_697 : i32
          %swap3A = arith.constant 0 : i32
          %swap3A_699 = arith.index_cast %swap3A : i32 to index
          %swap3A_700 = arith.index_cast %scan3A_400 : i32 to index
          %swap3A_701 = arith.index_cast %mul3A_698 : i32 to index
          %swap3A_702 = tpu.vector_load %arg9[%swap3A_699, %swap3A_700, %swap3A_701] {strides = array<i32>} : memref<4x4x256xf32, #tpu.memory_space<vmem>>, vector<16xf32>,
          tpu.vector_store %arg9[%swap3A_699, %swap3A_700, %swap3A_701], %unpack3A {strides = array<i32>} : memref<4x4x256xf32, #tpu.memory_space<vmem>>, vector<16xf32>,
          %mul3A_703 = arith.constant 16 : i32
          %mul3A_704 = arith.muli %scan3A_390, %mul3A_703 : i32
          %add3A_705 = arith.constant 128 : i32
          %add3A_706 = arith.addi %add3A_705, %mul3A_704 : i32
          %swap3A_707 = arith.constant 0 : i32
          %swap3A_708 = arith.index_cast %swap3A_707 : i32 to index
          %swap3A_709 = arith.index_cast %scan3A_400 : i32 to index
          %swap3A_710 = arith.index_cast %add3A_706 : i32 to index
          %swap3A_711 = tpu.vector_load %arg9[%swap3A_708, %swap3A_709, %swap3A_710] {strides = array<i32>} : memref<4x4x256xf32, #tpu.memory_space<vmem>>, vector<16xf32>,
          tpu.vector_store %arg9[%swap3A_708, %swap3A_709, %swap3A_710], %unpack3A_696 {strides = array<i32>} : memref<4x4x256xf32, #tpu.memory_space<vmem>>, vector<16xf32>,
          %scan3A_712 = arith.constant 0 : i32
          scf.yield %scan3A_712 : i32
        }
        %scan3A_398 = arith.constant 4 : i32
        %scan3A_399 = arith.constant 0 : i32
        scf.yield %scan3A_399 : i32
      }
      %scan3A_191 = arith.constant 8 : i32
      %lt3A = arith.constant 19 : i32
      %lt3A_192 = arith.cmpi slt, %scan3A_159, %lt3A : i32
      %convert_element_type3A_193 = arith.extui %lt3A_192 : i1 to i32
      %cond3A_194 = arith.constant 0 : i32
      %cond3A_195 = arith.cmpi ne, %convert_element_type3A_193, %cond3A_194 : i32
      scf.if %cond3A_195 {
        %add3A_390 = arith.constant 4 : i32
        %add3A_391 = arith.addi %add3A_164, %add3A_390 : i32
        %mul3A_392 = arith.constant 112 : i32
        %mul3A_393 = arith.muli %add3A_391, %mul3A_392 : i32
        %dma_start3A_394 = arith.constant 0 : i32
        %dma_start3A_395 = arith.constant 0 : i32
        %dma_start3A_396 = arith.constant 0 : i32
        %dma_start3A_397 = arith.constant 0 : i32
        %dma_start3A_398 = tpu.memref_slice %arg8[%dma_start3A_394, %dma_start3A_396, %dma_start3A_397] : memref<4x112x128xi32, #tpu.memory_space<vmem>> -> memref<1x112x128xi32, #tpu.memory_space<vmem>>
        %dma_start3A_399 = tpu.memref_squeeze %dma_start3A_398 : memref<1x112x128xi32, #tpu.memory_space<vmem>> -> memref<112x128xi32, #tpu.memory_space<vmem>>
        %dma_start3A_400 = tpu.memref_slice %arg7[%mul3A_393] : memref<8960xi32, #tpu.memory_space<vmem>> -> memref<112xi32, #tpu.memory_space<vmem>>
        %dma_start3A_401 = arith.constant 0 : i32
        %dma_start3A_402 = arith.constant 0 : i32
        %dma_start3A_403 = tpu.memref_slice %arg2[%dma_start3A_401, %dma_start3A_402] : memref<276480x128xi32, #tpu.memory_space<hbm>> -> memref<276480x128xi32, #tpu.memory_space<hbm>>
        %dma_start3A_404 = tpu.memref_slice %arg10[%dma_start3A_395] : memref<4x!tpu.dma_semaphore, #tpu.memory_space<semaphore_mem>> -> memref<1x!tpu.dma_semaphore, #tpu.memory_space<semaphore_mem>>
        %dma_start3A_405 = tpu.memref_squeeze %dma_start3A_404 : memref<1x!tpu.dma_semaphore, #tpu.memory_space<semaphore_mem>> -> memref<!tpu.dma_semaphore, #tpu.memory_space<semaphore_mem>>
        tpu.enqueue_indirect_dma source(%dma_start3A_403 : memref<276480x128xi32, #tpu.memory_space<hbm>>) target(%dma_start3A_399 : memref<112x128xi32, #tpu.memory_space<vmem>>) offsets(%dma_start3A_400 : memref<112xi32, #tpu.memory_space<vmem>>) semaphore(%dma_start3A_405 : memref<!tpu.dma_semaphore, #tpu.memory_space<semaphore_mem>>)
      } else {
      }
      %mul3A_196 = arith.constant 4 : i32
      %mul3A_197 = arith.muli %add3A_164, %mul3A_196 : i32
      %add3A_198 = arith.addi %mul3A_2, %mul3A_197 : i32
      %dma_start3A_199 = arith.constant 0 : i32
      %dma_start3A_200 = arith.constant 0 : i32
      %dma_start3A_201 = arith.constant 0 : i32
      %dma_start3A_202 = arith.constant 0 : i32
      %dma_start3A_203 = tpu.memref_slice %arg9[%dma_start3A_199, %dma_start3A_201, %dma_start3A_202] : memref<4x4x256xf32, #tpu.memory_space<vmem>> -> memref<1x4x256xf32, #tpu.memory_space<vmem>>
      %dma_start3A_204 = tpu.memref_squeeze %dma_start3A_203 : memref<1x4x256xf32, #tpu.memory_space<vmem>> -> memref<4x256xf32, #tpu.memory_space<vmem>>
      %dma_start3A_205 = arith.constant 0 : i32
      %dma_start3A_206 = tpu.memref_slice %arg4[%add3A_198, %dma_start3A_205] : memref<10240x256xf32, #tpu.memory_space<hbm>> -> memref<4x256xf32, #tpu.memory_space<hbm>>
      %dma_start3A_207 = tpu.memref_slice %arg11[%dma_start3A_200] : memref<4x!tpu.dma_semaphore, #tpu.memory_space<semaphore_mem>> -> memref<1x!tpu.dma_semaphore, #tpu.memory_space<semaphore_mem>>
      %dma_start3A_208 = tpu.memref_squeeze %dma_start3A_207 : memref<1x!tpu.dma_semaphore, #tpu.memory_space<semaphore_mem>> -> memref<!tpu.dma_semaphore, #tpu.memory_space<semaphore_mem>>
      %dma_start3A_209 = arith.constant 0 : i32
      %dma_start3A_210 = tpu.memref_slice %arg4[%add3A_198, %dma_start3A_209] : memref<10240x256xf32, #tpu.memory_space<hbm>> -> memref<4x256xf32, #tpu.memory_space<hbm>>
      %dma_start3A_211 = arith.constant 0 : i32
      %dma_start3A_212 = arith.constant 0 : i32
      %dma_start3A_213 = tpu.memref_slice %arg9[%dma_start3A_199, %dma_start3A_211, %dma_start3A_212] : memref<4x4x256xf32, #tpu.memory_space<vmem>> -> memref<1x4x256xf32, #tpu.memory_space<vmem>>
      %dma_start3A_214 = tpu.memref_squeeze %dma_start3A_213 : memref<1x4x256xf32, #tpu.memory_space<vmem>> -> memref<4x256xf32, #tpu.memory_space<vmem>>
      tpu.enqueue_dma source(%dma_start3A_214 : memref<4x256xf32, #tpu.memory_space<vmem>>) target(%dma_start3A_210 : memref<4x256xf32, #tpu.memory_space<hbm>>) target_semaphore(%dma_start3A_208 : memref<!tpu.dma_semaphore, #tpu.memory_space<semaphore_mem>>)
      %mul3A_215 = arith.constant 4 : i32
      %mul3A_216 = arith.muli %scan3A_159, %mul3A_215 : i32
      %add3A_217 = arith.constant 1 : i32
      %add3A_218 = arith.addi %mul3A_216, %add3A_217 : i32
      %dma_wait3A_219 = arith.constant 1 : i32
      %dma_wait3A_220 = arith.constant 1 : i32
      %dma_wait3A_221 = arith.constant 0 : i32
      %dma_wait3A_222 = arith.constant 0 : i32
      %dma_wait3A_223 = tpu.memref_slice %arg8[%dma_wait3A_219, %dma_wait3A_221, %dma_wait3A_222] : memref<4x112x128xi32, #tpu.memory_space<vmem>> -> memref<1x112x128xi32, #tpu.memory_space<vmem>>
      %dma_wait3A_224 = tpu.memref_squeeze %dma_wait3A_223 : memref<1x112x128xi32, #tpu.memory_space<vmem>> -> memref<112x128xi32, #tpu.memory_space<vmem>>
      %dma_wait3A_225 = arith.constant 0 : i32
      %dma_wait3A_226 = arith.constant 0 : i32
      %dma_wait3A_227 = tpu.memref_slice %arg2[%dma_wait3A_225, %dma_wait3A_226] : memref<276480x128xi32, #tpu.memory_space<hbm>> -> memref<112x128xi32, #tpu.memory_space<hbm>>
      %dma_wait3A_228 = tpu.memref_slice %arg10[%dma_wait3A_220] : memref<4x!tpu.dma_semaphore, #tpu.memory_space<semaphore_mem>> -> memref<1x!tpu.dma_semaphore, #tpu.memory_space<semaphore_mem>>
      %dma_wait3A_229 = tpu.memref_squeeze %dma_wait3A_228 : memref<1x!tpu.dma_semaphore, #tpu.memory_space<semaphore_mem>> -> memref<!tpu.dma_semaphore, #tpu.memory_space<semaphore_mem>>
      %dma_wait3A_230 = arith.constant 0 : i32
      %dma_wait3A_231 = arith.constant 0 : i32
      %dma_wait3A_232 = tpu.memref_slice %arg8[%dma_wait3A_219, %dma_wait3A_230, %dma_wait3A_231] : memref<4x112x128xi32, #tpu.memory_space<vmem>> -> memref<1x112x128xi32, #tpu.memory_space<vmem>>
      %dma_wait3A_233 = tpu.memref_squeeze %dma_wait3A_232 : memref<1x112x128xi32, #tpu.memory_space<vmem>> -> memref<112x128xi32, #tpu.memory_space<vmem>>
      %dma_wait3A_234 = arith.constant 0 : i32
      %dma_wait3A_235 = arith.constant 0 : i32
      %dma_wait3A_236 = tpu.memref_slice %arg2[%dma_wait3A_234, %dma_wait3A_235] : memref<276480x128xi32, #tpu.memory_space<hbm>> -> memref<112x128xi32, #tpu.memory_space<hbm>>
      tpu.wait_dma2 semaphore(%dma_wait3A_229 : memref<!tpu.dma_semaphore, #tpu.memory_space<semaphore_mem>>) src(%dma_wait3A_236 : memref<112x128xi32, #tpu.memory_space<hbm>>) dst(%dma_wait3A_233 : memref<112x128xi32, #tpu.memory_space<vmem>>)
      %gt3A_237 = arith.constant 0 : i32
      %gt3A_238 = arith.cmpi sgt, %scan3A_159, %gt3A_237 : i32
      %convert_element_type3A_239 = arith.extui %gt3A_238 : i1 to i32
      %cond3A_240 = arith.constant 0 : i32
      %cond3A_241 = arith.cmpi ne, %convert_element_type3A_239, %cond3A_240 : i32
      scf.if %cond3A_241 {
        %dma_wait3A_390 = arith.constant 1 : i32
        %dma_wait3A_391 = arith.constant 1 : i32
        %dma_wait3A_392 = arith.constant 0 : i32
        %dma_wait3A_393 = arith.constant 0 : i32
        %dma_wait3A_394 = tpu.memref_slice %arg9[%dma_wait3A_390, %dma_wait3A_392, %dma_wait3A_393] : memref<4x4x256xf32, #tpu.memory_space<vmem>> -> memref<1x4x256xf32, #tpu.memory_space<vmem>>
        %dma_wait3A_395 = tpu.memref_squeeze %dma_wait3A_394 : memref<1x4x256xf32, #tpu.memory_space<vmem>> -> memref<4x256xf32, #tpu.memory_space<vmem>>
        %dma_wait3A_396 = arith.constant 0 : i32
        %dma_wait3A_397 = arith.constant 0 : i32
        %dma_wait3A_398 = tpu.memref_slice %arg2[%dma_wait3A_396, %dma_wait3A_397] : memref<276480x128xi32, #tpu.memory_space<hbm>> -> memref<4x128xi32, #tpu.memory_space<hbm>>
        %dma_wait3A_399 = tpu.memref_slice %arg11[%dma_wait3A_391] : memref<4x!tpu.dma_semaphore, #tpu.memory_space<semaphore_mem>> -> memref<1x!tpu.dma_semaphore, #tpu.memory_space<semaphore_mem>>
        %dma_wait3A_400 = tpu.memref_squeeze %dma_wait3A_399 : memref<1x!tpu.dma_semaphore, #tpu.memory_space<semaphore_mem>> -> memref<!tpu.dma_semaphore, #tpu.memory_space<semaphore_mem>>
        %dma_wait3A_401 = arith.constant 0 : i32
        %dma_wait3A_402 = arith.constant 0 : i32
        %dma_wait3A_403 = tpu.memref_slice %arg9[%dma_wait3A_390, %dma_wait3A_401, %dma_wait3A_402] : memref<4x4x256xf32, #tpu.memory_space<vmem>> -> memref<1x4x256xf32, #tpu.memory_space<vmem>>
        %dma_wait3A_404 = tpu.memref_squeeze %dma_wait3A_403 : memref<1x4x256xf32, #tpu.memory_space<vmem>> -> memref<4x256xf32, #tpu.memory_space<vmem>>
        %dma_wait3A_405 = arith.constant 0 : i32
        %dma_wait3A_406 = arith.constant 0 : i32
        %dma_wait3A_407 = tpu.memref_slice %arg2[%dma_wait3A_405, %dma_wait3A_406] : memref<276480x128xi32, #tpu.memory_space<hbm>> -> memref<4x128xi32, #tpu.memory_space<hbm>>
        tpu.wait_dma2 semaphore(%dma_wait3A_400 : memref<!tpu.dma_semaphore, #tpu.memory_space<semaphore_mem>>) src(%dma_wait3A_407 : memref<4x128xi32, #tpu.memory_space<hbm>>) dst(%dma_wait3A_404 : memref<4x256xf32, #tpu.memory_space<vmem>>)
      } else {
      }
      %scan3A_242 = arith.constant 0 : i32
      %scan3A_243 = arith.constant 0 : i32
      %scan3A_244 = arith.constant 8 : i32
      %scan3A_245 = arith.addi %scan3A_243, %scan3A_244 : i32
      %scan3A_246 = arith.constant 1 : i32
      %scan3A_247 = scf.for %scan3A_390 = %scan3A_243 to %scan3A_245 step %scan3A_246 iter_args(%scan3A_391 = %scan3A_242) -> (i32)  : i32 {
        %scan3A_392 = arith.constant 0 : i32
        %scan3A_393 = arith.constant 0 : i32
        %scan3A_394 = arith.constant 4 : i32
        %scan3A_395 = arith.addi %scan3A_393, %scan3A_394 : i32
        %scan3A_396 = arith.constant 1 : i32
        %scan3A_397 = scf.for %scan3A_400 = %scan3A_393 to %scan3A_395 step %scan3A_396 iter_args(%scan3A_401 = %scan3A_392) -> (i32)  : i32 {
          %add3A_402 = arith.constant 0 : i32
          %add3A_403 = arith.addi %add3A_402, %scan3A_400 : i32
          %mul3A_404 = arith.constant 16 : i32
          %mul3A_405 = arith.muli %scan3A_390, %mul3A_404 : i32
          %get3A = arith.constant 1 : i32
          %get3A_406 = arith.index_cast %get3A : i32 to index
          %get3A_407 = arith.index_cast %add3A_403 : i32 to index
          %get3A_408 = arith.index_cast %mul3A_405 : i32 to index
          %get3A_409 = tpu.vector_load %arg8[%get3A_406, %get3A_407, %get3A_408] {strides = array<i32>} : memref<4x112x128xi32, #tpu.memory_space<vmem>>, vector<16xi32>,
          %bitcast3A = vector.bitcast %get3A_409 : vector<16xi32> to vector<32xbf16>
          %add3A_410 = arith.constant 4 : i32
          %add3A_411 = arith.addi %add3A_410, %scan3A_400 : i32
          %mul3A_412 = arith.constant 16 : i32
          %mul3A_413 = arith.muli %scan3A_390, %mul3A_412 : i32
          %get3A_414 = arith.constant 1 : i32
          %get3A_415 = arith.index_cast %get3A_414 : i32 to index
          %get3A_416 = arith.index_cast %add3A_411 : i32 to index
          %get3A_417 = arith.index_cast %mul3A_413 : i32 to index
          %get3A_418 = tpu.vector_load %arg8[%get3A_415, %get3A_416, %get3A_417] {strides = array<i32>} : memref<4x112x128xi32, #tpu.memory_space<vmem>>, vector<16xi32>,
          %bitcast3A_419 = vector.bitcast %get3A_418 : vector<16xi32> to vector<32xbf16>
          %add3A_420 = arith.constant 8 : i32
          %add3A_421 = arith.addi %add3A_420, %scan3A_400 : i32
          %mul3A_422 = arith.constant 16 : i32
          %mul3A_423 = arith.muli %scan3A_390, %mul3A_422 : i32
          %get3A_424 = arith.constant 1 : i32
          %get3A_425 = arith.index_cast %get3A_424 : i32 to index
          %get3A_426 = arith.index_cast %add3A_421 : i32 to index
          %get3A_427 = arith.index_cast %mul3A_423 : i32 to index
          %get3A_428 = tpu.vector_load %arg8[%get3A_425, %get3A_426, %get3A_427] {strides = array<i32>} : memref<4x112x128xi32, #tpu.memory_space<vmem>>, vector<16xi32>,
          %bitcast3A_429 = vector.bitcast %get3A_428 : vector<16xi32> to vector<32xbf16>
          %add3A_430 = arith.constant 12 : i32
          %add3A_431 = arith.addi %add3A_430, %scan3A_400 : i32
          %mul3A_432 = arith.constant 16 : i32
          %mul3A_433 = arith.muli %scan3A_390, %mul3A_432 : i32
          %get3A_434 = arith.constant 1 : i32
          %get3A_435 = arith.index_cast %get3A_434 : i32 to index
          %get3A_436 = arith.index_cast %add3A_431 : i32 to index
          %get3A_437 = arith.index_cast %mul3A_433 : i32 to index
          %get3A_438 = tpu.vector_load %arg8[%get3A_435, %get3A_436, %get3A_437] {strides = array<i32>} : memref<4x112x128xi32, #tpu.memory_space<vmem>>, vector<16xi32>,
          %bitcast3A_439 = vector.bitcast %get3A_438 : vector<16xi32> to vector<32xbf16>
          %add3A_440 = arith.constant 16 : i32
          %add3A_441 = arith.addi %add3A_440, %scan3A_400 : i32
          %mul3A_442 = arith.constant 16 : i32
          %mul3A_443 = arith.muli %scan3A_390, %mul3A_442 : i32
          %get3A_444 = arith.constant 1 : i32
          %get3A_445 = arith.index_cast %get3A_444 : i32 to index
          %get3A_446 = arith.index_cast %add3A_441 : i32 to index
          %get3A_447 = arith.index_cast %mul3A_443 : i32 to index
          %get3A_448 = tpu.vector_load %arg8[%get3A_445, %get3A_446, %get3A_447] {strides = array<i32>} : memref<4x112x128xi32, #tpu.memory_space<vmem>>, vector<16xi32>,
          %bitcast3A_449 = vector.bitcast %get3A_448 : vector<16xi32> to vector<32xbf16>
          %add3A_450 = arith.constant 20 : i32
          %add3A_451 = arith.addi %add3A_450, %scan3A_400 : i32
          %mul3A_452 = arith.constant 16 : i32
          %mul3A_453 = arith.muli %scan3A_390, %mul3A_452 : i32
          %get3A_454 = arith.constant 1 : i32
          %get3A_455 = arith.index_cast %get3A_454 : i32 to index
          %get3A_456 = arith.index_cast %add3A_451 : i32 to index
          %get3A_457 = arith.index_cast %mul3A_453 : i32 to index
          %get3A_458 = tpu.vector_load %arg8[%get3A_455, %get3A_456, %get3A_457] {strides = array<i32>} : memref<4x112x128xi32, #tpu.memory_space<vmem>>, vector<16xi32>,
          %bitcast3A_459 = vector.bitcast %get3A_458 : vector<16xi32> to vector<32xbf16>
          %add3A_460 = arith.constant 24 : i32
          %add3A_461 = arith.addi %add3A_460, %scan3A_400 : i32
          %mul3A_462 = arith.constant 16 : i32
          %mul3A_463 = arith.muli %scan3A_390, %mul3A_462 : i32
          %get3A_464 = arith.constant 1 : i32
          %get3A_465 = arith.index_cast %get3A_464 : i32 to index
          %get3A_466 = arith.index_cast %add3A_461 : i32 to index
          %get3A_467 = arith.index_cast %mul3A_463 : i32 to index
          %get3A_468 = tpu.vector_load %arg8[%get3A_465, %get3A_466, %get3A_467] {strides = array<i32>} : memref<4x112x128xi32, #tpu.memory_space<vmem>>, vector<16xi32>,
          %bitcast3A_469 = vector.bitcast %get3A_468 : vector<16xi32> to vector<32xbf16>
          %add3A_470 = arith.constant 28 : i32
          %add3A_471 = arith.addi %add3A_470, %scan3A_400 : i32
          %mul3A_472 = arith.constant 16 : i32
          %mul3A_473 = arith.muli %scan3A_390, %mul3A_472 : i32
          %get3A_474 = arith.constant 1 : i32
          %get3A_475 = arith.index_cast %get3A_474 : i32 to index
          %get3A_476 = arith.index_cast %add3A_471 : i32 to index
          %get3A_477 = arith.index_cast %mul3A_473 : i32 to index
          %get3A_478 = tpu.vector_load %arg8[%get3A_475, %get3A_476, %get3A_477] {strides = array<i32>} : memref<4x112x128xi32, #tpu.memory_space<vmem>>, vector<16xi32>,
          %bitcast3A_479 = vector.bitcast %get3A_478 : vector<16xi32> to vector<32xbf16>
          %add3A_480 = arith.constant 32 : i32
          %add3A_481 = arith.addi %add3A_480, %scan3A_400 : i32
          %mul3A_482 = arith.constant 16 : i32
          %mul3A_483 = arith.muli %scan3A_390, %mul3A_482 : i32
          %get3A_484 = arith.constant 1 : i32
          %get3A_485 = arith.index_cast %get3A_484 : i32 to index
          %get3A_486 = arith.index_cast %add3A_481 : i32 to index
          %get3A_487 = arith.index_cast %mul3A_483 : i32 to index
          %get3A_488 = tpu.vector_load %arg8[%get3A_485, %get3A_486, %get3A_487] {strides = array<i32>} : memref<4x112x128xi32, #tpu.memory_space<vmem>>, vector<16xi32>,
          %bitcast3A_489 = vector.bitcast %get3A_488 : vector<16xi32> to vector<32xbf16>
          %add3A_490 = arith.constant 36 : i32
          %add3A_491 = arith.addi %add3A_490, %scan3A_400 : i32
          %mul3A_492 = arith.constant 16 : i32
          %mul3A_493 = arith.muli %scan3A_390, %mul3A_492 : i32
          %get3A_494 = arith.constant 1 : i32
          %get3A_495 = arith.index_cast %get3A_494 : i32 to index
          %get3A_496 = arith.index_cast %add3A_491 : i32 to index
          %get3A_497 = arith.index_cast %mul3A_493 : i32 to index
          %get3A_498 = tpu.vector_load %arg8[%get3A_495, %get3A_496, %get3A_497] {strides = array<i32>} : memref<4x112x128xi32, #tpu.memory_space<vmem>>, vector<16xi32>,
          %bitcast3A_499 = vector.bitcast %get3A_498 : vector<16xi32> to vector<32xbf16>
          %add3A_500 = arith.constant 40 : i32
          %add3A_501 = arith.addi %add3A_500, %scan3A_400 : i32
          %mul3A_502 = arith.constant 16 : i32
          %mul3A_503 = arith.muli %scan3A_390, %mul3A_502 : i32
          %get3A_504 = arith.constant 1 : i32
          %get3A_505 = arith.index_cast %get3A_504 : i32 to index
          %get3A_506 = arith.index_cast %add3A_501 : i32 to index
          %get3A_507 = arith.index_cast %mul3A_503 : i32 to index
          %get3A_508 = tpu.vector_load %arg8[%get3A_505, %get3A_506, %get3A_507] {strides = array<i32>} : memref<4x112x128xi32, #tpu.memory_space<vmem>>, vector<16xi32>,
          %bitcast3A_509 = vector.bitcast %get3A_508 : vector<16xi32> to vector<32xbf16>
          %add3A_510 = arith.constant 44 : i32
          %add3A_511 = arith.addi %add3A_510, %scan3A_400 : i32
          %mul3A_512 = arith.constant 16 : i32
          %mul3A_513 = arith.muli %scan3A_390, %mul3A_512 : i32
          %get3A_514 = arith.constant 1 : i32
          %get3A_515 = arith.index_cast %get3A_514 : i32 to index
          %get3A_516 = arith.index_cast %add3A_511 : i32 to index
          %get3A_517 = arith.index_cast %mul3A_513 : i32 to index
          %get3A_518 = tpu.vector_load %arg8[%get3A_515, %get3A_516, %get3A_517] {strides = array<i32>} : memref<4x112x128xi32, #tpu.memory_space<vmem>>, vector<16xi32>,
          %bitcast3A_519 = vector.bitcast %get3A_518 : vector<16xi32> to vector<32xbf16>
          %add3A_520 = arith.constant 48 : i32
          %add3A_521 = arith.addi %add3A_520, %scan3A_400 : i32
          %mul3A_522 = arith.constant 16 : i32
          %mul3A_523 = arith.muli %scan3A_390, %mul3A_522 : i32
          %get3A_524 = arith.constant 1 : i32
          %get3A_525 = arith.index_cast %get3A_524 : i32 to index
          %get3A_526 = arith.index_cast %add3A_521 : i32 to index
          %get3A_527 = arith.index_cast %mul3A_523 : i32 to index
          %get3A_528 = tpu.vector_load %arg8[%get3A_525, %get3A_526, %get3A_527] {strides = array<i32>} : memref<4x112x128xi32, #tpu.memory_space<vmem>>, vector<16xi32>,
          %bitcast3A_529 = vector.bitcast %get3A_528 : vector<16xi32> to vector<32xbf16>
          %add3A_530 = arith.constant 52 : i32
          %add3A_531 = arith.addi %add3A_530, %scan3A_400 : i32
          %mul3A_532 = arith.constant 16 : i32
          %mul3A_533 = arith.muli %scan3A_390, %mul3A_532 : i32
          %get3A_534 = arith.constant 1 : i32
          %get3A_535 = arith.index_cast %get3A_534 : i32 to index
          %get3A_536 = arith.index_cast %add3A_531 : i32 to index
          %get3A_537 = arith.index_cast %mul3A_533 : i32 to index
          %get3A_538 = tpu.vector_load %arg8[%get3A_535, %get3A_536, %get3A_537] {strides = array<i32>} : memref<4x112x128xi32, #tpu.memory_space<vmem>>, vector<16xi32>,
          %bitcast3A_539 = vector.bitcast %get3A_538 : vector<16xi32> to vector<32xbf16>
          %add3A_540 = arith.constant 56 : i32
          %add3A_541 = arith.addi %add3A_540, %scan3A_400 : i32
          %mul3A_542 = arith.constant 16 : i32
          %mul3A_543 = arith.muli %scan3A_390, %mul3A_542 : i32
          %get3A_544 = arith.constant 1 : i32
          %get3A_545 = arith.index_cast %get3A_544 : i32 to index
          %get3A_546 = arith.index_cast %add3A_541 : i32 to index
          %get3A_547 = arith.index_cast %mul3A_543 : i32 to index
          %get3A_548 = tpu.vector_load %arg8[%get3A_545, %get3A_546, %get3A_547] {strides = array<i32>} : memref<4x112x128xi32, #tpu.memory_space<vmem>>, vector<16xi32>,
          %bitcast3A_549 = vector.bitcast %get3A_548 : vector<16xi32> to vector<32xbf16>
          %add3A_550 = arith.constant 60 : i32
          %add3A_551 = arith.addi %add3A_550, %scan3A_400 : i32
          %mul3A_552 = arith.constant 16 : i32
          %mul3A_553 = arith.muli %scan3A_390, %mul3A_552 : i32
          %get3A_554 = arith.constant 1 : i32
          %get3A_555 = arith.index_cast %get3A_554 : i32 to index
          %get3A_556 = arith.index_cast %add3A_551 : i32 to index
          %get3A_557 = arith.index_cast %mul3A_553 : i32 to index
          %get3A_558 = tpu.vector_load %arg8[%get3A_555, %get3A_556, %get3A_557] {strides = array<i32>} : memref<4x112x128xi32, #tpu.memory_space<vmem>>, vector<16xi32>,
          %bitcast3A_559 = vector.bitcast %get3A_558 : vector<16xi32> to vector<32xbf16>
          %add3A_560 = arith.constant 64 : i32
          %add3A_561 = arith.addi %add3A_560, %scan3A_400 : i32
          %mul3A_562 = arith.constant 16 : i32
          %mul3A_563 = arith.muli %scan3A_390, %mul3A_562 : i32
          %get3A_564 = arith.constant 1 : i32
          %get3A_565 = arith.index_cast %get3A_564 : i32 to index
          %get3A_566 = arith.index_cast %add3A_561 : i32 to index
          %get3A_567 = arith.index_cast %mul3A_563 : i32 to index
          %get3A_568 = tpu.vector_load %arg8[%get3A_565, %get3A_566, %get3A_567] {strides = array<i32>} : memref<4x112x128xi32, #tpu.memory_space<vmem>>, vector<16xi32>,
          %bitcast3A_569 = vector.bitcast %get3A_568 : vector<16xi32> to vector<32xbf16>
          %add3A_570 = arith.constant 68 : i32
          %add3A_571 = arith.addi %add3A_570, %scan3A_400 : i32
          %mul3A_572 = arith.constant 16 : i32
          %mul3A_573 = arith.muli %scan3A_390, %mul3A_572 : i32
          %get3A_574 = arith.constant 1 : i32
          %get3A_575 = arith.index_cast %get3A_574 : i32 to index
          %get3A_576 = arith.index_cast %add3A_571 : i32 to index
          %get3A_577 = arith.index_cast %mul3A_573 : i32 to index
          %get3A_578 = tpu.vector_load %arg8[%get3A_575, %get3A_576, %get3A_577] {strides = array<i32>} : memref<4x112x128xi32, #tpu.memory_space<vmem>>, vector<16xi32>,
          %bitcast3A_579 = vector.bitcast %get3A_578 : vector<16xi32> to vector<32xbf16>
          %add3A_580 = arith.constant 72 : i32
          %add3A_581 = arith.addi %add3A_580, %scan3A_400 : i32
          %mul3A_582 = arith.constant 16 : i32
          %mul3A_583 = arith.muli %scan3A_390, %mul3A_582 : i32
          %get3A_584 = arith.constant 1 : i32
          %get3A_585 = arith.index_cast %get3A_584 : i32 to index
          %get3A_586 = arith.index_cast %add3A_581 : i32 to index
          %get3A_587 = arith.index_cast %mul3A_583 : i32 to index
          %get3A_588 = tpu.vector_load %arg8[%get3A_585, %get3A_586, %get3A_587] {strides = array<i32>} : memref<4x112x128xi32, #tpu.memory_space<vmem>>, vector<16xi32>,
          %bitcast3A_589 = vector.bitcast %get3A_588 : vector<16xi32> to vector<32xbf16>
          %add3A_590 = arith.constant 76 : i32
          %add3A_591 = arith.addi %add3A_590, %scan3A_400 : i32
          %mul3A_592 = arith.constant 16 : i32
          %mul3A_593 = arith.muli %scan3A_390, %mul3A_592 : i32
          %get3A_594 = arith.constant 1 : i32
          %get3A_595 = arith.index_cast %get3A_594 : i32 to index
          %get3A_596 = arith.index_cast %add3A_591 : i32 to index
          %get3A_597 = arith.index_cast %mul3A_593 : i32 to index
          %get3A_598 = tpu.vector_load %arg8[%get3A_595, %get3A_596, %get3A_597] {strides = array<i32>} : memref<4x112x128xi32, #tpu.memory_space<vmem>>, vector<16xi32>,
          %bitcast3A_599 = vector.bitcast %get3A_598 : vector<16xi32> to vector<32xbf16>
          %add3A_600 = arith.constant 80 : i32
          %add3A_601 = arith.addi %add3A_600, %scan3A_400 : i32
          %mul3A_602 = arith.constant 16 : i32
          %mul3A_603 = arith.muli %scan3A_390, %mul3A_602 : i32
          %get3A_604 = arith.constant 1 : i32
          %get3A_605 = arith.index_cast %get3A_604 : i32 to index
          %get3A_606 = arith.index_cast %add3A_601 : i32 to index
          %get3A_607 = arith.index_cast %mul3A_603 : i32 to index
          %get3A_608 = tpu.vector_load %arg8[%get3A_605, %get3A_606, %get3A_607] {strides = array<i32>} : memref<4x112x128xi32, #tpu.memory_space<vmem>>, vector<16xi32>,
          %bitcast3A_609 = vector.bitcast %get3A_608 : vector<16xi32> to vector<32xbf16>
          %add3A_610 = arith.constant 84 : i32
          %add3A_611 = arith.addi %add3A_610, %scan3A_400 : i32
          %mul3A_612 = arith.constant 16 : i32
          %mul3A_613 = arith.muli %scan3A_390, %mul3A_612 : i32
          %get3A_614 = arith.constant 1 : i32
          %get3A_615 = arith.index_cast %get3A_614 : i32 to index
          %get3A_616 = arith.index_cast %add3A_611 : i32 to index
          %get3A_617 = arith.index_cast %mul3A_613 : i32 to index
          %get3A_618 = tpu.vector_load %arg8[%get3A_615, %get3A_616, %get3A_617] {strides = array<i32>} : memref<4x112x128xi32, #tpu.memory_space<vmem>>, vector<16xi32>,
          %bitcast3A_619 = vector.bitcast %get3A_618 : vector<16xi32> to vector<32xbf16>
          %add3A_620 = arith.constant 88 : i32
          %add3A_621 = arith.addi %add3A_620, %scan3A_400 : i32
          %mul3A_622 = arith.constant 16 : i32
          %mul3A_623 = arith.muli %scan3A_390, %mul3A_622 : i32
          %get3A_624 = arith.constant 1 : i32
          %get3A_625 = arith.index_cast %get3A_624 : i32 to index
          %get3A_626 = arith.index_cast %add3A_621 : i32 to index
          %get3A_627 = arith.index_cast %mul3A_623 : i32 to index
          %get3A_628 = tpu.vector_load %arg8[%get3A_625, %get3A_626, %get3A_627] {strides = array<i32>} : memref<4x112x128xi32, #tpu.memory_space<vmem>>, vector<16xi32>,
          %bitcast3A_629 = vector.bitcast %get3A_628 : vector<16xi32> to vector<32xbf16>
          %add3A_630 = arith.constant 92 : i32
          %add3A_631 = arith.addi %add3A_630, %scan3A_400 : i32
          %mul3A_632 = arith.constant 16 : i32
          %mul3A_633 = arith.muli %scan3A_390, %mul3A_632 : i32
          %get3A_634 = arith.constant 1 : i32
          %get3A_635 = arith.index_cast %get3A_634 : i32 to index
          %get3A_636 = arith.index_cast %add3A_631 : i32 to index
          %get3A_637 = arith.index_cast %mul3A_633 : i32 to index
          %get3A_638 = tpu.vector_load %arg8[%get3A_635, %get3A_636, %get3A_637] {strides = array<i32>} : memref<4x112x128xi32, #tpu.memory_space<vmem>>, vector<16xi32>,
          %bitcast3A_639 = vector.bitcast %get3A_638 : vector<16xi32> to vector<32xbf16>
          %add3A_640 = arith.constant 96 : i32
          %add3A_641 = arith.addi %add3A_640, %scan3A_400 : i32
          %mul3A_642 = arith.constant 16 : i32
          %mul3A_643 = arith.muli %scan3A_390, %mul3A_642 : i32
          %get3A_644 = arith.constant 1 : i32
          %get3A_645 = arith.index_cast %get3A_644 : i32 to index
          %get3A_646 = arith.index_cast %add3A_641 : i32 to index
          %get3A_647 = arith.index_cast %mul3A_643 : i32 to index
          %get3A_648 = tpu.vector_load %arg8[%get3A_645, %get3A_646, %get3A_647] {strides = array<i32>} : memref<4x112x128xi32, #tpu.memory_space<vmem>>, vector<16xi32>,
          %bitcast3A_649 = vector.bitcast %get3A_648 : vector<16xi32> to vector<32xbf16>
          %add3A_650 = arith.constant 100 : i32
          %add3A_651 = arith.addi %add3A_650, %scan3A_400 : i32
          %mul3A_652 = arith.constant 16 : i32
          %mul3A_653 = arith.muli %scan3A_390, %mul3A_652 : i32
          %get3A_654 = arith.constant 1 : i32
          %get3A_655 = arith.index_cast %get3A_654 : i32 to index
          %get3A_656 = arith.index_cast %add3A_651 : i32 to index
          %get3A_657 = arith.index_cast %mul3A_653 : i32 to index
          %get3A_658 = tpu.vector_load %arg8[%get3A_655, %get3A_656, %get3A_657] {strides = array<i32>} : memref<4x112x128xi32, #tpu.memory_space<vmem>>, vector<16xi32>,
          %bitcast3A_659 = vector.bitcast %get3A_658 : vector<16xi32> to vector<32xbf16>
          %add3A_660 = arith.constant 104 : i32
          %add3A_661 = arith.addi %add3A_660, %scan3A_400 : i32
          %mul3A_662 = arith.constant 16 : i32
          %mul3A_663 = arith.muli %scan3A_390, %mul3A_662 : i32
          %get3A_664 = arith.constant 1 : i32
          %get3A_665 = arith.index_cast %get3A_664 : i32 to index
          %get3A_666 = arith.index_cast %add3A_661 : i32 to index
          %get3A_667 = arith.index_cast %mul3A_663 : i32 to index
          %get3A_668 = tpu.vector_load %arg8[%get3A_665, %get3A_666, %get3A_667] {strides = array<i32>} : memref<4x112x128xi32, #tpu.memory_space<vmem>>, vector<16xi32>,
          %bitcast3A_669 = vector.bitcast %get3A_668 : vector<16xi32> to vector<32xbf16>
          %add3A_670 = arith.addf %bitcast3A, %bitcast3A_419 : vector<32xbf16>
          %add3A_671 = arith.addf %bitcast3A_429, %bitcast3A_439 : vector<32xbf16>
          %add3A_672 = arith.addf %bitcast3A_449, %bitcast3A_459 : vector<32xbf16>
          %add3A_673 = arith.addf %bitcast3A_469, %bitcast3A_479 : vector<32xbf16>
          %add3A_674 = arith.addf %bitcast3A_489, %bitcast3A_499 : vector<32xbf16>
          %add3A_675 = arith.addf %bitcast3A_509, %bitcast3A_519 : vector<32xbf16>
          %add3A_676 = arith.addf %bitcast3A_529, %bitcast3A_539 : vector<32xbf16>
          %add3A_677 = arith.addf %bitcast3A_549, %bitcast3A_559 : vector<32xbf16>
          %add3A_678 = arith.addf %bitcast3A_569, %bitcast3A_579 : vector<32xbf16>
          %add3A_679 = arith.addf %bitcast3A_589, %bitcast3A_599 : vector<32xbf16>
          %add3A_680 = arith.addf %bitcast3A_609, %bitcast3A_619 : vector<32xbf16>
          %add3A_681 = arith.addf %bitcast3A_629, %bitcast3A_639 : vector<32xbf16>
          %add3A_682 = arith.addf %bitcast3A_649, %bitcast3A_659 : vector<32xbf16>
          %add3A_683 = arith.addf %add3A_670, %add3A_671 : vector<32xbf16>
          %add3A_684 = arith.addf %add3A_672, %add3A_673 : vector<32xbf16>
          %add3A_685 = arith.addf %add3A_674, %add3A_675 : vector<32xbf16>
          %add3A_686 = arith.addf %add3A_676, %add3A_677 : vector<32xbf16>
          %add3A_687 = arith.addf %add3A_678, %add3A_679 : vector<32xbf16>
          %add3A_688 = arith.addf %add3A_680, %add3A_681 : vector<32xbf16>
          %add3A_689 = arith.addf %add3A_682, %bitcast3A_669 : vector<32xbf16>
          %add3A_690 = arith.addf %add3A_683, %add3A_684 : vector<32xbf16>
          %add3A_691 = arith.addf %add3A_685, %add3A_686 : vector<32xbf16>
          %add3A_692 = arith.addf %add3A_687, %add3A_688 : vector<32xbf16>
          %add3A_693 = arith.addf %add3A_690, %add3A_691 : vector<32xbf16>
          %add3A_694 = arith.addf %add3A_692, %add3A_689 : vector<32xbf16>
          %add3A_695 = arith.addf %add3A_693, %add3A_694 : vector<32xbf16>
          %unpack3A = tpu.unpack_subelements %add3A_695, 0 {pack_format = #tpu.pack_format<interleaved>} : vector<32xbf16> -> vector<16xf32>
          %unpack3A_696 = tpu.unpack_subelements %add3A_695, 1 {pack_format = #tpu.pack_format<interleaved>} : vector<32xbf16> -> vector<16xf32>
          %mul3A_697 = arith.constant 16 : i32
          %mul3A_698 = arith.muli %scan3A_390, %mul3A_697 : i32
          %swap3A = arith.constant 1 : i32
          %swap3A_699 = arith.index_cast %swap3A : i32 to index
          %swap3A_700 = arith.index_cast %scan3A_400 : i32 to index
          %swap3A_701 = arith.index_cast %mul3A_698 : i32 to index
          %swap3A_702 = tpu.vector_load %arg9[%swap3A_699, %swap3A_700, %swap3A_701] {strides = array<i32>} : memref<4x4x256xf32, #tpu.memory_space<vmem>>, vector<16xf32>,
          tpu.vector_store %arg9[%swap3A_699, %swap3A_700, %swap3A_701], %unpack3A {strides = array<i32>} : memref<4x4x256xf32, #tpu.memory_space<vmem>>, vector<16xf32>,
          %mul3A_703 = arith.constant 16 : i32
          %mul3A_704 = arith.muli %scan3A_390, %mul3A_703 : i32
          %add3A_705 = arith.constant 128 : i32
          %add3A_706 = arith.addi %add3A_705, %mul3A_704 : i32
          %swap3A_707 = arith.constant 1 : i32
          %swap3A_708 = arith.index_cast %swap3A_707 : i32 to index
          %swap3A_709 = arith.index_cast %scan3A_400 : i32 to index
          %swap3A_710 = arith.index_cast %add3A_706 : i32 to index
          %swap3A_711 = tpu.vector_load %arg9[%swap3A_708, %swap3A_709, %swap3A_710] {strides = array<i32>} : memref<4x4x256xf32, #tpu.memory_space<vmem>>, vector<16xf32>,
          tpu.vector_store %arg9[%swap3A_708, %swap3A_709, %swap3A_710], %unpack3A_696 {strides = array<i32>} : memref<4x4x256xf32, #tpu.memory_space<vmem>>, vector<16xf32>,
          %scan3A_712 = arith.constant 0 : i32
          scf.yield %scan3A_712 : i32
        }
        %scan3A_398 = arith.constant 4 : i32
        %scan3A_399 = arith.constant 0 : i32
        scf.yield %scan3A_399 : i32
      }
      %scan3A_248 = arith.constant 8 : i32
      %lt3A_249 = arith.constant 19 : i32
      %lt3A_250 = arith.cmpi slt, %scan3A_159, %lt3A_249 : i32
      %convert_element_type3A_251 = arith.extui %lt3A_250 : i1 to i32
      %cond3A_252 = arith.constant 0 : i32
      %cond3A_253 = arith.cmpi ne, %convert_element_type3A_251, %cond3A_252 : i32
      scf.if %cond3A_253 {
        %add3A_390 = arith.constant 4 : i32
        %add3A_391 = arith.addi %add3A_218, %add3A_390 : i32
        %mul3A_392 = arith.constant 112 : i32
        %mul3A_393 = arith.muli %add3A_391, %mul3A_392 : i32
        %dma_start3A_394 = arith.constant 1 : i32
        %dma_start3A_395 = arith.constant 1 : i32
        %dma_start3A_396 = arith.constant 0 : i32
        %dma_start3A_397 = arith.constant 0 : i32
        %dma_start3A_398 = tpu.memref_slice %arg8[%dma_start3A_394, %dma_start3A_396, %dma_start3A_397] : memref<4x112x128xi32, #tpu.memory_space<vmem>> -> memref<1x112x128xi32, #tpu.memory_space<vmem>>
        %dma_start3A_399 = tpu.memref_squeeze %dma_start3A_398 : memref<1x112x128xi32, #tpu.memory_space<vmem>> -> memref<112x128xi32, #tpu.memory_space<vmem>>
        %dma_start3A_400 = tpu.memref_slice %arg7[%mul3A_393] : memref<8960xi32, #tpu.memory_space<vmem>> -> memref<112xi32, #tpu.memory_space<vmem>>
        %dma_start3A_401 = arith.constant 0 : i32
        %dma_start3A_402 = arith.constant 0 : i32
        %dma_start3A_403 = tpu.memref_slice %arg2[%dma_start3A_401, %dma_start3A_402] : memref<276480x128xi32, #tpu.memory_space<hbm>> -> memref<276480x128xi32, #tpu.memory_space<hbm>>
        %dma_start3A_404 = tpu.memref_slice %arg10[%dma_start3A_395] : memref<4x!tpu.dma_semaphore, #tpu.memory_space<semaphore_mem>> -> memref<1x!tpu.dma_semaphore, #tpu.memory_space<semaphore_mem>>
        %dma_start3A_405 = tpu.memref_squeeze %dma_start3A_404 : memref<1x!tpu.dma_semaphore, #tpu.memory_space<semaphore_mem>> -> memref<!tpu.dma_semaphore, #tpu.memory_space<semaphore_mem>>
        tpu.enqueue_indirect_dma source(%dma_start3A_403 : memref<276480x128xi32, #tpu.memory_space<hbm>>) target(%dma_start3A_399 : memref<112x128xi32, #tpu.memory_space<vmem>>) offsets(%dma_start3A_400 : memref<112xi32, #tpu.memory_space<vmem>>) semaphore(%dma_start3A_405 : memref<!tpu.dma_semaphore, #tpu.memory_space<semaphore_mem>>)
      } else {
      }
      %mul3A_254 = arith.constant 4 : i32
      %mul3A_255 = arith.muli %add3A_218, %mul3A_254 : i32
      %add3A_256 = arith.addi %mul3A_2, %mul3A_255 : i32
      %dma_start3A_257 = arith.constant 1 : i32
      %dma_start3A_258 = arith.constant 1 : i32
      %dma_start3A_259 = arith.constant 0 : i32
      %dma_start3A_260 = arith.constant 0 : i32
      %dma_start3A_261 = tpu.memref_slice %arg9[%dma_start3A_257, %dma_start3A_259, %dma_start3A_260] : memref<4x4x256xf32, #tpu.memory_space<vmem>> -> memref<1x4x256xf32, #tpu.memory_space<vmem>>
      %dma_start3A_262 = tpu.memref_squeeze %dma_start3A_261 : memref<1x4x256xf32, #tpu.memory_space<vmem>> -> memref<4x256xf32, #tpu.memory_space<vmem>>
      %dma_start3A_263 = arith.constant 0 : i32
      %dma_start3A_264 = tpu.memref_slice %arg4[%add3A_256, %dma_start3A_263] : memref<10240x256xf32, #tpu.memory_space<hbm>> -> memref<4x256xf32, #tpu.memory_space<hbm>>
      %dma_start3A_265 = tpu.memref_slice %arg11[%dma_start3A_258] : memref<4x!tpu.dma_semaphore, #tpu.memory_space<semaphore_mem>> -> memref<1x!tpu.dma_semaphore, #tpu.memory_space<semaphore_mem>>
      %dma_start3A_266 = tpu.memref_squeeze %dma_start3A_265 : memref<1x!tpu.dma_semaphore, #tpu.memory_space<semaphore_mem>> -> memref<!tpu.dma_semaphore, #tpu.memory_space<semaphore_mem>>
      %dma_start3A_267 = arith.constant 0 : i32
      %dma_start3A_268 = tpu.memref_slice %arg4[%add3A_256, %dma_start3A_267] : memref<10240x256xf32, #tpu.memory_space<hbm>> -> memref<4x256xf32, #tpu.memory_space<hbm>>
      %dma_start3A_269 = arith.constant 0 : i32
      %dma_start3A_270 = arith.constant 0 : i32
      %dma_start3A_271 = tpu.memref_slice %arg9[%dma_start3A_257, %dma_start3A_269, %dma_start3A_270] : memref<4x4x256xf32, #tpu.memory_space<vmem>> -> memref<1x4x256xf32, #tpu.memory_space<vmem>>
      %dma_start3A_272 = tpu.memref_squeeze %dma_start3A_271 : memref<1x4x256xf32, #tpu.memory_space<vmem>> -> memref<4x256xf32, #tpu.memory_space<vmem>>
      tpu.enqueue_dma source(%dma_start3A_272 : memref<4x256xf32, #tpu.memory_space<vmem>>) target(%dma_start3A_268 : memref<4x256xf32, #tpu.memory_space<hbm>>) target_semaphore(%dma_start3A_266 : memref<!tpu.dma_semaphore, #tpu.memory_space<semaphore_mem>>)
      %mul3A_273 = arith.constant 4 : i32
      %mul3A_274 = arith.muli %scan3A_159, %mul3A_273 : i32
      %add3A_275 = arith.constant 2 : i32
      %add3A_276 = arith.addi %mul3A_274, %add3A_275 : i32
      %dma_wait3A_277 = arith.constant 2 : i32
      %dma_wait3A_278 = arith.constant 2 : i32
      %dma_wait3A_279 = arith.constant 0 : i32
      %dma_wait3A_280 = arith.constant 0 : i32
      %dma_wait3A_281 = tpu.memref_slice %arg8[%dma_wait3A_277, %dma_wait3A_279, %dma_wait3A_280] : memref<4x112x128xi32, #tpu.memory_space<vmem>> -> memref<1x112x128xi32, #tpu.memory_space<vmem>>
      %dma_wait3A_282 = tpu.memref_squeeze %dma_wait3A_281 : memref<1x112x128xi32, #tpu.memory_space<vmem>> -> memref<112x128xi32, #tpu.memory_space<vmem>>
      %dma_wait3A_283 = arith.constant 0 : i32
      %dma_wait3A_284 = arith.constant 0 : i32
      %dma_wait3A_285 = tpu.memref_slice %arg2[%dma_wait3A_283, %dma_wait3A_284] : memref<276480x128xi32, #tpu.memory_space<hbm>> -> memref<112x128xi32, #tpu.memory_space<hbm>>
      %dma_wait3A_286 = tpu.memref_slice %arg10[%dma_wait3A_278] : memref<4x!tpu.dma_semaphore, #tpu.memory_space<semaphore_mem>> -> memref<1x!tpu.dma_semaphore, #tpu.memory_space<semaphore_mem>>
      %dma_wait3A_287 = tpu.memref_squeeze %dma_wait3A_286 : memref<1x!tpu.dma_semaphore, #tpu.memory_space<semaphore_mem>> -> memref<!tpu.dma_semaphore, #tpu.memory_space<semaphore_mem>>
      %dma_wait3A_288 = arith.constant 0 : i32
      %dma_wait3A_289 = arith.constant 0 : i32
      %dma_wait3A_290 = tpu.memref_slice %arg8[%dma_wait3A_277, %dma_wait3A_288, %dma_wait3A_289] : memref<4x112x128xi32, #tpu.memory_space<vmem>> -> memref<1x112x128xi32, #tpu.memory_space<vmem>>
      %dma_wait3A_291 = tpu.memref_squeeze %dma_wait3A_290 : memref<1x112x128xi32, #tpu.memory_space<vmem>> -> memref<112x128xi32, #tpu.memory_space<vmem>>
      %dma_wait3A_292 = arith.constant 0 : i32
      %dma_wait3A_293 = arith.constant 0 : i32
      %dma_wait3A_294 = tpu.memref_slice %arg2[%dma_wait3A_292, %dma_wait3A_293] : memref<276480x128xi32, #tpu.memory_space<hbm>> -> memref<112x128xi32, #tpu.memory_space<hbm>>
      tpu.wait_dma2 semaphore(%dma_wait3A_287 : memref<!tpu.dma_semaphore, #tpu.memory_space<semaphore_mem>>) src(%dma_wait3A_294 : memref<112x128xi32, #tpu.memory_space<hbm>>) dst(%dma_wait3A_291 : memref<112x128xi32, #tpu.memory_space<vmem>>)
      %gt3A_295 = arith.constant 0 : i32
      %gt3A_296 = arith.cmpi sgt, %scan3A_159, %gt3A_295 : i32
      %convert_element_type3A_297 = arith.extui %gt3A_296 : i1 to i32
      %cond3A_298 = arith.constant 0 : i32
      %cond3A_299 = arith.cmpi ne, %convert_element_type3A_297, %cond3A_298 : i32
      scf.if %cond3A_299 {
        %dma_wait3A_390 = arith.constant 2 : i32
        %dma_wait3A_391 = arith.constant 2 : i32
        %dma_wait3A_392 = arith.constant 0 : i32
        %dma_wait3A_393 = arith.constant 0 : i32
        %dma_wait3A_394 = tpu.memref_slice %arg9[%dma_wait3A_390, %dma_wait3A_392, %dma_wait3A_393] : memref<4x4x256xf32, #tpu.memory_space<vmem>> -> memref<1x4x256xf32, #tpu.memory_space<vmem>>
        %dma_wait3A_395 = tpu.memref_squeeze %dma_wait3A_394 : memref<1x4x256xf32, #tpu.memory_space<vmem>> -> memref<4x256xf32, #tpu.memory_space<vmem>>
        %dma_wait3A_396 = arith.constant 0 : i32
        %dma_wait3A_397 = arith.constant 0 : i32
        %dma_wait3A_398 = tpu.memref_slice %arg2[%dma_wait3A_396, %dma_wait3A_397] : memref<276480x128xi32, #tpu.memory_space<hbm>> -> memref<4x128xi32, #tpu.memory_space<hbm>>
        %dma_wait3A_399 = tpu.memref_slice %arg11[%dma_wait3A_391] : memref<4x!tpu.dma_semaphore, #tpu.memory_space<semaphore_mem>> -> memref<1x!tpu.dma_semaphore, #tpu.memory_space<semaphore_mem>>
        %dma_wait3A_400 = tpu.memref_squeeze %dma_wait3A_399 : memref<1x!tpu.dma_semaphore, #tpu.memory_space<semaphore_mem>> -> memref<!tpu.dma_semaphore, #tpu.memory_space<semaphore_mem>>
        %dma_wait3A_401 = arith.constant 0 : i32
        %dma_wait3A_402 = arith.constant 0 : i32
        %dma_wait3A_403 = tpu.memref_slice %arg9[%dma_wait3A_390, %dma_wait3A_401, %dma_wait3A_402] : memref<4x4x256xf32, #tpu.memory_space<vmem>> -> memref<1x4x256xf32, #tpu.memory_space<vmem>>
        %dma_wait3A_404 = tpu.memref_squeeze %dma_wait3A_403 : memref<1x4x256xf32, #tpu.memory_space<vmem>> -> memref<4x256xf32, #tpu.memory_space<vmem>>
        %dma_wait3A_405 = arith.constant 0 : i32
        %dma_wait3A_406 = arith.constant 0 : i32
        %dma_wait3A_407 = tpu.memref_slice %arg2[%dma_wait3A_405, %dma_wait3A_406] : memref<276480x128xi32, #tpu.memory_space<hbm>> -> memref<4x128xi32, #tpu.memory_space<hbm>>
        tpu.wait_dma2 semaphore(%dma_wait3A_400 : memref<!tpu.dma_semaphore, #tpu.memory_space<semaphore_mem>>) src(%dma_wait3A_407 : memref<4x128xi32, #tpu.memory_space<hbm>>) dst(%dma_wait3A_404 : memref<4x256xf32, #tpu.memory_space<vmem>>)
      } else {
      }
      %scan3A_300 = arith.constant 0 : i32
      %scan3A_301 = arith.constant 0 : i32
      %scan3A_302 = arith.constant 8 : i32
      %scan3A_303 = arith.addi %scan3A_301, %scan3A_302 : i32
      %scan3A_304 = arith.constant 1 : i32
      %scan3A_305 = scf.for %scan3A_390 = %scan3A_301 to %scan3A_303 step %scan3A_304 iter_args(%scan3A_391 = %scan3A_300) -> (i32)  : i32 {
        %scan3A_392 = arith.constant 0 : i32
        %scan3A_393 = arith.constant 0 : i32
        %scan3A_394 = arith.constant 4 : i32
        %scan3A_395 = arith.addi %scan3A_393, %scan3A_394 : i32
        %scan3A_396 = arith.constant 1 : i32
        %scan3A_397 = scf.for %scan3A_400 = %scan3A_393 to %scan3A_395 step %scan3A_396 iter_args(%scan3A_401 = %scan3A_392) -> (i32)  : i32 {
          %add3A_402 = arith.constant 0 : i32
          %add3A_403 = arith.addi %add3A_402, %scan3A_400 : i32
          %mul3A_404 = arith.constant 16 : i32
          %mul3A_405 = arith.muli %scan3A_390, %mul3A_404 : i32
          %get3A = arith.constant 2 : i32
          %get3A_406 = arith.index_cast %get3A : i32 to index
          %get3A_407 = arith.index_cast %add3A_403 : i32 to index
          %get3A_408 = arith.index_cast %mul3A_405 : i32 to index
          %get3A_409 = tpu.vector_load %arg8[%get3A_406, %get3A_407, %get3A_408] {strides = array<i32>} : memref<4x112x128xi32, #tpu.memory_space<vmem>>, vector<16xi32>,
          %bitcast3A = vector.bitcast %get3A_409 : vector<16xi32> to vector<32xbf16>
          %add3A_410 = arith.constant 4 : i32
          %add3A_411 = arith.addi %add3A_410, %scan3A_400 : i32
          %mul3A_412 = arith.constant 16 : i32
          %mul3A_413 = arith.muli %scan3A_390, %mul3A_412 : i32
          %get3A_414 = arith.constant 2 : i32
          %get3A_415 = arith.index_cast %get3A_414 : i32 to index
          %get3A_416 = arith.index_cast %add3A_411 : i32 to index
          %get3A_417 = arith.index_cast %mul3A_413 : i32 to index
          %get3A_418 = tpu.vector_load %arg8[%get3A_415, %get3A_416, %get3A_417] {strides = array<i32>} : memref<4x112x128xi32, #tpu.memory_space<vmem>>, vector<16xi32>,
          %bitcast3A_419 = vector.bitcast %get3A_418 : vector<16xi32> to vector<32xbf16>
          %add3A_420 = arith.constant 8 : i32
          %add3A_421 = arith.addi %add3A_420, %scan3A_400 : i32
          %mul3A_422 = arith.constant 16 : i32
          %mul3A_423 = arith.muli %scan3A_390, %mul3A_422 : i32
          %get3A_424 = arith.constant 2 : i32
          %get3A_425 = arith.index_cast %get3A_424 : i32 to index
          %get3A_426 = arith.index_cast %add3A_421 : i32 to index
          %get3A_427 = arith.index_cast %mul3A_423 : i32 to index
          %get3A_428 = tpu.vector_load %arg8[%get3A_425, %get3A_426, %get3A_427] {strides = array<i32>} : memref<4x112x128xi32, #tpu.memory_space<vmem>>, vector<16xi32>,
          %bitcast3A_429 = vector.bitcast %get3A_428 : vector<16xi32> to vector<32xbf16>
          %add3A_430 = arith.constant 12 : i32
          %add3A_431 = arith.addi %add3A_430, %scan3A_400 : i32
          %mul3A_432 = arith.constant 16 : i32
          %mul3A_433 = arith.muli %scan3A_390, %mul3A_432 : i32
          %get3A_434 = arith.constant 2 : i32
          %get3A_435 = arith.index_cast %get3A_434 : i32 to index
          %get3A_436 = arith.index_cast %add3A_431 : i32 to index
          %get3A_437 = arith.index_cast %mul3A_433 : i32 to index
          %get3A_438 = tpu.vector_load %arg8[%get3A_435, %get3A_436, %get3A_437] {strides = array<i32>} : memref<4x112x128xi32, #tpu.memory_space<vmem>>, vector<16xi32>,
          %bitcast3A_439 = vector.bitcast %get3A_438 : vector<16xi32> to vector<32xbf16>
          %add3A_440 = arith.constant 16 : i32
          %add3A_441 = arith.addi %add3A_440, %scan3A_400 : i32
          %mul3A_442 = arith.constant 16 : i32
          %mul3A_443 = arith.muli %scan3A_390, %mul3A_442 : i32
          %get3A_444 = arith.constant 2 : i32
          %get3A_445 = arith.index_cast %get3A_444 : i32 to index
          %get3A_446 = arith.index_cast %add3A_441 : i32 to index
          %get3A_447 = arith.index_cast %mul3A_443 : i32 to index
          %get3A_448 = tpu.vector_load %arg8[%get3A_445, %get3A_446, %get3A_447] {strides = array<i32>} : memref<4x112x128xi32, #tpu.memory_space<vmem>>, vector<16xi32>,
          %bitcast3A_449 = vector.bitcast %get3A_448 : vector<16xi32> to vector<32xbf16>
          %add3A_450 = arith.constant 20 : i32
          %add3A_451 = arith.addi %add3A_450, %scan3A_400 : i32
          %mul3A_452 = arith.constant 16 : i32
          %mul3A_453 = arith.muli %scan3A_390, %mul3A_452 : i32
          %get3A_454 = arith.constant 2 : i32
          %get3A_455 = arith.index_cast %get3A_454 : i32 to index
          %get3A_456 = arith.index_cast %add3A_451 : i32 to index
          %get3A_457 = arith.index_cast %mul3A_453 : i32 to index
          %get3A_458 = tpu.vector_load %arg8[%get3A_455, %get3A_456, %get3A_457] {strides = array<i32>} : memref<4x112x128xi32, #tpu.memory_space<vmem>>, vector<16xi32>,
          %bitcast3A_459 = vector.bitcast %get3A_458 : vector<16xi32> to vector<32xbf16>
          %add3A_460 = arith.constant 24 : i32
          %add3A_461 = arith.addi %add3A_460, %scan3A_400 : i32
          %mul3A_462 = arith.constant 16 : i32
          %mul3A_463 = arith.muli %scan3A_390, %mul3A_462 : i32
          %get3A_464 = arith.constant 2 : i32
          %get3A_465 = arith.index_cast %get3A_464 : i32 to index
          %get3A_466 = arith.index_cast %add3A_461 : i32 to index
          %get3A_467 = arith.index_cast %mul3A_463 : i32 to index
          %get3A_468 = tpu.vector_load %arg8[%get3A_465, %get3A_466, %get3A_467] {strides = array<i32>} : memref<4x112x128xi32, #tpu.memory_space<vmem>>, vector<16xi32>,
          %bitcast3A_469 = vector.bitcast %get3A_468 : vector<16xi32> to vector<32xbf16>
          %add3A_470 = arith.constant 28 : i32
          %add3A_471 = arith.addi %add3A_470, %scan3A_400 : i32
          %mul3A_472 = arith.constant 16 : i32
          %mul3A_473 = arith.muli %scan3A_390, %mul3A_472 : i32
          %get3A_474 = arith.constant 2 : i32
          %get3A_475 = arith.index_cast %get3A_474 : i32 to index
          %get3A_476 = arith.index_cast %add3A_471 : i32 to index
          %get3A_477 = arith.index_cast %mul3A_473 : i32 to index
          %get3A_478 = tpu.vector_load %arg8[%get3A_475, %get3A_476, %get3A_477] {strides = array<i32>} : memref<4x112x128xi32, #tpu.memory_space<vmem>>, vector<16xi32>,
          %bitcast3A_479 = vector.bitcast %get3A_478 : vector<16xi32> to vector<32xbf16>
          %add3A_480 = arith.constant 32 : i32
          %add3A_481 = arith.addi %add3A_480, %scan3A_400 : i32
          %mul3A_482 = arith.constant 16 : i32
          %mul3A_483 = arith.muli %scan3A_390, %mul3A_482 : i32
          %get3A_484 = arith.constant 2 : i32
          %get3A_485 = arith.index_cast %get3A_484 : i32 to index
          %get3A_486 = arith.index_cast %add3A_481 : i32 to index
          %get3A_487 = arith.index_cast %mul3A_483 : i32 to index
          %get3A_488 = tpu.vector_load %arg8[%get3A_485, %get3A_486, %get3A_487] {strides = array<i32>} : memref<4x112x128xi32, #tpu.memory_space<vmem>>, vector<16xi32>,
          %bitcast3A_489 = vector.bitcast %get3A_488 : vector<16xi32> to vector<32xbf16>
          %add3A_490 = arith.constant 36 : i32
          %add3A_491 = arith.addi %add3A_490, %scan3A_400 : i32
          %mul3A_492 = arith.constant 16 : i32
          %mul3A_493 = arith.muli %scan3A_390, %mul3A_492 : i32
          %get3A_494 = arith.constant 2 : i32
          %get3A_495 = arith.index_cast %get3A_494 : i32 to index
          %get3A_496 = arith.index_cast %add3A_491 : i32 to index
          %get3A_497 = arith.index_cast %mul3A_493 : i32 to index
          %get3A_498 = tpu.vector_load %arg8[%get3A_495, %get3A_496, %get3A_497] {strides = array<i32>} : memref<4x112x128xi32, #tpu.memory_space<vmem>>, vector<16xi32>,
          %bitcast3A_499 = vector.bitcast %get3A_498 : vector<16xi32> to vector<32xbf16>
          %add3A_500 = arith.constant 40 : i32
          %add3A_501 = arith.addi %add3A_500, %scan3A_400 : i32
          %mul3A_502 = arith.constant 16 : i32
          %mul3A_503 = arith.muli %scan3A_390, %mul3A_502 : i32
          %get3A_504 = arith.constant 2 : i32
          %get3A_505 = arith.index_cast %get3A_504 : i32 to index
          %get3A_506 = arith.index_cast %add3A_501 : i32 to index
          %get3A_507 = arith.index_cast %mul3A_503 : i32 to index
          %get3A_508 = tpu.vector_load %arg8[%get3A_505, %get3A_506, %get3A_507] {strides = array<i32>} : memref<4x112x128xi32, #tpu.memory_space<vmem>>, vector<16xi32>,
          %bitcast3A_509 = vector.bitcast %get3A_508 : vector<16xi32> to vector<32xbf16>
          %add3A_510 = arith.constant 44 : i32
          %add3A_511 = arith.addi %add3A_510, %scan3A_400 : i32
          %mul3A_512 = arith.constant 16 : i32
          %mul3A_513 = arith.muli %scan3A_390, %mul3A_512 : i32
          %get3A_514 = arith.constant 2 : i32
          %get3A_515 = arith.index_cast %get3A_514 : i32 to index
          %get3A_516 = arith.index_cast %add3A_511 : i32 to index
          %get3A_517 = arith.index_cast %mul3A_513 : i32 to index
          %get3A_518 = tpu.vector_load %arg8[%get3A_515, %get3A_516, %get3A_517] {strides = array<i32>} : memref<4x112x128xi32, #tpu.memory_space<vmem>>, vector<16xi32>,
          %bitcast3A_519 = vector.bitcast %get3A_518 : vector<16xi32> to vector<32xbf16>
          %add3A_520 = arith.constant 48 : i32
          %add3A_521 = arith.addi %add3A_520, %scan3A_400 : i32
          %mul3A_522 = arith.constant 16 : i32
          %mul3A_523 = arith.muli %scan3A_390, %mul3A_522 : i32
          %get3A_524 = arith.constant 2 : i32
          %get3A_525 = arith.index_cast %get3A_524 : i32 to index
          %get3A_526 = arith.index_cast %add3A_521 : i32 to index
          %get3A_527 = arith.index_cast %mul3A_523 : i32 to index
          %get3A_528 = tpu.vector_load %arg8[%get3A_525, %get3A_526, %get3A_527] {strides = array<i32>} : memref<4x112x128xi32, #tpu.memory_space<vmem>>, vector<16xi32>,
          %bitcast3A_529 = vector.bitcast %get3A_528 : vector<16xi32> to vector<32xbf16>
          %add3A_530 = arith.constant 52 : i32
          %add3A_531 = arith.addi %add3A_530, %scan3A_400 : i32
          %mul3A_532 = arith.constant 16 : i32
          %mul3A_533 = arith.muli %scan3A_390, %mul3A_532 : i32
          %get3A_534 = arith.constant 2 : i32
          %get3A_535 = arith.index_cast %get3A_534 : i32 to index
          %get3A_536 = arith.index_cast %add3A_531 : i32 to index
          %get3A_537 = arith.index_cast %mul3A_533 : i32 to index
          %get3A_538 = tpu.vector_load %arg8[%get3A_535, %get3A_536, %get3A_537] {strides = array<i32>} : memref<4x112x128xi32, #tpu.memory_space<vmem>>, vector<16xi32>,
          %bitcast3A_539 = vector.bitcast %get3A_538 : vector<16xi32> to vector<32xbf16>
          %add3A_540 = arith.constant 56 : i32
          %add3A_541 = arith.addi %add3A_540, %scan3A_400 : i32
          %mul3A_542 = arith.constant 16 : i32
          %mul3A_543 = arith.muli %scan3A_390, %mul3A_542 : i32
          %get3A_544 = arith.constant 2 : i32
          %get3A_545 = arith.index_cast %get3A_544 : i32 to index
          %get3A_546 = arith.index_cast %add3A_541 : i32 to index
          %get3A_547 = arith.index_cast %mul3A_543 : i32 to index
          %get3A_548 = tpu.vector_load %arg8[%get3A_545, %get3A_546, %get3A_547] {strides = array<i32>} : memref<4x112x128xi32, #tpu.memory_space<vmem>>, vector<16xi32>,
          %bitcast3A_549 = vector.bitcast %get3A_548 : vector<16xi32> to vector<32xbf16>
          %add3A_550 = arith.constant 60 : i32
          %add3A_551 = arith.addi %add3A_550, %scan3A_400 : i32
          %mul3A_552 = arith.constant 16 : i32
          %mul3A_553 = arith.muli %scan3A_390, %mul3A_552 : i32
          %get3A_554 = arith.constant 2 : i32
          %get3A_555 = arith.index_cast %get3A_554 : i32 to index
          %get3A_556 = arith.index_cast %add3A_551 : i32 to index
          %get3A_557 = arith.index_cast %mul3A_553 : i32 to index
          %get3A_558 = tpu.vector_load %arg8[%get3A_555, %get3A_556, %get3A_557] {strides = array<i32>} : memref<4x112x128xi32, #tpu.memory_space<vmem>>, vector<16xi32>,
          %bitcast3A_559 = vector.bitcast %get3A_558 : vector<16xi32> to vector<32xbf16>
          %add3A_560 = arith.constant 64 : i32
          %add3A_561 = arith.addi %add3A_560, %scan3A_400 : i32
          %mul3A_562 = arith.constant 16 : i32
          %mul3A_563 = arith.muli %scan3A_390, %mul3A_562 : i32
          %get3A_564 = arith.constant 2 : i32
          %get3A_565 = arith.index_cast %get3A_564 : i32 to index
          %get3A_566 = arith.index_cast %add3A_561 : i32 to index
          %get3A_567 = arith.index_cast %mul3A_563 : i32 to index
          %get3A_568 = tpu.vector_load %arg8[%get3A_565, %get3A_566, %get3A_567] {strides = array<i32>} : memref<4x112x128xi32, #tpu.memory_space<vmem>>, vector<16xi32>,
          %bitcast3A_569 = vector.bitcast %get3A_568 : vector<16xi32> to vector<32xbf16>
          %add3A_570 = arith.constant 68 : i32
          %add3A_571 = arith.addi %add3A_570, %scan3A_400 : i32
          %mul3A_572 = arith.constant 16 : i32
          %mul3A_573 = arith.muli %scan3A_390, %mul3A_572 : i32
          %get3A_574 = arith.constant 2 : i32
          %get3A_575 = arith.index_cast %get3A_574 : i32 to index
          %get3A_576 = arith.index_cast %add3A_571 : i32 to index
          %get3A_577 = arith.index_cast %mul3A_573 : i32 to index
          %get3A_578 = tpu.vector_load %arg8[%get3A_575, %get3A_576, %get3A_577] {strides = array<i32>} : memref<4x112x128xi32, #tpu.memory_space<vmem>>, vector<16xi32>,
          %bitcast3A_579 = vector.bitcast %get3A_578 : vector<16xi32> to vector<32xbf16>
          %add3A_580 = arith.constant 72 : i32
          %add3A_581 = arith.addi %add3A_580, %scan3A_400 : i32
          %mul3A_582 = arith.constant 16 : i32
          %mul3A_583 = arith.muli %scan3A_390, %mul3A_582 : i32
          %get3A_584 = arith.constant 2 : i32
          %get3A_585 = arith.index_cast %get3A_584 : i32 to index
          %get3A_586 = arith.index_cast %add3A_581 : i32 to index
          %get3A_587 = arith.index_cast %mul3A_583 : i32 to index
          %get3A_588 = tpu.vector_load %arg8[%get3A_585, %get3A_586, %get3A_587] {strides = array<i32>} : memref<4x112x128xi32, #tpu.memory_space<vmem>>, vector<16xi32>,
          %bitcast3A_589 = vector.bitcast %get3A_588 : vector<16xi32> to vector<32xbf16>
          %add3A_590 = arith.constant 76 : i32
          %add3A_591 = arith.addi %add3A_590, %scan3A_400 : i32
          %mul3A_592 = arith.constant 16 : i32
          %mul3A_593 = arith.muli %scan3A_390, %mul3A_592 : i32
          %get3A_594 = arith.constant 2 : i32
          %get3A_595 = arith.index_cast %get3A_594 : i32 to index
          %get3A_596 = arith.index_cast %add3A_591 : i32 to index
          %get3A_597 = arith.index_cast %mul3A_593 : i32 to index
          %get3A_598 = tpu.vector_load %arg8[%get3A_595, %get3A_596, %get3A_597] {strides = array<i32>} : memref<4x112x128xi32, #tpu.memory_space<vmem>>, vector<16xi32>,
          %bitcast3A_599 = vector.bitcast %get3A_598 : vector<16xi32> to vector<32xbf16>
          %add3A_600 = arith.constant 80 : i32
          %add3A_601 = arith.addi %add3A_600, %scan3A_400 : i32
          %mul3A_602 = arith.constant 16 : i32
          %mul3A_603 = arith.muli %scan3A_390, %mul3A_602 : i32
          %get3A_604 = arith.constant 2 : i32
          %get3A_605 = arith.index_cast %get3A_604 : i32 to index
          %get3A_606 = arith.index_cast %add3A_601 : i32 to index
          %get3A_607 = arith.index_cast %mul3A_603 : i32 to index
          %get3A_608 = tpu.vector_load %arg8[%get3A_605, %get3A_606, %get3A_607] {strides = array<i32>} : memref<4x112x128xi32, #tpu.memory_space<vmem>>, vector<16xi32>,
          %bitcast3A_609 = vector.bitcast %get3A_608 : vector<16xi32> to vector<32xbf16>
          %add3A_610 = arith.constant 84 : i32
          %add3A_611 = arith.addi %add3A_610, %scan3A_400 : i32
          %mul3A_612 = arith.constant 16 : i32
          %mul3A_613 = arith.muli %scan3A_390, %mul3A_612 : i32
          %get3A_614 = arith.constant 2 : i32
          %get3A_615 = arith.index_cast %get3A_614 : i32 to index
          %get3A_616 = arith.index_cast %add3A_611 : i32 to index
          %get3A_617 = arith.index_cast %mul3A_613 : i32 to index
          %get3A_618 = tpu.vector_load %arg8[%get3A_615, %get3A_616, %get3A_617] {strides = array<i32>} : memref<4x112x128xi32, #tpu.memory_space<vmem>>, vector<16xi32>,
          %bitcast3A_619 = vector.bitcast %get3A_618 : vector<16xi32> to vector<32xbf16>
          %add3A_620 = arith.constant 88 : i32
          %add3A_621 = arith.addi %add3A_620, %scan3A_400 : i32
          %mul3A_622 = arith.constant 16 : i32
          %mul3A_623 = arith.muli %scan3A_390, %mul3A_622 : i32
          %get3A_624 = arith.constant 2 : i32
          %get3A_625 = arith.index_cast %get3A_624 : i32 to index
          %get3A_626 = arith.index_cast %add3A_621 : i32 to index
          %get3A_627 = arith.index_cast %mul3A_623 : i32 to index
          %get3A_628 = tpu.vector_load %arg8[%get3A_625, %get3A_626, %get3A_627] {strides = array<i32>} : memref<4x112x128xi32, #tpu.memory_space<vmem>>, vector<16xi32>,
          %bitcast3A_629 = vector.bitcast %get3A_628 : vector<16xi32> to vector<32xbf16>
          %add3A_630 = arith.constant 92 : i32
          %add3A_631 = arith.addi %add3A_630, %scan3A_400 : i32
          %mul3A_632 = arith.constant 16 : i32
          %mul3A_633 = arith.muli %scan3A_390, %mul3A_632 : i32
          %get3A_634 = arith.constant 2 : i32
          %get3A_635 = arith.index_cast %get3A_634 : i32 to index
          %get3A_636 = arith.index_cast %add3A_631 : i32 to index
          %get3A_637 = arith.index_cast %mul3A_633 : i32 to index
          %get3A_638 = tpu.vector_load %arg8[%get3A_635, %get3A_636, %get3A_637] {strides = array<i32>} : memref<4x112x128xi32, #tpu.memory_space<vmem>>, vector<16xi32>,
          %bitcast3A_639 = vector.bitcast %get3A_638 : vector<16xi32> to vector<32xbf16>
          %add3A_640 = arith.constant 96 : i32
          %add3A_641 = arith.addi %add3A_640, %scan3A_400 : i32
          %mul3A_642 = arith.constant 16 : i32
          %mul3A_643 = arith.muli %scan3A_390, %mul3A_642 : i32
          %get3A_644 = arith.constant 2 : i32
          %get3A_645 = arith.index_cast %get3A_644 : i32 to index
          %get3A_646 = arith.index_cast %add3A_641 : i32 to index
          %get3A_647 = arith.index_cast %mul3A_643 : i32 to index
          %get3A_648 = tpu.vector_load %arg8[%get3A_645, %get3A_646, %get3A_647] {strides = array<i32>} : memref<4x112x128xi32, #tpu.memory_space<vmem>>, vector<16xi32>,
          %bitcast3A_649 = vector.bitcast %get3A_648 : vector<16xi32> to vector<32xbf16>
          %add3A_650 = arith.constant 100 : i32
          %add3A_651 = arith.addi %add3A_650, %scan3A_400 : i32
          %mul3A_652 = arith.constant 16 : i32
          %mul3A_653 = arith.muli %scan3A_390, %mul3A_652 : i32
          %get3A_654 = arith.constant 2 : i32
          %get3A_655 = arith.index_cast %get3A_654 : i32 to index
          %get3A_656 = arith.index_cast %add3A_651 : i32 to index
          %get3A_657 = arith.index_cast %mul3A_653 : i32 to index
          %get3A_658 = tpu.vector_load %arg8[%get3A_655, %get3A_656, %get3A_657] {strides = array<i32>} : memref<4x112x128xi32, #tpu.memory_space<vmem>>, vector<16xi32>,
          %bitcast3A_659 = vector.bitcast %get3A_658 : vector<16xi32> to vector<32xbf16>
          %add3A_660 = arith.constant 104 : i32
          %add3A_661 = arith.addi %add3A_660, %scan3A_400 : i32
          %mul3A_662 = arith.constant 16 : i32
          %mul3A_663 = arith.muli %scan3A_390, %mul3A_662 : i32
          %get3A_664 = arith.constant 2 : i32
          %get3A_665 = arith.index_cast %get3A_664 : i32 to index
          %get3A_666 = arith.index_cast %add3A_661 : i32 to index
          %get3A_667 = arith.index_cast %mul3A_663 : i32 to index
          %get3A_668 = tpu.vector_load %arg8[%get3A_665, %get3A_666, %get3A_667] {strides = array<i32>} : memref<4x112x128xi32, #tpu.memory_space<vmem>>, vector<16xi32>,
          %bitcast3A_669 = vector.bitcast %get3A_668 : vector<16xi32> to vector<32xbf16>
          %add3A_670 = arith.addf %bitcast3A, %bitcast3A_419 : vector<32xbf16>
          %add3A_671 = arith.addf %bitcast3A_429, %bitcast3A_439 : vector<32xbf16>
          %add3A_672 = arith.addf %bitcast3A_449, %bitcast3A_459 : vector<32xbf16>
          %add3A_673 = arith.addf %bitcast3A_469, %bitcast3A_479 : vector<32xbf16>
          %add3A_674 = arith.addf %bitcast3A_489, %bitcast3A_499 : vector<32xbf16>
          %add3A_675 = arith.addf %bitcast3A_509, %bitcast3A_519 : vector<32xbf16>
          %add3A_676 = arith.addf %bitcast3A_529, %bitcast3A_539 : vector<32xbf16>
          %add3A_677 = arith.addf %bitcast3A_549, %bitcast3A_559 : vector<32xbf16>
          %add3A_678 = arith.addf %bitcast3A_569, %bitcast3A_579 : vector<32xbf16>
          %add3A_679 = arith.addf %bitcast3A_589, %bitcast3A_599 : vector<32xbf16>
          %add3A_680 = arith.addf %bitcast3A_609, %bitcast3A_619 : vector<32xbf16>
          %add3A_681 = arith.addf %bitcast3A_629, %bitcast3A_639 : vector<32xbf16>
          %add3A_682 = arith.addf %bitcast3A_649, %bitcast3A_659 : vector<32xbf16>
          %add3A_683 = arith.addf %add3A_670, %add3A_671 : vector<32xbf16>
          %add3A_684 = arith.addf %add3A_672, %add3A_673 : vector<32xbf16>
          %add3A_685 = arith.addf %add3A_674, %add3A_675 : vector<32xbf16>
          %add3A_686 = arith.addf %add3A_676, %add3A_677 : vector<32xbf16>
          %add3A_687 = arith.addf %add3A_678, %add3A_679 : vector<32xbf16>
          %add3A_688 = arith.addf %add3A_680, %add3A_681 : vector<32xbf16>
          %add3A_689 = arith.addf %add3A_682, %bitcast3A_669 : vector<32xbf16>
          %add3A_690 = arith.addf %add3A_683, %add3A_684 : vector<32xbf16>
          %add3A_691 = arith.addf %add3A_685, %add3A_686 : vector<32xbf16>
          %add3A_692 = arith.addf %add3A_687, %add3A_688 : vector<32xbf16>
          %add3A_693 = arith.addf %add3A_690, %add3A_691 : vector<32xbf16>
          %add3A_694 = arith.addf %add3A_692, %add3A_689 : vector<32xbf16>
          %add3A_695 = arith.addf %add3A_693, %add3A_694 : vector<32xbf16>
          %unpack3A = tpu.unpack_subelements %add3A_695, 0 {pack_format = #tpu.pack_format<interleaved>} : vector<32xbf16> -> vector<16xf32>
          %unpack3A_696 = tpu.unpack_subelements %add3A_695, 1 {pack_format = #tpu.pack_format<interleaved>} : vector<32xbf16> -> vector<16xf32>
          %mul3A_697 = arith.constant 16 : i32
          %mul3A_698 = arith.muli %scan3A_390, %mul3A_697 : i32
          %swap3A = arith.constant 2 : i32
          %swap3A_699 = arith.index_cast %swap3A : i32 to index
          %swap3A_700 = arith.index_cast %scan3A_400 : i32 to index
          %swap3A_701 = arith.index_cast %mul3A_698 : i32 to index
          %swap3A_702 = tpu.vector_load %arg9[%swap3A_699, %swap3A_700, %swap3A_701] {strides = array<i32>} : memref<4x4x256xf32, #tpu.memory_space<vmem>>, vector<16xf32>,
          tpu.vector_store %arg9[%swap3A_699, %swap3A_700, %swap3A_701], %unpack3A {strides = array<i32>} : memref<4x4x256xf32, #tpu.memory_space<vmem>>, vector<16xf32>,
          %mul3A_703 = arith.constant 16 : i32
          %mul3A_704 = arith.muli %scan3A_390, %mul3A_703 : i32
          %add3A_705 = arith.constant 128 : i32
          %add3A_706 = arith.addi %add3A_705, %mul3A_704 : i32
          %swap3A_707 = arith.constant 2 : i32
          %swap3A_708 = arith.index_cast %swap3A_707 : i32 to index
          %swap3A_709 = arith.index_cast %scan3A_400 : i32 to index
          %swap3A_710 = arith.index_cast %add3A_706 : i32 to index
          %swap3A_711 = tpu.vector_load %arg9[%swap3A_708, %swap3A_709, %swap3A_710] {strides = array<i32>} : memref<4x4x256xf32, #tpu.memory_space<vmem>>, vector<16xf32>,
          tpu.vector_store %arg9[%swap3A_708, %swap3A_709, %swap3A_710], %unpack3A_696 {strides = array<i32>} : memref<4x4x256xf32, #tpu.memory_space<vmem>>, vector<16xf32>,
          %scan3A_712 = arith.constant 0 : i32
          scf.yield %scan3A_712 : i32
        }
        %scan3A_398 = arith.constant 4 : i32
        %scan3A_399 = arith.constant 0 : i32
        scf.yield %scan3A_399 : i32
      }
      %scan3A_306 = arith.constant 8 : i32
      %lt3A_307 = arith.constant 19 : i32
      %lt3A_308 = arith.cmpi slt, %scan3A_159, %lt3A_307 : i32
      %convert_element_type3A_309 = arith.extui %lt3A_308 : i1 to i32
      %cond3A_310 = arith.constant 0 : i32
      %cond3A_311 = arith.cmpi ne, %convert_element_type3A_309, %cond3A_310 : i32
      scf.if %cond3A_311 {
        %add3A_390 = arith.constant 4 : i32
        %add3A_391 = arith.addi %add3A_276, %add3A_390 : i32
        %mul3A_392 = arith.constant 112 : i32
        %mul3A_393 = arith.muli %add3A_391, %mul3A_392 : i32
        %dma_start3A_394 = arith.constant 2 : i32
        %dma_start3A_395 = arith.constant 2 : i32
        %dma_start3A_396 = arith.constant 0 : i32
        %dma_start3A_397 = arith.constant 0 : i32
        %dma_start3A_398 = tpu.memref_slice %arg8[%dma_start3A_394, %dma_start3A_396, %dma_start3A_397] : memref<4x112x128xi32, #tpu.memory_space<vmem>> -> memref<1x112x128xi32, #tpu.memory_space<vmem>>
        %dma_start3A_399 = tpu.memref_squeeze %dma_start3A_398 : memref<1x112x128xi32, #tpu.memory_space<vmem>> -> memref<112x128xi32, #tpu.memory_space<vmem>>
        %dma_start3A_400 = tpu.memref_slice %arg7[%mul3A_393] : memref<8960xi32, #tpu.memory_space<vmem>> -> memref<112xi32, #tpu.memory_space<vmem>>
        %dma_start3A_401 = arith.constant 0 : i32
        %dma_start3A_402 = arith.constant 0 : i32
        %dma_start3A_403 = tpu.memref_slice %arg2[%dma_start3A_401, %dma_start3A_402] : memref<276480x128xi32, #tpu.memory_space<hbm>> -> memref<276480x128xi32, #tpu.memory_space<hbm>>
        %dma_start3A_404 = tpu.memref_slice %arg10[%dma_start3A_395] : memref<4x!tpu.dma_semaphore, #tpu.memory_space<semaphore_mem>> -> memref<1x!tpu.dma_semaphore, #tpu.memory_space<semaphore_mem>>
        %dma_start3A_405 = tpu.memref_squeeze %dma_start3A_404 : memref<1x!tpu.dma_semaphore, #tpu.memory_space<semaphore_mem>> -> memref<!tpu.dma_semaphore, #tpu.memory_space<semaphore_mem>>
        tpu.enqueue_indirect_dma source(%dma_start3A_403 : memref<276480x128xi32, #tpu.memory_space<hbm>>) target(%dma_start3A_399 : memref<112x128xi32, #tpu.memory_space<vmem>>) offsets(%dma_start3A_400 : memref<112xi32, #tpu.memory_space<vmem>>) semaphore(%dma_start3A_405 : memref<!tpu.dma_semaphore, #tpu.memory_space<semaphore_mem>>)
      } else {
      }
      %mul3A_312 = arith.constant 4 : i32
      %mul3A_313 = arith.muli %add3A_276, %mul3A_312 : i32
      %add3A_314 = arith.addi %mul3A_2, %mul3A_313 : i32
      %dma_start3A_315 = arith.constant 2 : i32
      %dma_start3A_316 = arith.constant 2 : i32
      %dma_start3A_317 = arith.constant 0 : i32
      %dma_start3A_318 = arith.constant 0 : i32
      %dma_start3A_319 = tpu.memref_slice %arg9[%dma_start3A_315, %dma_start3A_317, %dma_start3A_318] : memref<4x4x256xf32, #tpu.memory_space<vmem>> -> memref<1x4x256xf32, #tpu.memory_space<vmem>>
      %dma_start3A_320 = tpu.memref_squeeze %dma_start3A_319 : memref<1x4x256xf32, #tpu.memory_space<vmem>> -> memref<4x256xf32, #tpu.memory_space<vmem>>
      %dma_start3A_321 = arith.constant 0 : i32
      %dma_start3A_322 = tpu.memref_slice %arg4[%add3A_314, %dma_start3A_321] : memref<10240x256xf32, #tpu.memory_space<hbm>> -> memref<4x256xf32, #tpu.memory_space<hbm>>
      %dma_start3A_323 = tpu.memref_slice %arg11[%dma_start3A_316] : memref<4x!tpu.dma_semaphore, #tpu.memory_space<semaphore_mem>> -> memref<1x!tpu.dma_semaphore, #tpu.memory_space<semaphore_mem>>
      %dma_start3A_324 = tpu.memref_squeeze %dma_start3A_323 : memref<1x!tpu.dma_semaphore, #tpu.memory_space<semaphore_mem>> -> memref<!tpu.dma_semaphore, #tpu.memory_space<semaphore_mem>>
      %dma_start3A_325 = arith.constant 0 : i32
      %dma_start3A_326 = tpu.memref_slice %arg4[%add3A_314, %dma_start3A_325] : memref<10240x256xf32, #tpu.memory_space<hbm>> -> memref<4x256xf32, #tpu.memory_space<hbm>>
      %dma_start3A_327 = arith.constant 0 : i32
      %dma_start3A_328 = arith.constant 0 : i32
      %dma_start3A_329 = tpu.memref_slice %arg9[%dma_start3A_315, %dma_start3A_327, %dma_start3A_328] : memref<4x4x256xf32, #tpu.memory_space<vmem>> -> memref<1x4x256xf32, #tpu.memory_space<vmem>>
      %dma_start3A_330 = tpu.memref_squeeze %dma_start3A_329 : memref<1x4x256xf32, #tpu.memory_space<vmem>> -> memref<4x256xf32, #tpu.memory_space<vmem>>
      tpu.enqueue_dma source(%dma_start3A_330 : memref<4x256xf32, #tpu.memory_space<vmem>>) target(%dma_start3A_326 : memref<4x256xf32, #tpu.memory_space<hbm>>) target_semaphore(%dma_start3A_324 : memref<!tpu.dma_semaphore, #tpu.memory_space<semaphore_mem>>)
      %mul3A_331 = arith.constant 4 : i32
      %mul3A_332 = arith.muli %scan3A_159, %mul3A_331 : i32
      %add3A_333 = arith.constant 3 : i32
      %add3A_334 = arith.addi %mul3A_332, %add3A_333 : i32
      %dma_wait3A_335 = arith.constant 3 : i32
      %dma_wait3A_336 = arith.constant 3 : i32
      %dma_wait3A_337 = arith.constant 0 : i32
      %dma_wait3A_338 = arith.constant 0 : i32
      %dma_wait3A_339 = tpu.memref_slice %arg8[%dma_wait3A_335, %dma_wait3A_337, %dma_wait3A_338] : memref<4x112x128xi32, #tpu.memory_space<vmem>> -> memref<1x112x128xi32, #tpu.memory_space<vmem>>
      %dma_wait3A_340 = tpu.memref_squeeze %dma_wait3A_339 : memref<1x112x128xi32, #tpu.memory_space<vmem>> -> memref<112x128xi32, #tpu.memory_space<vmem>>
      %dma_wait3A_341 = arith.constant 0 : i32
      %dma_wait3A_342 = arith.constant 0 : i32
      %dma_wait3A_343 = tpu.memref_slice %arg2[%dma_wait3A_341, %dma_wait3A_342] : memref<276480x128xi32, #tpu.memory_space<hbm>> -> memref<112x128xi32, #tpu.memory_space<hbm>>
      %dma_wait3A_344 = tpu.memref_slice %arg10[%dma_wait3A_336] : memref<4x!tpu.dma_semaphore, #tpu.memory_space<semaphore_mem>> -> memref<1x!tpu.dma_semaphore, #tpu.memory_space<semaphore_mem>>
      %dma_wait3A_345 = tpu.memref_squeeze %dma_wait3A_344 : memref<1x!tpu.dma_semaphore, #tpu.memory_space<semaphore_mem>> -> memref<!tpu.dma_semaphore, #tpu.memory_space<semaphore_mem>>
      %dma_wait3A_346 = arith.constant 0 : i32
      %dma_wait3A_347 = arith.constant 0 : i32
      %dma_wait3A_348 = tpu.memref_slice %arg8[%dma_wait3A_335, %dma_wait3A_346, %dma_wait3A_347] : memref<4x112x128xi32, #tpu.memory_space<vmem>> -> memref<1x112x128xi32, #tpu.memory_space<vmem>>
      %dma_wait3A_349 = tpu.memref_squeeze %dma_wait3A_348 : memref<1x112x128xi32, #tpu.memory_space<vmem>> -> memref<112x128xi32, #tpu.memory_space<vmem>>
      %dma_wait3A_350 = arith.constant 0 : i32
      %dma_wait3A_351 = arith.constant 0 : i32
      %dma_wait3A_352 = tpu.memref_slice %arg2[%dma_wait3A_350, %dma_wait3A_351] : memref<276480x128xi32, #tpu.memory_space<hbm>> -> memref<112x128xi32, #tpu.memory_space<hbm>>
      tpu.wait_dma2 semaphore(%dma_wait3A_345 : memref<!tpu.dma_semaphore, #tpu.memory_space<semaphore_mem>>) src(%dma_wait3A_352 : memref<112x128xi32, #tpu.memory_space<hbm>>) dst(%dma_wait3A_349 : memref<112x128xi32, #tpu.memory_space<vmem>>)
      %gt3A_353 = arith.constant 0 : i32
      %gt3A_354 = arith.cmpi sgt, %scan3A_159, %gt3A_353 : i32
      %convert_element_type3A_355 = arith.extui %gt3A_354 : i1 to i32
      %cond3A_356 = arith.constant 0 : i32
      %cond3A_357 = arith.cmpi ne, %convert_element_type3A_355, %cond3A_356 : i32
      scf.if %cond3A_357 {
        %dma_wait3A_390 = arith.constant 3 : i32
        %dma_wait3A_391 = arith.constant 3 : i32
        %dma_wait3A_392 = arith.constant 0 : i32
        %dma_wait3A_393 = arith.constant 0 : i32
        %dma_wait3A_394 = tpu.memref_slice %arg9[%dma_wait3A_390, %dma_wait3A_392, %dma_wait3A_393] : memref<4x4x256xf32, #tpu.memory_space<vmem>> -> memref<1x4x256xf32, #tpu.memory_space<vmem>>
        %dma_wait3A_395 = tpu.memref_squeeze %dma_wait3A_394 : memref<1x4x256xf32, #tpu.memory_space<vmem>> -> memref<4x256xf32, #tpu.memory_space<vmem>>
        %dma_wait3A_396 = arith.constant 0 : i32
        %dma_wait3A_397 = arith.constant 0 : i32
        %dma_wait3A_398 = tpu.memref_slice %arg2[%dma_wait3A_396, %dma_wait3A_397] : memref<276480x128xi32, #tpu.memory_space<hbm>> -> memref<4x128xi32, #tpu.memory_space<hbm>>
        %dma_wait3A_399 = tpu.memref_slice %arg11[%dma_wait3A_391] : memref<4x!tpu.dma_semaphore, #tpu.memory_space<semaphore_mem>> -> memref<1x!tpu.dma_semaphore, #tpu.memory_space<semaphore_mem>>
        %dma_wait3A_400 = tpu.memref_squeeze %dma_wait3A_399 : memref<1x!tpu.dma_semaphore, #tpu.memory_space<semaphore_mem>> -> memref<!tpu.dma_semaphore, #tpu.memory_space<semaphore_mem>>
        %dma_wait3A_401 = arith.constant 0 : i32
        %dma_wait3A_402 = arith.constant 0 : i32
        %dma_wait3A_403 = tpu.memref_slice %arg9[%dma_wait3A_390, %dma_wait3A_401, %dma_wait3A_402] : memref<4x4x256xf32, #tpu.memory_space<vmem>> -> memref<1x4x256xf32, #tpu.memory_space<vmem>>
        %dma_wait3A_404 = tpu.memref_squeeze %dma_wait3A_403 : memref<1x4x256xf32, #tpu.memory_space<vmem>> -> memref<4x256xf32, #tpu.memory_space<vmem>>
        %dma_wait3A_405 = arith.constant 0 : i32
        %dma_wait3A_406 = arith.constant 0 : i32
        %dma_wait3A_407 = tpu.memref_slice %arg2[%dma_wait3A_405, %dma_wait3A_406] : memref<276480x128xi32, #tpu.memory_space<hbm>> -> memref<4x128xi32, #tpu.memory_space<hbm>>
        tpu.wait_dma2 semaphore(%dma_wait3A_400 : memref<!tpu.dma_semaphore, #tpu.memory_space<semaphore_mem>>) src(%dma_wait3A_407 : memref<4x128xi32, #tpu.memory_space<hbm>>) dst(%dma_wait3A_404 : memref<4x256xf32, #tpu.memory_space<vmem>>)
      } else {
      }
      %scan3A_358 = arith.constant 0 : i32
      %scan3A_359 = arith.constant 0 : i32
      %scan3A_360 = arith.constant 8 : i32
      %scan3A_361 = arith.addi %scan3A_359, %scan3A_360 : i32
      %scan3A_362 = arith.constant 1 : i32
      %scan3A_363 = scf.for %scan3A_390 = %scan3A_359 to %scan3A_361 step %scan3A_362 iter_args(%scan3A_391 = %scan3A_358) -> (i32)  : i32 {
        %scan3A_392 = arith.constant 0 : i32
        %scan3A_393 = arith.constant 0 : i32
        %scan3A_394 = arith.constant 4 : i32
        %scan3A_395 = arith.addi %scan3A_393, %scan3A_394 : i32
        %scan3A_396 = arith.constant 1 : i32
        %scan3A_397 = scf.for %scan3A_400 = %scan3A_393 to %scan3A_395 step %scan3A_396 iter_args(%scan3A_401 = %scan3A_392) -> (i32)  : i32 {
          %add3A_402 = arith.constant 0 : i32
          %add3A_403 = arith.addi %add3A_402, %scan3A_400 : i32
          %mul3A_404 = arith.constant 16 : i32
          %mul3A_405 = arith.muli %scan3A_390, %mul3A_404 : i32
          %get3A = arith.constant 3 : i32
          %get3A_406 = arith.index_cast %get3A : i32 to index
          %get3A_407 = arith.index_cast %add3A_403 : i32 to index
          %get3A_408 = arith.index_cast %mul3A_405 : i32 to index
          %get3A_409 = tpu.vector_load %arg8[%get3A_406, %get3A_407, %get3A_408] {strides = array<i32>} : memref<4x112x128xi32, #tpu.memory_space<vmem>>, vector<16xi32>,
          %bitcast3A = vector.bitcast %get3A_409 : vector<16xi32> to vector<32xbf16>
          %add3A_410 = arith.constant 4 : i32
          %add3A_411 = arith.addi %add3A_410, %scan3A_400 : i32
          %mul3A_412 = arith.constant 16 : i32
          %mul3A_413 = arith.muli %scan3A_390, %mul3A_412 : i32
          %get3A_414 = arith.constant 3 : i32
          %get3A_415 = arith.index_cast %get3A_414 : i32 to index
          %get3A_416 = arith.index_cast %add3A_411 : i32 to index
          %get3A_417 = arith.index_cast %mul3A_413 : i32 to index
          %get3A_418 = tpu.vector_load %arg8[%get3A_415, %get3A_416, %get3A_417] {strides = array<i32>} : memref<4x112x128xi32, #tpu.memory_space<vmem>>, vector<16xi32>,
          %bitcast3A_419 = vector.bitcast %get3A_418 : vector<16xi32> to vector<32xbf16>
          %add3A_420 = arith.constant 8 : i32
          %add3A_421 = arith.addi %add3A_420, %scan3A_400 : i32
          %mul3A_422 = arith.constant 16 : i32
          %mul3A_423 = arith.muli %scan3A_390, %mul3A_422 : i32
          %get3A_424 = arith.constant 3 : i32
          %get3A_425 = arith.index_cast %get3A_424 : i32 to index
          %get3A_426 = arith.index_cast %add3A_421 : i32 to index
          %get3A_427 = arith.index_cast %mul3A_423 : i32 to index
          %get3A_428 = tpu.vector_load %arg8[%get3A_425, %get3A_426, %get3A_427] {strides = array<i32>} : memref<4x112x128xi32, #tpu.memory_space<vmem>>, vector<16xi32>,
          %bitcast3A_429 = vector.bitcast %get3A_428 : vector<16xi32> to vector<32xbf16>
          %add3A_430 = arith.constant 12 : i32
          %add3A_431 = arith.addi %add3A_430, %scan3A_400 : i32
          %mul3A_432 = arith.constant 16 : i32
          %mul3A_433 = arith.muli %scan3A_390, %mul3A_432 : i32
          %get3A_434 = arith.constant 3 : i32
          %get3A_435 = arith.index_cast %get3A_434 : i32 to index
          %get3A_436 = arith.index_cast %add3A_431 : i32 to index
          %get3A_437 = arith.index_cast %mul3A_433 : i32 to index
          %get3A_438 = tpu.vector_load %arg8[%get3A_435, %get3A_436, %get3A_437] {strides = array<i32>} : memref<4x112x128xi32, #tpu.memory_space<vmem>>, vector<16xi32>,
          %bitcast3A_439 = vector.bitcast %get3A_438 : vector<16xi32> to vector<32xbf16>
          %add3A_440 = arith.constant 16 : i32
          %add3A_441 = arith.addi %add3A_440, %scan3A_400 : i32
          %mul3A_442 = arith.constant 16 : i32
          %mul3A_443 = arith.muli %scan3A_390, %mul3A_442 : i32
          %get3A_444 = arith.constant 3 : i32
          %get3A_445 = arith.index_cast %get3A_444 : i32 to index
          %get3A_446 = arith.index_cast %add3A_441 : i32 to index
          %get3A_447 = arith.index_cast %mul3A_443 : i32 to index
          %get3A_448 = tpu.vector_load %arg8[%get3A_445, %get3A_446, %get3A_447] {strides = array<i32>} : memref<4x112x128xi32, #tpu.memory_space<vmem>>, vector<16xi32>,
          %bitcast3A_449 = vector.bitcast %get3A_448 : vector<16xi32> to vector<32xbf16>
          %add3A_450 = arith.constant 20 : i32
          %add3A_451 = arith.addi %add3A_450, %scan3A_400 : i32
          %mul3A_452 = arith.constant 16 : i32
          %mul3A_453 = arith.muli %scan3A_390, %mul3A_452 : i32
          %get3A_454 = arith.constant 3 : i32
          %get3A_455 = arith.index_cast %get3A_454 : i32 to index
          %get3A_456 = arith.index_cast %add3A_451 : i32 to index
          %get3A_457 = arith.index_cast %mul3A_453 : i32 to index
          %get3A_458 = tpu.vector_load %arg8[%get3A_455, %get3A_456, %get3A_457] {strides = array<i32>} : memref<4x112x128xi32, #tpu.memory_space<vmem>>, vector<16xi32>,
          %bitcast3A_459 = vector.bitcast %get3A_458 : vector<16xi32> to vector<32xbf16>
          %add3A_460 = arith.constant 24 : i32
          %add3A_461 = arith.addi %add3A_460, %scan3A_400 : i32
          %mul3A_462 = arith.constant 16 : i32
          %mul3A_463 = arith.muli %scan3A_390, %mul3A_462 : i32
          %get3A_464 = arith.constant 3 : i32
          %get3A_465 = arith.index_cast %get3A_464 : i32 to index
          %get3A_466 = arith.index_cast %add3A_461 : i32 to index
          %get3A_467 = arith.index_cast %mul3A_463 : i32 to index
          %get3A_468 = tpu.vector_load %arg8[%get3A_465, %get3A_466, %get3A_467] {strides = array<i32>} : memref<4x112x128xi32, #tpu.memory_space<vmem>>, vector<16xi32>,
          %bitcast3A_469 = vector.bitcast %get3A_468 : vector<16xi32> to vector<32xbf16>
          %add3A_470 = arith.constant 28 : i32
          %add3A_471 = arith.addi %add3A_470, %scan3A_400 : i32
          %mul3A_472 = arith.constant 16 : i32
          %mul3A_473 = arith.muli %scan3A_390, %mul3A_472 : i32
          %get3A_474 = arith.constant 3 : i32
          %get3A_475 = arith.index_cast %get3A_474 : i32 to index
          %get3A_476 = arith.index_cast %add3A_471 : i32 to index
          %get3A_477 = arith.index_cast %mul3A_473 : i32 to index
          %get3A_478 = tpu.vector_load %arg8[%get3A_475, %get3A_476, %get3A_477] {strides = array<i32>} : memref<4x112x128xi32, #tpu.memory_space<vmem>>, vector<16xi32>,
          %bitcast3A_479 = vector.bitcast %get3A_478 : vector<16xi32> to vector<32xbf16>
          %add3A_480 = arith.constant 32 : i32
          %add3A_481 = arith.addi %add3A_480, %scan3A_400 : i32
          %mul3A_482 = arith.constant 16 : i32
          %mul3A_483 = arith.muli %scan3A_390, %mul3A_482 : i32
          %get3A_484 = arith.constant 3 : i32
          %get3A_485 = arith.index_cast %get3A_484 : i32 to index
          %get3A_486 = arith.index_cast %add3A_481 : i32 to index
          %get3A_487 = arith.index_cast %mul3A_483 : i32 to index
          %get3A_488 = tpu.vector_load %arg8[%get3A_485, %get3A_486, %get3A_487] {strides = array<i32>} : memref<4x112x128xi32, #tpu.memory_space<vmem>>, vector<16xi32>,
          %bitcast3A_489 = vector.bitcast %get3A_488 : vector<16xi32> to vector<32xbf16>
          %add3A_490 = arith.constant 36 : i32
          %add3A_491 = arith.addi %add3A_490, %scan3A_400 : i32
          %mul3A_492 = arith.constant 16 : i32
          %mul3A_493 = arith.muli %scan3A_390, %mul3A_492 : i32
          %get3A_494 = arith.constant 3 : i32
          %get3A_495 = arith.index_cast %get3A_494 : i32 to index
          %get3A_496 = arith.index_cast %add3A_491 : i32 to index
          %get3A_497 = arith.index_cast %mul3A_493 : i32 to index
          %get3A_498 = tpu.vector_load %arg8[%get3A_495, %get3A_496, %get3A_497] {strides = array<i32>} : memref<4x112x128xi32, #tpu.memory_space<vmem>>, vector<16xi32>,
          %bitcast3A_499 = vector.bitcast %get3A_498 : vector<16xi32> to vector<32xbf16>
          %add3A_500 = arith.constant 40 : i32
          %add3A_501 = arith.addi %add3A_500, %scan3A_400 : i32
          %mul3A_502 = arith.constant 16 : i32
          %mul3A_503 = arith.muli %scan3A_390, %mul3A_502 : i32
          %get3A_504 = arith.constant 3 : i32
          %get3A_505 = arith.index_cast %get3A_504 : i32 to index
          %get3A_506 = arith.index_cast %add3A_501 : i32 to index
          %get3A_507 = arith.index_cast %mul3A_503 : i32 to index
          %get3A_508 = tpu.vector_load %arg8[%get3A_505, %get3A_506, %get3A_507] {strides = array<i32>} : memref<4x112x128xi32, #tpu.memory_space<vmem>>, vector<16xi32>,
          %bitcast3A_509 = vector.bitcast %get3A_508 : vector<16xi32> to vector<32xbf16>
          %add3A_510 = arith.constant 44 : i32
          %add3A_511 = arith.addi %add3A_510, %scan3A_400 : i32
          %mul3A_512 = arith.constant 16 : i32
          %mul3A_513 = arith.muli %scan3A_390, %mul3A_512 : i32
          %get3A_514 = arith.constant 3 : i32
          %get3A_515 = arith.index_cast %get3A_514 : i32 to index
          %get3A_516 = arith.index_cast %add3A_511 : i32 to index
          %get3A_517 = arith.index_cast %mul3A_513 : i32 to index
          %get3A_518 = tpu.vector_load %arg8[%get3A_515, %get3A_516, %get3A_517] {strides = array<i32>} : memref<4x112x128xi32, #tpu.memory_space<vmem>>, vector<16xi32>,
          %bitcast3A_519 = vector.bitcast %get3A_518 : vector<16xi32> to vector<32xbf16>
          %add3A_520 = arith.constant 48 : i32
          %add3A_521 = arith.addi %add3A_520, %scan3A_400 : i32
          %mul3A_522 = arith.constant 16 : i32
          %mul3A_523 = arith.muli %scan3A_390, %mul3A_522 : i32
          %get3A_524 = arith.constant 3 : i32
          %get3A_525 = arith.index_cast %get3A_524 : i32 to index
          %get3A_526 = arith.index_cast %add3A_521 : i32 to index
          %get3A_527 = arith.index_cast %mul3A_523 : i32 to index
          %get3A_528 = tpu.vector_load %arg8[%get3A_525, %get3A_526, %get3A_527] {strides = array<i32>} : memref<4x112x128xi32, #tpu.memory_space<vmem>>, vector<16xi32>,
          %bitcast3A_529 = vector.bitcast %get3A_528 : vector<16xi32> to vector<32xbf16>
          %add3A_530 = arith.constant 52 : i32
          %add3A_531 = arith.addi %add3A_530, %scan3A_400 : i32
          %mul3A_532 = arith.constant 16 : i32
          %mul3A_533 = arith.muli %scan3A_390, %mul3A_532 : i32
          %get3A_534 = arith.constant 3 : i32
          %get3A_535 = arith.index_cast %get3A_534 : i32 to index
          %get3A_536 = arith.index_cast %add3A_531 : i32 to index
          %get3A_537 = arith.index_cast %mul3A_533 : i32 to index
          %get3A_538 = tpu.vector_load %arg8[%get3A_535, %get3A_536, %get3A_537] {strides = array<i32>} : memref<4x112x128xi32, #tpu.memory_space<vmem>>, vector<16xi32>,
          %bitcast3A_539 = vector.bitcast %get3A_538 : vector<16xi32> to vector<32xbf16>
          %add3A_540 = arith.constant 56 : i32
          %add3A_541 = arith.addi %add3A_540, %scan3A_400 : i32
          %mul3A_542 = arith.constant 16 : i32
          %mul3A_543 = arith.muli %scan3A_390, %mul3A_542 : i32
          %get3A_544 = arith.constant 3 : i32
          %get3A_545 = arith.index_cast %get3A_544 : i32 to index
          %get3A_546 = arith.index_cast %add3A_541 : i32 to index
          %get3A_547 = arith.index_cast %mul3A_543 : i32 to index
          %get3A_548 = tpu.vector_load %arg8[%get3A_545, %get3A_546, %get3A_547] {strides = array<i32>} : memref<4x112x128xi32, #tpu.memory_space<vmem>>, vector<16xi32>,
          %bitcast3A_549 = vector.bitcast %get3A_548 : vector<16xi32> to vector<32xbf16>
          %add3A_550 = arith.constant 60 : i32
          %add3A_551 = arith.addi %add3A_550, %scan3A_400 : i32
          %mul3A_552 = arith.constant 16 : i32
          %mul3A_553 = arith.muli %scan3A_390, %mul3A_552 : i32
          %get3A_554 = arith.constant 3 : i32
          %get3A_555 = arith.index_cast %get3A_554 : i32 to index
          %get3A_556 = arith.index_cast %add3A_551 : i32 to index
          %get3A_557 = arith.index_cast %mul3A_553 : i32 to index
          %get3A_558 = tpu.vector_load %arg8[%get3A_555, %get3A_556, %get3A_557] {strides = array<i32>} : memref<4x112x128xi32, #tpu.memory_space<vmem>>, vector<16xi32>,
          %bitcast3A_559 = vector.bitcast %get3A_558 : vector<16xi32> to vector<32xbf16>
          %add3A_560 = arith.constant 64 : i32
          %add3A_561 = arith.addi %add3A_560, %scan3A_400 : i32
          %mul3A_562 = arith.constant 16 : i32
          %mul3A_563 = arith.muli %scan3A_390, %mul3A_562 : i32
          %get3A_564 = arith.constant 3 : i32
          %get3A_565 = arith.index_cast %get3A_564 : i32 to index
          %get3A_566 = arith.index_cast %add3A_561 : i32 to index
          %get3A_567 = arith.index_cast %mul3A_563 : i32 to index
          %get3A_568 = tpu.vector_load %arg8[%get3A_565, %get3A_566, %get3A_567] {strides = array<i32>} : memref<4x112x128xi32, #tpu.memory_space<vmem>>, vector<16xi32>,
          %bitcast3A_569 = vector.bitcast %get3A_568 : vector<16xi32> to vector<32xbf16>
          %add3A_570 = arith.constant 68 : i32
          %add3A_571 = arith.addi %add3A_570, %scan3A_400 : i32
          %mul3A_572 = arith.constant 16 : i32
          %mul3A_573 = arith.muli %scan3A_390, %mul3A_572 : i32
          %get3A_574 = arith.constant 3 : i32
          %get3A_575 = arith.index_cast %get3A_574 : i32 to index
          %get3A_576 = arith.index_cast %add3A_571 : i32 to index
          %get3A_577 = arith.index_cast %mul3A_573 : i32 to index
          %get3A_578 = tpu.vector_load %arg8[%get3A_575, %get3A_576, %get3A_577] {strides = array<i32>} : memref<4x112x128xi32, #tpu.memory_space<vmem>>, vector<16xi32>,
          %bitcast3A_579 = vector.bitcast %get3A_578 : vector<16xi32> to vector<32xbf16>
          %add3A_580 = arith.constant 72 : i32
          %add3A_581 = arith.addi %add3A_580, %scan3A_400 : i32
          %mul3A_582 = arith.constant 16 : i32
          %mul3A_583 = arith.muli %scan3A_390, %mul3A_582 : i32
          %get3A_584 = arith.constant 3 : i32
          %get3A_585 = arith.index_cast %get3A_584 : i32 to index
          %get3A_586 = arith.index_cast %add3A_581 : i32 to index
          %get3A_587 = arith.index_cast %mul3A_583 : i32 to index
          %get3A_588 = tpu.vector_load %arg8[%get3A_585, %get3A_586, %get3A_587] {strides = array<i32>} : memref<4x112x128xi32, #tpu.memory_space<vmem>>, vector<16xi32>,
          %bitcast3A_589 = vector.bitcast %get3A_588 : vector<16xi32> to vector<32xbf16>
          %add3A_590 = arith.constant 76 : i32
          %add3A_591 = arith.addi %add3A_590, %scan3A_400 : i32
          %mul3A_592 = arith.constant 16 : i32
          %mul3A_593 = arith.muli %scan3A_390, %mul3A_592 : i32
          %get3A_594 = arith.constant 3 : i32
          %get3A_595 = arith.index_cast %get3A_594 : i32 to index
          %get3A_596 = arith.index_cast %add3A_591 : i32 to index
          %get3A_597 = arith.index_cast %mul3A_593 : i32 to index
          %get3A_598 = tpu.vector_load %arg8[%get3A_595, %get3A_596, %get3A_597] {strides = array<i32>} : memref<4x112x128xi32, #tpu.memory_space<vmem>>, vector<16xi32>,
          %bitcast3A_599 = vector.bitcast %get3A_598 : vector<16xi32> to vector<32xbf16>
          %add3A_600 = arith.constant 80 : i32
          %add3A_601 = arith.addi %add3A_600, %scan3A_400 : i32
          %mul3A_602 = arith.constant 16 : i32
          %mul3A_603 = arith.muli %scan3A_390, %mul3A_602 : i32
          %get3A_604 = arith.constant 3 : i32
          %get3A_605 = arith.index_cast %get3A_604 : i32 to index
          %get3A_606 = arith.index_cast %add3A_601 : i32 to index
          %get3A_607 = arith.index_cast %mul3A_603 : i32 to index
          %get3A_608 = tpu.vector_load %arg8[%get3A_605, %get3A_606, %get3A_607] {strides = array<i32>} : memref<4x112x128xi32, #tpu.memory_space<vmem>>, vector<16xi32>,
          %bitcast3A_609 = vector.bitcast %get3A_608 : vector<16xi32> to vector<32xbf16>
          %add3A_610 = arith.constant 84 : i32
          %add3A_611 = arith.addi %add3A_610, %scan3A_400 : i32
          %mul3A_612 = arith.constant 16 : i32
          %mul3A_613 = arith.muli %scan3A_390, %mul3A_612 : i32
          %get3A_614 = arith.constant 3 : i32
          %get3A_615 = arith.index_cast %get3A_614 : i32 to index
          %get3A_616 = arith.index_cast %add3A_611 : i32 to index
          %get3A_617 = arith.index_cast %mul3A_613 : i32 to index
          %get3A_618 = tpu.vector_load %arg8[%get3A_615, %get3A_616, %get3A_617] {strides = array<i32>} : memref<4x112x128xi32, #tpu.memory_space<vmem>>, vector<16xi32>,
          %bitcast3A_619 = vector.bitcast %get3A_618 : vector<16xi32> to vector<32xbf16>
          %add3A_620 = arith.constant 88 : i32
          %add3A_621 = arith.addi %add3A_620, %scan3A_400 : i32
          %mul3A_622 = arith.constant 16 : i32
          %mul3A_623 = arith.muli %scan3A_390, %mul3A_622 : i32
          %get3A_624 = arith.constant 3 : i32
          %get3A_625 = arith.index_cast %get3A_624 : i32 to index
          %get3A_626 = arith.index_cast %add3A_621 : i32 to index
          %get3A_627 = arith.index_cast %mul3A_623 : i32 to index
          %get3A_628 = tpu.vector_load %arg8[%get3A_625, %get3A_626, %get3A_627] {strides = array<i32>} : memref<4x112x128xi32, #tpu.memory_space<vmem>>, vector<16xi32>,
          %bitcast3A_629 = vector.bitcast %get3A_628 : vector<16xi32> to vector<32xbf16>
          %add3A_630 = arith.constant 92 : i32
          %add3A_631 = arith.addi %add3A_630, %scan3A_400 : i32
          %mul3A_632 = arith.constant 16 : i32
          %mul3A_633 = arith.muli %scan3A_390, %mul3A_632 : i32
          %get3A_634 = arith.constant 3 : i32
          %get3A_635 = arith.index_cast %get3A_634 : i32 to index
          %get3A_636 = arith.index_cast %add3A_631 : i32 to index
          %get3A_637 = arith.index_cast %mul3A_633 : i32 to index
          %get3A_638 = tpu.vector_load %arg8[%get3A_635, %get3A_636, %get3A_637] {strides = array<i32>} : memref<4x112x128xi32, #tpu.memory_space<vmem>>, vector<16xi32>,
          %bitcast3A_639 = vector.bitcast %get3A_638 : vector<16xi32> to vector<32xbf16>
          %add3A_640 = arith.constant 96 : i32
          %add3A_641 = arith.addi %add3A_640, %scan3A_400 : i32
          %mul3A_642 = arith.constant 16 : i32
          %mul3A_643 = arith.muli %scan3A_390, %mul3A_642 : i32
          %get3A_644 = arith.constant 3 : i32
          %get3A_645 = arith.index_cast %get3A_644 : i32 to index
          %get3A_646 = arith.index_cast %add3A_641 : i32 to index
          %get3A_647 = arith.index_cast %mul3A_643 : i32 to index
          %get3A_648 = tpu.vector_load %arg8[%get3A_645, %get3A_646, %get3A_647] {strides = array<i32>} : memref<4x112x128xi32, #tpu.memory_space<vmem>>, vector<16xi32>,
          %bitcast3A_649 = vector.bitcast %get3A_648 : vector<16xi32> to vector<32xbf16>
          %add3A_650 = arith.constant 100 : i32
          %add3A_651 = arith.addi %add3A_650, %scan3A_400 : i32
          %mul3A_652 = arith.constant 16 : i32
          %mul3A_653 = arith.muli %scan3A_390, %mul3A_652 : i32
          %get3A_654 = arith.constant 3 : i32
          %get3A_655 = arith.index_cast %get3A_654 : i32 to index
          %get3A_656 = arith.index_cast %add3A_651 : i32 to index
          %get3A_657 = arith.index_cast %mul3A_653 : i32 to index
          %get3A_658 = tpu.vector_load %arg8[%get3A_655, %get3A_656, %get3A_657] {strides = array<i32>} : memref<4x112x128xi32, #tpu.memory_space<vmem>>, vector<16xi32>,
          %bitcast3A_659 = vector.bitcast %get3A_658 : vector<16xi32> to vector<32xbf16>
          %add3A_660 = arith.constant 104 : i32
          %add3A_661 = arith.addi %add3A_660, %scan3A_400 : i32
          %mul3A_662 = arith.constant 16 : i32
          %mul3A_663 = arith.muli %scan3A_390, %mul3A_662 : i32
          %get3A_664 = arith.constant 3 : i32
          %get3A_665 = arith.index_cast %get3A_664 : i32 to index
          %get3A_666 = arith.index_cast %add3A_661 : i32 to index
          %get3A_667 = arith.index_cast %mul3A_663 : i32 to index
          %get3A_668 = tpu.vector_load %arg8[%get3A_665, %get3A_666, %get3A_667] {strides = array<i32>} : memref<4x112x128xi32, #tpu.memory_space<vmem>>, vector<16xi32>,
          %bitcast3A_669 = vector.bitcast %get3A_668 : vector<16xi32> to vector<32xbf16>
          %add3A_670 = arith.addf %bitcast3A, %bitcast3A_419 : vector<32xbf16>
          %add3A_671 = arith.addf %bitcast3A_429, %bitcast3A_439 : vector<32xbf16>
          %add3A_672 = arith.addf %bitcast3A_449, %bitcast3A_459 : vector<32xbf16>
          %add3A_673 = arith.addf %bitcast3A_469, %bitcast3A_479 : vector<32xbf16>
          %add3A_674 = arith.addf %bitcast3A_489, %bitcast3A_499 : vector<32xbf16>
          %add3A_675 = arith.addf %bitcast3A_509, %bitcast3A_519 : vector<32xbf16>
          %add3A_676 = arith.addf %bitcast3A_529, %bitcast3A_539 : vector<32xbf16>
          %add3A_677 = arith.addf %bitcast3A_549, %bitcast3A_559 : vector<32xbf16>
          %add3A_678 = arith.addf %bitcast3A_569, %bitcast3A_579 : vector<32xbf16>
          %add3A_679 = arith.addf %bitcast3A_589, %bitcast3A_599 : vector<32xbf16>
          %add3A_680 = arith.addf %bitcast3A_609, %bitcast3A_619 : vector<32xbf16>
          %add3A_681 = arith.addf %bitcast3A_629, %bitcast3A_639 : vector<32xbf16>
          %add3A_682 = arith.addf %bitcast3A_649, %bitcast3A_659 : vector<32xbf16>
          %add3A_683 = arith.addf %add3A_670, %add3A_671 : vector<32xbf16>
          %add3A_684 = arith.addf %add3A_672, %add3A_673 : vector<32xbf16>
          %add3A_685 = arith.addf %add3A_674, %add3A_675 : vector<32xbf16>
          %add3A_686 = arith.addf %add3A_676, %add3A_677 : vector<32xbf16>
          %add3A_687 = arith.addf %add3A_678, %add3A_679 : vector<32xbf16>
          %add3A_688 = arith.addf %add3A_680, %add3A_681 : vector<32xbf16>
          %add3A_689 = arith.addf %add3A_682, %bitcast3A_669 : vector<32xbf16>
          %add3A_690 = arith.addf %add3A_683, %add3A_684 : vector<32xbf16>
          %add3A_691 = arith.addf %add3A_685, %add3A_686 : vector<32xbf16>
          %add3A_692 = arith.addf %add3A_687, %add3A_688 : vector<32xbf16>
          %add3A_693 = arith.addf %add3A_690, %add3A_691 : vector<32xbf16>
          %add3A_694 = arith.addf %add3A_692, %add3A_689 : vector<32xbf16>
          %add3A_695 = arith.addf %add3A_693, %add3A_694 : vector<32xbf16>
          %unpack3A = tpu.unpack_subelements %add3A_695, 0 {pack_format = #tpu.pack_format<interleaved>} : vector<32xbf16> -> vector<16xf32>
          %unpack3A_696 = tpu.unpack_subelements %add3A_695, 1 {pack_format = #tpu.pack_format<interleaved>} : vector<32xbf16> -> vector<16xf32>
          %mul3A_697 = arith.constant 16 : i32
          %mul3A_698 = arith.muli %scan3A_390, %mul3A_697 : i32
          %swap3A = arith.constant 3 : i32
          %swap3A_699 = arith.index_cast %swap3A : i32 to index
          %swap3A_700 = arith.index_cast %scan3A_400 : i32 to index
          %swap3A_701 = arith.index_cast %mul3A_698 : i32 to index
          %swap3A_702 = tpu.vector_load %arg9[%swap3A_699, %swap3A_700, %swap3A_701] {strides = array<i32>} : memref<4x4x256xf32, #tpu.memory_space<vmem>>, vector<16xf32>,
          tpu.vector_store %arg9[%swap3A_699, %swap3A_700, %swap3A_701], %unpack3A {strides = array<i32>} : memref<4x4x256xf32, #tpu.memory_space<vmem>>, vector<16xf32>,
          %mul3A_703 = arith.constant 16 : i32
          %mul3A_704 = arith.muli %scan3A_390, %mul3A_703 : i32
          %add3A_705 = arith.constant 128 : i32
          %add3A_706 = arith.addi %add3A_705, %mul3A_704 : i32
          %swap3A_707 = arith.constant 3 : i32
          %swap3A_708 = arith.index_cast %swap3A_707 : i32 to index
          %swap3A_709 = arith.index_cast %scan3A_400 : i32 to index
          %swap3A_710 = arith.index_cast %add3A_706 : i32 to index
          %swap3A_711 = tpu.vector_load %arg9[%swap3A_708, %swap3A_709, %swap3A_710] {strides = array<i32>} : memref<4x4x256xf32, #tpu.memory_space<vmem>>, vector<16xf32>,
          tpu.vector_store %arg9[%swap3A_708, %swap3A_709, %swap3A_710], %unpack3A_696 {strides = array<i32>} : memref<4x4x256xf32, #tpu.memory_space<vmem>>, vector<16xf32>,
          %scan3A_712 = arith.constant 0 : i32
          scf.yield %scan3A_712 : i32
        }
        %scan3A_398 = arith.constant 4 : i32
        %scan3A_399 = arith.constant 0 : i32
        scf.yield %scan3A_399 : i32
      }
      %scan3A_364 = arith.constant 8 : i32
      %lt3A_365 = arith.constant 19 : i32
      %lt3A_366 = arith.cmpi slt, %scan3A_159, %lt3A_365 : i32
      %convert_element_type3A_367 = arith.extui %lt3A_366 : i1 to i32
      %cond3A_368 = arith.constant 0 : i32
      %cond3A_369 = arith.cmpi ne, %convert_element_type3A_367, %cond3A_368 : i32
      scf.if %cond3A_369 {
        %add3A_390 = arith.constant 4 : i32
        %add3A_391 = arith.addi %add3A_334, %add3A_390 : i32
        %mul3A_392 = arith.constant 112 : i32
        %mul3A_393 = arith.muli %add3A_391, %mul3A_392 : i32
        %dma_start3A_394 = arith.constant 3 : i32
        %dma_start3A_395 = arith.constant 3 : i32
        %dma_start3A_396 = arith.constant 0 : i32
        %dma_start3A_397 = arith.constant 0 : i32
        %dma_start3A_398 = tpu.memref_slice %arg8[%dma_start3A_394, %dma_start3A_396, %dma_start3A_397] : memref<4x112x128xi32, #tpu.memory_space<vmem>> -> memref<1x112x128xi32, #tpu.memory_space<vmem>>
        %dma_start3A_399 = tpu.memref_squeeze %dma_start3A_398 : memref<1x112x128xi32, #tpu.memory_space<vmem>> -> memref<112x128xi32, #tpu.memory_space<vmem>>
        %dma_start3A_400 = tpu.memref_slice %arg7[%mul3A_393] : memref<8960xi32, #tpu.memory_space<vmem>> -> memref<112xi32, #tpu.memory_space<vmem>>
        %dma_start3A_401 = arith.constant 0 : i32
        %dma_start3A_402 = arith.constant 0 : i32
        %dma_start3A_403 = tpu.memref_slice %arg2[%dma_start3A_401, %dma_start3A_402] : memref<276480x128xi32, #tpu.memory_space<hbm>> -> memref<276480x128xi32, #tpu.memory_space<hbm>>
        %dma_start3A_404 = tpu.memref_slice %arg10[%dma_start3A_395] : memref<4x!tpu.dma_semaphore, #tpu.memory_space<semaphore_mem>> -> memref<1x!tpu.dma_semaphore, #tpu.memory_space<semaphore_mem>>
        %dma_start3A_405 = tpu.memref_squeeze %dma_start3A_404 : memref<1x!tpu.dma_semaphore, #tpu.memory_space<semaphore_mem>> -> memref<!tpu.dma_semaphore, #tpu.memory_space<semaphore_mem>>
        tpu.enqueue_indirect_dma source(%dma_start3A_403 : memref<276480x128xi32, #tpu.memory_space<hbm>>) target(%dma_start3A_399 : memref<112x128xi32, #tpu.memory_space<vmem>>) offsets(%dma_start3A_400 : memref<112xi32, #tpu.memory_space<vmem>>) semaphore(%dma_start3A_405 : memref<!tpu.dma_semaphore, #tpu.memory_space<semaphore_mem>>)
      } else {
      }
      %mul3A_370 = arith.constant 4 : i32
      %mul3A_371 = arith.muli %add3A_334, %mul3A_370 : i32
      %add3A_372 = arith.addi %mul3A_2, %mul3A_371 : i32
      %dma_start3A_373 = arith.constant 3 : i32
      %dma_start3A_374 = arith.constant 3 : i32
      %dma_start3A_375 = arith.constant 0 : i32
      %dma_start3A_376 = arith.constant 0 : i32
      %dma_start3A_377 = tpu.memref_slice %arg9[%dma_start3A_373, %dma_start3A_375, %dma_start3A_376] : memref<4x4x256xf32, #tpu.memory_space<vmem>> -> memref<1x4x256xf32, #tpu.memory_space<vmem>>
      %dma_start3A_378 = tpu.memref_squeeze %dma_start3A_377 : memref<1x4x256xf32, #tpu.memory_space<vmem>> -> memref<4x256xf32, #tpu.memory_space<vmem>>
      %dma_start3A_379 = arith.constant 0 : i32
      %dma_start3A_380 = tpu.memref_slice %arg4[%add3A_372, %dma_start3A_379] : memref<10240x256xf32, #tpu.memory_space<hbm>> -> memref<4x256xf32, #tpu.memory_space<hbm>>
      %dma_start3A_381 = tpu.memref_slice %arg11[%dma_start3A_374] : memref<4x!tpu.dma_semaphore, #tpu.memory_space<semaphore_mem>> -> memref<1x!tpu.dma_semaphore, #tpu.memory_space<semaphore_mem>>
      %dma_start3A_382 = tpu.memref_squeeze %dma_start3A_381 : memref<1x!tpu.dma_semaphore, #tpu.memory_space<semaphore_mem>> -> memref<!tpu.dma_semaphore, #tpu.memory_space<semaphore_mem>>
      %dma_start3A_383 = arith.constant 0 : i32
      %dma_start3A_384 = tpu.memref_slice %arg4[%add3A_372, %dma_start3A_383] : memref<10240x256xf32, #tpu.memory_space<hbm>> -> memref<4x256xf32, #tpu.memory_space<hbm>>
      %dma_start3A_385 = arith.constant 0 : i32
      %dma_start3A_386 = arith.constant 0 : i32
      %dma_start3A_387 = tpu.memref_slice %arg9[%dma_start3A_373, %dma_start3A_385, %dma_start3A_386] : memref<4x4x256xf32, #tpu.memory_space<vmem>> -> memref<1x4x256xf32, #tpu.memory_space<vmem>>
      %dma_start3A_388 = tpu.memref_squeeze %dma_start3A_387 : memref<1x4x256xf32, #tpu.memory_space<vmem>> -> memref<4x256xf32, #tpu.memory_space<vmem>>
      tpu.enqueue_dma source(%dma_start3A_388 : memref<4x256xf32, #tpu.memory_space<vmem>>) target(%dma_start3A_384 : memref<4x256xf32, #tpu.memory_space<hbm>>) target_semaphore(%dma_start3A_382 : memref<!tpu.dma_semaphore, #tpu.memory_space<semaphore_mem>>)
      %scan3A_389 = arith.constant 0 : i32
      scf.yield %scan3A_389 : i32
    }
    %scan3A_87 = arith.constant 20 : i32
    %dma_wait3A = arith.constant 0 : i32
    %dma_wait3A_88 = arith.constant 0 : i32
    %dma_wait3A_89 = arith.constant 0 : i32
    %dma_wait3A_90 = arith.constant 0 : i32
    %dma_wait3A_91 = tpu.memref_slice %arg9[%dma_wait3A, %dma_wait3A_89, %dma_wait3A_90] : memref<4x4x256xf32, #tpu.memory_space<vmem>> -> memref<1x4x256xf32, #tpu.memory_space<vmem>>
    %dma_wait3A_92 = tpu.memref_squeeze %dma_wait3A_91 : memref<1x4x256xf32, #tpu.memory_space<vmem>> -> memref<4x256xf32, #tpu.memory_space<vmem>>
    %dma_wait3A_93 = arith.constant 0 : i32
    %dma_wait3A_94 = arith.constant 0 : i32
    %dma_wait3A_95 = tpu.memref_slice %arg2[%dma_wait3A_93, %dma_wait3A_94] : memref<276480x128xi32, #tpu.memory_space<hbm>> -> memref<4x128xi32, #tpu.memory_space<hbm>>
    %dma_wait3A_96 = tpu.memref_slice %arg11[%dma_wait3A_88] : memref<4x!tpu.dma_semaphore, #tpu.memory_space<semaphore_mem>> -> memref<1x!tpu.dma_semaphore, #tpu.memory_space<semaphore_mem>>
    %dma_wait3A_97 = tpu.memref_squeeze %dma_wait3A_96 : memref<1x!tpu.dma_semaphore, #tpu.memory_space<semaphore_mem>> -> memref<!tpu.dma_semaphore, #tpu.memory_space<semaphore_mem>>
    %dma_wait3A_98 = arith.constant 0 : i32
    %dma_wait3A_99 = arith.constant 0 : i32
    %dma_wait3A_100 = tpu.memref_slice %arg9[%dma_wait3A, %dma_wait3A_98, %dma_wait3A_99] : memref<4x4x256xf32, #tpu.memory_space<vmem>> -> memref<1x4x256xf32, #tpu.memory_space<vmem>>
    %dma_wait3A_101 = tpu.memref_squeeze %dma_wait3A_100 : memref<1x4x256xf32, #tpu.memory_space<vmem>> -> memref<4x256xf32, #tpu.memory_space<vmem>>
    %dma_wait3A_102 = arith.constant 0 : i32
    %dma_wait3A_103 = arith.constant 0 : i32
    %dma_wait3A_104 = tpu.memref_slice %arg2[%dma_wait3A_102, %dma_wait3A_103] : memref<276480x128xi32, #tpu.memory_space<hbm>> -> memref<4x128xi32, #tpu.memory_space<hbm>>
    tpu.wait_dma2 semaphore(%dma_wait3A_97 : memref<!tpu.dma_semaphore, #tpu.memory_space<semaphore_mem>>) src(%dma_wait3A_104 : memref<4x128xi32, #tpu.memory_space<hbm>>) dst(%dma_wait3A_101 : memref<4x256xf32, #tpu.memory_space<vmem>>)
    %dma_wait3A_105 = arith.constant 1 : i32
    %dma_wait3A_106 = arith.constant 1 : i32
    %dma_wait3A_107 = arith.constant 0 : i32
    %dma_wait3A_108 = arith.constant 0 : i32
    %dma_wait3A_109 = tpu.memref_slice %arg9[%dma_wait3A_105, %dma_wait3A_107, %dma_wait3A_108] : memref<4x4x256xf32, #tpu.memory_space<vmem>> -> memref<1x4x256xf32, #tpu.memory_space<vmem>>
    %dma_wait3A_110 = tpu.memref_squeeze %dma_wait3A_109 : memref<1x4x256xf32, #tpu.memory_space<vmem>> -> memref<4x256xf32, #tpu.memory_space<vmem>>
    %dma_wait3A_111 = arith.constant 0 : i32
    %dma_wait3A_112 = arith.constant 0 : i32
    %dma_wait3A_113 = tpu.memref_slice %arg2[%dma_wait3A_111, %dma_wait3A_112] : memref<276480x128xi32, #tpu.memory_space<hbm>> -> memref<4x128xi32, #tpu.memory_space<hbm>>
    %dma_wait3A_114 = tpu.memref_slice %arg11[%dma_wait3A_106] : memref<4x!tpu.dma_semaphore, #tpu.memory_space<semaphore_mem>> -> memref<1x!tpu.dma_semaphore, #tpu.memory_space<semaphore_mem>>
    %dma_wait3A_115 = tpu.memref_squeeze %dma_wait3A_114 : memref<1x!tpu.dma_semaphore, #tpu.memory_space<semaphore_mem>> -> memref<!tpu.dma_semaphore, #tpu.memory_space<semaphore_mem>>
    %dma_wait3A_116 = arith.constant 0 : i32
    %dma_wait3A_117 = arith.constant 0 : i32
    %dma_wait3A_118 = tpu.memref_slice %arg9[%dma_wait3A_105, %dma_wait3A_116, %dma_wait3A_117] : memref<4x4x256xf32, #tpu.memory_space<vmem>> -> memref<1x4x256xf32, #tpu.memory_space<vmem>>
    %dma_wait3A_119 = tpu.memref_squeeze %dma_wait3A_118 : memref<1x4x256xf32, #tpu.memory_space<vmem>> -> memref<4x256xf32, #tpu.memory_space<vmem>>
    %dma_wait3A_120 = arith.constant 0 : i32
    %dma_wait3A_121 = arith.constant 0 : i32
    %dma_wait3A_122 = tpu.memref_slice %arg2[%dma_wait3A_120, %dma_wait3A_121] : memref<276480x128xi32, #tpu.memory_space<hbm>> -> memref<4x128xi32, #tpu.memory_space<hbm>>
    tpu.wait_dma2 semaphore(%dma_wait3A_115 : memref<!tpu.dma_semaphore, #tpu.memory_space<semaphore_mem>>) src(%dma_wait3A_122 : memref<4x128xi32, #tpu.memory_space<hbm>>) dst(%dma_wait3A_119 : memref<4x256xf32, #tpu.memory_space<vmem>>)
    %dma_wait3A_123 = arith.constant 2 : i32
    %dma_wait3A_124 = arith.constant 2 : i32
    %dma_wait3A_125 = arith.constant 0 : i32
    %dma_wait3A_126 = arith.constant 0 : i32
    %dma_wait3A_127 = tpu.memref_slice %arg9[%dma_wait3A_123, %dma_wait3A_125, %dma_wait3A_126] : memref<4x4x256xf32, #tpu.memory_space<vmem>> -> memref<1x4x256xf32, #tpu.memory_space<vmem>>
    %dma_wait3A_128 = tpu.memref_squeeze %dma_wait3A_127 : memref<1x4x256xf32, #tpu.memory_space<vmem>> -> memref<4x256xf32, #tpu.memory_space<vmem>>
    %dma_wait3A_129 = arith.constant 0 : i32
    %dma_wait3A_130 = arith.constant 0 : i32
    %dma_wait3A_131 = tpu.memref_slice %arg2[%dma_wait3A_129, %dma_wait3A_130] : memref<276480x128xi32, #tpu.memory_space<hbm>> -> memref<4x128xi32, #tpu.memory_space<hbm>>
    %dma_wait3A_132 = tpu.memref_slice %arg11[%dma_wait3A_124] : memref<4x!tpu.dma_semaphore, #tpu.memory_space<semaphore_mem>> -> memref<1x!tpu.dma_semaphore, #tpu.memory_space<semaphore_mem>>
    %dma_wait3A_133 = tpu.memref_squeeze %dma_wait3A_132 : memref<1x!tpu.dma_semaphore, #tpu.memory_space<semaphore_mem>> -> memref<!tpu.dma_semaphore, #tpu.memory_space<semaphore_mem>>
    %dma_wait3A_134 = arith.constant 0 : i32
    %dma_wait3A_135 = arith.constant 0 : i32
    %dma_wait3A_136 = tpu.memref_slice %arg9[%dma_wait3A_123, %dma_wait3A_134, %dma_wait3A_135] : memref<4x4x256xf32, #tpu.memory_space<vmem>> -> memref<1x4x256xf32, #tpu.memory_space<vmem>>
    %dma_wait3A_137 = tpu.memref_squeeze %dma_wait3A_136 : memref<1x4x256xf32, #tpu.memory_space<vmem>> -> memref<4x256xf32, #tpu.memory_space<vmem>>
    %dma_wait3A_138 = arith.constant 0 : i32
    %dma_wait3A_139 = arith.constant 0 : i32
    %dma_wait3A_140 = tpu.memref_slice %arg2[%dma_wait3A_138, %dma_wait3A_139] : memref<276480x128xi32, #tpu.memory_space<hbm>> -> memref<4x128xi32, #tpu.memory_space<hbm>>
    tpu.wait_dma2 semaphore(%dma_wait3A_133 : memref<!tpu.dma_semaphore, #tpu.memory_space<semaphore_mem>>) src(%dma_wait3A_140 : memref<4x128xi32, #tpu.memory_space<hbm>>) dst(%dma_wait3A_137 : memref<4x256xf32, #tpu.memory_space<vmem>>)
    %dma_wait3A_141 = arith.constant 3 : i32
    %dma_wait3A_142 = arith.constant 3 : i32
    %dma_wait3A_143 = arith.constant 0 : i32
    %dma_wait3A_144 = arith.constant 0 : i32
    %dma_wait3A_145 = tpu.memref_slice %arg9[%dma_wait3A_141, %dma_wait3A_143, %dma_wait3A_144] : memref<4x4x256xf32, #tpu.memory_space<vmem>> -> memref<1x4x256xf32, #tpu.memory_space<vmem>>
    %dma_wait3A_146 = tpu.memref_squeeze %dma_wait3A_145 : memref<1x4x256xf32, #tpu.memory_space<vmem>> -> memref<4x256xf32, #tpu.memory_space<vmem>>
    %dma_wait3A_147 = arith.constant 0 : i32
    %dma_wait3A_148 = arith.constant 0 : i32
    %dma_wait3A_149 = tpu.memref_slice %arg2[%dma_wait3A_147, %dma_wait3A_148] : memref<276480x128xi32, #tpu.memory_space<hbm>> -> memref<4x128xi32, #tpu.memory_space<hbm>>
    %dma_wait3A_150 = tpu.memref_slice %arg11[%dma_wait3A_142] : memref<4x!tpu.dma_semaphore, #tpu.memory_space<semaphore_mem>> -> memref<1x!tpu.dma_semaphore, #tpu.memory_space<semaphore_mem>>
    %dma_wait3A_151 = tpu.memref_squeeze %dma_wait3A_150 : memref<1x!tpu.dma_semaphore, #tpu.memory_space<semaphore_mem>> -> memref<!tpu.dma_semaphore, #tpu.memory_space<semaphore_mem>>
    %dma_wait3A_152 = arith.constant 0 : i32
    %dma_wait3A_153 = arith.constant 0 : i32
    %dma_wait3A_154 = tpu.memref_slice %arg9[%dma_wait3A_141, %dma_wait3A_152, %dma_wait3A_153] : memref<4x4x256xf32, #tpu.memory_space<vmem>> -> memref<1x4x256xf32, #tpu.memory_space<vmem>>
    %dma_wait3A_155 = tpu.memref_squeeze %dma_wait3A_154 : memref<1x4x256xf32, #tpu.memory_space<vmem>> -> memref<4x256xf32, #tpu.memory_space<vmem>>
    %dma_wait3A_156 = arith.constant 0 : i32
    %dma_wait3A_157 = arith.constant 0 : i32
    %dma_wait3A_158 = tpu.memref_slice %arg2[%dma_wait3A_156, %dma_wait3A_157] : memref<276480x128xi32, #tpu.memory_space<hbm>> -> memref<4x128xi32, #tpu.memory_space<hbm>>
    tpu.wait_dma2 semaphore(%dma_wait3A_151 : memref<!tpu.dma_semaphore, #tpu.memory_space<semaphore_mem>>) src(%dma_wait3A_158 : memref<4x128xi32, #tpu.memory_space<hbm>>) dst(%dma_wait3A_155 : memref<4x256xf32, #tpu.memory_space<vmem>>)
    return
  }
}

module attributes {stable_mosaic.version = 14 : i64} {
  func.func @_mm_body(%arg0: i32, %arg1: memref<512x256xbf16, #tpu.memory_space<vmem>>, %arg2: memref<27x256x256xbf16, #tpu.memory_space<vmem>>, %arg3: memref<27x512x128xi32, #tpu.memory_space<vmem>>) attributes {dimension_semantics = [#tpu.dimension_semantics<arbitrary>], iteration_bounds = array<i64: 20>, scalar_prefetch = 0 : i64, scratch_operands = 0 : i64, tpu.core_type = #tpu.core_type<tc>, window_params = [{transform_indices = @transform_0, window_bounds = array<i64: 512, 256>}, {pipeline_mode = #tpu.pipeline_mode<synchronous>, transform_indices = @transform_1, window_bounds = array<i64: 27, 256, 256>}, {transform_indices = @transform_2, window_bounds = array<i64: 27, 512, 128>}]} {
    %get3A = arith.constant 0 : index
    %get3A_0 = arith.constant 0 : index
    %get3A_1 = vector.load %arg1[%get3A, %get3A_0] : memref<512x256xbf16, #tpu.memory_space<vmem>>, vector<512x256xbf16>
    %get3A_2 = arith.constant 0 : index
    %get3A_3 = arith.constant 0 : index
    %get3A_4 = arith.constant 0 : index
    %get3A_5 = vector.load %arg2[%get3A_2, %get3A_3, %get3A_4] : memref<27x256x256xbf16, #tpu.memory_space<vmem>>, vector<1x256x256xbf16>
    %get3A_6 = vector.shape_cast %get3A_5 : vector<1x256x256xbf16> to vector<256x256xbf16>
    %dot_general3A = arith.constant dense<0.000000e+00> : vector<512x256xf32>
    %dot_general3A_7 = tpu.matmul %get3A_1, %get3A_6, %dot_general3A {dimension_numbers = #tpu.dot_dimension_numbers<[1], [0], [0], [1], [0, 0, 1, 1], [], []>, transpose_lhs_hint = false} : vector<512x256xbf16>, vector<256x256xbf16>, vector<512x256xf32> -> vector<512x256xf32>
    %slice3A = vector.extract_strided_slice %dot_general3A_7 {offsets = [0, 0], sizes = [512, 128], strides = [1, 1]} : vector<512x256xf32> to vector<512x128xf32>
    %bitcast_convert_type3A = tpu.bitcast %slice3A : vector<512x128xf32> -> vector<512x128xi32>
    %add3A = arith.constant 32768 : i32
    %add3A_8 = vector.broadcast %add3A : i32 to vector<512x128xi32>
    %add3A_9 = arith.addi %bitcast_convert_type3A, %add3A_8 : vector<512x128xi32>
    %shift_right_logical3A = arith.constant 16 : i32
    %shift_right_logical3A_10 = vector.broadcast %shift_right_logical3A : i32 to vector<512x128xi32>
    %shift_right_logical3A_11 = arith.shrui %add3A_9, %shift_right_logical3A_10 : vector<512x128xi32>
    %slice3A_12 = vector.extract_strided_slice %dot_general3A_7 {offsets = [0, 128], sizes = [512, 128], strides = [1, 1]} : vector<512x256xf32> to vector<512x128xf32>
    %bitcast_convert_type3A_13 = tpu.bitcast %slice3A_12 : vector<512x128xf32> -> vector<512x128xi32>
    %add3A_14 = arith.constant 32768 : i32
    %add3A_15 = vector.broadcast %add3A_14 : i32 to vector<512x128xi32>
    %add3A_16 = arith.addi %bitcast_convert_type3A_13, %add3A_15 : vector<512x128xi32>
    %shift_right_logical3A_17 = arith.constant 16 : i32
    %shift_right_logical3A_18 = vector.broadcast %shift_right_logical3A_17 : i32 to vector<512x128xi32>
    %shift_right_logical3A_19 = arith.shrui %add3A_16, %shift_right_logical3A_18 : vector<512x128xi32>
    %shift_left3A = arith.constant 16 : i32
    %shift_left3A_20 = vector.broadcast %shift_left3A : i32 to vector<512x128xi32>
    %shift_left3A_21 = arith.shli %shift_right_logical3A_19, %shift_left3A_20 : vector<512x128xi32>
    %or3A = arith.ori %shift_right_logical3A_11, %shift_left3A_21 : vector<512x128xi32>
    %swap3A = arith.constant 0 : index
    %swap3A_22 = arith.constant 0 : index
    %swap3A_23 = arith.constant 0 : index
    %swap3A_24 = vector.load %arg3[%swap3A, %swap3A_22, %swap3A_23] : memref<27x512x128xi32, #tpu.memory_space<vmem>>, vector<1x512x128xi32>
    %swap3A_25 = vector.shape_cast %swap3A_24 : vector<1x512x128xi32> to vector<512x128xi32>
    %swap3A_26 = vector.shape_cast %or3A : vector<512x128xi32> to vector<1x512x128xi32>
    tpu.vector_store %arg3[%swap3A, %swap3A_22, %swap3A_23], %swap3A_26 {strides = array<i32>} : memref<27x512x128xi32, #tpu.memory_space<vmem>>, vector<1x512x128xi32>,
    %get3A_27 = arith.constant 1 : index
    %get3A_28 = arith.constant 0 : index
    %get3A_29 = arith.constant 0 : index
    %get3A_30 = vector.load %arg2[%get3A_27, %get3A_28, %get3A_29] : memref<27x256x256xbf16, #tpu.memory_space<vmem>>, vector<1x256x256xbf16>
    %get3A_31 = vector.shape_cast %get3A_30 : vector<1x256x256xbf16> to vector<256x256xbf16>
    %dot_general3A_32 = arith.constant dense<0.000000e+00> : vector<512x256xf32>
    %dot_general3A_33 = tpu.matmul %get3A_1, %get3A_31, %dot_general3A_32 {dimension_numbers = #tpu.dot_dimension_numbers<[1], [0], [0], [1], [0, 0, 1, 1], [], []>, transpose_lhs_hint = false} : vector<512x256xbf16>, vector<256x256xbf16>, vector<512x256xf32> -> vector<512x256xf32>
    %slice3A_34 = vector.extract_strided_slice %dot_general3A_33 {offsets = [0, 0], sizes = [512, 128], strides = [1, 1]} : vector<512x256xf32> to vector<512x128xf32>
    %bitcast_convert_type3A_35 = tpu.bitcast %slice3A_34 : vector<512x128xf32> -> vector<512x128xi32>
    %add3A_36 = arith.constant 32768 : i32
    %add3A_37 = vector.broadcast %add3A_36 : i32 to vector<512x128xi32>
    %add3A_38 = arith.addi %bitcast_convert_type3A_35, %add3A_37 : vector<512x128xi32>
    %shift_right_logical3A_39 = arith.constant 16 : i32
    %shift_right_logical3A_40 = vector.broadcast %shift_right_logical3A_39 : i32 to vector<512x128xi32>
    %shift_right_logical3A_41 = arith.shrui %add3A_38, %shift_right_logical3A_40 : vector<512x128xi32>
    %slice3A_42 = vector.extract_strided_slice %dot_general3A_33 {offsets = [0, 128], sizes = [512, 128], strides = [1, 1]} : vector<512x256xf32> to vector<512x128xf32>
    %bitcast_convert_type3A_43 = tpu.bitcast %slice3A_42 : vector<512x128xf32> -> vector<512x128xi32>
    %add3A_44 = arith.constant 32768 : i32
    %add3A_45 = vector.broadcast %add3A_44 : i32 to vector<512x128xi32>
    %add3A_46 = arith.addi %bitcast_convert_type3A_43, %add3A_45 : vector<512x128xi32>
    %shift_right_logical3A_47 = arith.constant 16 : i32
    %shift_right_logical3A_48 = vector.broadcast %shift_right_logical3A_47 : i32 to vector<512x128xi32>
    %shift_right_logical3A_49 = arith.shrui %add3A_46, %shift_right_logical3A_48 : vector<512x128xi32>
    %shift_left3A_50 = arith.constant 16 : i32
    %shift_left3A_51 = vector.broadcast %shift_left3A_50 : i32 to vector<512x128xi32>
    %shift_left3A_52 = arith.shli %shift_right_logical3A_49, %shift_left3A_51 : vector<512x128xi32>
    %or3A_53 = arith.ori %shift_right_logical3A_41, %shift_left3A_52 : vector<512x128xi32>
    %swap3A_54 = arith.constant 1 : index
    %swap3A_55 = arith.constant 0 : index
    %swap3A_56 = arith.constant 0 : index
    %swap3A_57 = vector.load %arg3[%swap3A_54, %swap3A_55, %swap3A_56] : memref<27x512x128xi32, #tpu.memory_space<vmem>>, vector<1x512x128xi32>
    %swap3A_58 = vector.shape_cast %swap3A_57 : vector<1x512x128xi32> to vector<512x128xi32>
    %swap3A_59 = vector.shape_cast %or3A_53 : vector<512x128xi32> to vector<1x512x128xi32>
    tpu.vector_store %arg3[%swap3A_54, %swap3A_55, %swap3A_56], %swap3A_59 {strides = array<i32>} : memref<27x512x128xi32, #tpu.memory_space<vmem>>, vector<1x512x128xi32>,
    %get3A_60 = arith.constant 2 : index
    %get3A_61 = arith.constant 0 : index
    %get3A_62 = arith.constant 0 : index
    %get3A_63 = vector.load %arg2[%get3A_60, %get3A_61, %get3A_62] : memref<27x256x256xbf16, #tpu.memory_space<vmem>>, vector<1x256x256xbf16>
    %get3A_64 = vector.shape_cast %get3A_63 : vector<1x256x256xbf16> to vector<256x256xbf16>
    %dot_general3A_65 = arith.constant dense<0.000000e+00> : vector<512x256xf32>
    %dot_general3A_66 = tpu.matmul %get3A_1, %get3A_64, %dot_general3A_65 {dimension_numbers = #tpu.dot_dimension_numbers<[1], [0], [0], [1], [0, 0, 1, 1], [], []>, transpose_lhs_hint = false} : vector<512x256xbf16>, vector<256x256xbf16>, vector<512x256xf32> -> vector<512x256xf32>
    %slice3A_67 = vector.extract_strided_slice %dot_general3A_66 {offsets = [0, 0], sizes = [512, 128], strides = [1, 1]} : vector<512x256xf32> to vector<512x128xf32>
    %bitcast_convert_type3A_68 = tpu.bitcast %slice3A_67 : vector<512x128xf32> -> vector<512x128xi32>
    %add3A_69 = arith.constant 32768 : i32
    %add3A_70 = vector.broadcast %add3A_69 : i32 to vector<512x128xi32>
    %add3A_71 = arith.addi %bitcast_convert_type3A_68, %add3A_70 : vector<512x128xi32>
    %shift_right_logical3A_72 = arith.constant 16 : i32
    %shift_right_logical3A_73 = vector.broadcast %shift_right_logical3A_72 : i32 to vector<512x128xi32>
    %shift_right_logical3A_74 = arith.shrui %add3A_71, %shift_right_logical3A_73 : vector<512x128xi32>
    %slice3A_75 = vector.extract_strided_slice %dot_general3A_66 {offsets = [0, 128], sizes = [512, 128], strides = [1, 1]} : vector<512x256xf32> to vector<512x128xf32>
    %bitcast_convert_type3A_76 = tpu.bitcast %slice3A_75 : vector<512x128xf32> -> vector<512x128xi32>
    %add3A_77 = arith.constant 32768 : i32
    %add3A_78 = vector.broadcast %add3A_77 : i32 to vector<512x128xi32>
    %add3A_79 = arith.addi %bitcast_convert_type3A_76, %add3A_78 : vector<512x128xi32>
    %shift_right_logical3A_80 = arith.constant 16 : i32
    %shift_right_logical3A_81 = vector.broadcast %shift_right_logical3A_80 : i32 to vector<512x128xi32>
    %shift_right_logical3A_82 = arith.shrui %add3A_79, %shift_right_logical3A_81 : vector<512x128xi32>
    %shift_left3A_83 = arith.constant 16 : i32
    %shift_left3A_84 = vector.broadcast %shift_left3A_83 : i32 to vector<512x128xi32>
    %shift_left3A_85 = arith.shli %shift_right_logical3A_82, %shift_left3A_84 : vector<512x128xi32>
    %or3A_86 = arith.ori %shift_right_logical3A_74, %shift_left3A_85 : vector<512x128xi32>
    %swap3A_87 = arith.constant 2 : index
    %swap3A_88 = arith.constant 0 : index
    %swap3A_89 = arith.constant 0 : index
    %swap3A_90 = vector.load %arg3[%swap3A_87, %swap3A_88, %swap3A_89] : memref<27x512x128xi32, #tpu.memory_space<vmem>>, vector<1x512x128xi32>
    %swap3A_91 = vector.shape_cast %swap3A_90 : vector<1x512x128xi32> to vector<512x128xi32>
    %swap3A_92 = vector.shape_cast %or3A_86 : vector<512x128xi32> to vector<1x512x128xi32>
    tpu.vector_store %arg3[%swap3A_87, %swap3A_88, %swap3A_89], %swap3A_92 {strides = array<i32>} : memref<27x512x128xi32, #tpu.memory_space<vmem>>, vector<1x512x128xi32>,
    %get3A_93 = arith.constant 3 : index
    %get3A_94 = arith.constant 0 : index
    %get3A_95 = arith.constant 0 : index
    %get3A_96 = vector.load %arg2[%get3A_93, %get3A_94, %get3A_95] : memref<27x256x256xbf16, #tpu.memory_space<vmem>>, vector<1x256x256xbf16>
    %get3A_97 = vector.shape_cast %get3A_96 : vector<1x256x256xbf16> to vector<256x256xbf16>
    %dot_general3A_98 = arith.constant dense<0.000000e+00> : vector<512x256xf32>
    %dot_general3A_99 = tpu.matmul %get3A_1, %get3A_97, %dot_general3A_98 {dimension_numbers = #tpu.dot_dimension_numbers<[1], [0], [0], [1], [0, 0, 1, 1], [], []>, transpose_lhs_hint = false} : vector<512x256xbf16>, vector<256x256xbf16>, vector<512x256xf32> -> vector<512x256xf32>
    %slice3A_100 = vector.extract_strided_slice %dot_general3A_99 {offsets = [0, 0], sizes = [512, 128], strides = [1, 1]} : vector<512x256xf32> to vector<512x128xf32>
    %bitcast_convert_type3A_101 = tpu.bitcast %slice3A_100 : vector<512x128xf32> -> vector<512x128xi32>
    %add3A_102 = arith.constant 32768 : i32
    %add3A_103 = vector.broadcast %add3A_102 : i32 to vector<512x128xi32>
    %add3A_104 = arith.addi %bitcast_convert_type3A_101, %add3A_103 : vector<512x128xi32>
    %shift_right_logical3A_105 = arith.constant 16 : i32
    %shift_right_logical3A_106 = vector.broadcast %shift_right_logical3A_105 : i32 to vector<512x128xi32>
    %shift_right_logical3A_107 = arith.shrui %add3A_104, %shift_right_logical3A_106 : vector<512x128xi32>
    %slice3A_108 = vector.extract_strided_slice %dot_general3A_99 {offsets = [0, 128], sizes = [512, 128], strides = [1, 1]} : vector<512x256xf32> to vector<512x128xf32>
    %bitcast_convert_type3A_109 = tpu.bitcast %slice3A_108 : vector<512x128xf32> -> vector<512x128xi32>
    %add3A_110 = arith.constant 32768 : i32
    %add3A_111 = vector.broadcast %add3A_110 : i32 to vector<512x128xi32>
    %add3A_112 = arith.addi %bitcast_convert_type3A_109, %add3A_111 : vector<512x128xi32>
    %shift_right_logical3A_113 = arith.constant 16 : i32
    %shift_right_logical3A_114 = vector.broadcast %shift_right_logical3A_113 : i32 to vector<512x128xi32>
    %shift_right_logical3A_115 = arith.shrui %add3A_112, %shift_right_logical3A_114 : vector<512x128xi32>
    %shift_left3A_116 = arith.constant 16 : i32
    %shift_left3A_117 = vector.broadcast %shift_left3A_116 : i32 to vector<512x128xi32>
    %shift_left3A_118 = arith.shli %shift_right_logical3A_115, %shift_left3A_117 : vector<512x128xi32>
    %or3A_119 = arith.ori %shift_right_logical3A_107, %shift_left3A_118 : vector<512x128xi32>
    %swap3A_120 = arith.constant 3 : index
    %swap3A_121 = arith.constant 0 : index
    %swap3A_122 = arith.constant 0 : index
    %swap3A_123 = vector.load %arg3[%swap3A_120, %swap3A_121, %swap3A_122] : memref<27x512x128xi32, #tpu.memory_space<vmem>>, vector<1x512x128xi32>
    %swap3A_124 = vector.shape_cast %swap3A_123 : vector<1x512x128xi32> to vector<512x128xi32>
    %swap3A_125 = vector.shape_cast %or3A_119 : vector<512x128xi32> to vector<1x512x128xi32>
    tpu.vector_store %arg3[%swap3A_120, %swap3A_121, %swap3A_122], %swap3A_125 {strides = array<i32>} : memref<27x512x128xi32, #tpu.memory_space<vmem>>, vector<1x512x128xi32>,
    %get3A_126 = arith.constant 4 : index
    %get3A_127 = arith.constant 0 : index
    %get3A_128 = arith.constant 0 : index
    %get3A_129 = vector.load %arg2[%get3A_126, %get3A_127, %get3A_128] : memref<27x256x256xbf16, #tpu.memory_space<vmem>>, vector<1x256x256xbf16>
    %get3A_130 = vector.shape_cast %get3A_129 : vector<1x256x256xbf16> to vector<256x256xbf16>
    %dot_general3A_131 = arith.constant dense<0.000000e+00> : vector<512x256xf32>
    %dot_general3A_132 = tpu.matmul %get3A_1, %get3A_130, %dot_general3A_131 {dimension_numbers = #tpu.dot_dimension_numbers<[1], [0], [0], [1], [0, 0, 1, 1], [], []>, transpose_lhs_hint = false} : vector<512x256xbf16>, vector<256x256xbf16>, vector<512x256xf32> -> vector<512x256xf32>
    %slice3A_133 = vector.extract_strided_slice %dot_general3A_132 {offsets = [0, 0], sizes = [512, 128], strides = [1, 1]} : vector<512x256xf32> to vector<512x128xf32>
    %bitcast_convert_type3A_134 = tpu.bitcast %slice3A_133 : vector<512x128xf32> -> vector<512x128xi32>
    %add3A_135 = arith.constant 32768 : i32
    %add3A_136 = vector.broadcast %add3A_135 : i32 to vector<512x128xi32>
    %add3A_137 = arith.addi %bitcast_convert_type3A_134, %add3A_136 : vector<512x128xi32>
    %shift_right_logical3A_138 = arith.constant 16 : i32
    %shift_right_logical3A_139 = vector.broadcast %shift_right_logical3A_138 : i32 to vector<512x128xi32>
    %shift_right_logical3A_140 = arith.shrui %add3A_137, %shift_right_logical3A_139 : vector<512x128xi32>
    %slice3A_141 = vector.extract_strided_slice %dot_general3A_132 {offsets = [0, 128], sizes = [512, 128], strides = [1, 1]} : vector<512x256xf32> to vector<512x128xf32>
    %bitcast_convert_type3A_142 = tpu.bitcast %slice3A_141 : vector<512x128xf32> -> vector<512x128xi32>
    %add3A_143 = arith.constant 32768 : i32
    %add3A_144 = vector.broadcast %add3A_143 : i32 to vector<512x128xi32>
    %add3A_145 = arith.addi %bitcast_convert_type3A_142, %add3A_144 : vector<512x128xi32>
    %shift_right_logical3A_146 = arith.constant 16 : i32
    %shift_right_logical3A_147 = vector.broadcast %shift_right_logical3A_146 : i32 to vector<512x128xi32>
    %shift_right_logical3A_148 = arith.shrui %add3A_145, %shift_right_logical3A_147 : vector<512x128xi32>
    %shift_left3A_149 = arith.constant 16 : i32
    %shift_left3A_150 = vector.broadcast %shift_left3A_149 : i32 to vector<512x128xi32>
    %shift_left3A_151 = arith.shli %shift_right_logical3A_148, %shift_left3A_150 : vector<512x128xi32>
    %or3A_152 = arith.ori %shift_right_logical3A_140, %shift_left3A_151 : vector<512x128xi32>
    %swap3A_153 = arith.constant 4 : index
    %swap3A_154 = arith.constant 0 : index
    %swap3A_155 = arith.constant 0 : index
    %swap3A_156 = vector.load %arg3[%swap3A_153, %swap3A_154, %swap3A_155] : memref<27x512x128xi32, #tpu.memory_space<vmem>>, vector<1x512x128xi32>
    %swap3A_157 = vector.shape_cast %swap3A_156 : vector<1x512x128xi32> to vector<512x128xi32>
    %swap3A_158 = vector.shape_cast %or3A_152 : vector<512x128xi32> to vector<1x512x128xi32>
    tpu.vector_store %arg3[%swap3A_153, %swap3A_154, %swap3A_155], %swap3A_158 {strides = array<i32>} : memref<27x512x128xi32, #tpu.memory_space<vmem>>, vector<1x512x128xi32>,
    %get3A_159 = arith.constant 5 : index
    %get3A_160 = arith.constant 0 : index
    %get3A_161 = arith.constant 0 : index
    %get3A_162 = vector.load %arg2[%get3A_159, %get3A_160, %get3A_161] : memref<27x256x256xbf16, #tpu.memory_space<vmem>>, vector<1x256x256xbf16>
    %get3A_163 = vector.shape_cast %get3A_162 : vector<1x256x256xbf16> to vector<256x256xbf16>
    %dot_general3A_164 = arith.constant dense<0.000000e+00> : vector<512x256xf32>
    %dot_general3A_165 = tpu.matmul %get3A_1, %get3A_163, %dot_general3A_164 {dimension_numbers = #tpu.dot_dimension_numbers<[1], [0], [0], [1], [0, 0, 1, 1], [], []>, transpose_lhs_hint = false} : vector<512x256xbf16>, vector<256x256xbf16>, vector<512x256xf32> -> vector<512x256xf32>
    %slice3A_166 = vector.extract_strided_slice %dot_general3A_165 {offsets = [0, 0], sizes = [512, 128], strides = [1, 1]} : vector<512x256xf32> to vector<512x128xf32>
    %bitcast_convert_type3A_167 = tpu.bitcast %slice3A_166 : vector<512x128xf32> -> vector<512x128xi32>
    %add3A_168 = arith.constant 32768 : i32
    %add3A_169 = vector.broadcast %add3A_168 : i32 to vector<512x128xi32>
    %add3A_170 = arith.addi %bitcast_convert_type3A_167, %add3A_169 : vector<512x128xi32>
    %shift_right_logical3A_171 = arith.constant 16 : i32
    %shift_right_logical3A_172 = vector.broadcast %shift_right_logical3A_171 : i32 to vector<512x128xi32>
    %shift_right_logical3A_173 = arith.shrui %add3A_170, %shift_right_logical3A_172 : vector<512x128xi32>
    %slice3A_174 = vector.extract_strided_slice %dot_general3A_165 {offsets = [0, 128], sizes = [512, 128], strides = [1, 1]} : vector<512x256xf32> to vector<512x128xf32>
    %bitcast_convert_type3A_175 = tpu.bitcast %slice3A_174 : vector<512x128xf32> -> vector<512x128xi32>
    %add3A_176 = arith.constant 32768 : i32
    %add3A_177 = vector.broadcast %add3A_176 : i32 to vector<512x128xi32>
    %add3A_178 = arith.addi %bitcast_convert_type3A_175, %add3A_177 : vector<512x128xi32>
    %shift_right_logical3A_179 = arith.constant 16 : i32
    %shift_right_logical3A_180 = vector.broadcast %shift_right_logical3A_179 : i32 to vector<512x128xi32>
    %shift_right_logical3A_181 = arith.shrui %add3A_178, %shift_right_logical3A_180 : vector<512x128xi32>
    %shift_left3A_182 = arith.constant 16 : i32
    %shift_left3A_183 = vector.broadcast %shift_left3A_182 : i32 to vector<512x128xi32>
    %shift_left3A_184 = arith.shli %shift_right_logical3A_181, %shift_left3A_183 : vector<512x128xi32>
    %or3A_185 = arith.ori %shift_right_logical3A_173, %shift_left3A_184 : vector<512x128xi32>
    %swap3A_186 = arith.constant 5 : index
    %swap3A_187 = arith.constant 0 : index
    %swap3A_188 = arith.constant 0 : index
    %swap3A_189 = vector.load %arg3[%swap3A_186, %swap3A_187, %swap3A_188] : memref<27x512x128xi32, #tpu.memory_space<vmem>>, vector<1x512x128xi32>
    %swap3A_190 = vector.shape_cast %swap3A_189 : vector<1x512x128xi32> to vector<512x128xi32>
    %swap3A_191 = vector.shape_cast %or3A_185 : vector<512x128xi32> to vector<1x512x128xi32>
    tpu.vector_store %arg3[%swap3A_186, %swap3A_187, %swap3A_188], %swap3A_191 {strides = array<i32>} : memref<27x512x128xi32, #tpu.memory_space<vmem>>, vector<1x512x128xi32>,
    %get3A_192 = arith.constant 6 : index
    %get3A_193 = arith.constant 0 : index
    %get3A_194 = arith.constant 0 : index
    %get3A_195 = vector.load %arg2[%get3A_192, %get3A_193, %get3A_194] : memref<27x256x256xbf16, #tpu.memory_space<vmem>>, vector<1x256x256xbf16>
    %get3A_196 = vector.shape_cast %get3A_195 : vector<1x256x256xbf16> to vector<256x256xbf16>
    %dot_general3A_197 = arith.constant dense<0.000000e+00> : vector<512x256xf32>
    %dot_general3A_198 = tpu.matmul %get3A_1, %get3A_196, %dot_general3A_197 {dimension_numbers = #tpu.dot_dimension_numbers<[1], [0], [0], [1], [0, 0, 1, 1], [], []>, transpose_lhs_hint = false} : vector<512x256xbf16>, vector<256x256xbf16>, vector<512x256xf32> -> vector<512x256xf32>
    %slice3A_199 = vector.extract_strided_slice %dot_general3A_198 {offsets = [0, 0], sizes = [512, 128], strides = [1, 1]} : vector<512x256xf32> to vector<512x128xf32>
    %bitcast_convert_type3A_200 = tpu.bitcast %slice3A_199 : vector<512x128xf32> -> vector<512x128xi32>
    %add3A_201 = arith.constant 32768 : i32
    %add3A_202 = vector.broadcast %add3A_201 : i32 to vector<512x128xi32>
    %add3A_203 = arith.addi %bitcast_convert_type3A_200, %add3A_202 : vector<512x128xi32>
    %shift_right_logical3A_204 = arith.constant 16 : i32
    %shift_right_logical3A_205 = vector.broadcast %shift_right_logical3A_204 : i32 to vector<512x128xi32>
    %shift_right_logical3A_206 = arith.shrui %add3A_203, %shift_right_logical3A_205 : vector<512x128xi32>
    %slice3A_207 = vector.extract_strided_slice %dot_general3A_198 {offsets = [0, 128], sizes = [512, 128], strides = [1, 1]} : vector<512x256xf32> to vector<512x128xf32>
    %bitcast_convert_type3A_208 = tpu.bitcast %slice3A_207 : vector<512x128xf32> -> vector<512x128xi32>
    %add3A_209 = arith.constant 32768 : i32
    %add3A_210 = vector.broadcast %add3A_209 : i32 to vector<512x128xi32>
    %add3A_211 = arith.addi %bitcast_convert_type3A_208, %add3A_210 : vector<512x128xi32>
    %shift_right_logical3A_212 = arith.constant 16 : i32
    %shift_right_logical3A_213 = vector.broadcast %shift_right_logical3A_212 : i32 to vector<512x128xi32>
    %shift_right_logical3A_214 = arith.shrui %add3A_211, %shift_right_logical3A_213 : vector<512x128xi32>
    %shift_left3A_215 = arith.constant 16 : i32
    %shift_left3A_216 = vector.broadcast %shift_left3A_215 : i32 to vector<512x128xi32>
    %shift_left3A_217 = arith.shli %shift_right_logical3A_214, %shift_left3A_216 : vector<512x128xi32>
    %or3A_218 = arith.ori %shift_right_logical3A_206, %shift_left3A_217 : vector<512x128xi32>
    %swap3A_219 = arith.constant 6 : index
    %swap3A_220 = arith.constant 0 : index
    %swap3A_221 = arith.constant 0 : index
    %swap3A_222 = vector.load %arg3[%swap3A_219, %swap3A_220, %swap3A_221] : memref<27x512x128xi32, #tpu.memory_space<vmem>>, vector<1x512x128xi32>
    %swap3A_223 = vector.shape_cast %swap3A_222 : vector<1x512x128xi32> to vector<512x128xi32>
    %swap3A_224 = vector.shape_cast %or3A_218 : vector<512x128xi32> to vector<1x512x128xi32>
    tpu.vector_store %arg3[%swap3A_219, %swap3A_220, %swap3A_221], %swap3A_224 {strides = array<i32>} : memref<27x512x128xi32, #tpu.memory_space<vmem>>, vector<1x512x128xi32>,
    %get3A_225 = arith.constant 7 : index
    %get3A_226 = arith.constant 0 : index
    %get3A_227 = arith.constant 0 : index
    %get3A_228 = vector.load %arg2[%get3A_225, %get3A_226, %get3A_227] : memref<27x256x256xbf16, #tpu.memory_space<vmem>>, vector<1x256x256xbf16>
    %get3A_229 = vector.shape_cast %get3A_228 : vector<1x256x256xbf16> to vector<256x256xbf16>
    %dot_general3A_230 = arith.constant dense<0.000000e+00> : vector<512x256xf32>
    %dot_general3A_231 = tpu.matmul %get3A_1, %get3A_229, %dot_general3A_230 {dimension_numbers = #tpu.dot_dimension_numbers<[1], [0], [0], [1], [0, 0, 1, 1], [], []>, transpose_lhs_hint = false} : vector<512x256xbf16>, vector<256x256xbf16>, vector<512x256xf32> -> vector<512x256xf32>
    %slice3A_232 = vector.extract_strided_slice %dot_general3A_231 {offsets = [0, 0], sizes = [512, 128], strides = [1, 1]} : vector<512x256xf32> to vector<512x128xf32>
    %bitcast_convert_type3A_233 = tpu.bitcast %slice3A_232 : vector<512x128xf32> -> vector<512x128xi32>
    %add3A_234 = arith.constant 32768 : i32
    %add3A_235 = vector.broadcast %add3A_234 : i32 to vector<512x128xi32>
    %add3A_236 = arith.addi %bitcast_convert_type3A_233, %add3A_235 : vector<512x128xi32>
    %shift_right_logical3A_237 = arith.constant 16 : i32
    %shift_right_logical3A_238 = vector.broadcast %shift_right_logical3A_237 : i32 to vector<512x128xi32>
    %shift_right_logical3A_239 = arith.shrui %add3A_236, %shift_right_logical3A_238 : vector<512x128xi32>
    %slice3A_240 = vector.extract_strided_slice %dot_general3A_231 {offsets = [0, 128], sizes = [512, 128], strides = [1, 1]} : vector<512x256xf32> to vector<512x128xf32>
    %bitcast_convert_type3A_241 = tpu.bitcast %slice3A_240 : vector<512x128xf32> -> vector<512x128xi32>
    %add3A_242 = arith.constant 32768 : i32
    %add3A_243 = vector.broadcast %add3A_242 : i32 to vector<512x128xi32>
    %add3A_244 = arith.addi %bitcast_convert_type3A_241, %add3A_243 : vector<512x128xi32>
    %shift_right_logical3A_245 = arith.constant 16 : i32
    %shift_right_logical3A_246 = vector.broadcast %shift_right_logical3A_245 : i32 to vector<512x128xi32>
    %shift_right_logical3A_247 = arith.shrui %add3A_244, %shift_right_logical3A_246 : vector<512x128xi32>
    %shift_left3A_248 = arith.constant 16 : i32
    %shift_left3A_249 = vector.broadcast %shift_left3A_248 : i32 to vector<512x128xi32>
    %shift_left3A_250 = arith.shli %shift_right_logical3A_247, %shift_left3A_249 : vector<512x128xi32>
    %or3A_251 = arith.ori %shift_right_logical3A_239, %shift_left3A_250 : vector<512x128xi32>
    %swap3A_252 = arith.constant 7 : index
    %swap3A_253 = arith.constant 0 : index
    %swap3A_254 = arith.constant 0 : index
    %swap3A_255 = vector.load %arg3[%swap3A_252, %swap3A_253, %swap3A_254] : memref<27x512x128xi32, #tpu.memory_space<vmem>>, vector<1x512x128xi32>
    %swap3A_256 = vector.shape_cast %swap3A_255 : vector<1x512x128xi32> to vector<512x128xi32>
    %swap3A_257 = vector.shape_cast %or3A_251 : vector<512x128xi32> to vector<1x512x128xi32>
    tpu.vector_store %arg3[%swap3A_252, %swap3A_253, %swap3A_254], %swap3A_257 {strides = array<i32>} : memref<27x512x128xi32, #tpu.memory_space<vmem>>, vector<1x512x128xi32>,
    %get3A_258 = arith.constant 8 : index
    %get3A_259 = arith.constant 0 : index
    %get3A_260 = arith.constant 0 : index
    %get3A_261 = vector.load %arg2[%get3A_258, %get3A_259, %get3A_260] : memref<27x256x256xbf16, #tpu.memory_space<vmem>>, vector<1x256x256xbf16>
    %get3A_262 = vector.shape_cast %get3A_261 : vector<1x256x256xbf16> to vector<256x256xbf16>
    %dot_general3A_263 = arith.constant dense<0.000000e+00> : vector<512x256xf32>
    %dot_general3A_264 = tpu.matmul %get3A_1, %get3A_262, %dot_general3A_263 {dimension_numbers = #tpu.dot_dimension_numbers<[1], [0], [0], [1], [0, 0, 1, 1], [], []>, transpose_lhs_hint = false} : vector<512x256xbf16>, vector<256x256xbf16>, vector<512x256xf32> -> vector<512x256xf32>
    %slice3A_265 = vector.extract_strided_slice %dot_general3A_264 {offsets = [0, 0], sizes = [512, 128], strides = [1, 1]} : vector<512x256xf32> to vector<512x128xf32>
    %bitcast_convert_type3A_266 = tpu.bitcast %slice3A_265 : vector<512x128xf32> -> vector<512x128xi32>
    %add3A_267 = arith.constant 32768 : i32
    %add3A_268 = vector.broadcast %add3A_267 : i32 to vector<512x128xi32>
    %add3A_269 = arith.addi %bitcast_convert_type3A_266, %add3A_268 : vector<512x128xi32>
    %shift_right_logical3A_270 = arith.constant 16 : i32
    %shift_right_logical3A_271 = vector.broadcast %shift_right_logical3A_270 : i32 to vector<512x128xi32>
    %shift_right_logical3A_272 = arith.shrui %add3A_269, %shift_right_logical3A_271 : vector<512x128xi32>
    %slice3A_273 = vector.extract_strided_slice %dot_general3A_264 {offsets = [0, 128], sizes = [512, 128], strides = [1, 1]} : vector<512x256xf32> to vector<512x128xf32>
    %bitcast_convert_type3A_274 = tpu.bitcast %slice3A_273 : vector<512x128xf32> -> vector<512x128xi32>
    %add3A_275 = arith.constant 32768 : i32
    %add3A_276 = vector.broadcast %add3A_275 : i32 to vector<512x128xi32>
    %add3A_277 = arith.addi %bitcast_convert_type3A_274, %add3A_276 : vector<512x128xi32>
    %shift_right_logical3A_278 = arith.constant 16 : i32
    %shift_right_logical3A_279 = vector.broadcast %shift_right_logical3A_278 : i32 to vector<512x128xi32>
    %shift_right_logical3A_280 = arith.shrui %add3A_277, %shift_right_logical3A_279 : vector<512x128xi32>
    %shift_left3A_281 = arith.constant 16 : i32
    %shift_left3A_282 = vector.broadcast %shift_left3A_281 : i32 to vector<512x128xi32>
    %shift_left3A_283 = arith.shli %shift_right_logical3A_280, %shift_left3A_282 : vector<512x128xi32>
    %or3A_284 = arith.ori %shift_right_logical3A_272, %shift_left3A_283 : vector<512x128xi32>
    %swap3A_285 = arith.constant 8 : index
    %swap3A_286 = arith.constant 0 : index
    %swap3A_287 = arith.constant 0 : index
    %swap3A_288 = vector.load %arg3[%swap3A_285, %swap3A_286, %swap3A_287] : memref<27x512x128xi32, #tpu.memory_space<vmem>>, vector<1x512x128xi32>
    %swap3A_289 = vector.shape_cast %swap3A_288 : vector<1x512x128xi32> to vector<512x128xi32>
    %swap3A_290 = vector.shape_cast %or3A_284 : vector<512x128xi32> to vector<1x512x128xi32>
    tpu.vector_store %arg3[%swap3A_285, %swap3A_286, %swap3A_287], %swap3A_290 {strides = array<i32>} : memref<27x512x128xi32, #tpu.memory_space<vmem>>, vector<1x512x128xi32>,
    %get3A_291 = arith.constant 9 : index
    %get3A_292 = arith.constant 0 : index
    %get3A_293 = arith.constant 0 : index
    %get3A_294 = vector.load %arg2[%get3A_291, %get3A_292, %get3A_293] : memref<27x256x256xbf16, #tpu.memory_space<vmem>>, vector<1x256x256xbf16>
    %get3A_295 = vector.shape_cast %get3A_294 : vector<1x256x256xbf16> to vector<256x256xbf16>
    %dot_general3A_296 = arith.constant dense<0.000000e+00> : vector<512x256xf32>
    %dot_general3A_297 = tpu.matmul %get3A_1, %get3A_295, %dot_general3A_296 {dimension_numbers = #tpu.dot_dimension_numbers<[1], [0], [0], [1], [0, 0, 1, 1], [], []>, transpose_lhs_hint = false} : vector<512x256xbf16>, vector<256x256xbf16>, vector<512x256xf32> -> vector<512x256xf32>
    %slice3A_298 = vector.extract_strided_slice %dot_general3A_297 {offsets = [0, 0], sizes = [512, 128], strides = [1, 1]} : vector<512x256xf32> to vector<512x128xf32>
    %bitcast_convert_type3A_299 = tpu.bitcast %slice3A_298 : vector<512x128xf32> -> vector<512x128xi32>
    %add3A_300 = arith.constant 32768 : i32
    %add3A_301 = vector.broadcast %add3A_300 : i32 to vector<512x128xi32>
    %add3A_302 = arith.addi %bitcast_convert_type3A_299, %add3A_301 : vector<512x128xi32>
    %shift_right_logical3A_303 = arith.constant 16 : i32
    %shift_right_logical3A_304 = vector.broadcast %shift_right_logical3A_303 : i32 to vector<512x128xi32>
    %shift_right_logical3A_305 = arith.shrui %add3A_302, %shift_right_logical3A_304 : vector<512x128xi32>
    %slice3A_306 = vector.extract_strided_slice %dot_general3A_297 {offsets = [0, 128], sizes = [512, 128], strides = [1, 1]} : vector<512x256xf32> to vector<512x128xf32>
    %bitcast_convert_type3A_307 = tpu.bitcast %slice3A_306 : vector<512x128xf32> -> vector<512x128xi32>
    %add3A_308 = arith.constant 32768 : i32
    %add3A_309 = vector.broadcast %add3A_308 : i32 to vector<512x128xi32>
    %add3A_310 = arith.addi %bitcast_convert_type3A_307, %add3A_309 : vector<512x128xi32>
    %shift_right_logical3A_311 = arith.constant 16 : i32
    %shift_right_logical3A_312 = vector.broadcast %shift_right_logical3A_311 : i32 to vector<512x128xi32>
    %shift_right_logical3A_313 = arith.shrui %add3A_310, %shift_right_logical3A_312 : vector<512x128xi32>
    %shift_left3A_314 = arith.constant 16 : i32
    %shift_left3A_315 = vector.broadcast %shift_left3A_314 : i32 to vector<512x128xi32>
    %shift_left3A_316 = arith.shli %shift_right_logical3A_313, %shift_left3A_315 : vector<512x128xi32>
    %or3A_317 = arith.ori %shift_right_logical3A_305, %shift_left3A_316 : vector<512x128xi32>
    %swap3A_318 = arith.constant 9 : index
    %swap3A_319 = arith.constant 0 : index
    %swap3A_320 = arith.constant 0 : index
    %swap3A_321 = vector.load %arg3[%swap3A_318, %swap3A_319, %swap3A_320] : memref<27x512x128xi32, #tpu.memory_space<vmem>>, vector<1x512x128xi32>
    %swap3A_322 = vector.shape_cast %swap3A_321 : vector<1x512x128xi32> to vector<512x128xi32>
    %swap3A_323 = vector.shape_cast %or3A_317 : vector<512x128xi32> to vector<1x512x128xi32>
    tpu.vector_store %arg3[%swap3A_318, %swap3A_319, %swap3A_320], %swap3A_323 {strides = array<i32>} : memref<27x512x128xi32, #tpu.memory_space<vmem>>, vector<1x512x128xi32>,
    %get3A_324 = arith.constant 10 : index
    %get3A_325 = arith.constant 0 : index
    %get3A_326 = arith.constant 0 : index
    %get3A_327 = vector.load %arg2[%get3A_324, %get3A_325, %get3A_326] : memref<27x256x256xbf16, #tpu.memory_space<vmem>>, vector<1x256x256xbf16>
    %get3A_328 = vector.shape_cast %get3A_327 : vector<1x256x256xbf16> to vector<256x256xbf16>
    %dot_general3A_329 = arith.constant dense<0.000000e+00> : vector<512x256xf32>
    %dot_general3A_330 = tpu.matmul %get3A_1, %get3A_328, %dot_general3A_329 {dimension_numbers = #tpu.dot_dimension_numbers<[1], [0], [0], [1], [0, 0, 1, 1], [], []>, transpose_lhs_hint = false} : vector<512x256xbf16>, vector<256x256xbf16>, vector<512x256xf32> -> vector<512x256xf32>
    %slice3A_331 = vector.extract_strided_slice %dot_general3A_330 {offsets = [0, 0], sizes = [512, 128], strides = [1, 1]} : vector<512x256xf32> to vector<512x128xf32>
    %bitcast_convert_type3A_332 = tpu.bitcast %slice3A_331 : vector<512x128xf32> -> vector<512x128xi32>
    %add3A_333 = arith.constant 32768 : i32
    %add3A_334 = vector.broadcast %add3A_333 : i32 to vector<512x128xi32>
    %add3A_335 = arith.addi %bitcast_convert_type3A_332, %add3A_334 : vector<512x128xi32>
    %shift_right_logical3A_336 = arith.constant 16 : i32
    %shift_right_logical3A_337 = vector.broadcast %shift_right_logical3A_336 : i32 to vector<512x128xi32>
    %shift_right_logical3A_338 = arith.shrui %add3A_335, %shift_right_logical3A_337 : vector<512x128xi32>
    %slice3A_339 = vector.extract_strided_slice %dot_general3A_330 {offsets = [0, 128], sizes = [512, 128], strides = [1, 1]} : vector<512x256xf32> to vector<512x128xf32>
    %bitcast_convert_type3A_340 = tpu.bitcast %slice3A_339 : vector<512x128xf32> -> vector<512x128xi32>
    %add3A_341 = arith.constant 32768 : i32
    %add3A_342 = vector.broadcast %add3A_341 : i32 to vector<512x128xi32>
    %add3A_343 = arith.addi %bitcast_convert_type3A_340, %add3A_342 : vector<512x128xi32>
    %shift_right_logical3A_344 = arith.constant 16 : i32
    %shift_right_logical3A_345 = vector.broadcast %shift_right_logical3A_344 : i32 to vector<512x128xi32>
    %shift_right_logical3A_346 = arith.shrui %add3A_343, %shift_right_logical3A_345 : vector<512x128xi32>
    %shift_left3A_347 = arith.constant 16 : i32
    %shift_left3A_348 = vector.broadcast %shift_left3A_347 : i32 to vector<512x128xi32>
    %shift_left3A_349 = arith.shli %shift_right_logical3A_346, %shift_left3A_348 : vector<512x128xi32>
    %or3A_350 = arith.ori %shift_right_logical3A_338, %shift_left3A_349 : vector<512x128xi32>
    %swap3A_351 = arith.constant 10 : index
    %swap3A_352 = arith.constant 0 : index
    %swap3A_353 = arith.constant 0 : index
    %swap3A_354 = vector.load %arg3[%swap3A_351, %swap3A_352, %swap3A_353] : memref<27x512x128xi32, #tpu.memory_space<vmem>>, vector<1x512x128xi32>
    %swap3A_355 = vector.shape_cast %swap3A_354 : vector<1x512x128xi32> to vector<512x128xi32>
    %swap3A_356 = vector.shape_cast %or3A_350 : vector<512x128xi32> to vector<1x512x128xi32>
    tpu.vector_store %arg3[%swap3A_351, %swap3A_352, %swap3A_353], %swap3A_356 {strides = array<i32>} : memref<27x512x128xi32, #tpu.memory_space<vmem>>, vector<1x512x128xi32>,
    %get3A_357 = arith.constant 11 : index
    %get3A_358 = arith.constant 0 : index
    %get3A_359 = arith.constant 0 : index
    %get3A_360 = vector.load %arg2[%get3A_357, %get3A_358, %get3A_359] : memref<27x256x256xbf16, #tpu.memory_space<vmem>>, vector<1x256x256xbf16>
    %get3A_361 = vector.shape_cast %get3A_360 : vector<1x256x256xbf16> to vector<256x256xbf16>
    %dot_general3A_362 = arith.constant dense<0.000000e+00> : vector<512x256xf32>
    %dot_general3A_363 = tpu.matmul %get3A_1, %get3A_361, %dot_general3A_362 {dimension_numbers = #tpu.dot_dimension_numbers<[1], [0], [0], [1], [0, 0, 1, 1], [], []>, transpose_lhs_hint = false} : vector<512x256xbf16>, vector<256x256xbf16>, vector<512x256xf32> -> vector<512x256xf32>
    %slice3A_364 = vector.extract_strided_slice %dot_general3A_363 {offsets = [0, 0], sizes = [512, 128], strides = [1, 1]} : vector<512x256xf32> to vector<512x128xf32>
    %bitcast_convert_type3A_365 = tpu.bitcast %slice3A_364 : vector<512x128xf32> -> vector<512x128xi32>
    %add3A_366 = arith.constant 32768 : i32
    %add3A_367 = vector.broadcast %add3A_366 : i32 to vector<512x128xi32>
    %add3A_368 = arith.addi %bitcast_convert_type3A_365, %add3A_367 : vector<512x128xi32>
    %shift_right_logical3A_369 = arith.constant 16 : i32
    %shift_right_logical3A_370 = vector.broadcast %shift_right_logical3A_369 : i32 to vector<512x128xi32>
    %shift_right_logical3A_371 = arith.shrui %add3A_368, %shift_right_logical3A_370 : vector<512x128xi32>
    %slice3A_372 = vector.extract_strided_slice %dot_general3A_363 {offsets = [0, 128], sizes = [512, 128], strides = [1, 1]} : vector<512x256xf32> to vector<512x128xf32>
    %bitcast_convert_type3A_373 = tpu.bitcast %slice3A_372 : vector<512x128xf32> -> vector<512x128xi32>
    %add3A_374 = arith.constant 32768 : i32
    %add3A_375 = vector.broadcast %add3A_374 : i32 to vector<512x128xi32>
    %add3A_376 = arith.addi %bitcast_convert_type3A_373, %add3A_375 : vector<512x128xi32>
    %shift_right_logical3A_377 = arith.constant 16 : i32
    %shift_right_logical3A_378 = vector.broadcast %shift_right_logical3A_377 : i32 to vector<512x128xi32>
    %shift_right_logical3A_379 = arith.shrui %add3A_376, %shift_right_logical3A_378 : vector<512x128xi32>
    %shift_left3A_380 = arith.constant 16 : i32
    %shift_left3A_381 = vector.broadcast %shift_left3A_380 : i32 to vector<512x128xi32>
    %shift_left3A_382 = arith.shli %shift_right_logical3A_379, %shift_left3A_381 : vector<512x128xi32>
    %or3A_383 = arith.ori %shift_right_logical3A_371, %shift_left3A_382 : vector<512x128xi32>
    %swap3A_384 = arith.constant 11 : index
    %swap3A_385 = arith.constant 0 : index
    %swap3A_386 = arith.constant 0 : index
    %swap3A_387 = vector.load %arg3[%swap3A_384, %swap3A_385, %swap3A_386] : memref<27x512x128xi32, #tpu.memory_space<vmem>>, vector<1x512x128xi32>
    %swap3A_388 = vector.shape_cast %swap3A_387 : vector<1x512x128xi32> to vector<512x128xi32>
    %swap3A_389 = vector.shape_cast %or3A_383 : vector<512x128xi32> to vector<1x512x128xi32>
    tpu.vector_store %arg3[%swap3A_384, %swap3A_385, %swap3A_386], %swap3A_389 {strides = array<i32>} : memref<27x512x128xi32, #tpu.memory_space<vmem>>, vector<1x512x128xi32>,
    %get3A_390 = arith.constant 12 : index
    %get3A_391 = arith.constant 0 : index
    %get3A_392 = arith.constant 0 : index
    %get3A_393 = vector.load %arg2[%get3A_390, %get3A_391, %get3A_392] : memref<27x256x256xbf16, #tpu.memory_space<vmem>>, vector<1x256x256xbf16>
    %get3A_394 = vector.shape_cast %get3A_393 : vector<1x256x256xbf16> to vector<256x256xbf16>
    %dot_general3A_395 = arith.constant dense<0.000000e+00> : vector<512x256xf32>
    %dot_general3A_396 = tpu.matmul %get3A_1, %get3A_394, %dot_general3A_395 {dimension_numbers = #tpu.dot_dimension_numbers<[1], [0], [0], [1], [0, 0, 1, 1], [], []>, transpose_lhs_hint = false} : vector<512x256xbf16>, vector<256x256xbf16>, vector<512x256xf32> -> vector<512x256xf32>
    %slice3A_397 = vector.extract_strided_slice %dot_general3A_396 {offsets = [0, 0], sizes = [512, 128], strides = [1, 1]} : vector<512x256xf32> to vector<512x128xf32>
    %bitcast_convert_type3A_398 = tpu.bitcast %slice3A_397 : vector<512x128xf32> -> vector<512x128xi32>
    %add3A_399 = arith.constant 32768 : i32
    %add3A_400 = vector.broadcast %add3A_399 : i32 to vector<512x128xi32>
    %add3A_401 = arith.addi %bitcast_convert_type3A_398, %add3A_400 : vector<512x128xi32>
    %shift_right_logical3A_402 = arith.constant 16 : i32
    %shift_right_logical3A_403 = vector.broadcast %shift_right_logical3A_402 : i32 to vector<512x128xi32>
    %shift_right_logical3A_404 = arith.shrui %add3A_401, %shift_right_logical3A_403 : vector<512x128xi32>
    %slice3A_405 = vector.extract_strided_slice %dot_general3A_396 {offsets = [0, 128], sizes = [512, 128], strides = [1, 1]} : vector<512x256xf32> to vector<512x128xf32>
    %bitcast_convert_type3A_406 = tpu.bitcast %slice3A_405 : vector<512x128xf32> -> vector<512x128xi32>
    %add3A_407 = arith.constant 32768 : i32
    %add3A_408 = vector.broadcast %add3A_407 : i32 to vector<512x128xi32>
    %add3A_409 = arith.addi %bitcast_convert_type3A_406, %add3A_408 : vector<512x128xi32>
    %shift_right_logical3A_410 = arith.constant 16 : i32
    %shift_right_logical3A_411 = vector.broadcast %shift_right_logical3A_410 : i32 to vector<512x128xi32>
    %shift_right_logical3A_412 = arith.shrui %add3A_409, %shift_right_logical3A_411 : vector<512x128xi32>
    %shift_left3A_413 = arith.constant 16 : i32
    %shift_left3A_414 = vector.broadcast %shift_left3A_413 : i32 to vector<512x128xi32>
    %shift_left3A_415 = arith.shli %shift_right_logical3A_412, %shift_left3A_414 : vector<512x128xi32>
    %or3A_416 = arith.ori %shift_right_logical3A_404, %shift_left3A_415 : vector<512x128xi32>
    %swap3A_417 = arith.constant 12 : index
    %swap3A_418 = arith.constant 0 : index
    %swap3A_419 = arith.constant 0 : index
    %swap3A_420 = vector.load %arg3[%swap3A_417, %swap3A_418, %swap3A_419] : memref<27x512x128xi32, #tpu.memory_space<vmem>>, vector<1x512x128xi32>
    %swap3A_421 = vector.shape_cast %swap3A_420 : vector<1x512x128xi32> to vector<512x128xi32>
    %swap3A_422 = vector.shape_cast %or3A_416 : vector<512x128xi32> to vector<1x512x128xi32>
    tpu.vector_store %arg3[%swap3A_417, %swap3A_418, %swap3A_419], %swap3A_422 {strides = array<i32>} : memref<27x512x128xi32, #tpu.memory_space<vmem>>, vector<1x512x128xi32>,
    %get3A_423 = arith.constant 13 : index
    %get3A_424 = arith.constant 0 : index
    %get3A_425 = arith.constant 0 : index
    %get3A_426 = vector.load %arg2[%get3A_423, %get3A_424, %get3A_425] : memref<27x256x256xbf16, #tpu.memory_space<vmem>>, vector<1x256x256xbf16>
    %get3A_427 = vector.shape_cast %get3A_426 : vector<1x256x256xbf16> to vector<256x256xbf16>
    %dot_general3A_428 = arith.constant dense<0.000000e+00> : vector<512x256xf32>
    %dot_general3A_429 = tpu.matmul %get3A_1, %get3A_427, %dot_general3A_428 {dimension_numbers = #tpu.dot_dimension_numbers<[1], [0], [0], [1], [0, 0, 1, 1], [], []>, transpose_lhs_hint = false} : vector<512x256xbf16>, vector<256x256xbf16>, vector<512x256xf32> -> vector<512x256xf32>
    %slice3A_430 = vector.extract_strided_slice %dot_general3A_429 {offsets = [0, 0], sizes = [512, 128], strides = [1, 1]} : vector<512x256xf32> to vector<512x128xf32>
    %bitcast_convert_type3A_431 = tpu.bitcast %slice3A_430 : vector<512x128xf32> -> vector<512x128xi32>
    %add3A_432 = arith.constant 32768 : i32
    %add3A_433 = vector.broadcast %add3A_432 : i32 to vector<512x128xi32>
    %add3A_434 = arith.addi %bitcast_convert_type3A_431, %add3A_433 : vector<512x128xi32>
    %shift_right_logical3A_435 = arith.constant 16 : i32
    %shift_right_logical3A_436 = vector.broadcast %shift_right_logical3A_435 : i32 to vector<512x128xi32>
    %shift_right_logical3A_437 = arith.shrui %add3A_434, %shift_right_logical3A_436 : vector<512x128xi32>
    %slice3A_438 = vector.extract_strided_slice %dot_general3A_429 {offsets = [0, 128], sizes = [512, 128], strides = [1, 1]} : vector<512x256xf32> to vector<512x128xf32>
    %bitcast_convert_type3A_439 = tpu.bitcast %slice3A_438 : vector<512x128xf32> -> vector<512x128xi32>
    %add3A_440 = arith.constant 32768 : i32
    %add3A_441 = vector.broadcast %add3A_440 : i32 to vector<512x128xi32>
    %add3A_442 = arith.addi %bitcast_convert_type3A_439, %add3A_441 : vector<512x128xi32>
    %shift_right_logical3A_443 = arith.constant 16 : i32
    %shift_right_logical3A_444 = vector.broadcast %shift_right_logical3A_443 : i32 to vector<512x128xi32>
    %shift_right_logical3A_445 = arith.shrui %add3A_442, %shift_right_logical3A_444 : vector<512x128xi32>
    %shift_left3A_446 = arith.constant 16 : i32
    %shift_left3A_447 = vector.broadcast %shift_left3A_446 : i32 to vector<512x128xi32>
    %shift_left3A_448 = arith.shli %shift_right_logical3A_445, %shift_left3A_447 : vector<512x128xi32>
    %or3A_449 = arith.ori %shift_right_logical3A_437, %shift_left3A_448 : vector<512x128xi32>
    %swap3A_450 = arith.constant 13 : index
    %swap3A_451 = arith.constant 0 : index
    %swap3A_452 = arith.constant 0 : index
    %swap3A_453 = vector.load %arg3[%swap3A_450, %swap3A_451, %swap3A_452] : memref<27x512x128xi32, #tpu.memory_space<vmem>>, vector<1x512x128xi32>
    %swap3A_454 = vector.shape_cast %swap3A_453 : vector<1x512x128xi32> to vector<512x128xi32>
    %swap3A_455 = vector.shape_cast %or3A_449 : vector<512x128xi32> to vector<1x512x128xi32>
    tpu.vector_store %arg3[%swap3A_450, %swap3A_451, %swap3A_452], %swap3A_455 {strides = array<i32>} : memref<27x512x128xi32, #tpu.memory_space<vmem>>, vector<1x512x128xi32>,
    %get3A_456 = arith.constant 14 : index
    %get3A_457 = arith.constant 0 : index
    %get3A_458 = arith.constant 0 : index
    %get3A_459 = vector.load %arg2[%get3A_456, %get3A_457, %get3A_458] : memref<27x256x256xbf16, #tpu.memory_space<vmem>>, vector<1x256x256xbf16>
    %get3A_460 = vector.shape_cast %get3A_459 : vector<1x256x256xbf16> to vector<256x256xbf16>
    %dot_general3A_461 = arith.constant dense<0.000000e+00> : vector<512x256xf32>
    %dot_general3A_462 = tpu.matmul %get3A_1, %get3A_460, %dot_general3A_461 {dimension_numbers = #tpu.dot_dimension_numbers<[1], [0], [0], [1], [0, 0, 1, 1], [], []>, transpose_lhs_hint = false} : vector<512x256xbf16>, vector<256x256xbf16>, vector<512x256xf32> -> vector<512x256xf32>
    %slice3A_463 = vector.extract_strided_slice %dot_general3A_462 {offsets = [0, 0], sizes = [512, 128], strides = [1, 1]} : vector<512x256xf32> to vector<512x128xf32>
    %bitcast_convert_type3A_464 = tpu.bitcast %slice3A_463 : vector<512x128xf32> -> vector<512x128xi32>
    %add3A_465 = arith.constant 32768 : i32
    %add3A_466 = vector.broadcast %add3A_465 : i32 to vector<512x128xi32>
    %add3A_467 = arith.addi %bitcast_convert_type3A_464, %add3A_466 : vector<512x128xi32>
    %shift_right_logical3A_468 = arith.constant 16 : i32
    %shift_right_logical3A_469 = vector.broadcast %shift_right_logical3A_468 : i32 to vector<512x128xi32>
    %shift_right_logical3A_470 = arith.shrui %add3A_467, %shift_right_logical3A_469 : vector<512x128xi32>
    %slice3A_471 = vector.extract_strided_slice %dot_general3A_462 {offsets = [0, 128], sizes = [512, 128], strides = [1, 1]} : vector<512x256xf32> to vector<512x128xf32>
    %bitcast_convert_type3A_472 = tpu.bitcast %slice3A_471 : vector<512x128xf32> -> vector<512x128xi32>
    %add3A_473 = arith.constant 32768 : i32
    %add3A_474 = vector.broadcast %add3A_473 : i32 to vector<512x128xi32>
    %add3A_475 = arith.addi %bitcast_convert_type3A_472, %add3A_474 : vector<512x128xi32>
    %shift_right_logical3A_476 = arith.constant 16 : i32
    %shift_right_logical3A_477 = vector.broadcast %shift_right_logical3A_476 : i32 to vector<512x128xi32>
    %shift_right_logical3A_478 = arith.shrui %add3A_475, %shift_right_logical3A_477 : vector<512x128xi32>
    %shift_left3A_479 = arith.constant 16 : i32
    %shift_left3A_480 = vector.broadcast %shift_left3A_479 : i32 to vector<512x128xi32>
    %shift_left3A_481 = arith.shli %shift_right_logical3A_478, %shift_left3A_480 : vector<512x128xi32>
    %or3A_482 = arith.ori %shift_right_logical3A_470, %shift_left3A_481 : vector<512x128xi32>
    %swap3A_483 = arith.constant 14 : index
    %swap3A_484 = arith.constant 0 : index
    %swap3A_485 = arith.constant 0 : index
    %swap3A_486 = vector.load %arg3[%swap3A_483, %swap3A_484, %swap3A_485] : memref<27x512x128xi32, #tpu.memory_space<vmem>>, vector<1x512x128xi32>
    %swap3A_487 = vector.shape_cast %swap3A_486 : vector<1x512x128xi32> to vector<512x128xi32>
    %swap3A_488 = vector.shape_cast %or3A_482 : vector<512x128xi32> to vector<1x512x128xi32>
    tpu.vector_store %arg3[%swap3A_483, %swap3A_484, %swap3A_485], %swap3A_488 {strides = array<i32>} : memref<27x512x128xi32, #tpu.memory_space<vmem>>, vector<1x512x128xi32>,
    %get3A_489 = arith.constant 15 : index
    %get3A_490 = arith.constant 0 : index
    %get3A_491 = arith.constant 0 : index
    %get3A_492 = vector.load %arg2[%get3A_489, %get3A_490, %get3A_491] : memref<27x256x256xbf16, #tpu.memory_space<vmem>>, vector<1x256x256xbf16>
    %get3A_493 = vector.shape_cast %get3A_492 : vector<1x256x256xbf16> to vector<256x256xbf16>
    %dot_general3A_494 = arith.constant dense<0.000000e+00> : vector<512x256xf32>
    %dot_general3A_495 = tpu.matmul %get3A_1, %get3A_493, %dot_general3A_494 {dimension_numbers = #tpu.dot_dimension_numbers<[1], [0], [0], [1], [0, 0, 1, 1], [], []>, transpose_lhs_hint = false} : vector<512x256xbf16>, vector<256x256xbf16>, vector<512x256xf32> -> vector<512x256xf32>
    %slice3A_496 = vector.extract_strided_slice %dot_general3A_495 {offsets = [0, 0], sizes = [512, 128], strides = [1, 1]} : vector<512x256xf32> to vector<512x128xf32>
    %bitcast_convert_type3A_497 = tpu.bitcast %slice3A_496 : vector<512x128xf32> -> vector<512x128xi32>
    %add3A_498 = arith.constant 32768 : i32
    %add3A_499 = vector.broadcast %add3A_498 : i32 to vector<512x128xi32>
    %add3A_500 = arith.addi %bitcast_convert_type3A_497, %add3A_499 : vector<512x128xi32>
    %shift_right_logical3A_501 = arith.constant 16 : i32
    %shift_right_logical3A_502 = vector.broadcast %shift_right_logical3A_501 : i32 to vector<512x128xi32>
    %shift_right_logical3A_503 = arith.shrui %add3A_500, %shift_right_logical3A_502 : vector<512x128xi32>
    %slice3A_504 = vector.extract_strided_slice %dot_general3A_495 {offsets = [0, 128], sizes = [512, 128], strides = [1, 1]} : vector<512x256xf32> to vector<512x128xf32>
    %bitcast_convert_type3A_505 = tpu.bitcast %slice3A_504 : vector<512x128xf32> -> vector<512x128xi32>
    %add3A_506 = arith.constant 32768 : i32
    %add3A_507 = vector.broadcast %add3A_506 : i32 to vector<512x128xi32>
    %add3A_508 = arith.addi %bitcast_convert_type3A_505, %add3A_507 : vector<512x128xi32>
    %shift_right_logical3A_509 = arith.constant 16 : i32
    %shift_right_logical3A_510 = vector.broadcast %shift_right_logical3A_509 : i32 to vector<512x128xi32>
    %shift_right_logical3A_511 = arith.shrui %add3A_508, %shift_right_logical3A_510 : vector<512x128xi32>
    %shift_left3A_512 = arith.constant 16 : i32
    %shift_left3A_513 = vector.broadcast %shift_left3A_512 : i32 to vector<512x128xi32>
    %shift_left3A_514 = arith.shli %shift_right_logical3A_511, %shift_left3A_513 : vector<512x128xi32>
    %or3A_515 = arith.ori %shift_right_logical3A_503, %shift_left3A_514 : vector<512x128xi32>
    %swap3A_516 = arith.constant 15 : index
    %swap3A_517 = arith.constant 0 : index
    %swap3A_518 = arith.constant 0 : index
    %swap3A_519 = vector.load %arg3[%swap3A_516, %swap3A_517, %swap3A_518] : memref<27x512x128xi32, #tpu.memory_space<vmem>>, vector<1x512x128xi32>
    %swap3A_520 = vector.shape_cast %swap3A_519 : vector<1x512x128xi32> to vector<512x128xi32>
    %swap3A_521 = vector.shape_cast %or3A_515 : vector<512x128xi32> to vector<1x512x128xi32>
    tpu.vector_store %arg3[%swap3A_516, %swap3A_517, %swap3A_518], %swap3A_521 {strides = array<i32>} : memref<27x512x128xi32, #tpu.memory_space<vmem>>, vector<1x512x128xi32>,
    %get3A_522 = arith.constant 16 : index
    %get3A_523 = arith.constant 0 : index
    %get3A_524 = arith.constant 0 : index
    %get3A_525 = vector.load %arg2[%get3A_522, %get3A_523, %get3A_524] : memref<27x256x256xbf16, #tpu.memory_space<vmem>>, vector<1x256x256xbf16>
    %get3A_526 = vector.shape_cast %get3A_525 : vector<1x256x256xbf16> to vector<256x256xbf16>
    %dot_general3A_527 = arith.constant dense<0.000000e+00> : vector<512x256xf32>
    %dot_general3A_528 = tpu.matmul %get3A_1, %get3A_526, %dot_general3A_527 {dimension_numbers = #tpu.dot_dimension_numbers<[1], [0], [0], [1], [0, 0, 1, 1], [], []>, transpose_lhs_hint = false} : vector<512x256xbf16>, vector<256x256xbf16>, vector<512x256xf32> -> vector<512x256xf32>
    %slice3A_529 = vector.extract_strided_slice %dot_general3A_528 {offsets = [0, 0], sizes = [512, 128], strides = [1, 1]} : vector<512x256xf32> to vector<512x128xf32>
    %bitcast_convert_type3A_530 = tpu.bitcast %slice3A_529 : vector<512x128xf32> -> vector<512x128xi32>
    %add3A_531 = arith.constant 32768 : i32
    %add3A_532 = vector.broadcast %add3A_531 : i32 to vector<512x128xi32>
    %add3A_533 = arith.addi %bitcast_convert_type3A_530, %add3A_532 : vector<512x128xi32>
    %shift_right_logical3A_534 = arith.constant 16 : i32
    %shift_right_logical3A_535 = vector.broadcast %shift_right_logical3A_534 : i32 to vector<512x128xi32>
    %shift_right_logical3A_536 = arith.shrui %add3A_533, %shift_right_logical3A_535 : vector<512x128xi32>
    %slice3A_537 = vector.extract_strided_slice %dot_general3A_528 {offsets = [0, 128], sizes = [512, 128], strides = [1, 1]} : vector<512x256xf32> to vector<512x128xf32>
    %bitcast_convert_type3A_538 = tpu.bitcast %slice3A_537 : vector<512x128xf32> -> vector<512x128xi32>
    %add3A_539 = arith.constant 32768 : i32
    %add3A_540 = vector.broadcast %add3A_539 : i32 to vector<512x128xi32>
    %add3A_541 = arith.addi %bitcast_convert_type3A_538, %add3A_540 : vector<512x128xi32>
    %shift_right_logical3A_542 = arith.constant 16 : i32
    %shift_right_logical3A_543 = vector.broadcast %shift_right_logical3A_542 : i32 to vector<512x128xi32>
    %shift_right_logical3A_544 = arith.shrui %add3A_541, %shift_right_logical3A_543 : vector<512x128xi32>
    %shift_left3A_545 = arith.constant 16 : i32
    %shift_left3A_546 = vector.broadcast %shift_left3A_545 : i32 to vector<512x128xi32>
    %shift_left3A_547 = arith.shli %shift_right_logical3A_544, %shift_left3A_546 : vector<512x128xi32>
    %or3A_548 = arith.ori %shift_right_logical3A_536, %shift_left3A_547 : vector<512x128xi32>
    %swap3A_549 = arith.constant 16 : index
    %swap3A_550 = arith.constant 0 : index
    %swap3A_551 = arith.constant 0 : index
    %swap3A_552 = vector.load %arg3[%swap3A_549, %swap3A_550, %swap3A_551] : memref<27x512x128xi32, #tpu.memory_space<vmem>>, vector<1x512x128xi32>
    %swap3A_553 = vector.shape_cast %swap3A_552 : vector<1x512x128xi32> to vector<512x128xi32>
    %swap3A_554 = vector.shape_cast %or3A_548 : vector<512x128xi32> to vector<1x512x128xi32>
    tpu.vector_store %arg3[%swap3A_549, %swap3A_550, %swap3A_551], %swap3A_554 {strides = array<i32>} : memref<27x512x128xi32, #tpu.memory_space<vmem>>, vector<1x512x128xi32>,
    %get3A_555 = arith.constant 17 : index
    %get3A_556 = arith.constant 0 : index
    %get3A_557 = arith.constant 0 : index
    %get3A_558 = vector.load %arg2[%get3A_555, %get3A_556, %get3A_557] : memref<27x256x256xbf16, #tpu.memory_space<vmem>>, vector<1x256x256xbf16>
    %get3A_559 = vector.shape_cast %get3A_558 : vector<1x256x256xbf16> to vector<256x256xbf16>
    %dot_general3A_560 = arith.constant dense<0.000000e+00> : vector<512x256xf32>
    %dot_general3A_561 = tpu.matmul %get3A_1, %get3A_559, %dot_general3A_560 {dimension_numbers = #tpu.dot_dimension_numbers<[1], [0], [0], [1], [0, 0, 1, 1], [], []>, transpose_lhs_hint = false} : vector<512x256xbf16>, vector<256x256xbf16>, vector<512x256xf32> -> vector<512x256xf32>
    %slice3A_562 = vector.extract_strided_slice %dot_general3A_561 {offsets = [0, 0], sizes = [512, 128], strides = [1, 1]} : vector<512x256xf32> to vector<512x128xf32>
    %bitcast_convert_type3A_563 = tpu.bitcast %slice3A_562 : vector<512x128xf32> -> vector<512x128xi32>
    %add3A_564 = arith.constant 32768 : i32
    %add3A_565 = vector.broadcast %add3A_564 : i32 to vector<512x128xi32>
    %add3A_566 = arith.addi %bitcast_convert_type3A_563, %add3A_565 : vector<512x128xi32>
    %shift_right_logical3A_567 = arith.constant 16 : i32
    %shift_right_logical3A_568 = vector.broadcast %shift_right_logical3A_567 : i32 to vector<512x128xi32>
    %shift_right_logical3A_569 = arith.shrui %add3A_566, %shift_right_logical3A_568 : vector<512x128xi32>
    %slice3A_570 = vector.extract_strided_slice %dot_general3A_561 {offsets = [0, 128], sizes = [512, 128], strides = [1, 1]} : vector<512x256xf32> to vector<512x128xf32>
    %bitcast_convert_type3A_571 = tpu.bitcast %slice3A_570 : vector<512x128xf32> -> vector<512x128xi32>
    %add3A_572 = arith.constant 32768 : i32
    %add3A_573 = vector.broadcast %add3A_572 : i32 to vector<512x128xi32>
    %add3A_574 = arith.addi %bitcast_convert_type3A_571, %add3A_573 : vector<512x128xi32>
    %shift_right_logical3A_575 = arith.constant 16 : i32
    %shift_right_logical3A_576 = vector.broadcast %shift_right_logical3A_575 : i32 to vector<512x128xi32>
    %shift_right_logical3A_577 = arith.shrui %add3A_574, %shift_right_logical3A_576 : vector<512x128xi32>
    %shift_left3A_578 = arith.constant 16 : i32
    %shift_left3A_579 = vector.broadcast %shift_left3A_578 : i32 to vector<512x128xi32>
    %shift_left3A_580 = arith.shli %shift_right_logical3A_577, %shift_left3A_579 : vector<512x128xi32>
    %or3A_581 = arith.ori %shift_right_logical3A_569, %shift_left3A_580 : vector<512x128xi32>
    %swap3A_582 = arith.constant 17 : index
    %swap3A_583 = arith.constant 0 : index
    %swap3A_584 = arith.constant 0 : index
    %swap3A_585 = vector.load %arg3[%swap3A_582, %swap3A_583, %swap3A_584] : memref<27x512x128xi32, #tpu.memory_space<vmem>>, vector<1x512x128xi32>
    %swap3A_586 = vector.shape_cast %swap3A_585 : vector<1x512x128xi32> to vector<512x128xi32>
    %swap3A_587 = vector.shape_cast %or3A_581 : vector<512x128xi32> to vector<1x512x128xi32>
    tpu.vector_store %arg3[%swap3A_582, %swap3A_583, %swap3A_584], %swap3A_587 {strides = array<i32>} : memref<27x512x128xi32, #tpu.memory_space<vmem>>, vector<1x512x128xi32>,
    %get3A_588 = arith.constant 18 : index
    %get3A_589 = arith.constant 0 : index
    %get3A_590 = arith.constant 0 : index
    %get3A_591 = vector.load %arg2[%get3A_588, %get3A_589, %get3A_590] : memref<27x256x256xbf16, #tpu.memory_space<vmem>>, vector<1x256x256xbf16>
    %get3A_592 = vector.shape_cast %get3A_591 : vector<1x256x256xbf16> to vector<256x256xbf16>
    %dot_general3A_593 = arith.constant dense<0.000000e+00> : vector<512x256xf32>
    %dot_general3A_594 = tpu.matmul %get3A_1, %get3A_592, %dot_general3A_593 {dimension_numbers = #tpu.dot_dimension_numbers<[1], [0], [0], [1], [0, 0, 1, 1], [], []>, transpose_lhs_hint = false} : vector<512x256xbf16>, vector<256x256xbf16>, vector<512x256xf32> -> vector<512x256xf32>
    %slice3A_595 = vector.extract_strided_slice %dot_general3A_594 {offsets = [0, 0], sizes = [512, 128], strides = [1, 1]} : vector<512x256xf32> to vector<512x128xf32>
    %bitcast_convert_type3A_596 = tpu.bitcast %slice3A_595 : vector<512x128xf32> -> vector<512x128xi32>
    %add3A_597 = arith.constant 32768 : i32
    %add3A_598 = vector.broadcast %add3A_597 : i32 to vector<512x128xi32>
    %add3A_599 = arith.addi %bitcast_convert_type3A_596, %add3A_598 : vector<512x128xi32>
    %shift_right_logical3A_600 = arith.constant 16 : i32
    %shift_right_logical3A_601 = vector.broadcast %shift_right_logical3A_600 : i32 to vector<512x128xi32>
    %shift_right_logical3A_602 = arith.shrui %add3A_599, %shift_right_logical3A_601 : vector<512x128xi32>
    %slice3A_603 = vector.extract_strided_slice %dot_general3A_594 {offsets = [0, 128], sizes = [512, 128], strides = [1, 1]} : vector<512x256xf32> to vector<512x128xf32>
    %bitcast_convert_type3A_604 = tpu.bitcast %slice3A_603 : vector<512x128xf32> -> vector<512x128xi32>
    %add3A_605 = arith.constant 32768 : i32
    %add3A_606 = vector.broadcast %add3A_605 : i32 to vector<512x128xi32>
    %add3A_607 = arith.addi %bitcast_convert_type3A_604, %add3A_606 : vector<512x128xi32>
    %shift_right_logical3A_608 = arith.constant 16 : i32
    %shift_right_logical3A_609 = vector.broadcast %shift_right_logical3A_608 : i32 to vector<512x128xi32>
    %shift_right_logical3A_610 = arith.shrui %add3A_607, %shift_right_logical3A_609 : vector<512x128xi32>
    %shift_left3A_611 = arith.constant 16 : i32
    %shift_left3A_612 = vector.broadcast %shift_left3A_611 : i32 to vector<512x128xi32>
    %shift_left3A_613 = arith.shli %shift_right_logical3A_610, %shift_left3A_612 : vector<512x128xi32>
    %or3A_614 = arith.ori %shift_right_logical3A_602, %shift_left3A_613 : vector<512x128xi32>
    %swap3A_615 = arith.constant 18 : index
    %swap3A_616 = arith.constant 0 : index
    %swap3A_617 = arith.constant 0 : index
    %swap3A_618 = vector.load %arg3[%swap3A_615, %swap3A_616, %swap3A_617] : memref<27x512x128xi32, #tpu.memory_space<vmem>>, vector<1x512x128xi32>
    %swap3A_619 = vector.shape_cast %swap3A_618 : vector<1x512x128xi32> to vector<512x128xi32>
    %swap3A_620 = vector.shape_cast %or3A_614 : vector<512x128xi32> to vector<1x512x128xi32>
    tpu.vector_store %arg3[%swap3A_615, %swap3A_616, %swap3A_617], %swap3A_620 {strides = array<i32>} : memref<27x512x128xi32, #tpu.memory_space<vmem>>, vector<1x512x128xi32>,
    %get3A_621 = arith.constant 19 : index
    %get3A_622 = arith.constant 0 : index
    %get3A_623 = arith.constant 0 : index
    %get3A_624 = vector.load %arg2[%get3A_621, %get3A_622, %get3A_623] : memref<27x256x256xbf16, #tpu.memory_space<vmem>>, vector<1x256x256xbf16>
    %get3A_625 = vector.shape_cast %get3A_624 : vector<1x256x256xbf16> to vector<256x256xbf16>
    %dot_general3A_626 = arith.constant dense<0.000000e+00> : vector<512x256xf32>
    %dot_general3A_627 = tpu.matmul %get3A_1, %get3A_625, %dot_general3A_626 {dimension_numbers = #tpu.dot_dimension_numbers<[1], [0], [0], [1], [0, 0, 1, 1], [], []>, transpose_lhs_hint = false} : vector<512x256xbf16>, vector<256x256xbf16>, vector<512x256xf32> -> vector<512x256xf32>
    %slice3A_628 = vector.extract_strided_slice %dot_general3A_627 {offsets = [0, 0], sizes = [512, 128], strides = [1, 1]} : vector<512x256xf32> to vector<512x128xf32>
    %bitcast_convert_type3A_629 = tpu.bitcast %slice3A_628 : vector<512x128xf32> -> vector<512x128xi32>
    %add3A_630 = arith.constant 32768 : i32
    %add3A_631 = vector.broadcast %add3A_630 : i32 to vector<512x128xi32>
    %add3A_632 = arith.addi %bitcast_convert_type3A_629, %add3A_631 : vector<512x128xi32>
    %shift_right_logical3A_633 = arith.constant 16 : i32
    %shift_right_logical3A_634 = vector.broadcast %shift_right_logical3A_633 : i32 to vector<512x128xi32>
    %shift_right_logical3A_635 = arith.shrui %add3A_632, %shift_right_logical3A_634 : vector<512x128xi32>
    %slice3A_636 = vector.extract_strided_slice %dot_general3A_627 {offsets = [0, 128], sizes = [512, 128], strides = [1, 1]} : vector<512x256xf32> to vector<512x128xf32>
    %bitcast_convert_type3A_637 = tpu.bitcast %slice3A_636 : vector<512x128xf32> -> vector<512x128xi32>
    %add3A_638 = arith.constant 32768 : i32
    %add3A_639 = vector.broadcast %add3A_638 : i32 to vector<512x128xi32>
    %add3A_640 = arith.addi %bitcast_convert_type3A_637, %add3A_639 : vector<512x128xi32>
    %shift_right_logical3A_641 = arith.constant 16 : i32
    %shift_right_logical3A_642 = vector.broadcast %shift_right_logical3A_641 : i32 to vector<512x128xi32>
    %shift_right_logical3A_643 = arith.shrui %add3A_640, %shift_right_logical3A_642 : vector<512x128xi32>
    %shift_left3A_644 = arith.constant 16 : i32
    %shift_left3A_645 = vector.broadcast %shift_left3A_644 : i32 to vector<512x128xi32>
    %shift_left3A_646 = arith.shli %shift_right_logical3A_643, %shift_left3A_645 : vector<512x128xi32>
    %or3A_647 = arith.ori %shift_right_logical3A_635, %shift_left3A_646 : vector<512x128xi32>
    %swap3A_648 = arith.constant 19 : index
    %swap3A_649 = arith.constant 0 : index
    %swap3A_650 = arith.constant 0 : index
    %swap3A_651 = vector.load %arg3[%swap3A_648, %swap3A_649, %swap3A_650] : memref<27x512x128xi32, #tpu.memory_space<vmem>>, vector<1x512x128xi32>
    %swap3A_652 = vector.shape_cast %swap3A_651 : vector<1x512x128xi32> to vector<512x128xi32>
    %swap3A_653 = vector.shape_cast %or3A_647 : vector<512x128xi32> to vector<1x512x128xi32>
    tpu.vector_store %arg3[%swap3A_648, %swap3A_649, %swap3A_650], %swap3A_653 {strides = array<i32>} : memref<27x512x128xi32, #tpu.memory_space<vmem>>, vector<1x512x128xi32>,
    %get3A_654 = arith.constant 20 : index
    %get3A_655 = arith.constant 0 : index
    %get3A_656 = arith.constant 0 : index
    %get3A_657 = vector.load %arg2[%get3A_654, %get3A_655, %get3A_656] : memref<27x256x256xbf16, #tpu.memory_space<vmem>>, vector<1x256x256xbf16>
    %get3A_658 = vector.shape_cast %get3A_657 : vector<1x256x256xbf16> to vector<256x256xbf16>
    %dot_general3A_659 = arith.constant dense<0.000000e+00> : vector<512x256xf32>
    %dot_general3A_660 = tpu.matmul %get3A_1, %get3A_658, %dot_general3A_659 {dimension_numbers = #tpu.dot_dimension_numbers<[1], [0], [0], [1], [0, 0, 1, 1], [], []>, transpose_lhs_hint = false} : vector<512x256xbf16>, vector<256x256xbf16>, vector<512x256xf32> -> vector<512x256xf32>
    %slice3A_661 = vector.extract_strided_slice %dot_general3A_660 {offsets = [0, 0], sizes = [512, 128], strides = [1, 1]} : vector<512x256xf32> to vector<512x128xf32>
    %bitcast_convert_type3A_662 = tpu.bitcast %slice3A_661 : vector<512x128xf32> -> vector<512x128xi32>
    %add3A_663 = arith.constant 32768 : i32
    %add3A_664 = vector.broadcast %add3A_663 : i32 to vector<512x128xi32>
    %add3A_665 = arith.addi %bitcast_convert_type3A_662, %add3A_664 : vector<512x128xi32>
    %shift_right_logical3A_666 = arith.constant 16 : i32
    %shift_right_logical3A_667 = vector.broadcast %shift_right_logical3A_666 : i32 to vector<512x128xi32>
    %shift_right_logical3A_668 = arith.shrui %add3A_665, %shift_right_logical3A_667 : vector<512x128xi32>
    %slice3A_669 = vector.extract_strided_slice %dot_general3A_660 {offsets = [0, 128], sizes = [512, 128], strides = [1, 1]} : vector<512x256xf32> to vector<512x128xf32>
    %bitcast_convert_type3A_670 = tpu.bitcast %slice3A_669 : vector<512x128xf32> -> vector<512x128xi32>
    %add3A_671 = arith.constant 32768 : i32
    %add3A_672 = vector.broadcast %add3A_671 : i32 to vector<512x128xi32>
    %add3A_673 = arith.addi %bitcast_convert_type3A_670, %add3A_672 : vector<512x128xi32>
    %shift_right_logical3A_674 = arith.constant 16 : i32
    %shift_right_logical3A_675 = vector.broadcast %shift_right_logical3A_674 : i32 to vector<512x128xi32>
    %shift_right_logical3A_676 = arith.shrui %add3A_673, %shift_right_logical3A_675 : vector<512x128xi32>
    %shift_left3A_677 = arith.constant 16 : i32
    %shift_left3A_678 = vector.broadcast %shift_left3A_677 : i32 to vector<512x128xi32>
    %shift_left3A_679 = arith.shli %shift_right_logical3A_676, %shift_left3A_678 : vector<512x128xi32>
    %or3A_680 = arith.ori %shift_right_logical3A_668, %shift_left3A_679 : vector<512x128xi32>
    %swap3A_681 = arith.constant 20 : index
    %swap3A_682 = arith.constant 0 : index
    %swap3A_683 = arith.constant 0 : index
    %swap3A_684 = vector.load %arg3[%swap3A_681, %swap3A_682, %swap3A_683] : memref<27x512x128xi32, #tpu.memory_space<vmem>>, vector<1x512x128xi32>
    %swap3A_685 = vector.shape_cast %swap3A_684 : vector<1x512x128xi32> to vector<512x128xi32>
    %swap3A_686 = vector.shape_cast %or3A_680 : vector<512x128xi32> to vector<1x512x128xi32>
    tpu.vector_store %arg3[%swap3A_681, %swap3A_682, %swap3A_683], %swap3A_686 {strides = array<i32>} : memref<27x512x128xi32, #tpu.memory_space<vmem>>, vector<1x512x128xi32>,
    %get3A_687 = arith.constant 21 : index
    %get3A_688 = arith.constant 0 : index
    %get3A_689 = arith.constant 0 : index
    %get3A_690 = vector.load %arg2[%get3A_687, %get3A_688, %get3A_689] : memref<27x256x256xbf16, #tpu.memory_space<vmem>>, vector<1x256x256xbf16>
    %get3A_691 = vector.shape_cast %get3A_690 : vector<1x256x256xbf16> to vector<256x256xbf16>
    %dot_general3A_692 = arith.constant dense<0.000000e+00> : vector<512x256xf32>
    %dot_general3A_693 = tpu.matmul %get3A_1, %get3A_691, %dot_general3A_692 {dimension_numbers = #tpu.dot_dimension_numbers<[1], [0], [0], [1], [0, 0, 1, 1], [], []>, transpose_lhs_hint = false} : vector<512x256xbf16>, vector<256x256xbf16>, vector<512x256xf32> -> vector<512x256xf32>
    %slice3A_694 = vector.extract_strided_slice %dot_general3A_693 {offsets = [0, 0], sizes = [512, 128], strides = [1, 1]} : vector<512x256xf32> to vector<512x128xf32>
    %bitcast_convert_type3A_695 = tpu.bitcast %slice3A_694 : vector<512x128xf32> -> vector<512x128xi32>
    %add3A_696 = arith.constant 32768 : i32
    %add3A_697 = vector.broadcast %add3A_696 : i32 to vector<512x128xi32>
    %add3A_698 = arith.addi %bitcast_convert_type3A_695, %add3A_697 : vector<512x128xi32>
    %shift_right_logical3A_699 = arith.constant 16 : i32
    %shift_right_logical3A_700 = vector.broadcast %shift_right_logical3A_699 : i32 to vector<512x128xi32>
    %shift_right_logical3A_701 = arith.shrui %add3A_698, %shift_right_logical3A_700 : vector<512x128xi32>
    %slice3A_702 = vector.extract_strided_slice %dot_general3A_693 {offsets = [0, 128], sizes = [512, 128], strides = [1, 1]} : vector<512x256xf32> to vector<512x128xf32>
    %bitcast_convert_type3A_703 = tpu.bitcast %slice3A_702 : vector<512x128xf32> -> vector<512x128xi32>
    %add3A_704 = arith.constant 32768 : i32
    %add3A_705 = vector.broadcast %add3A_704 : i32 to vector<512x128xi32>
    %add3A_706 = arith.addi %bitcast_convert_type3A_703, %add3A_705 : vector<512x128xi32>
    %shift_right_logical3A_707 = arith.constant 16 : i32
    %shift_right_logical3A_708 = vector.broadcast %shift_right_logical3A_707 : i32 to vector<512x128xi32>
    %shift_right_logical3A_709 = arith.shrui %add3A_706, %shift_right_logical3A_708 : vector<512x128xi32>
    %shift_left3A_710 = arith.constant 16 : i32
    %shift_left3A_711 = vector.broadcast %shift_left3A_710 : i32 to vector<512x128xi32>
    %shift_left3A_712 = arith.shli %shift_right_logical3A_709, %shift_left3A_711 : vector<512x128xi32>
    %or3A_713 = arith.ori %shift_right_logical3A_701, %shift_left3A_712 : vector<512x128xi32>
    %swap3A_714 = arith.constant 21 : index
    %swap3A_715 = arith.constant 0 : index
    %swap3A_716 = arith.constant 0 : index
    %swap3A_717 = vector.load %arg3[%swap3A_714, %swap3A_715, %swap3A_716] : memref<27x512x128xi32, #tpu.memory_space<vmem>>, vector<1x512x128xi32>
    %swap3A_718 = vector.shape_cast %swap3A_717 : vector<1x512x128xi32> to vector<512x128xi32>
    %swap3A_719 = vector.shape_cast %or3A_713 : vector<512x128xi32> to vector<1x512x128xi32>
    tpu.vector_store %arg3[%swap3A_714, %swap3A_715, %swap3A_716], %swap3A_719 {strides = array<i32>} : memref<27x512x128xi32, #tpu.memory_space<vmem>>, vector<1x512x128xi32>,
    %get3A_720 = arith.constant 22 : index
    %get3A_721 = arith.constant 0 : index
    %get3A_722 = arith.constant 0 : index
    %get3A_723 = vector.load %arg2[%get3A_720, %get3A_721, %get3A_722] : memref<27x256x256xbf16, #tpu.memory_space<vmem>>, vector<1x256x256xbf16>
    %get3A_724 = vector.shape_cast %get3A_723 : vector<1x256x256xbf16> to vector<256x256xbf16>
    %dot_general3A_725 = arith.constant dense<0.000000e+00> : vector<512x256xf32>
    %dot_general3A_726 = tpu.matmul %get3A_1, %get3A_724, %dot_general3A_725 {dimension_numbers = #tpu.dot_dimension_numbers<[1], [0], [0], [1], [0, 0, 1, 1], [], []>, transpose_lhs_hint = false} : vector<512x256xbf16>, vector<256x256xbf16>, vector<512x256xf32> -> vector<512x256xf32>
    %slice3A_727 = vector.extract_strided_slice %dot_general3A_726 {offsets = [0, 0], sizes = [512, 128], strides = [1, 1]} : vector<512x256xf32> to vector<512x128xf32>
    %bitcast_convert_type3A_728 = tpu.bitcast %slice3A_727 : vector<512x128xf32> -> vector<512x128xi32>
    %add3A_729 = arith.constant 32768 : i32
    %add3A_730 = vector.broadcast %add3A_729 : i32 to vector<512x128xi32>
    %add3A_731 = arith.addi %bitcast_convert_type3A_728, %add3A_730 : vector<512x128xi32>
    %shift_right_logical3A_732 = arith.constant 16 : i32
    %shift_right_logical3A_733 = vector.broadcast %shift_right_logical3A_732 : i32 to vector<512x128xi32>
    %shift_right_logical3A_734 = arith.shrui %add3A_731, %shift_right_logical3A_733 : vector<512x128xi32>
    %slice3A_735 = vector.extract_strided_slice %dot_general3A_726 {offsets = [0, 128], sizes = [512, 128], strides = [1, 1]} : vector<512x256xf32> to vector<512x128xf32>
    %bitcast_convert_type3A_736 = tpu.bitcast %slice3A_735 : vector<512x128xf32> -> vector<512x128xi32>
    %add3A_737 = arith.constant 32768 : i32
    %add3A_738 = vector.broadcast %add3A_737 : i32 to vector<512x128xi32>
    %add3A_739 = arith.addi %bitcast_convert_type3A_736, %add3A_738 : vector<512x128xi32>
    %shift_right_logical3A_740 = arith.constant 16 : i32
    %shift_right_logical3A_741 = vector.broadcast %shift_right_logical3A_740 : i32 to vector<512x128xi32>
    %shift_right_logical3A_742 = arith.shrui %add3A_739, %shift_right_logical3A_741 : vector<512x128xi32>
    %shift_left3A_743 = arith.constant 16 : i32
    %shift_left3A_744 = vector.broadcast %shift_left3A_743 : i32 to vector<512x128xi32>
    %shift_left3A_745 = arith.shli %shift_right_logical3A_742, %shift_left3A_744 : vector<512x128xi32>
    %or3A_746 = arith.ori %shift_right_logical3A_734, %shift_left3A_745 : vector<512x128xi32>
    %swap3A_747 = arith.constant 22 : index
    %swap3A_748 = arith.constant 0 : index
    %swap3A_749 = arith.constant 0 : index
    %swap3A_750 = vector.load %arg3[%swap3A_747, %swap3A_748, %swap3A_749] : memref<27x512x128xi32, #tpu.memory_space<vmem>>, vector<1x512x128xi32>
    %swap3A_751 = vector.shape_cast %swap3A_750 : vector<1x512x128xi32> to vector<512x128xi32>
    %swap3A_752 = vector.shape_cast %or3A_746 : vector<512x128xi32> to vector<1x512x128xi32>
    tpu.vector_store %arg3[%swap3A_747, %swap3A_748, %swap3A_749], %swap3A_752 {strides = array<i32>} : memref<27x512x128xi32, #tpu.memory_space<vmem>>, vector<1x512x128xi32>,
    %get3A_753 = arith.constant 23 : index
    %get3A_754 = arith.constant 0 : index
    %get3A_755 = arith.constant 0 : index
    %get3A_756 = vector.load %arg2[%get3A_753, %get3A_754, %get3A_755] : memref<27x256x256xbf16, #tpu.memory_space<vmem>>, vector<1x256x256xbf16>
    %get3A_757 = vector.shape_cast %get3A_756 : vector<1x256x256xbf16> to vector<256x256xbf16>
    %dot_general3A_758 = arith.constant dense<0.000000e+00> : vector<512x256xf32>
    %dot_general3A_759 = tpu.matmul %get3A_1, %get3A_757, %dot_general3A_758 {dimension_numbers = #tpu.dot_dimension_numbers<[1], [0], [0], [1], [0, 0, 1, 1], [], []>, transpose_lhs_hint = false} : vector<512x256xbf16>, vector<256x256xbf16>, vector<512x256xf32> -> vector<512x256xf32>
    %slice3A_760 = vector.extract_strided_slice %dot_general3A_759 {offsets = [0, 0], sizes = [512, 128], strides = [1, 1]} : vector<512x256xf32> to vector<512x128xf32>
    %bitcast_convert_type3A_761 = tpu.bitcast %slice3A_760 : vector<512x128xf32> -> vector<512x128xi32>
    %add3A_762 = arith.constant 32768 : i32
    %add3A_763 = vector.broadcast %add3A_762 : i32 to vector<512x128xi32>
    %add3A_764 = arith.addi %bitcast_convert_type3A_761, %add3A_763 : vector<512x128xi32>
    %shift_right_logical3A_765 = arith.constant 16 : i32
    %shift_right_logical3A_766 = vector.broadcast %shift_right_logical3A_765 : i32 to vector<512x128xi32>
    %shift_right_logical3A_767 = arith.shrui %add3A_764, %shift_right_logical3A_766 : vector<512x128xi32>
    %slice3A_768 = vector.extract_strided_slice %dot_general3A_759 {offsets = [0, 128], sizes = [512, 128], strides = [1, 1]} : vector<512x256xf32> to vector<512x128xf32>
    %bitcast_convert_type3A_769 = tpu.bitcast %slice3A_768 : vector<512x128xf32> -> vector<512x128xi32>
    %add3A_770 = arith.constant 32768 : i32
    %add3A_771 = vector.broadcast %add3A_770 : i32 to vector<512x128xi32>
    %add3A_772 = arith.addi %bitcast_convert_type3A_769, %add3A_771 : vector<512x128xi32>
    %shift_right_logical3A_773 = arith.constant 16 : i32
    %shift_right_logical3A_774 = vector.broadcast %shift_right_logical3A_773 : i32 to vector<512x128xi32>
    %shift_right_logical3A_775 = arith.shrui %add3A_772, %shift_right_logical3A_774 : vector<512x128xi32>
    %shift_left3A_776 = arith.constant 16 : i32
    %shift_left3A_777 = vector.broadcast %shift_left3A_776 : i32 to vector<512x128xi32>
    %shift_left3A_778 = arith.shli %shift_right_logical3A_775, %shift_left3A_777 : vector<512x128xi32>
    %or3A_779 = arith.ori %shift_right_logical3A_767, %shift_left3A_778 : vector<512x128xi32>
    %swap3A_780 = arith.constant 23 : index
    %swap3A_781 = arith.constant 0 : index
    %swap3A_782 = arith.constant 0 : index
    %swap3A_783 = vector.load %arg3[%swap3A_780, %swap3A_781, %swap3A_782] : memref<27x512x128xi32, #tpu.memory_space<vmem>>, vector<1x512x128xi32>
    %swap3A_784 = vector.shape_cast %swap3A_783 : vector<1x512x128xi32> to vector<512x128xi32>
    %swap3A_785 = vector.shape_cast %or3A_779 : vector<512x128xi32> to vector<1x512x128xi32>
    tpu.vector_store %arg3[%swap3A_780, %swap3A_781, %swap3A_782], %swap3A_785 {strides = array<i32>} : memref<27x512x128xi32, #tpu.memory_space<vmem>>, vector<1x512x128xi32>,
    %get3A_786 = arith.constant 24 : index
    %get3A_787 = arith.constant 0 : index
    %get3A_788 = arith.constant 0 : index
    %get3A_789 = vector.load %arg2[%get3A_786, %get3A_787, %get3A_788] : memref<27x256x256xbf16, #tpu.memory_space<vmem>>, vector<1x256x256xbf16>
    %get3A_790 = vector.shape_cast %get3A_789 : vector<1x256x256xbf16> to vector<256x256xbf16>
    %dot_general3A_791 = arith.constant dense<0.000000e+00> : vector<512x256xf32>
    %dot_general3A_792 = tpu.matmul %get3A_1, %get3A_790, %dot_general3A_791 {dimension_numbers = #tpu.dot_dimension_numbers<[1], [0], [0], [1], [0, 0, 1, 1], [], []>, transpose_lhs_hint = false} : vector<512x256xbf16>, vector<256x256xbf16>, vector<512x256xf32> -> vector<512x256xf32>
    %slice3A_793 = vector.extract_strided_slice %dot_general3A_792 {offsets = [0, 0], sizes = [512, 128], strides = [1, 1]} : vector<512x256xf32> to vector<512x128xf32>
    %bitcast_convert_type3A_794 = tpu.bitcast %slice3A_793 : vector<512x128xf32> -> vector<512x128xi32>
    %add3A_795 = arith.constant 32768 : i32
    %add3A_796 = vector.broadcast %add3A_795 : i32 to vector<512x128xi32>
    %add3A_797 = arith.addi %bitcast_convert_type3A_794, %add3A_796 : vector<512x128xi32>
    %shift_right_logical3A_798 = arith.constant 16 : i32
    %shift_right_logical3A_799 = vector.broadcast %shift_right_logical3A_798 : i32 to vector<512x128xi32>
    %shift_right_logical3A_800 = arith.shrui %add3A_797, %shift_right_logical3A_799 : vector<512x128xi32>
    %slice3A_801 = vector.extract_strided_slice %dot_general3A_792 {offsets = [0, 128], sizes = [512, 128], strides = [1, 1]} : vector<512x256xf32> to vector<512x128xf32>
    %bitcast_convert_type3A_802 = tpu.bitcast %slice3A_801 : vector<512x128xf32> -> vector<512x128xi32>
    %add3A_803 = arith.constant 32768 : i32
    %add3A_804 = vector.broadcast %add3A_803 : i32 to vector<512x128xi32>
    %add3A_805 = arith.addi %bitcast_convert_type3A_802, %add3A_804 : vector<512x128xi32>
    %shift_right_logical3A_806 = arith.constant 16 : i32
    %shift_right_logical3A_807 = vector.broadcast %shift_right_logical3A_806 : i32 to vector<512x128xi32>
    %shift_right_logical3A_808 = arith.shrui %add3A_805, %shift_right_logical3A_807 : vector<512x128xi32>
    %shift_left3A_809 = arith.constant 16 : i32
    %shift_left3A_810 = vector.broadcast %shift_left3A_809 : i32 to vector<512x128xi32>
    %shift_left3A_811 = arith.shli %shift_right_logical3A_808, %shift_left3A_810 : vector<512x128xi32>
    %or3A_812 = arith.ori %shift_right_logical3A_800, %shift_left3A_811 : vector<512x128xi32>
    %swap3A_813 = arith.constant 24 : index
    %swap3A_814 = arith.constant 0 : index
    %swap3A_815 = arith.constant 0 : index
    %swap3A_816 = vector.load %arg3[%swap3A_813, %swap3A_814, %swap3A_815] : memref<27x512x128xi32, #tpu.memory_space<vmem>>, vector<1x512x128xi32>
    %swap3A_817 = vector.shape_cast %swap3A_816 : vector<1x512x128xi32> to vector<512x128xi32>
    %swap3A_818 = vector.shape_cast %or3A_812 : vector<512x128xi32> to vector<1x512x128xi32>
    tpu.vector_store %arg3[%swap3A_813, %swap3A_814, %swap3A_815], %swap3A_818 {strides = array<i32>} : memref<27x512x128xi32, #tpu.memory_space<vmem>>, vector<1x512x128xi32>,
    %get3A_819 = arith.constant 25 : index
    %get3A_820 = arith.constant 0 : index
    %get3A_821 = arith.constant 0 : index
    %get3A_822 = vector.load %arg2[%get3A_819, %get3A_820, %get3A_821] : memref<27x256x256xbf16, #tpu.memory_space<vmem>>, vector<1x256x256xbf16>
    %get3A_823 = vector.shape_cast %get3A_822 : vector<1x256x256xbf16> to vector<256x256xbf16>
    %dot_general3A_824 = arith.constant dense<0.000000e+00> : vector<512x256xf32>
    %dot_general3A_825 = tpu.matmul %get3A_1, %get3A_823, %dot_general3A_824 {dimension_numbers = #tpu.dot_dimension_numbers<[1], [0], [0], [1], [0, 0, 1, 1], [], []>, transpose_lhs_hint = false} : vector<512x256xbf16>, vector<256x256xbf16>, vector<512x256xf32> -> vector<512x256xf32>
    %slice3A_826 = vector.extract_strided_slice %dot_general3A_825 {offsets = [0, 0], sizes = [512, 128], strides = [1, 1]} : vector<512x256xf32> to vector<512x128xf32>
    %bitcast_convert_type3A_827 = tpu.bitcast %slice3A_826 : vector<512x128xf32> -> vector<512x128xi32>
    %add3A_828 = arith.constant 32768 : i32
    %add3A_829 = vector.broadcast %add3A_828 : i32 to vector<512x128xi32>
    %add3A_830 = arith.addi %bitcast_convert_type3A_827, %add3A_829 : vector<512x128xi32>
    %shift_right_logical3A_831 = arith.constant 16 : i32
    %shift_right_logical3A_832 = vector.broadcast %shift_right_logical3A_831 : i32 to vector<512x128xi32>
    %shift_right_logical3A_833 = arith.shrui %add3A_830, %shift_right_logical3A_832 : vector<512x128xi32>
    %slice3A_834 = vector.extract_strided_slice %dot_general3A_825 {offsets = [0, 128], sizes = [512, 128], strides = [1, 1]} : vector<512x256xf32> to vector<512x128xf32>
    %bitcast_convert_type3A_835 = tpu.bitcast %slice3A_834 : vector<512x128xf32> -> vector<512x128xi32>
    %add3A_836 = arith.constant 32768 : i32
    %add3A_837 = vector.broadcast %add3A_836 : i32 to vector<512x128xi32>
    %add3A_838 = arith.addi %bitcast_convert_type3A_835, %add3A_837 : vector<512x128xi32>
    %shift_right_logical3A_839 = arith.constant 16 : i32
    %shift_right_logical3A_840 = vector.broadcast %shift_right_logical3A_839 : i32 to vector<512x128xi32>
    %shift_right_logical3A_841 = arith.shrui %add3A_838, %shift_right_logical3A_840 : vector<512x128xi32>
    %shift_left3A_842 = arith.constant 16 : i32
    %shift_left3A_843 = vector.broadcast %shift_left3A_842 : i32 to vector<512x128xi32>
    %shift_left3A_844 = arith.shli %shift_right_logical3A_841, %shift_left3A_843 : vector<512x128xi32>
    %or3A_845 = arith.ori %shift_right_logical3A_833, %shift_left3A_844 : vector<512x128xi32>
    %swap3A_846 = arith.constant 25 : index
    %swap3A_847 = arith.constant 0 : index
    %swap3A_848 = arith.constant 0 : index
    %swap3A_849 = vector.load %arg3[%swap3A_846, %swap3A_847, %swap3A_848] : memref<27x512x128xi32, #tpu.memory_space<vmem>>, vector<1x512x128xi32>
    %swap3A_850 = vector.shape_cast %swap3A_849 : vector<1x512x128xi32> to vector<512x128xi32>
    %swap3A_851 = vector.shape_cast %or3A_845 : vector<512x128xi32> to vector<1x512x128xi32>
    tpu.vector_store %arg3[%swap3A_846, %swap3A_847, %swap3A_848], %swap3A_851 {strides = array<i32>} : memref<27x512x128xi32, #tpu.memory_space<vmem>>, vector<1x512x128xi32>,
    %get3A_852 = arith.constant 26 : index
    %get3A_853 = arith.constant 0 : index
    %get3A_854 = arith.constant 0 : index
    %get3A_855 = vector.load %arg2[%get3A_852, %get3A_853, %get3A_854] : memref<27x256x256xbf16, #tpu.memory_space<vmem>>, vector<1x256x256xbf16>
    %get3A_856 = vector.shape_cast %get3A_855 : vector<1x256x256xbf16> to vector<256x256xbf16>
    %dot_general3A_857 = arith.constant dense<0.000000e+00> : vector<512x256xf32>
    %dot_general3A_858 = tpu.matmul %get3A_1, %get3A_856, %dot_general3A_857 {dimension_numbers = #tpu.dot_dimension_numbers<[1], [0], [0], [1], [0, 0, 1, 1], [], []>, transpose_lhs_hint = false} : vector<512x256xbf16>, vector<256x256xbf16>, vector<512x256xf32> -> vector<512x256xf32>
    %slice3A_859 = vector.extract_strided_slice %dot_general3A_858 {offsets = [0, 0], sizes = [512, 128], strides = [1, 1]} : vector<512x256xf32> to vector<512x128xf32>
    %bitcast_convert_type3A_860 = tpu.bitcast %slice3A_859 : vector<512x128xf32> -> vector<512x128xi32>
    %add3A_861 = arith.constant 32768 : i32
    %add3A_862 = vector.broadcast %add3A_861 : i32 to vector<512x128xi32>
    %add3A_863 = arith.addi %bitcast_convert_type3A_860, %add3A_862 : vector<512x128xi32>
    %shift_right_logical3A_864 = arith.constant 16 : i32
    %shift_right_logical3A_865 = vector.broadcast %shift_right_logical3A_864 : i32 to vector<512x128xi32>
    %shift_right_logical3A_866 = arith.shrui %add3A_863, %shift_right_logical3A_865 : vector<512x128xi32>
    %slice3A_867 = vector.extract_strided_slice %dot_general3A_858 {offsets = [0, 128], sizes = [512, 128], strides = [1, 1]} : vector<512x256xf32> to vector<512x128xf32>
    %bitcast_convert_type3A_868 = tpu.bitcast %slice3A_867 : vector<512x128xf32> -> vector<512x128xi32>
    %add3A_869 = arith.constant 32768 : i32
    %add3A_870 = vector.broadcast %add3A_869 : i32 to vector<512x128xi32>
    %add3A_871 = arith.addi %bitcast_convert_type3A_868, %add3A_870 : vector<512x128xi32>
    %shift_right_logical3A_872 = arith.constant 16 : i32
    %shift_right_logical3A_873 = vector.broadcast %shift_right_logical3A_872 : i32 to vector<512x128xi32>
    %shift_right_logical3A_874 = arith.shrui %add3A_871, %shift_right_logical3A_873 : vector<512x128xi32>
    %shift_left3A_875 = arith.constant 16 : i32
    %shift_left3A_876 = vector.broadcast %shift_left3A_875 : i32 to vector<512x128xi32>
    %shift_left3A_877 = arith.shli %shift_right_logical3A_874, %shift_left3A_876 : vector<512x128xi32>
    %or3A_878 = arith.ori %shift_right_logical3A_866, %shift_left3A_877 : vector<512x128xi32>
    %swap3A_879 = arith.constant 26 : index
    %swap3A_880 = arith.constant 0 : index
    %swap3A_881 = arith.constant 0 : index
    %swap3A_882 = vector.load %arg3[%swap3A_879, %swap3A_880, %swap3A_881] : memref<27x512x128xi32, #tpu.memory_space<vmem>>, vector<1x512x128xi32>
    %swap3A_883 = vector.shape_cast %swap3A_882 : vector<1x512x128xi32> to vector<512x128xi32>
    %swap3A_884 = vector.shape_cast %or3A_878 : vector<512x128xi32> to vector<1x512x128xi32>
    tpu.vector_store %arg3[%swap3A_879, %swap3A_880, %swap3A_881], %swap3A_884 {strides = array<i32>} : memref<27x512x128xi32, #tpu.memory_space<vmem>>, vector<1x512x128xi32>,
    return
  }
  func.func @transform_0(%arg0: i32) -> (i32, i32) {
    %c0_i32 = arith.constant 0 : i32
    %c0_i32_0 = arith.constant 0 : i32
    return %arg0, %c0_i32 : i32, i32
  }
  func.func @transform_1(%arg0: i32) -> (i32, i32, i32) {
    %c0_i32 = arith.constant 0 : i32
    %c0_i32_0 = arith.constant 0 : i32
    %c0_i32_1 = arith.constant 0 : i32
    %c0_i32_2 = arith.constant 0 : i32
    return %c0_i32, %c0_i32_0, %c0_i32_1 : i32, i32, i32
  }
  func.func @transform_2(%arg0: i32) -> (i32, i32, i32) {
    %c0_i32 = arith.constant 0 : i32
    %c0_i32_0 = arith.constant 0 : i32
    %c0_i32_1 = arith.constant 0 : i32
    return %c0_i32, %arg0, %c0_i32_0 : i32, i32, i32
  }
}

</mosaic_0001>

<sc_bundles>
// kernel: kernel.4.cloned.1.call-start
scs
__scs_entry_jumppad:
0x0: {  	(pc) =	sbr.rel $0x88, $3  }
0x1: {  	(tag) =	ssettag $0x0;
	lr =	simm.s32 $0x1  }
0x2: {  	[smem:$0x3F9D] =	sst lr;
	_ =	strace $0xD0000000  }
0x3: {  	_ = 	snop  }
0x4: {  	_ = 	snop  }
0x5: {  	_ = 	snop  }
0x6: {  	_ = 	snop  }
0x7: {  	_ = 	snop  }
__scs_overlays_trampoline_lowered:
0x8: {  	[smem:$0x3FAC] =	sst s0  }
0x9: {  	[smem:$0x3FAD] =	sst s1  }
0xa: {  	[smem:$0x3FAE] =	sst s2  }
0xb: {  	[smem:$0x3FAF] =	sst s3  }
0xc: {  	[smem:$0x3FB0] =	sst s4  }
0xd: {  	[smem:$0x3FB1] =	sst s5  }
0xe: {  	[smem:$0x3FB2] =	sst s6  }
0xf: {  	[smem:$0x3FB3] =	sst s7  }
0x10: {  	[smem:$0x3FB4] =	sst s8  }
0x11: {  	[smem:$0x3FB5] =	sst s9;
	s0 =	simm.s32 @!p0 $0x0  }
0x12: {  	s1 =	sld [smem:$0x3F9B];
	s0 =	simm.s32 @p0 $0x1  }
0x13: {  	[smem:$0x3FB6] =	sst s0;
	s0 =	simm.s32 @!p1 $0x0  }
0x14: {  	s2 =	sld [smem:$0x3F9A];
	s0 =	simm.s32 @p1 $0x1  }
0x15: {  	[smem:$0x3FB7] =	sst s0;
	s0 =	simm.s32 @!p2 $0x0  }
0x16: {  	s3 =	sld [smem:$0x3FDB];
	s0 =	simm.s32 @p2 $0x1  }
0x17: {  	s4 =	simm.s32 $0x1BF5;
	[smem:$0x3FB9] =	sst s0  }
0x18: {  	s0 =	sld [smem:$0x3F9C];
	_ =	swait.ge [sflag:s4], $0x0  }
0x19: {  	s7 =	sld [smem:$0x3F9D]  }
0x1a: {  	s8 =	sadd.s32 $0xFFFFE003, lr  }
0x1b: {  	s9 =	sadd.s32 $0xFFFFFEF7, lr;
	s5 =	simm.s32 $0xFFFFFFFF;
	p2 =	slt.u32 s8, $0xFFFFF086  }
0x1c: {  	p1 =	slt.u32 s9, $0xF7A;
	s5 =	simm.s32 @!p2 $0x0  }
0x1d: {  	s5 =	simm.s32 @p1 $0x1;
	p0 =	seq.s32 s7, s2  }
0x1e: {  	s7 =	smul.u32 @!p0 $0xF7A, s2;
	p2 =	seq.s32 @!p0 s5, $0x0  }
0x1f: {  	s9 =	smul.u32 $0xF7A, s1;
	s8 =	simm.s32 @!p0 $0x1BF5;
	p2 =	por !p2, p0  }
0x20: {  	[sflag:s8] =	ssyncset.s32 @!p0 $0xFFFFF086;
	s6 =	sadd.s32 @!p0 s3, s7;
	s7 =	simm.s32 @!p0 $0x108  }
0x21: {  	s3 =	sadd.s32 s3, s9;
	s6 =	sadd.s32 @!p0 $0x88, s6;
	s7 =	simm.s32 @p2 $0x1082  }
0x22: {  	[simem:s7], [sflag:s8] =	dma.local @!p0 [hbm:s6], $0xF7A  }
0x23: {  	s9 =	sor.u32 $0xD0000000, s2;
	s6 =	simm.s32 $0x108;
	_ =	swait.ge @!p0 [sflag:s8], $0x0  }
0x24: {  	s3 =	sadd.s32 $0x88, s3;
	s6 =	simm.s32 @!p1 $0x1082;
	[sflag:s4] =	ssyncset.s32 $0xFFFFF086  }
0x25: {  	[simem:s6], [sflag:s4] =	dma.local [hbm:s3], $0xF7A  }
0x26: {  	[smem:$0x3F9D] =	sst s1;
	(tag) =	ssettag s2;
	_ =	strace s9  }
0x27: {  	s1 =	sld [smem:$0x3FAD]  }
0x28: {  	s2 =	sld [smem:$0x3FAE]  }
0x29: {  	s4 =	sld [smem:$0x3FB0]  }
0x2a: {  	p0 =	seq.s32 s5, $0x0;
	s5 =	sld [smem:$0x3FB1]  }
0x2b: {  	s6 =	sld [smem:$0x3FB2]  }
0x2c: {  	s7 =	sld [smem:$0x3FB3]  }
0x2d: {  	s3 =	simm.s32 $0x108;
	s8 =	sld [smem:$0x3FB4]  }
0x2e: {  	s3 =	simm.s32 @!p0 $0x1082;
	s9 =	sld [smem:$0x3FB5]  }
0x2f: {  	lr =	sadd.s32 s0, s3;
	s0 =	sld [smem:$0x3FAC]  }
0x30: {  	s3 =	sld [smem:$0x3FAF]  }
0x31: {  	[smem:$0x3FB8] =	sst s10  }
0x32: {  	s10 =	sld [smem:$0x3FB6];
	_ =	sdelay $0x3  }
0x33: {  	p0 =	seq.s32 s10, $0x1;
	s10 =	sld [smem:$0x3FB8];
	_ =	sdelay $0x3  }
0x34: {  	[smem:$0x3FB8] =	sst s10  }
0x35: {  	s10 =	sld [smem:$0x3FB7];
	_ =	sdelay $0x3  }
0x36: {  	p1 =	seq.s32 s10, $0x1;
	s10 =	sld [smem:$0x3FB8];
	_ =	sdelay $0x3  }
0x37: {  	[smem:$0x3FB8] =	sst s10  }
0x38: {  	s10 =	sld [smem:$0x3FB9]  }
0x39: {  	_ = 	snop;
	(pc) =	sbr.ind lr, $3  }
0x3a: {  	_ = 	snop  }
0x3b: {  	_ = 	snop  }
0x3c: {  	p2 =	seq.s32 s10, $0x1;
	s10 =	sld [smem:$0x3FB8]  }
0x3d: {  	_ =	shalt  }
0x3e: {  	_ =	shalt  }
0x3f: {  	_ =	shalt  }
0x40: {  	_ =	shalt  }
0x41: {  	_ =	shalt  }
0x42: {  	_ =	shalt  }
0x43: {  	_ =	shalt  }
0x44: {  	_ =	shalt  }
0x45: {  	_ =	shalt  }
0x46: {  	_ =	shalt  }
0x47: {  	_ =	shalt  }
0x48: {  	_ =	shalt  }
0x49: {  	_ =	shalt  }
0x4a: {  	_ =	shalt  }
0x4b: {  	_ =	shalt  }
0x4c: {  	_ =	shalt  }
0x4d: {  	_ =	shalt  }
0x4e: {  	_ =	shalt  }
0x4f: {  	_ =	shalt  }
0x50: {  	_ =	shalt  }
0x51: {  	_ =	shalt  }
0x52: {  	_ =	shalt  }
0x53: {  	_ =	shalt  }
0x54: {  	_ =	shalt  }
0x55: {  	_ =	shalt  }
0x56: {  	_ =	shalt  }
0x57: {  	_ =	shalt  }
0x58: {  	_ =	shalt  }
0x59: {  	_ =	shalt  }
0x5a: {  	_ =	shalt  }
0x5b: {  	_ =	shalt  }
0x5c: {  	_ =	shalt  }
0x5d: {  	_ =	shalt  }
0x5e: {  	_ =	shalt  }
0x5f: {  	_ =	shalt  }
0x60: {  	_ =	shalt  }
0x61: {  	_ =	shalt  }
0x62: {  	_ =	shalt  }
0x63: {  	_ =	shalt  }
0x64: {  	_ =	shalt  }
0x65: {  	_ =	shalt  }
0x66: {  	_ =	shalt  }
0x67: {  	_ =	shalt  }
0x68: {  	_ =	shalt  }
0x69: {  	_ =	shalt  }
0x6a: {  	_ =	shalt  }
0x6b: {  	_ =	shalt  }
0x6c: {  	_ =	shalt  }
0x6d: {  	_ =	shalt  }
0x6e: {  	_ =	shalt  }
0x6f: {  	_ =	shalt  }
0x70: {  	_ =	shalt  }
0x71: {  	_ =	shalt  }
0x72: {  	_ =	shalt  }
0x73: {  	_ =	shalt  }
0x74: {  	_ =	shalt  }
0x75: {  	_ =	shalt  }
0x76: {  	_ =	shalt  }
0x77: {  	_ =	shalt  }
0x78: {  	_ =	shalt  }
0x79: {  	_ =	shalt  }
0x7a: {  	_ =	shalt  }
0x7b: {  	_ =	shalt  }
0x7c: {  	_ =	shalt  }
0x7d: {  	_ =	shalt  }
0x7e: {  	_ =	shalt  }
0x7f: {  	_ =	shalt  }
0x80: {  	_ =	shalt  }
0x81: {  	_ =	shalt  }
0x82: {  	_ =	shalt  }
0x83: {  	_ =	shalt  }
0x84: {  	_ =	shalt  }
0x85: {  	_ =	shalt  }
0x86: {  	_ =	shalt  }
0x87: {  	_ =	shalt  }
.Lfunc_end0:
.L_simem_size_0:
called_computation_lowered:
.L_overlay_start_0:
0x88: {  	s2 =	sld [smem:$0x3FD9]  }
0x89: {  	s3 =	sld [smem:$0x3FFE];
	_ =	sdelay $0x1  }
0x8a: {  	s1 =	srdreg.scid  }
0x8b: {  	s0 =	sand.u32 $0x1, s1  }
0x8c: {  	s17 =	sshll.u32 s0, $0xA;
	s2 =	sadd.s32 s3, s2  }
0x8d: {  	s2 =	sadd.s32 s2, s17  }
0x8e: {  	[smem:$0x3FC4] =	sst s2  }
0x8f: {  	_ = 	snop  }
0x90: {  	s2 =	sld [smem:$0x3FD0];
	(tm) =	ssettm $0x1  }
0x91: {  	s18 =	sld [smem:$0x3FFB];
	_ =	sdelay $0x3  }
0x92: {  	_ =	strace s18  }
0x93: {  	s3 =	sld [smem:$0x3FFC];
	_ =	sdelay $0x3  }
0x94: {  	_ =	strace s3  }
0x95: {  	s3 =	sld [smem:$0x3FFD];
	_ =	sdelay $0x3  }
0x96: {  	_ =	strace s3  }
0x97: {  	_ =	strace $0x8FFFFFFF  }
0x98: {  	s19 =	sld [smem:$0x3FDB];
	_ =	sdelay $0x1  }
0x99: {  	s4 =	simm.s32 $_scs_section_size  }
0x9a: {  	s5 =	simm.s32 $_size__tile_overlayer_lowered;
	s6 =	simm.s32 $_tile_overlayer_lowered  }
0x9b: {  	s22 =	simm.s32 $0x1BFF;
	s21 =	sshll.u32 s6, $0x1;
	s3 =	sadd.s32 s4, s19  }
0x9c: {  	s7 =	simm.s32 $0x0;
	s20 =	sshll.u32 s5, $0x1;
	s5 =	sadd.s32 s21, s3  }
0x9d: {  	[timem:s7], [sflag:s22] =	dma.local [hbm:s5], s20  }
0x9e: {  	_ =	swait.ge [sflag:s22], s20  }
0x9f: {  	s4 =	ssub.s32 $0x0, s20;
	[sflag:s22] =	ssyncset.done $0x0  }
0xa0: {  	[sflag:s22] =	ssyncadd.s32 s4;
	_ =	sdelay $0x1  }
0xa1: {  	s23 =	simm.s32 $0x1B8B  }
0xa2: {  	_ =	swait.ge [sflag:s23], $0x1  }
0xa3: {  	[sflag:s23] =	ssyncset.done $0x0  }
0xa4: {  	s25 =	simm.s32 $0x1B8E;
	s24 =	sld [smem:$0x3FFE];
	[sflag:s23] =	ssyncadd.s32 $0xFFFFFFFF  }
0xa5: {  	s26 =	simm.s32 $execute0_lowered;
	[smem:$0x3FD2] =	sst s25  }
0xa6: {  	s5 =	sshll.u32 s26, $0x1;
	_ =	strace $0x80000046;
	[dreg:$0x1] =	wrdreg $0xFFFFFFFF  }
0xa7: {  	s28 =	simm.s32 $_size_execute0_lowered;
	s3 =	sadd.s32 s3, s5;
	[dreg:$0x0] =	wrdreg $0x0  }
0xa8: {  	s5 =	sshll.u32 s28, $0x1;
	[dreg:$0x2] =	wrdreg s3  }
0xa9: {  	[dreg:$0x3] =	wrdreg s5  }
0xaa: {  	[dreg:$0x4] =	wrdreg $0xC0  }
0xab: {  	_ =	task [dreg:s7], $0x5FFFF  }
0xac: {  	[dreg:$0x1] =	wrdreg $0xFFFFFFFF  }
0xad: {  	[dreg:$0x0] =	wrdreg $0x60  }
0xae: {  	[dreg:$0x2] =	wrdreg s24  }
0xaf: {  	[dreg:$0x3] =	wrdreg s2  }
0xb0: {  	[dreg:$0x4] =	wrdreg $0x9  }
0xb1: {  	_ =	task.clear_ibuf [dreg:s7], $0x5FFFF;
	_ =	strace $0x90000046  }
0xb2: {  	s29 =	simm.s32 $0x9;
	_ =	strace $0x80000048  }
0xb3: {  	_ =	swait.ge [sflag:s29], $0x1  }
0xb4: {  	[sflag:s29] =	ssyncadd.s32 $0xFFFFFFFF  }
0xb5: {  	_ =	strace $0x90000048  }
0xb6: {  	_ =	sfence  }
0xb7: {  	s30 =	sld [smem:$0x0];
	_ =	sdelay $0x2  }
0xb8: {  	s31 =	sshll.u32 s1, $0xD;
	s1 =	sshrl.u32 s1, $0x2  }
0xb9: {  	s3 =	sand.u32 $0x4000, s31;
	s1 =	sadd.s32 s1, s30  }
0xba: {  	s0 =	sor.u32 s3, s0;
	s1 =	sshll.u32 s1, $0x11  }
0xbb: {  	s0 =	sor.u32 s1, s0  }
0xbc: {  	s0 =	sadd.s32 $0x8F2B, s0  }
0xbd: {  	[sflag:s0] =	ssyncadd.remote.s32 $0x1  }
0xbe: {  	_ =	sfence.sel $0xFFFF  }
0xbf: {  	[dreg:$0x0] =	wrdreg $0xFFFFFFFF;
	(pc) =	sbr.abs _section_cstart, $3  }
0xc0: {  	[dreg:$0x1] =	wrdreg $0xFFFFFFFF  }
0xc1: {  	_ =	task.clear_ibuf [dreg:s7], $0x2FFFF;
	_ =	strace $0x9FFFFFFF  }
0xc2: {  	(tm) =	ssettm $0x7FFFFFFF  }
0xc3: {  	_ =	shalt  }
tec
execute0_lowered:
.L_overlay_start_1:
0x0: {  	(tag) =	ssettag $0x1  }
0x1: {  	v16 =	vlaneseq.u32;
	s1 =	simm.s32 $0x0  }
0x2: {  	[smem:$0x7FF] =	sst s1;
	v34 =	vadd.s32 $0x3F, v16  }
0x3: {  	s0 =	rddreg [dreg:$0x0];
	v36 =	vadd.s32 $0x48, v16;
	_ =	strace $0x80000047;
	[tilespmem:$0x1FD20] =	vst v34  }
0x4: {  	v38 =	vadd.s32 $0x51, v16;
	[tilespmem:$0x1FD40] =	vst v36  }
0x5: {  	v40 =	vadd.s32 $0x5A, v16;
	[tilespmem:$0x1FD60] =	vst v38  }
0x6: {  	v42 =	vadd.s32 $0x63, v16;
	[tilespmem:$0x1FD80] =	vst v40  }
0x7: {  	v44 =	vadd.s32 $0x6C, v16;
	[tilespmem:$0x1FDA0] =	vst v42  }
0x8: {  	v46 =	vadd.s32 $0x75, v16;
	[tilespmem:$0x1FDC0] =	vst v44  }
0x9: {  	v48 =	vadd.s32 $0x7E, v16;
	[tilespmem:$0x1FDE0] =	vst v46  }
0xa: {  	v50 =	vadd.s32 $0x87, v16;
	[tilespmem:$0x1FE00] =	vst v48  }
0xb: {  	v52 =	vor.u32 $0x90, v16;
	[tilespmem:$0x1FE20] =	vst v50  }
0xc: {  	v54 =	vadd.s32 $0x99, v16;
	[tilespmem:$0x1FE40] =	vst v52  }
0xd: {  	v26 =	vadd.s32 $0xA2, v16;
	[tilespmem:$0x1FE60] =	vst v54  }
0xe: {  	v28 =	vadd.s32 $0xAB, v16;
	[tilespmem:$0x1FE80] =	vst v26  }
0xf: {  	v30 =	vadd.s32 $0xB4, v16;
	[tilespmem:$0x1FEA0] =	vst v28  }
0x10: {  	v32 =	vadd.s32 $0xBD, v16;
	[tilespmem:$0x1FEC0] =	vst v30  }
0x11: {  	v7 =	vadd.s32 $0xC6, v16;
	[tilespmem:$0x1FEE0] =	vst v32  }
0x12: {  	v9 =	vadd.s32 $0xCF, v16;
	[tilespmem:$0x1FF00] =	vst v7  }
0x13: {  	v11 =	vadd.s32 $0xD8, v16;
	[tilespmem:$0x1FF20] =	vst v9  }
0x14: {  	v13 =	vadd.s32 $0xE1, v16;
	[tilespmem:$0x1FF40] =	vst v11  }
0x15: {  	v15 =	vadd.s32 $0xEA, v16;
	[tilespmem:$0x1FF60] =	vst v13  }
0x16: {  	v22 =	vadd.s32 $0x1B, v16;
	[tilespmem:$0x1FF80] =	vst v15  }
0x17: {  	v25 =	vadd.s32 $0x24, v16;
	[tilespmem:$0x1FF90] =	vst v22  }
0x18: {  	v58 =	vadd.s32 $0x2D, v16;
	[tilespmem:$0x1FFB0] =	vst v25  }
0x19: {  	v59 =	vand.u32 $0x3, v16;
	v63 =	vadd.s32 $0x36, v16;
	[tilespmem:$0x1FFD0] =	vst v58  }
0x1a: {  	v33 =	vor.u32 $0x18, v59;
	[tilespmem:$0x1FFF0] =	vst v63  }
0x1b: {  	v35 =	vor.u32 $0x1C, v59;
	[tilespmem:$0x1FD10] =	vst v33  }
0x1c: {  	v37 =	vor.u32 $0x20, v59;
	[tilespmem:$0x1FD30] =	vst v35  }
0x1d: {  	v39 =	vor.u32 $0x24, v59;
	[tilespmem:$0x1FD50] =	vst v37  }
0x1e: {  	v41 =	vor.u32 $0x28, v59;
	[tilespmem:$0x1FD70] =	vst v39  }
0x1f: {  	v18 =	vor.u32 $0x2C, v59;
	[tilespmem:$0x1FD90] =	vst v41  }
0x20: {  	v45 =	vor.u32 $0x30, v59;
	[tilespmem:$0x1FDB0] =	vst v18  }
0x21: {  	v47 =	vor.u32 $0x34, v59;
	[tilespmem:$0x1FDD0] =	vst v45  }
0x22: {  	v49 =	vor.u32 $0x38, v59;
	[tilespmem:$0x1FDF0] =	vst v47  }
0x23: {  	v51 =	vor.u32 $0x3C, v59;
	[tilespmem:$0x1FE10] =	vst v49  }
0x24: {  	v53 =	vor.u32 $0x40, v59;
	[tilespmem:$0x1FE30] =	vst v51  }
0x25: {  	v0 =	vor.u32 $0x44, v59;
	[tilespmem:$0x1FE50] =	vst v53  }
0x26: {  	s24 =	srdreg.scid;
	s5 =	stileid.u32;
	s14 =	simm.s32 $0xC200;
	v27 =	vor.u32 $0x48, v59;
	[tilespmem:$0x1FE70] =	vst v0  }
0x27: {  	s15 =	simm.s32 $0x70;
	s23 =	simm.s32 $0x1;
	s28 =	simm.s32 $0x2;
	v29 =	vor.u32 $0x4C, v59;
	[tilespmem:$0x1FE90] =	vst v27  }
0x28: {  	s29 =	simm.s32 $0x1C900;
	s30 =	simm.s32 $0x3;
	s31 =	simm.s32 $0x1CD00;
	v31 =	vor.u32 $0x50, v59;
	[tilespmem:$0x1FEB0] =	vst v29  }
0x29: {  	s16 =	simm.s32 $0x7;
	s17 =	simm.s32 $0x8;
	s4 =	sadd.s32 $0x200, s0;
	v6 =	vor.u32 $0x54, v59;
	[tilespmem:$0x1FED0] =	vst v31  }
0x2a: {  	s1 =	sand.u32 $0x1, s24;
	s3 =	sshll.u32 s5, $0x1;
	s9 =	smul.u32 $0xA00, s5;
	v8 =	vor.u32 $0x58, v59;
	[tilespmem:$0x1FEF0] =	vst v6  }
0x2b: {  	s5 =	sadd.s32 $0x438200, s0;
	s8 =	sadd.s32 $0x438240, s0;
	s2 =	ssub.s32 $0x2, s1;
	v10 =	vor.u32 $0x5C, v59;
	[tilespmem:$0x1FF10] =	vst v8  }
0x2c: {  	s3 =	sor.u32 s1, s3;
	s1 =	smul.u32 $0x500, s1;
	v12 =	vor.u32 $0x60, v59;
	s6 =	sshrl.u32 s2, $0x1;
	[tilespmem:$0x1FF30] =	vst v10  }
0x2d: {  	s24 =	simm.s32 $0x200;
	v14 =	vor.u32 $0x64, v59;
	s7 =	smul.u32 $0x14000, s3;
	[tilespmem:$0x1FF50] =	vst v12;
	s2 =	ssub.s32 s2, s6  }
0x2e: {  	v23 =	vor.u32 $0xC, v59;
	[tilespmem:$0x1FF70] =	vst v14;
	s6 =	smul.u32 $0x140, s3;
	s25 =	sadd.s32 s1, s9;
	s3 =	simm.s32 $0x1D100  }
0x2f: {  	v1 =	vimm.s32 $0xFFFFFFFF;
	v57 =	vor.u32 $0x10, v59;
	[tilespmem:$0x1FFA0] =	vst v23;
	s26 =	smax.u32 s2, $0x1;
	s0 =	sshrl.u32 s25, $0x2;
	s25 =	simm.s32 $0x400  }
0x30: {  	v21 =	vadd.s32 $0x9, v16;
	v62 =	vadd.s32 $0x12, v16;
	v61 =	vor.u32 $0x14, v59;
	[tilespmem:$0x1FFC0] =	vst v57;
	s2 =	simm.s32 $0x0;
	s9 =	sor.u32 $0x8, s6;
	[dreg:$0x3] =	wrdreg s26  }
0x31: {  	v60 =	vor.u32 $0x4, v59;
	v24 =	vor.u32 $0x8, v59;
	v17 =	vor.u32 $0x68, v59;
	[tilespmem:$0x1FFE0] =	vst v61;
	s20 =	sadd.s32 $0x9A00, s0;
	s26 =	simm.s32 $0x1C500;
	s0 =	simm.s32 $0x4  }
.LBB2_1:
0x32: {  	s1 =	rddreg [dreg:$0x1]  }
0x33: {  	s10 =	simm.s32 $0x0;
	s11 =	simm.s32 $0x9A00;
	s22 =	simm.s32 $0x9  }
0x34: {  	[tilespmem:s11], [sflag:$0x9] =	stream.linear.gather [hbm4b:s1+s10], $0x2800, $0x38;
	[tilespmem:$0x1D500] =	vst v63  }
0x35: {  	_ =	swait.ge [sflag:s22], $0x2800  }
0x36: {  	[sflag:s22] =	ssyncset.done $0x0  }
0x37: {  	s1 =	simm.s32 $0x0;
	[sflag:s22] =	ssyncadd.s32 $0xFFFFD800  }
.LBB2_2:
0x38: {  	p0 =	sne.s32 s1, $0x26600  }
.Ltmp0:
0x39: {  	_ = 	snop;
	(pc) =	sbr.rel @p0 .LBB2_2-.Ltmp0, $3  }
0x3a: {  	_ =	sdelay $0x1  }
0x3b: {  	s10 =	sshra.s32 s1, $0x2  }
0x3c: {  	s1 =	sadd.s32 $0x40, s1;
	[tilespmem:s10+$0x0] =	vst v1  }
0x3d: {  	s1 =	simm.s32 $0x9A00  }
0x3e: {  	s11 =	simm.s32 $0x0;
	s10 =	simm.s32 $0x10;
	s13 =	simm.s32 $0x0;
	v1 =	vld [tilespmem:s1+$0x0]  }
.LBB2_4:
0x3f: {  	p0 =	sne.s32 s10, $0x27F0;
	_ =	sdelay $0x3  }
.Ltmp1:
0x40: {  	(pc) =	sbr.rel @p0 .LBB2_4-.Ltmp1, $4  }
0x41: {  	_ = 	snop  }
0x42: {  	v2 =	vor.u32 s13, v16;
	s13 =	smov.u32 s10  }
0x43: {  	s1 =	sadd.s32 $0x10, s1;
	[tilespmem:v1+s11+$0x0] =	vst.idx.msk $0xffff, v2  }
0x44: {  	s10 =	sadd.s32 $0x10, s10;
	v1 =	vld [tilespmem:s1+$0x0]  }
0x45: {  	_ =	sdelay $0x6  }
0x46: {  	v2 =	vor.u32 s13, v16  }
0x47: {  	[tilespmem:v1+s11+$0x0] =	vst.idx.msk $0xffff, v2  }
0x48: {  	v56 =	vld [tilespmem:s20+$0x0];
	_ =	sdelay $0x4  }
0x49: {  	v1 =	vadd.s32 $0xFFFFFB59, v56  }
0x4a: {  	vm0 =	vgt.s32 v1, $0x0  }
0x4b: {  	v1 =	vnsel vm0, $0x0, v1;
	_ =	sdelay $0x2  }
0x4c: {  	v2 =	vor.u32 s11, v16  }
0x4d: {  	s18 =	simm.s32 $0x0;
	v3 =	vshrl.u32 v2, $0x2;
	v4 =	vmulhi.u32 $0x88888889, v2  }
0x4e: {  	v55 =	vmul.u32 $0x70, v3;
	v1 =	vld.idx.msk [tilespmem:v1+s18+$0x0], $0xffff  }
0x4f: {  	v4 =	vshrl.u32 v4, $0x7;
	v3 =	vadd.s32 $0xFFFFFB5A, v56  }
0x50: {  	v5 =	vor.u32 v59, v55;
	v4 =	vmul.u32 $0xF0, v4;
	vm11 =	vgt.s32 v3, $0x0  }
0x51: {  	v3 =	vnsel vm11, $0x0, v3  }
0x52: {  	v2 =	vsub.s32 v2, v4  }
0x53: {  	v2 =	vadd.s32 $0x2710, v2;
	vm12 =	vlt.s32 v1, $0x0  }
0x54: {  	v1 =	vsel vm12, v2, v1;
	v2 =	vadd.s32 s11, v21  }
0x55: {  	[tilespmem:v5+s14+$0x0] =	vst.idx.msk $0xffff, v1;
	v1 =	vmulhi.u32 $0x88888889, v2  }
0x56: {  	v3 =	vld.idx.msk [tilespmem:v3+s18+$0x0], $0xffff  }
0x57: {  	v4 =	vadd.s32 $0xFFFFFB5B, v56;
	v1 =	vshrl.u32 v1, $0x7  }
0x58: {  	vm13 =	vgt.s32 v4, $0x0;
	v5 =	vor.u32 v60, v55;
	v1 =	vmul.u32 $0xF0, v1  }
0x59: {  	v4 =	vnsel vm13, $0x0, v4  }
0x5a: {  	v1 =	vsub.s32 v2, v1  }
0x5b: {  	v1 =	vadd.s32 $0x4F10, v1;
	v2 =	vadd.s32 $0x2800, v3;
	vm14 =	vlt.s32 v3, $0x0  }
0x5c: {  	v1 =	vsel vm14, v1, v2;
	v2 =	vadd.s32 s11, v62  }
0x5d: {  	[tilespmem:v5+s14+$0x0] =	vst.idx.msk $0xffff, v1;
	v1 =	vmulhi.u32 $0x88888889, v2  }
0x5e: {  	v3 =	vld.idx.msk [tilespmem:v4+s18+$0x0], $0xffff  }
0x5f: {  	v4 =	vadd.s32 $0xFFFFFB7B, v56;
	v1 =	vshrl.u32 v1, $0x7  }
0x60: {  	v5 =	vor.u32 v24, v55;
	vm15 =	vgt.s32 v4, $0x0;
	v1 =	vmul.u32 $0xF0, v1  }
0x61: {  	v4 =	vnsel vm15, $0x0, v4  }
0x62: {  	v1 =	vsub.s32 v2, v1  }
0x63: {  	v1 =	vadd.s32 $0x7710, v1;
	v2 =	vadd.s32 $0x5000, v3;
	vm4 =	vlt.s32 v3, $0x0  }
0x64: {  	v1 =	vsel vm4, v1, v2;
	v2 =	vadd.s32 s11, v22  }
0x65: {  	[tilespmem:v5+s14+$0x0] =	vst.idx.msk $0xffff, v1;
	v1 =	vmulhi.u32 $0x88888889, v2  }
0x66: {  	v3 =	vld.idx.msk [tilespmem:v4+s18+$0x0], $0xffff  }
0x67: {  	v4 =	vadd.s32 $0xFFFFFB7C, v56;
	v1 =	vshrl.u32 v1, $0x7  }
0x68: {  	v5 =	vor.u32 v23, v55;
	vm5 =	vgt.s32 v4, $0x0;
	v1 =	vmul.u32 $0xF0, v1  }
0x69: {  	v4 =	vnsel vm5, $0x0, v4  }
0x6a: {  	v1 =	vsub.s32 v2, v1  }
0x6b: {  	v1 =	vadd.s32 $0x9F10, v1;
	v2 =	vadd.s32 $0x7800, v3;
	vm6 =	vlt.s32 v3, $0x0  }
0x6c: {  	v1 =	vsel vm6, v1, v2;
	v2 =	vadd.s32 s11, v25  }
0x6d: {  	[tilespmem:v5+s14+$0x0] =	vst.idx.msk $0xffff, v1;
	v1 =	vmulhi.u32 $0x88888889, v2  }
0x6e: {  	v3 =	vld.idx.msk [tilespmem:v4+s18+$0x0], $0xffff  }
0x6f: {  	v4 =	vadd.s32 $0xFFFFFB7D, v56;
	v1 =	vshrl.u32 v1, $0x7  }
0x70: {  	v5 =	vadd.s32 v57, v55;
	vm7 =	vgt.s32 v4, $0x0;
	v1 =	vmul.u32 $0xF0, v1  }
0x71: {  	v4 =	vnsel vm7, $0x0, v4  }
0x72: {  	v1 =	vsub.s32 v2, v1  }
0x73: {  	v1 =	vadd.s32 $0xC710, v1;
	v2 =	vadd.s32 $0xA000, v3;
	vm8 =	vlt.s32 v3, $0x0  }
0x74: {  	v1 =	vsel vm8, v1, v2;
	v2 =	vadd.s32 s11, v58  }
0x75: {  	[tilespmem:v5+s14+$0x0] =	vst.idx.msk $0xffff, v1;
	v1 =	vmulhi.u32 $0x88888889, v2  }
0x76: {  	v3 =	vld.idx.msk [tilespmem:v4+s18+$0x0], $0xffff  }
0x77: {  	v4 =	vadd.s32 $0xFFFFFB9D, v56;
	v1 =	vshrl.u32 v1, $0x7  }
0x78: {  	v5 =	vadd.s32 v61, v55;
	vm9 =	vgt.s32 v4, $0x0;
	v1 =	vmul.u32 $0xF0, v1  }
0x79: {  	v4 =	vnsel vm9, $0x0, v4  }
0x7a: {  	v1 =	vsub.s32 v2, v1  }
0x7b: {  	v1 =	vadd.s32 $0xEF10, v1;
	v2 =	vadd.s32 $0xC800, v3;
	vm10 =	vlt.s32 v3, $0x0  }
0x7c: {  	v1 =	vsel vm10, v1, v2;
	v2 =	vadd.s32 s11, v63  }
0x7d: {  	[tilespmem:v5+s14+$0x0] =	vst.idx.msk $0xffff, v1;
	v1 =	vmulhi.u32 $0x88888889, v2  }
0x7e: {  	v3 =	vld.idx.msk [tilespmem:v4+s18+$0x0], $0xffff  }
0x7f: {  	v4 =	vadd.s32 $0xFFFFFB9E, v56;
	v1 =	vshrl.u32 v1, $0x7  }
0x80: {  	v5 =	vadd.s32 v33, v55;
	vm11 =	vgt.s32 v4, $0x0;
	v1 =	vmul.u32 $0xF0, v1  }
0x81: {  	v4 =	vnsel vm11, $0x0, v4  }
0x82: {  	v1 =	vsub.s32 v2, v1  }
0x83: {  	v1 =	vadd.s32 $0x11710, v1;
	v2 =	vadd.s32 $0xF000, v3;
	vm12 =	vlt.s32 v3, $0x0  }
0x84: {  	v1 =	vsel vm12, v1, v2;
	v2 =	vadd.s32 s11, v34  }
0x85: {  	[tilespmem:v5+s14+$0x0] =	vst.idx.msk $0xffff, v1;
	v1 =	vmulhi.u32 $0x88888889, v2  }
0x86: {  	v3 =	vld.idx.msk [tilespmem:v4+s18+$0x0], $0xffff  }
0x87: {  	v4 =	vadd.s32 $0xFFFFFB9F, v56;
	v1 =	vshrl.u32 v1, $0x7  }
0x88: {  	v5 =	vadd.s32 v35, v55;
	vm13 =	vgt.s32 v4, $0x0;
	v1 =	vmul.u32 $0xF0, v1  }
0x89: {  	v4 =	vnsel vm13, $0x0, v4  }
0x8a: {  	v1 =	vsub.s32 v2, v1  }
0x8b: {  	v1 =	vadd.s32 $0x13F10, v1;
	v2 =	vadd.s32 $0x11800, v3;
	vm14 =	vlt.s32 v3, $0x0  }
0x8c: {  	v1 =	vsel vm14, v1, v2;
	v2 =	vadd.s32 s11, v36  }
0x8d: {  	[tilespmem:v5+s14+$0x0] =	vst.idx.msk $0xffff, v1;
	v1 =	vmulhi.u32 $0x88888889, v2  }
0x8e: {  	v3 =	vld.idx.msk [tilespmem:v4+s18+$0x0], $0xffff  }
0x8f: {  	v4 =	vadd.s32 $0xFFFFFFDD, v56;
	v1 =	vshrl.u32 v1, $0x7  }
0x90: {  	v5 =	vadd.s32 v37, v55;
	vm15 =	vgt.s32 v4, $0x0;
	v1 =	vmul.u32 $0xF0, v1  }
0x91: {  	v4 =	vnsel vm15, $0x0, v4  }
0x92: {  	v1 =	vsub.s32 v2, v1  }
0x93: {  	v1 =	vadd.s32 $0x16710, v1;
	v2 =	vadd.s32 $0x14000, v3;
	vm4 =	vlt.s32 v3, $0x0  }
0x94: {  	v1 =	vsel vm4, v1, v2;
	v2 =	vadd.s32 s11, v38  }
0x95: {  	[tilespmem:v5+s14+$0x0] =	vst.idx.msk $0xffff, v1;
	v1 =	vmulhi.u32 $0x88888889, v2  }
0x96: {  	v3 =	vld.idx.msk [tilespmem:v4+s18+$0x0], $0xffff  }
0x97: {  	v4 =	vadd.s32 $0xFFFFFFDE, v56;
	v1 =	vshrl.u32 v1, $0x7  }
0x98: {  	v5 =	vadd.s32 v39, v55;
	vm5 =	vgt.s32 v4, $0x0;
	v1 =	vmul.u32 $0xF0, v1  }
0x99: {  	v4 =	vnsel vm5, $0x0, v4  }
0x9a: {  	v1 =	vsub.s32 v2, v1  }
0x9b: {  	v1 =	vadd.s32 $0x18F10, v1;
	v2 =	vadd.s32 $0x16800, v3;
	vm6 =	vlt.s32 v3, $0x0  }
0x9c: {  	v1 =	vsel vm6, v1, v2;
	v2 =	vadd.s32 s11, v40  }
0x9d: {  	[tilespmem:v5+s14+$0x0] =	vst.idx.msk $0xffff, v1;
	v1 =	vmulhi.u32 $0x88888889, v2  }
0x9e: {  	v3 =	vld.idx.msk [tilespmem:v4+s18+$0x0], $0xffff  }
0x9f: {  	v4 =	vadd.s32 $0xFFFFFFDF, v56;
	v1 =	vshrl.u32 v1, $0x7  }
0xa0: {  	v5 =	vadd.s32 v41, v55;
	vm7 =	vgt.s32 v4, $0x0;
	v1 =	vmul.u32 $0xF0, v1  }
0xa1: {  	v4 =	vnsel vm7, $0x0, v4  }
0xa2: {  	v1 =	vsub.s32 v2, v1  }
0xa3: {  	v1 =	vadd.s32 $0x1B710, v1;
	v2 =	vadd.s32 $0x19000, v3;
	vm8 =	vlt.s32 v3, $0x0  }
0xa4: {  	v1 =	vsel vm8, v1, v2;
	v2 =	vadd.s32 s11, v42  }
0xa5: {  	[tilespmem:v5+s14+$0x0] =	vst.idx.msk $0xffff, v1;
	v1 =	vmulhi.u32 $0x88888889, v2  }
0xa6: {  	v3 =	vld.idx.msk [tilespmem:v4+s18+$0x0], $0xffff  }
0xa7: {  	v4 =	vadd.s32 $0xFFFFFFFF, v56;
	v1 =	vshrl.u32 v1, $0x7  }
0xa8: {  	v5 =	vadd.s32 v18, v55;
	vm9 =	vgt.s32 v4, $0x0;
	v1 =	vmul.u32 $0xF0, v1  }
0xa9: {  	v4 =	vnsel vm9, $0x0, v4  }
0xaa: {  	v1 =	vsub.s32 v2, v1  }
0xab: {  	v1 =	vadd.s32 $0x1DF10, v1;
	v2 =	vadd.s32 $0x1B800, v3;
	vm10 =	vlt.s32 v3, $0x0  }
0xac: {  	v1 =	vsel vm10, v1, v2;
	v2 =	vadd.s32 s11, v44  }
0xad: {  	[tilespmem:v5+s14+$0x0] =	vst.idx.msk $0xffff, v1;
	v1 =	vmulhi.u32 $0x88888889, v2  }
0xae: {  	v3 =	vld.idx.msk [tilespmem:v4+s18+$0x0], $0xffff  }
0xaf: {  	v1 =	vshrl.u32 v1, $0x7  }
0xb0: {  	vm11 =	vgt.s32 v56, $0x0;
	v4 =	vadd.s32 v45, v55;
	v1 =	vmul.u32 $0xF0, v1  }
0xb1: {  	v5 =	vnsel vm11, $0x0, v56  }
0xb2: {  	v1 =	vsub.s32 v2, v1  }
0xb3: {  	v1 =	vadd.s32 $0x20710, v1;
	v2 =	vadd.s32 $0x1E000, v3;
	vm12 =	vlt.s32 v3, $0x0  }
0xb4: {  	v1 =	vsel vm12, v1, v2;
	v2 =	vadd.s32 s11, v46  }
0xb5: {  	[tilespmem:v4+s14+$0x0] =	vst.idx.msk $0xffff, v1;
	v1 =	vmulhi.u32 $0x88888889, v2  }
0xb6: {  	v3 =	vld.idx.msk [tilespmem:v5+s18+$0x0], $0xffff  }
0xb7: {  	v4 =	vadd.s32 $0x1, v56;
	v1 =	vshrl.u32 v1, $0x7  }
0xb8: {  	vm13 =	vgt.s32 v4, $0x0;
	v5 =	vadd.s32 v47, v55;
	v1 =	vmul.u32 $0xF0, v1  }
0xb9: {  	v4 =	vnsel vm13, $0x0, v4  }
0xba: {  	v1 =	vsub.s32 v2, v1  }
0xbb: {  	v1 =	vadd.s32 $0x22F10, v1;
	v2 =	vadd.s32 $0x20800, v3;
	vm14 =	vlt.s32 v3, $0x0  }
0xbc: {  	v1 =	vsel vm14, v1, v2;
	v2 =	vadd.s32 s11, v48  }
0xbd: {  	[tilespmem:v5+s14+$0x0] =	vst.idx.msk $0xffff, v1;
	v1 =	vmulhi.u32 $0x88888889, v2  }
0xbe: {  	v3 =	vld.idx.msk [tilespmem:v4+s18+$0x0], $0xffff  }
0xbf: {  	v4 =	vadd.s32 $0x21, v56;
	v1 =	vshrl.u32 v1, $0x7  }
0xc0: {  	v5 =	vadd.s32 v49, v55;
	vm15 =	vgt.s32 v4, $0x0;
	v1 =	vmul.u32 $0xF0, v1  }
0xc1: {  	v4 =	vnsel vm15, $0x0, v4  }
0xc2: {  	v1 =	vsub.s32 v2, v1  }
0xc3: {  	v1 =	vadd.s32 $0x25710, v1;
	v2 =	vadd.s32 $0x23000, v3;
	vm4 =	vlt.s32 v3, $0x0  }
0xc4: {  	v1 =	vsel vm4, v1, v2;
	v2 =	vadd.s32 s11, v50  }
0xc5: {  	[tilespmem:v5+s14+$0x0] =	vst.idx.msk $0xffff, v1;
	v1 =	vmulhi.u32 $0x88888889, v2  }
0xc6: {  	v3 =	vld.idx.msk [tilespmem:v4+s18+$0x0], $0xffff  }
0xc7: {  	v4 =	vadd.s32 $0x22, v56;
	v1 =	vshrl.u32 v1, $0x7  }
0xc8: {  	v5 =	vadd.s32 v51, v55;
	vm5 =	vgt.s32 v4, $0x0;
	v1 =	vmul.u32 $0xF0, v1  }
0xc9: {  	v4 =	vnsel vm5, $0x0, v4  }
0xca: {  	v1 =	vsub.s32 v2, v1  }
0xcb: {  	v1 =	vadd.s32 $0x27F10, v1;
	v2 =	vadd.s32 $0x25800, v3;
	vm6 =	vlt.s32 v3, $0x0  }
0xcc: {  	v1 =	vsel vm6, v1, v2;
	v2 =	vadd.s32 s11, v52  }
0xcd: {  	[tilespmem:v5+s14+$0x0] =	vst.idx.msk $0xffff, v1;
	v1 =	vmulhi.u32 $0x88888889, v2  }
0xce: {  	v3 =	vld.idx.msk [tilespmem:v4+s18+$0x0], $0xffff  }
0xcf: {  	v4 =	vadd.s32 $0x23, v56;
	v1 =	vshrl.u32 v1, $0x7  }
0xd0: {  	v5 =	vadd.s32 v53, v55;
	vm7 =	vgt.s32 v4, $0x0;
	v1 =	vmul.u32 $0xF0, v1  }
0xd1: {  	v4 =	vnsel vm7, $0x0, v4  }
0xd2: {  	v1 =	vsub.s32 v2, v1  }
0xd3: {  	v1 =	vadd.s32 $0x2A710, v1;
	v2 =	vadd.s32 $0x28000, v3;
	vm8 =	vlt.s32 v3, $0x0  }
0xd4: {  	v1 =	vsel vm8, v1, v2;
	v2 =	vadd.s32 s11, v54  }
0xd5: {  	[tilespmem:v5+s14+$0x0] =	vst.idx.msk $0xffff, v1;
	v1 =	vmulhi.u32 $0x88888889, v2  }
0xd6: {  	v3 =	vld.idx.msk [tilespmem:v4+s18+$0x0], $0xffff  }
0xd7: {  	v4 =	vadd.s32 $0x461, v56;
	v1 =	vshrl.u32 v1, $0x7  }
0xd8: {  	v5 =	vadd.s32 v0, v55;
	vm9 =	vgt.s32 v4, $0x0;
	v1 =	vmul.u32 $0xF0, v1  }
0xd9: {  	v4 =	vnsel vm9, $0x0, v4  }
0xda: {  	v1 =	vsub.s32 v2, v1  }
0xdb: {  	v1 =	vadd.s32 $0x2CF10, v1;
	v2 =	vadd.s32 $0x2A800, v3;
	vm10 =	vlt.s32 v3, $0x0  }
0xdc: {  	v1 =	vsel vm10, v1, v2;
	v2 =	vadd.s32 s11, v26  }
0xdd: {  	[tilespmem:v5+s14+$0x0] =	vst.idx.msk $0xffff, v1;
	v1 =	vmulhi.u32 $0x88888889, v2  }
0xde: {  	v3 =	vld.idx.msk [tilespmem:v4+s18+$0x0], $0xffff  }
0xdf: {  	v4 =	vadd.s32 $0x462, v56;
	v1 =	vshrl.u32 v1, $0x7  }
0xe0: {  	v5 =	vadd.s32 v27, v55;
	vm11 =	vgt.s32 v4, $0x0;
	v1 =	vmul.u32 $0xF0, v1  }
0xe1: {  	v4 =	vnsel vm11, $0x0, v4  }
0xe2: {  	v1 =	vsub.s32 v2, v1  }
0xe3: {  	v1 =	vadd.s32 $0x2F710, v1;
	v2 =	vadd.s32 $0x2D000, v3;
	vm12 =	vlt.s32 v3, $0x0  }
0xe4: {  	v1 =	vsel vm12, v1, v2;
	v2 =	vadd.s32 s11, v28  }
0xe5: {  	[tilespmem:v5+s14+$0x0] =	vst.idx.msk $0xffff, v1;
	v1 =	vmulhi.u32 $0x88888889, v2  }
0xe6: {  	v3 =	vld.idx.msk [tilespmem:v4+s18+$0x0], $0xffff  }
0xe7: {  	v4 =	vadd.s32 $0x463, v56;
	v1 =	vshrl.u32 v1, $0x7  }
0xe8: {  	v5 =	vadd.s32 v29, v55;
	vm13 =	vgt.s32 v4, $0x0;
	v1 =	vmul.u32 $0xF0, v1  }
0xe9: {  	v4 =	vnsel vm13, $0x0, v4  }
0xea: {  	v1 =	vsub.s32 v2, v1  }
0xeb: {  	v1 =	vadd.s32 $0x31F10, v1;
	v2 =	vadd.s32 $0x2F800, v3;
	vm14 =	vlt.s32 v3, $0x0  }
0xec: {  	v1 =	vsel vm14, v1, v2;
	v2 =	vadd.s32 s11, v30  }
0xed: {  	[tilespmem:v5+s14+$0x0] =	vst.idx.msk $0xffff, v1;
	v1 =	vmulhi.u32 $0x88888889, v2  }
0xee: {  	v3 =	vld.idx.msk [tilespmem:v4+s18+$0x0], $0xffff  }
0xef: {  	v4 =	vadd.s32 $0x483, v56;
	v1 =	vshrl.u32 v1, $0x7  }
0xf0: {  	v5 =	vadd.s32 v31, v55;
	vm15 =	vgt.s32 v4, $0x0;
	v1 =	vmul.u32 $0xF0, v1  }
0xf1: {  	v4 =	vnsel vm15, $0x0, v4  }
0xf2: {  	v1 =	vsub.s32 v2, v1  }
0xf3: {  	v1 =	vadd.s32 $0x34710, v1;
	v2 =	vadd.s32 $0x32000, v3;
	vm4 =	vlt.s32 v3, $0x0  }
0xf4: {  	v1 =	vsel vm4, v1, v2;
	v2 =	vadd.s32 s11, v32  }
0xf5: {  	[tilespmem:v5+s14+$0x0] =	vst.idx.msk $0xffff, v1;
	v1 =	vmulhi.u32 $0x88888889, v2  }
0xf6: {  	v3 =	vld.idx.msk [tilespmem:v4+s18+$0x0], $0xffff  }
0xf7: {  	v4 =	vadd.s32 $0x484, v56;
	v1 =	vshrl.u32 v1, $0x7  }
0xf8: {  	v5 =	vadd.s32 v6, v55;
	vm5 =	vgt.s32 v4, $0x0;
	v1 =	vmul.u32 $0xF0, v1  }
0xf9: {  	v4 =	vnsel vm5, $0x0, v4  }
0xfa: {  	v1 =	vsub.s32 v2, v1  }
0xfb: {  	v1 =	vadd.s32 $0x36F10, v1;
	v2 =	vadd.s32 $0x34800, v3;
	vm6 =	vlt.s32 v3, $0x0  }
0xfc: {  	v1 =	vsel vm6, v1, v2;
	v2 =	vadd.s32 s11, v7  }
0xfd: {  	[tilespmem:v5+s14+$0x0] =	vst.idx.msk $0xffff, v1;
	v1 =	vmulhi.u32 $0x88888889, v2  }
0xfe: {  	v3 =	vld.idx.msk [tilespmem:v4+s18+$0x0], $0xffff  }
0xff: {  	v4 =	vadd.s32 $0x485, v56;
	v1 =	vshrl.u32 v1, $0x7  }
0x100: {  	v5 =	vadd.s32 v8, v55;
	vm7 =	vgt.s32 v4, $0x0;
	v1 =	vmul.u32 $0xF0, v1  }
0x101: {  	v4 =	vnsel vm7, $0x0, v4  }
0x102: {  	v1 =	vsub.s32 v2, v1  }
0x103: {  	v1 =	vadd.s32 $0x39710, v1;
	v2 =	vadd.s32 $0x37000, v3;
	vm8 =	vlt.s32 v3, $0x0  }
0x104: {  	v1 =	vsel vm8, v1, v2;
	v2 =	vadd.s32 s11, v9  }
0x105: {  	[tilespmem:v5+s14+$0x0] =	vst.idx.msk $0xffff, v1;
	v1 =	vmulhi.u32 $0x88888889, v2  }
0x106: {  	v3 =	vld.idx.msk [tilespmem:v4+s18+$0x0], $0xffff  }
0x107: {  	v4 =	vadd.s32 $0x4A5, v56;
	v1 =	vshrl.u32 v1, $0x7  }
0x108: {  	v5 =	vadd.s32 v10, v55;
	vm9 =	vgt.s32 v4, $0x0;
	v1 =	vmul.u32 $0xF0, v1  }
0x109: {  	v4 =	vnsel vm9, $0x0, v4  }
0x10a: {  	v1 =	vsub.s32 v2, v1  }
0x10b: {  	v1 =	vadd.s32 $0x3BF10, v1;
	v2 =	vadd.s32 $0x39800, v3;
	vm10 =	vlt.s32 v3, $0x0  }
0x10c: {  	v1 =	vsel vm10, v1, v2;
	v2 =	vadd.s32 s11, v11  }
0x10d: {  	[tilespmem:v5+s14+$0x0] =	vst.idx.msk $0xffff, v1;
	v1 =	vmulhi.u32 $0x88888889, v2  }
0x10e: {  	v3 =	vld.idx.msk [tilespmem:v4+s18+$0x0], $0xffff  }
0x10f: {  	v4 =	vadd.s32 $0x4A6, v56;
	v1 =	vshrl.u32 v1, $0x7  }
0x110: {  	v5 =	vadd.s32 v12, v55;
	vm11 =	vgt.s32 v4, $0x0;
	v1 =	vmul.u32 $0xF0, v1  }
0x111: {  	v4 =	vnsel vm11, $0x0, v4  }
0x112: {  	v1 =	vsub.s32 v2, v1  }
0x113: {  	v1 =	vadd.s32 $0x3E710, v1;
	vm12 =	vlt.s32 v3, $0x0;
	v2 =	vadd.s32 $0x3C000, v3  }
0x114: {  	v1 =	vsel vm12, v1, v2;
	v2 =	vadd.s32 s11, v13  }
0x115: {  	[tilespmem:v5+s14+$0x0] =	vst.idx.msk $0xffff, v1;
	v1 =	vmulhi.u32 $0x88888889, v2  }
0x116: {  	v3 =	vld.idx.msk [tilespmem:v4+s18+$0x0], $0xffff  }
0x117: {  	v4 =	vadd.s32 $0x4A7, v56;
	v1 =	vshrl.u32 v1, $0x7  }
0x118: {  	v5 =	vadd.s32 v14, v55;
	vm13 =	vgt.s32 v4, $0x0;
	v1 =	vmul.u32 $0xF0, v1  }
0x119: {  	v4 =	vnsel vm13, $0x0, v4  }
0x11a: {  	v1 =	vsub.s32 v2, v1  }
0x11b: {  	v1 =	vadd.s32 $0x40F10, v1;
	vm14 =	vlt.s32 v3, $0x0;
	v2 =	vadd.s32 $0x3E800, v3  }
0x11c: {  	v1 =	vsel vm14, v1, v2;
	v2 =	vadd.s32 s11, v15  }
0x11d: {  	[tilespmem:v5+s14+$0x0] =	vst.idx.msk $0xffff, v1;
	v1 =	vmulhi.u32 $0x88888889, v2  }
0x11e: {  	v3 =	vld.idx.msk [tilespmem:v4+s18+$0x0], $0xffff  }
0x11f: {  	v1 =	vshrl.u32 v1, $0x7  }
0x120: {  	v1 =	vmul.u32 $0xF0, v1  }
0x121: {  	v33 =	vmov v6  }
0x122: {  	v34 =	vmovc v7;
	v35 =	vmovc v8;
	v36 =	vmov v9;
	v37 =	vmov v10;
	v1 =	vsub.s32 v2, v1  }
0x123: {  	v38 =	vmovc v11;
	v39 =	vmovc v12;
	v1 =	vadd.s32 $0x43710, v1;
	vm15 =	vlt.s32 v3, $0x0;
	v2 =	vadd.s32 $0x41000, v3  }
0x124: {  	s19 =	simm.s32 $0x10;
	v40 =	vmovc v13;
	v41 =	vmovc v14;
	v42 =	vmov v15;
	s11 =	smov.u32 s20;
	v6 =	vsel vm15, v1, v2;
	v2 =	vadd.s32 v17, v55  }
.LBB2_6:
0x125: {  	_ =	sdelay $0x3  }
0x126: {  	[tilespmem:v2+s14+$0x0] =	vst.idx.msk $0xffff, v6;
	s11 =	sadd.s32 $0x10, s11  }
0x127: {  	v56 =	vld [tilespmem:s11+$0x0];
	_ =	sdelay $0x4  }
0x128: {  	v1 =	vadd.s32 $0xFFFFFB59, v56  }
0x129: {  	v3 =	vadd.s32 $0xFFFFFB5B, v56;
	vm0 =	vgt.s32 v1, $0x0  }
0x12a: {  	vm2 =	vgt.s32 v3, $0x0;
	v1 =	vnsel vm0, $0x0, v1  }
0x12b: {  	v4 =	vadd.s32 $0xFFFFFB7C, v56;
	v57 =	vnsel vm2, $0x0, v3;
	v3 =	vadd.s32 $0xFFFFFB7B, v56  }
0x12c: {  	s21 =	smov.u32 s19;
	vm14 =	vgt.s32 v4, $0x0;
	vm13 =	vgt.s32 v3, $0x0  }
0x12d: {  	v15 =	vnsel vm14, $0x0, v4;
	v58 =	vnsel vm13, $0x0, v3;
	v3 =	vor.u32 s21, v16  }
0x12e: {  	v4 =	vadd.s32 $0xFFFFFB9D, v56;
	v6 =	vshrl.u32 v3, $0x2;
	v7 =	vmulhi.u32 $0x88888889, v3  }
0x12f: {  	v2 =	vadd.s32 $0xFFFFFB5A, v56;
	vm4 =	vgt.s32 v4, $0x0;
	v55 =	vmul.u32 $0x70, v6;
	v1 =	vld.idx.msk [tilespmem:v1+s18+$0x0], $0xffff  }
0x130: {  	v5 =	vadd.s32 $0xFFFFFB7D, v56;
	v13 =	vnsel vm4, $0x0, v4;
	v4 =	vshrl.u32 v7, $0x7  }
0x131: {  	vm1 =	vgt.s32 v2, $0x0;
	v6 =	vor.u32 v59, v55;
	v4 =	vmul.u32 $0xF0, v4  }
0x132: {  	vm15 =	vgt.s32 v5, $0x0;
	v2 =	vnsel vm1, $0x0, v2  }
0x133: {  	v14 =	vnsel vm15, $0x0, v5;
	v3 =	vsub.s32 v3, v4  }
0x134: {  	v5 =	vadd.s32 $0xFFFFFB9E, v56;
	v3 =	vadd.s32 $0x2710, v3;
	vm9 =	vlt.s32 v1, $0x0  }
0x135: {  	vm5 =	vgt.s32 v5, $0x0;
	v1 =	vsel vm9, v3, v1  }
0x136: {  	v12 =	vnsel vm5, $0x0, v5;
	v5 =	vadd.s32 $0xFFFFFB9F, v56;
	[tilespmem:v6+s14+$0x0] =	vst.idx.msk $0xffff, v1;
	v1 =	vadd.s32 s21, v21  }
0x137: {  	v22 =	vmovc v21;
	vm6 =	vgt.s32 v5, $0x0;
	v7 =	vadd.s32 $0xFFFFFFDE, v56;
	v21 =	vmovc v59;
	v59 =	vld.idx.msk [tilespmem:v2+s18+$0x0], $0xffff;
	v2 =	vmulhi.u32 $0x88888889, v1  }
0x138: {  	vm8 =	vgt.s32 v7, $0x0;
	v43 =	vor.u32 v60, v55;
	v4 =	vadd.s32 $0xFFFFFFFF, v56  }
0x139: {  	v9 =	vnsel vm8, $0x0, v7;
	vm11 =	vgt.s32 v4, $0x0;
	v2 =	vshrl.u32 v2, $0x7  }
0x13a: {  	v7 =	vnsel vm11, $0x0, v4;
	v3 =	vadd.s32 $0xFFFFFFDF, v56;
	v4 =	vmul.u32 $0xF0, v2  }
0x13b: {  	v61 =	vadd.s32 $0x23, v56;
	v11 =	vnsel vm6, $0x0, v5;
	vm10 =	vgt.s32 v3, $0x0  }
0x13c: {  	v5 =	vadd.s32 $0xFFFFFFDD, v56;
	v8 =	vnsel vm10, $0x0, v3;
	v1 =	vsub.s32 v1, v4  }
0x13d: {  	v4 =	vadd.s32 $0x2800, v59;
	vm4 =	vlt.s32 v59, $0x0;
	v1 =	vadd.s32 $0x4F10, v1  }
0x13e: {  	v3 =	vadd.s32 $0x1, v56;
	v59 =	vadd.s32 s21, v62;
	v1 =	vsel vm4, v1, v4  }
0x13f: {  	vm7 =	vgt.s32 v5, $0x0;
	vm13 =	vgt.s32 v3, $0x0;
	[tilespmem:v43+s14+$0x0] =	vst.idx.msk $0xffff, v1;
	v43 =	vmulhi.u32 $0x88888889, v59  }
0x140: {  	v10 =	vnsel vm7, $0x0, v5;
	v5 =	vnsel vm13, $0x0, v3;
	v3 =	vadd.s32 $0x21, v56  }
0x141: {  	vm15 =	vgt.s32 v61, $0x0;
	vm14 =	vgt.s32 v3, $0x0;
	v57 =	vld.idx.msk [tilespmem:v57+s18+$0x0], $0xffff  }
0x142: {  	v4 =	vnsel vm14, $0x0, v3;
	v3 =	vnsel vm15, $0x0, v61;
	v61 =	vshrl.u32 v43, $0x7  }
0x143: {  	v16 =	vadd.s32 $0x483, v56;
	v61 =	vmul.u32 $0xF0, v61;
	v43 =	vmovc v17;
	v17 =	vor.u32 v24, v55  }
0x144: {  	vm8 =	vgt.s32 v16, $0x0  }
0x145: {  	v59 =	vsub.s32 v59, v61;
	v61 =	vnsel vm8, $0x0, v16  }
0x146: {  	v16 =	vadd.s32 $0x7710, v59;
	v59 =	vadd.s32 $0x5000, v57;
	vm10 =	vlt.s32 v57, $0x0  }
0x147: {  	v16 =	vsel vm10, v16, v59  }
0x148: {  	v23 =	vmov v60;
	v60 =	vadd.s32 $0x462, v56;
	[tilespmem:v17+s14+$0x0] =	vst.idx.msk $0xffff, v16;
	v16 =	vld [tilespmem:$0x1FF90]  }
0x149: {  	vm6 =	vgt.s32 v60, $0x0  }
0x14a: {  	vm12 =	vgt.s32 v56, $0x0;
	v63 =	vnsel vm6, $0x0, v60;
	v60 =	vadd.s32 $0x463, v56  }
0x14b: {  	v18 =	vadd.s32 $0x485, v56;
	v19 =	vadd.s32 $0x4A6, v56;
	vm7 =	vgt.s32 v60, $0x0  }
0x14c: {  	v20 =	vld [tilespmem:$0x1FFA0];
	v25 =	vnsel vm7, $0x0, v60;
	v60 =	vadd.s32 $0x484, v56;
	vm11 =	vgt.s32 v18, $0x0  }
0x14d: {  	v6 =	vnsel vm12, $0x0, v56;
	vm13 =	vgt.s32 v19, $0x0;
	v16 =	vadd.s32 s21, v16  }
0x14e: {  	v59 =	vnsel vm11, $0x0, v18;
	v17 =	vadd.s32 $0x4A5, v56;
	v18 =	vld.idx.msk [tilespmem:v58+s18+$0x0], $0xffff;
	v57 =	vmulhi.u32 $0x88888889, v16  }
0x14f: {  	v2 =	vadd.s32 $0x22, v56;
	v1 =	vadd.s32 $0x461, v56;
	vm12 =	vgt.s32 v17, $0x0  }
0x150: {  	v58 =	vnsel vm12, $0x0, v17;
	v17 =	vadd.s32 $0x4A7, v56;
	v56 =	vshrl.u32 v57, $0x7  }
0x151: {  	v20 =	vor.u32 v20, v55;
	v57 =	vnsel vm13, $0x0, v19;
	v19 =	vmul.u32 $0xF0, v56;
	_ =	sdelay $0x1  }
0x152: {  	vm14 =	vgt.s32 v17, $0x0;
	vm15 =	vlt.s32 v18, $0x0;
	v16 =	vsub.s32 v16, v19  }
0x153: {  	v56 =	vnsel vm14, $0x0, v17;
	v17 =	vadd.s32 $0x7800, v18;
	v16 =	vadd.s32 $0x9F10, v16  }
0x154: {  	v16 =	vsel vm15, v16, v17  }
0x155: {  	[tilespmem:v20+s14+$0x0] =	vst.idx.msk $0xffff, v16;
	v16 =	vld [tilespmem:$0x1FFB0];
	_ =	sdelay $0x3  }
0x156: {  	v18 =	vld [tilespmem:$0x1FFC0]  }
0x157: {  	v16 =	vadd.s32 s21, v16  }
0x158: {  	v17 =	vmulhi.u32 $0x88888889, v16  }
0x159: {  	v15 =	vld.idx.msk [tilespmem:v15+s18+$0x0], $0xffff  }
0x15a: {  	v17 =	vshrl.u32 v17, $0x7  }
0x15b: {  	v18 =	vadd.s32 v18, v55;
	v17 =	vmul.u32 $0xF0, v17;
	_ =	sdelay $0x1  }
0x15c: {  	v16 =	vsub.s32 v16, v17  }
0x15d: {  	vm4 =	vlt.s32 v15, $0x0;
	v17 =	vadd.s32 $0xA000, v15;
	v16 =	vadd.s32 $0xC710, v16  }
0x15e: {  	v15 =	vsel vm4, v16, v17  }
0x15f: {  	[tilespmem:v18+s14+$0x0] =	vst.idx.msk $0xffff, v15;
	v15 =	vld [tilespmem:$0x1FFD0];
	_ =	sdelay $0x3  }
0x160: {  	v17 =	vld [tilespmem:$0x1FFE0]  }
0x161: {  	v15 =	vadd.s32 s21, v15  }
0x162: {  	v16 =	vmulhi.u32 $0x88888889, v15  }
0x163: {  	v14 =	vld.idx.msk [tilespmem:v14+s18+$0x0], $0xffff  }
0x164: {  	v16 =	vshrl.u32 v16, $0x7  }
0x165: {  	v17 =	vadd.s32 v17, v55;
	v16 =	vmul.u32 $0xF0, v16  }
0x166: {  	vm5 =	vgt.s32 v1, $0x0  }
0x167: {  	v1 =	vnsel vm5, $0x0, v1;
	v15 =	vsub.s32 v15, v16  }
0x168: {  	vm5 =	vlt.s32 v14, $0x0;
	v16 =	vadd.s32 $0xC800, v14;
	v15 =	vadd.s32 $0xEF10, v15  }
0x169: {  	v14 =	vsel vm5, v15, v16  }
0x16a: {  	[tilespmem:v17+s14+$0x0] =	vst.idx.msk $0xffff, v14;
	v14 =	vld [tilespmem:$0x1FFF0];
	_ =	sdelay $0x3  }
0x16b: {  	v16 =	vld [tilespmem:$0x1FD10]  }
0x16c: {  	v14 =	vadd.s32 s21, v14  }
0x16d: {  	v15 =	vmulhi.u32 $0x88888889, v14  }
0x16e: {  	v13 =	vld.idx.msk [tilespmem:v13+s18+$0x0], $0xffff  }
0x16f: {  	v15 =	vshrl.u32 v15, $0x7  }
0x170: {  	v16 =	vadd.s32 v16, v55;
	v15 =	vmul.u32 $0xF0, v15;
	_ =	sdelay $0x1  }
0x171: {  	v14 =	vsub.s32 v14, v15  }
0x172: {  	vm6 =	vlt.s32 v13, $0x0;
	v15 =	vadd.s32 $0xF000, v13;
	v14 =	vadd.s32 $0x11710, v14  }
0x173: {  	v13 =	vsel vm6, v14, v15  }
0x174: {  	[tilespmem:v16+s14+$0x0] =	vst.idx.msk $0xffff, v13;
	v13 =	vld [tilespmem:$0x1FD20];
	_ =	sdelay $0x3  }
0x175: {  	v15 =	vld [tilespmem:$0x1FD30]  }
0x176: {  	v13 =	vadd.s32 s21, v13  }
0x177: {  	v14 =	vmulhi.u32 $0x88888889, v13  }
0x178: {  	v12 =	vld.idx.msk [tilespmem:v12+s18+$0x0], $0xffff  }
0x179: {  	v14 =	vshrl.u32 v14, $0x7  }
0x17a: {  	v15 =	vadd.s32 v15, v55;
	v14 =	vmul.u32 $0xF0, v14;
	_ =	sdelay $0x1  }
0x17b: {  	v13 =	vsub.s32 v13, v14  }
0x17c: {  	vm7 =	vlt.s32 v12, $0x0;
	v14 =	vadd.s32 $0x11800, v12;
	v13 =	vadd.s32 $0x13F10, v13  }
0x17d: {  	v12 =	vsel vm7, v13, v14  }
0x17e: {  	[tilespmem:v15+s14+$0x0] =	vst.idx.msk $0xffff, v12;
	v12 =	vld [tilespmem:$0x1FD40];
	_ =	sdelay $0x3  }
0x17f: {  	v14 =	vld [tilespmem:$0x1FD50]  }
0x180: {  	v12 =	vadd.s32 s21, v12  }
0x181: {  	v13 =	vmulhi.u32 $0x88888889, v12  }
0x182: {  	v11 =	vld.idx.msk [tilespmem:v11+s18+$0x0], $0xffff  }
0x183: {  	v13 =	vshrl.u32 v13, $0x7  }
0x184: {  	v14 =	vadd.s32 v14, v55;
	v13 =	vmul.u32 $0xF0, v13;
	_ =	sdelay $0x1  }
0x185: {  	v12 =	vsub.s32 v12, v13  }
0x186: {  	vm8 =	vlt.s32 v11, $0x0;
	v13 =	vadd.s32 $0x14000, v11;
	v12 =	vadd.s32 $0x16710, v12  }
0x187: {  	v11 =	vsel vm8, v12, v13  }
0x188: {  	[tilespmem:v14+s14+$0x0] =	vst.idx.msk $0xffff, v11;
	v14 =	vld [tilespmem:$0x1FD60];
	_ =	sdelay $0x4  }
0x189: {  	v11 =	vadd.s32 s21, v14  }
0x18a: {  	v12 =	vmulhi.u32 $0x88888889, v11  }
0x18b: {  	v10 =	vld.idx.msk [tilespmem:v10+s18+$0x0], $0xffff  }
0x18c: {  	v13 =	vld [tilespmem:$0x1FD70];
	v12 =	vshrl.u32 v12, $0x7  }
0x18d: {  	v12 =	vmul.u32 $0xF0, v12  }
0x18e: {  	vm9 =	vgt.s32 v60, $0x0  }
0x18f: {  	v60 =	vnsel vm9, $0x0, v60;
	v11 =	vsub.s32 v11, v12  }
0x190: {  	vm9 =	vlt.s32 v10, $0x0;
	v12 =	vadd.s32 $0x16800, v10;
	v11 =	vadd.s32 $0x18F10, v11  }
0x191: {  	v13 =	vadd.s32 v13, v55;
	v10 =	vsel vm9, v11, v12;
	v12 =	vld [tilespmem:$0x1FD80];
	_ =	sdelay $0x4  }
0x192: {  	[tilespmem:v13+s14+$0x0] =	vst.idx.msk $0xffff, v10;
	v10 =	vadd.s32 s21, v12;
	v12 =	vld [tilespmem:$0x1FD90];
	_ =	sdelay $0x1  }
0x193: {  	v13 =	vmulhi.u32 $0x88888889, v10  }
0x194: {  	v9 =	vld.idx.msk [tilespmem:v9+s18+$0x0], $0xffff  }
0x195: {  	v11 =	vshrl.u32 v13, $0x7  }
0x196: {  	v11 =	vmul.u32 $0xF0, v11;
	v12 =	vadd.s32 v12, v55  }
0x197: {  	v13 =	vld [tilespmem:$0x1FDA0]  }
0x198: {  	v10 =	vsub.s32 v10, v11  }
0x199: {  	v14 =	vadd.s32 $0x19000, v9;
	vm10 =	vlt.s32 v9, $0x0;
	v10 =	vadd.s32 $0x1B710, v10  }
0x19a: {  	v9 =	vsel vm10, v10, v14  }
0x19b: {  	[tilespmem:v12+s14+$0x0] =	vst.idx.msk $0xffff, v9;
	v12 =	vld [tilespmem:$0x1FDB0]  }
0x19c: {  	v9 =	vadd.s32 s21, v13  }
0x19d: {  	v14 =	vmulhi.u32 $0x88888889, v9  }
0x19e: {  	v8 =	vld.idx.msk [tilespmem:v8+s18+$0x0], $0xffff  }
0x19f: {  	v10 =	vshrl.u32 v14, $0x7  }
0x1a0: {  	v10 =	vmul.u32 $0xF0, v10;
	v11 =	vadd.s32 v12, v55;
	_ =	sdelay $0x1  }
0x1a1: {  	v9 =	vsub.s32 v9, v10  }
0x1a2: {  	v13 =	vadd.s32 $0x1B800, v8;
	vm11 =	vlt.s32 v8, $0x0;
	v9 =	vadd.s32 $0x1DF10, v9  }
0x1a3: {  	v8 =	vsel vm11, v9, v13  }
0x1a4: {  	[tilespmem:v11+s14+$0x0] =	vst.idx.msk $0xffff, v8;
	v8 =	vadd.s32 s21, v44  }
0x1a5: {  	v14 =	vmulhi.u32 $0x88888889, v8  }
0x1a6: {  	v7 =	vld.idx.msk [tilespmem:v7+s18+$0x0], $0xffff  }
0x1a7: {  	v9 =	vshrl.u32 v14, $0x7  }
0x1a8: {  	v12 =	vadd.s32 v45, v55;
	v9 =	vmul.u32 $0xF0, v9;
	_ =	sdelay $0x1  }
0x1a9: {  	v8 =	vsub.s32 v8, v9  }
0x1aa: {  	v13 =	vadd.s32 $0x1E000, v7;
	vm12 =	vlt.s32 v7, $0x0;
	v8 =	vadd.s32 $0x20710, v8  }
0x1ab: {  	v7 =	vsel vm12, v8, v13  }
0x1ac: {  	[tilespmem:v12+s14+$0x0] =	vst.idx.msk $0xffff, v7;
	v7 =	vadd.s32 s21, v46  }
0x1ad: {  	v8 =	vmulhi.u32 $0x88888889, v7  }
0x1ae: {  	v6 =	vld.idx.msk [tilespmem:v6+s18+$0x0], $0xffff  }
0x1af: {  	v8 =	vshrl.u32 v8, $0x7  }
0x1b0: {  	v14 =	vadd.s32 v47, v55;
	v8 =	vmul.u32 $0xF0, v8;
	_ =	sdelay $0x1  }
0x1b1: {  	v7 =	vsub.s32 v7, v8  }
0x1b2: {  	v8 =	vadd.s32 $0x20800, v6;
	vm13 =	vlt.s32 v6, $0x0;
	v7 =	vadd.s32 $0x22F10, v7  }
0x1b3: {  	v6 =	vsel vm13, v7, v8  }
0x1b4: {  	[tilespmem:v14+s14+$0x0] =	vst.idx.msk $0xffff, v6;
	v6 =	vadd.s32 s21, v48  }
0x1b5: {  	v7 =	vmulhi.u32 $0x88888889, v6  }
0x1b6: {  	v5 =	vld.idx.msk [tilespmem:v5+s18+$0x0], $0xffff  }
0x1b7: {  	v7 =	vshrl.u32 v7, $0x7  }
0x1b8: {  	v8 =	vadd.s32 v49, v55;
	v7 =	vmul.u32 $0xF0, v7;
	_ =	sdelay $0x1  }
0x1b9: {  	v6 =	vsub.s32 v6, v7  }
0x1ba: {  	v7 =	vadd.s32 $0x23000, v5;
	vm14 =	vlt.s32 v5, $0x0;
	v6 =	vadd.s32 $0x25710, v6  }
0x1bb: {  	v5 =	vsel vm14, v6, v7  }
0x1bc: {  	[tilespmem:v8+s14+$0x0] =	vst.idx.msk $0xffff, v5;
	v5 =	vadd.s32 s21, v50  }
0x1bd: {  	v6 =	vmulhi.u32 $0x88888889, v5  }
0x1be: {  	v4 =	vld.idx.msk [tilespmem:v4+s18+$0x0], $0xffff  }
0x1bf: {  	v6 =	vshrl.u32 v6, $0x7  }
0x1c0: {  	v7 =	vadd.s32 v51, v55;
	v6 =	vmul.u32 $0xF0, v6  }
0x1c1: {  	vm15 =	vgt.s32 v2, $0x0  }
0x1c2: {  	v2 =	vnsel vm15, $0x0, v2;
	v5 =	vsub.s32 v5, v6  }
0x1c3: {  	v6 =	vadd.s32 $0x25800, v4;
	vm4 =	vlt.s32 v4, $0x0;
	v5 =	vadd.s32 $0x27F10, v5  }
0x1c4: {  	v4 =	vsel vm4, v5, v6  }
0x1c5: {  	[tilespmem:v7+s14+$0x0] =	vst.idx.msk $0xffff, v4;
	v4 =	vadd.s32 s21, v52  }
0x1c6: {  	v5 =	vmulhi.u32 $0x88888889, v4  }
0x1c7: {  	v2 =	vld.idx.msk [tilespmem:v2+s18+$0x0], $0xffff  }
0x1c8: {  	v5 =	vshrl.u32 v5, $0x7  }
0x1c9: {  	v6 =	vadd.s32 v53, v55;
	v5 =	vmul.u32 $0xF0, v5;
	_ =	sdelay $0x1  }
0x1ca: {  	v4 =	vsub.s32 v4, v5  }
0x1cb: {  	v5 =	vadd.s32 $0x28000, v2;
	vm5 =	vlt.s32 v2, $0x0;
	v4 =	vadd.s32 $0x2A710, v4  }
0x1cc: {  	v2 =	vsel vm5, v4, v5  }
0x1cd: {  	[tilespmem:v6+s14+$0x0] =	vst.idx.msk $0xffff, v2;
	v2 =	vadd.s32 s21, v54  }
0x1ce: {  	v4 =	vmulhi.u32 $0x88888889, v2  }
0x1cf: {  	v3 =	vld.idx.msk [tilespmem:v3+s18+$0x0], $0xffff  }
0x1d0: {  	v4 =	vshrl.u32 v4, $0x7  }
0x1d1: {  	v5 =	vadd.s32 v0, v55;
	v4 =	vmul.u32 $0xF0, v4;
	_ =	sdelay $0x1  }
0x1d2: {  	v2 =	vsub.s32 v2, v4  }
0x1d3: {  	v4 =	vadd.s32 $0x2A800, v3;
	vm6 =	vlt.s32 v3, $0x0;
	v2 =	vadd.s32 $0x2CF10, v2  }
0x1d4: {  	v2 =	vsel vm6, v2, v4  }
0x1d5: {  	[tilespmem:v5+s14+$0x0] =	vst.idx.msk $0xffff, v2;
	v2 =	vadd.s32 s21, v26  }
0x1d6: {  	v3 =	vmulhi.u32 $0x88888889, v2  }
0x1d7: {  	v1 =	vld.idx.msk [tilespmem:v1+s18+$0x0], $0xffff  }
0x1d8: {  	v3 =	vshrl.u32 v3, $0x7  }
0x1d9: {  	v4 =	vadd.s32 v27, v55;
	v3 =	vmul.u32 $0xF0, v3;
	_ =	sdelay $0x1  }
0x1da: {  	v2 =	vsub.s32 v2, v3  }
0x1db: {  	v3 =	vadd.s32 $0x2D000, v1;
	vm7 =	vlt.s32 v1, $0x0;
	v2 =	vadd.s32 $0x2F710, v2  }
0x1dc: {  	v1 =	vsel vm7, v2, v3  }
0x1dd: {  	[tilespmem:v4+s14+$0x0] =	vst.idx.msk $0xffff, v1;
	v1 =	vadd.s32 s21, v28  }
0x1de: {  	v3 =	vmulhi.u32 $0x88888889, v1  }
0x1df: {  	v2 =	vld.idx.msk [tilespmem:v63+s18+$0x0], $0xffff  }
0x1e0: {  	v3 =	vshrl.u32 v3, $0x7  }
0x1e1: {  	v4 =	vadd.s32 v29, v55;
	v3 =	vmul.u32 $0xF0, v3;
	_ =	sdelay $0x1  }
0x1e2: {  	v1 =	vsub.s32 v1, v3  }
0x1e3: {  	v3 =	vadd.s32 $0x2F800, v2;
	vm8 =	vlt.s32 v2, $0x0;
	v1 =	vadd.s32 $0x31F10, v1  }
0x1e4: {  	v1 =	vsel vm8, v1, v3  }
0x1e5: {  	[tilespmem:v4+s14+$0x0] =	vst.idx.msk $0xffff, v1;
	v1 =	vadd.s32 s21, v30  }
0x1e6: {  	v3 =	vmulhi.u32 $0x88888889, v1  }
0x1e7: {  	v2 =	vld.idx.msk [tilespmem:v25+s18+$0x0], $0xffff  }
0x1e8: {  	v3 =	vshrl.u32 v3, $0x7  }
0x1e9: {  	v4 =	vadd.s32 v31, v55;
	v3 =	vmul.u32 $0xF0, v3;
	_ =	sdelay $0x1  }
0x1ea: {  	v1 =	vsub.s32 v1, v3  }
0x1eb: {  	v3 =	vadd.s32 $0x32000, v2;
	vm9 =	vlt.s32 v2, $0x0;
	v1 =	vadd.s32 $0x34710, v1  }
0x1ec: {  	v1 =	vsel vm9, v1, v3  }
0x1ed: {  	[tilespmem:v4+s14+$0x0] =	vst.idx.msk $0xffff, v1;
	v1 =	vadd.s32 s21, v32  }
0x1ee: {  	v3 =	vmulhi.u32 $0x88888889, v1  }
0x1ef: {  	v2 =	vld.idx.msk [tilespmem:v61+s18+$0x0], $0xffff  }
0x1f0: {  	v3 =	vshrl.u32 v3, $0x7  }
0x1f1: {  	v4 =	vadd.s32 v33, v55;
	v3 =	vmul.u32 $0xF0, v3;
	_ =	sdelay $0x1  }
0x1f2: {  	v1 =	vsub.s32 v1, v3  }
0x1f3: {  	v3 =	vadd.s32 $0x34800, v2;
	vm10 =	vlt.s32 v2, $0x0;
	v1 =	vadd.s32 $0x36F10, v1  }
0x1f4: {  	v1 =	vsel vm10, v1, v3  }
0x1f5: {  	[tilespmem:v4+s14+$0x0] =	vst.idx.msk $0xffff, v1;
	v1 =	vadd.s32 s21, v34  }
0x1f6: {  	v3 =	vmulhi.u32 $0x88888889, v1  }
0x1f7: {  	v2 =	vld.idx.msk [tilespmem:v60+s18+$0x0], $0xffff  }
0x1f8: {  	v3 =	vshrl.u32 v3, $0x7  }
0x1f9: {  	v4 =	vadd.s32 v35, v55;
	v3 =	vmul.u32 $0xF0, v3;
	_ =	sdelay $0x1  }
0x1fa: {  	v1 =	vsub.s32 v1, v3  }
0x1fb: {  	v3 =	vadd.s32 $0x37000, v2;
	vm11 =	vlt.s32 v2, $0x0;
	v1 =	vadd.s32 $0x39710, v1  }
0x1fc: {  	v1 =	vsel vm11, v1, v3  }
0x1fd: {  	[tilespmem:v4+s14+$0x0] =	vst.idx.msk $0xffff, v1;
	v1 =	vadd.s32 s21, v36  }
0x1fe: {  	v3 =	vmulhi.u32 $0x88888889, v1  }
0x1ff: {  	v2 =	vld.idx.msk [tilespmem:v59+s18+$0x0], $0xffff  }
0x200: {  	v3 =	vshrl.u32 v3, $0x7  }
0x201: {  	v4 =	vadd.s32 v37, v55;
	v3 =	vmul.u32 $0xF0, v3;
	_ =	sdelay $0x1  }
0x202: {  	v1 =	vsub.s32 v1, v3  }
0x203: {  	v3 =	vadd.s32 $0x39800, v2;
	vm12 =	vlt.s32 v2, $0x0;
	v1 =	vadd.s32 $0x3BF10, v1  }
0x204: {  	v1 =	vsel vm12, v1, v3  }
0x205: {  	[tilespmem:v4+s14+$0x0] =	vst.idx.msk $0xffff, v1;
	v1 =	vadd.s32 s21, v38  }
0x206: {  	v3 =	vmulhi.u32 $0x88888889, v1  }
0x207: {  	v2 =	vld.idx.msk [tilespmem:v58+s18+$0x0], $0xffff  }
0x208: {  	v3 =	vshrl.u32 v3, $0x7  }
0x209: {  	v4 =	vadd.s32 v39, v55;
	v3 =	vmul.u32 $0xF0, v3;
	_ =	sdelay $0x1  }
0x20a: {  	v1 =	vsub.s32 v1, v3  }
0x20b: {  	v3 =	vadd.s32 $0x3C000, v2;
	vm13 =	vlt.s32 v2, $0x0;
	v1 =	vadd.s32 $0x3E710, v1  }
0x20c: {  	v1 =	vsel vm13, v1, v3  }
0x20d: {  	[tilespmem:v4+s14+$0x0] =	vst.idx.msk $0xffff, v1;
	v1 =	vadd.s32 s21, v40  }
0x20e: {  	v3 =	vmulhi.u32 $0x88888889, v1  }
0x20f: {  	v2 =	vld.idx.msk [tilespmem:v57+s18+$0x0], $0xffff  }
0x210: {  	v3 =	vshrl.u32 v3, $0x7  }
0x211: {  	v4 =	vadd.s32 v41, v55;
	v3 =	vmul.u32 $0xF0, v3;
	_ =	sdelay $0x1  }
0x212: {  	v1 =	vsub.s32 v1, v3  }
0x213: {  	v3 =	vadd.s32 $0x3E800, v2;
	vm14 =	vlt.s32 v2, $0x0;
	v1 =	vadd.s32 $0x40F10, v1  }
0x214: {  	v1 =	vsel vm14, v1, v3  }
0x215: {  	[tilespmem:v4+s14+$0x0] =	vst.idx.msk $0xffff, v1;
	v1 =	vadd.s32 s21, v42  }
0x216: {  	v2 =	vmulhi.u32 $0x88888889, v1  }
0x217: {  	v3 =	vld.idx.msk [tilespmem:v56+s18+$0x0], $0xffff  }
0x218: {  	p0 =	sne.s32 s19, $0x130;
	v2 =	vshrl.u32 v2, $0x7  }
.Ltmp2:
0x219: {  	v4 =	vmul.u32 $0xF0, v2;
	(pc) =	sbr.rel @p0 .LBB2_6-.Ltmp2, $4  }
0x21a: {  	_ = 	snop  }
0x21b: {  	v16 =	vlaneseq.u32;
	v1 =	vsub.s32 v1, v4  }
0x21c: {  	v17 =	vmovc v43;
	v4 =	vadd.s32 $0x41000, v3;
	vm15 =	vlt.s32 v3, $0x0;
	v1 =	vadd.s32 $0x43710, v1  }
0x21d: {  	s19 =	sadd.s32 $0x10, s19;
	v60 =	vmovc v23;
	v59 =	vmovc v21;
	v21 =	vmov v22;
	v2 =	vadd.s32 v43, v55;
	v6 =	vsel vm15, v1, v4  }
0x21e: {  	v1 =	vor.u32 s18, v16  }
0x21f: {  	v4 =	vshll.u32 v1, $0x2  }
0x220: {  	v3 =	vmulhi.u32 $0x88888889, v4;
	v5 =	vadd.s32 $0x3D, v4  }
0x221: {  	s1 =	simm.s32 $0x10;
	v10 =	vmul.u32 $0x70, v1;
	v8 =	vadd.s32 $0x7A, v4;
	v7 =	vmulhi.u32 $0x88888889, v5  }
0x222: {  	v56 =	vor.u32 s1, v16;
	v9 =	vmulhi.u32 $0x88888889, v8;
	v1 =	vshrl.u32 v3, $0x7  }
0x223: {  	v63 =	vld [tilespmem:$0x1FFF0];
	v11 =	vadd.s32 $0x6C, v10;
	v3 =	vshrl.u32 v7, $0x7;
	v1 =	vmul.u32 $0xF0, v1  }
0x224: {  	v61 =	vld [tilespmem:$0x1FFE0];
	v9 =	vshrl.u32 v9, $0x7;
	v7 =	vmul.u32 $0xF0, v3;
	v3 =	vadd.s32 $0xB7, v4  }
0x225: {  	v58 =	vld [tilespmem:$0x1FFD0];
	v9 =	vmul.u32 $0xF0, v9;
	v4 =	vsub.s32 v4, v1;
	v12 =	vmulhi.u32 $0x88888889, v3  }
0x226: {  	v57 =	vld [tilespmem:$0x1FFC0];
	[tilespmem:v2+s14+$0x0] =	vst.idx.msk $0xffff, v6;
	v2 =	vmul.u32 $0x70, v56;
	v5 =	vsub.s32 v5, v7;
	v7 =	vadd.s32 $0x2710, v4  }
0x227: {  	v25 =	vld [tilespmem:$0x1FFB0];
	v8 =	vsub.s32 v8, v9;
	v4 =	vadd.s32 $0x6D, v10;
	v9 =	vshrl.u32 v12, $0x7  }
0x228: {  	v23 =	vld [tilespmem:$0x1FFA0];
	v1 =	vadd.s32 $0x6E, v10;
	v5 =	vadd.s32 $0x4F10, v5;
	v9 =	vmul.u32 $0xF0, v9  }
0x229: {  	v22 =	vld [tilespmem:$0x1FF90];
	s1 =	simm.s32 $0x20;
	v6 =	vadd.s32 $0x7710, v8;
	v8 =	vshll.u32 v56, $0x2;
	[tilespmem:v11+s14+$0x0] =	vst.idx.msk $0xffff, v7;
	v7 =	vadd.s32 $0x6F, v10  }
.LBB2_8:
0x22a: {  	p0 =	sne.s32 s1, $0x40;
	v10 =	vmulhi.u32 $0x88888889, v8;
	v11 =	vadd.s32 $0x3D, v8;
	v9 =	vsub.s32 v3, v9;
	s10 =	smov.u32 s1;
	s1 =	sadd.s32 $0x10, s1  }
0x22b: {  	v13 =	vadd.s32 $0x7A, v8;
	v3 =	vadd.s32 $0xB7, v8;
	v12 =	vmulhi.u32 $0x88888889, v11  }
0x22c: {  	v14 =	vadd.s32 $0x6E, v2;
	v15 =	vmulhi.u32 $0x88888889, v13;
	v10 =	vshrl.u32 v10, $0x7;
	[tilespmem:v4+s14+$0x0] =	vst.idx.msk $0xffff, v5  }
0x22d: {  	v4 =	vmul.u32 $0xF0, v10;
	v5 =	vshrl.u32 v12, $0x7;
	[tilespmem:v1+s14+$0x0] =	vst.idx.msk $0xffff, v6;
	v6 =	vadd.s32 $0x9F10, v9;
	v1 =	vmovc v14  }
0x22e: {  	v10 =	vadd.s32 $0x6C, v2;
	v9 =	vshrl.u32 v15, $0x7;
	v5 =	vmul.u32 $0xF0, v5;
	[tilespmem:v7+s14+$0x0] =	vst.idx.msk $0xffff, v6  }
.Ltmp3:
0x22f: {  	v6 =	vmul.u32 $0xF0, v9;
	v7 =	vmulhi.u32 $0x88888889, v3;
	v4 =	vsub.s32 v8, v4;
	(pc) =	sbr.rel @p0 .LBB2_8-.Ltmp3, $4  }
0x230: {  	v12 =	vadd.s32 $0x2710, v4;
	v4 =	vadd.s32 $0x6D, v2;
	v5 =	vsub.s32 v11, v5  }
0x231: {  	v6 =	vsub.s32 v13, v6;
	v7 =	vshrl.u32 v7, $0x7;
	v5 =	vadd.s32 $0x4F10, v5  }
0x232: {  	v11 =	vor.u32 s10, v16;
	v6 =	vadd.s32 $0x7710, v6;
	v9 =	vmul.u32 $0xF0, v7  }
0x233: {  	v8 =	vshll.u32 v11, $0x2;
	v7 =	vadd.s32 $0x6F, v2;
	v2 =	vmul.u32 $0x70, v11;
	[tilespmem:v10+s14+$0x0] =	vst.idx.msk $0xffff, v12  }
0x234: {  	v10 =	vmulhi.u32 $0x88888889, v8;
	v11 =	vadd.s32 $0x3D, v8;
	v3 =	vsub.s32 v3, v9  }
0x235: {  	v12 =	vadd.s32 $0x7A, v8;
	v13 =	vadd.s32 $0xB7, v8;
	v46 =	vmulhi.u32 $0x88888889, v11  }
0x236: {  	v14 =	vadd.s32 $0x6E, v2;
	v15 =	vmulhi.u32 $0x88888889, v12;
	v16 =	vadd.s32 $0x6C, v2  }
0x237: {  	v48 =	vmulhi.u32 $0x88888889, v13;
	v17 =	vadd.s32 $0x6D, v2;
	v10 =	vshrl.u32 v10, $0x7  }
0x238: {  	v3 =	vadd.s32 $0x9F10, v3;
	v10 =	vmul.u32 $0xF0, v10;
	v9 =	vshrl.u32 v46, $0x7  }
0x239: {  	[tilespmem:v4+s14+$0x0] =	vst.idx.msk $0xffff, v5;
	v53 =	vadd.s32 $0x6F, v2;
	v50 =	vshrl.u32 v15, $0x7;
	v49 =	vmul.u32 $0xF0, v9  }
0x23a: {  	[tilespmem:v1+s14+$0x0] =	vst.idx.msk $0xffff, v6;
	v52 =	vshrl.u32 v48, $0x7;
	v51 =	vmul.u32 $0xF0, v50;
	v47 =	vsub.s32 v8, v10  }
0x23b: {  	[tilespmem:v7+s14+$0x0] =	vst.idx.msk $0xffff, v3;
	v5 =	vmul.u32 $0xF0, v52;
	v54 =	vadd.s32 $0x2710, v47;
	v4 =	vsub.s32 v11, v49  }
0x23c: {  	v1 =	vsub.s32 v12, v51;
	v4 =	vadd.s32 $0x4F10, v4;
	[tilespmem:v16+s14+$0x0] =	vst.idx.msk $0xffff, v54  }
0x23d: {  	v55 =	vsub.s32 v13, v5;
	v1 =	vadd.s32 $0x7710, v1;
	[tilespmem:v17+s14+$0x0] =	vst.idx.msk $0xffff, v4  }
0x23e: {  	v56 =	vadd.s32 $0x9F10, v55;
	[tilespmem:v14+s14+$0x0] =	vst.idx.msk $0xffff, v1  }
0x23f: {  	s1 =	simm.s32 $0xE500;
	[tilespmem:v53+s14+$0x0] =	vst.idx.msk $0xffff, v56  }
0x240: {  	[tilespmem:s1], [sflag:$0x1] =	stream.indirect.gather [hbm4b:s4+s15], $0x80, s14, s15, $0xb8;
	[tilespmem:$0x1D500] =	vst v63  }
0x241: {  	s13 =	simm.s32 $0xC270;
	s10 =	simm.s32 $0x11D00  }
0x242: {  	[tilespmem:s10], [sflag:$0x2] =	stream.indirect.gather [hbm4b:s4+s15], $0x80, s13, s15, $0xb8;
	[tilespmem:$0x1D500] =	vst v63  }
0x243: {  	s18 =	simm.s32 $0xC2E0;
	s19 =	simm.s32 $0x15500  }
0x244: {  	[tilespmem:s19], [sflag:$0x3] =	stream.indirect.gather [hbm4b:s4+s15], $0x80, s18, s15, $0xb8;
	[tilespmem:$0x1D500] =	vst v63  }
0x245: {  	s21 =	simm.s32 $0xC350;
	s22 =	simm.s32 $0x18D00;
	s18 =	simm.s32 $0x0  }
0x246: {  	[tilespmem:s22], [sflag:$0x4] =	stream.indirect.gather [hbm4b:s4+s15], $0x80, s21, s15, $0xb8;
	[tilespmem:$0x1D500] =	vst v63  }
.LBB2_10:
0x247: {  	_ =	swait.ge [sflag:s23], $0x3800  }
0x248: {  	p0 =	seq.s32 s18, $0x0;
	[sflag:s23] =	ssyncset.done $0x0  }
0x249: {  	s1 =	simm.s32 @!p0 $0x5;
	[sflag:s23] =	ssyncadd.s32 $0xFFFFC800  }
0x24a: {  	_ =	swait.ge @!p0 [sflag:s1], $0x400  }
0x24b: {  	s19 =	sshll.u32 s18, $0x4;
	s11 =	simm.s32 $0x11900;
	[sflag:s1] =	ssyncset.done @!p0 $0x0  }
0x24c: {  	s21 =	simm.s32 $0x1C700;
	s22 =	simm.s32 $0x0;
	[sflag:s1] =	ssyncadd.s32 @!p0 $0xFFFFFC00  }
.LBB2_11:
0x24d: {  	v2 =	vmov s11;
	_ =	sdelay $0x3  }
0x24e: {  	s10 =	simm.s32 $0x0  }
0x24f: {  	v3 =	vld.idx.msk [tilespmem:v2+s10+$0xFFFFFA00 ss:$0x1], $0xffff  }
0x250: {  	v9 =	vld.idx.msk [tilespmem:v2+s10+$0xFFFFEA00 ss:$0x1], $0xffff  }
0x251: {  	v5 =	vld.idx.msk [tilespmem:v2+s10+$0xFFFFF200 ss:$0x1], $0xffff  }
0x252: {  	v7 =	vld.idx.msk [tilespmem:v2+s10+$0xFFFFE600 ss:$0x1], $0xffff  }
0x253: {  	v13 =	vld.idx.msk [tilespmem:v2+s10+$0xFFFFE800 ss:$0x1], $0xffff  }
0x254: {  	v10 =	vld.idx.msk [tilespmem:v2+s10+$0xFFFFE200 ss:$0x1], $0xffff  }
0x255: {  	v4 =	vld.idx.msk [tilespmem:v2+s10+$0xFFFFCE00 ss:$0x1], $0xffff  }
0x256: {  	v8 =	vld.idx.msk [tilespmem:v2+s10+$0xFFFFDA00 ss:$0x1], $0xffff  }
0x257: {  	v6 =	vld.idx.msk [tilespmem:v2+s10+$0xFFFFF600 ss:$0x1], $0xffff  }
0x258: {  	v11 =	vld.idx.msk [tilespmem:v2+s10+$0xFFFFE400 ss:$0x1], $0xffff  }
0x259: {  	v1 =	vmov s21;
	s13 =	simm.s32 $0x200;
	v12 =	vld.idx.msk [tilespmem:v2+s10+$0xFFFFDE00 ss:$0x1], $0xffff;
	v9 =	vadd.bf16 v9, v13  }
.LBB2_12:
0x25a: {  	p1 =	sne.s32 s13, $0x600;
	v13 =	vld.idx.msk [tilespmem:v2+s10+$0xFFFFD600 ss:$0x1], $0xffff;
	s1 =	smov.u32 s13;
	s13 =	sadd.s32 $0x200, s13  }
0x25b: {  	v14 =	vld.idx.msk [tilespmem:v2+s10+$0xFFFFD200 ss:$0x1], $0xffff  }
0x25c: {  	v15 =	vld.idx.msk [tilespmem:v2+s10+$0xFFFFE000 ss:$0x1], $0xffff  }
0x25d: {  	v16 =	vld.idx.msk [tilespmem:v2+s10+$0xFFFFDC00 ss:$0x1], $0xffff  }
0x25e: {  	v17 =	vld.idx.msk [tilespmem:v2+s10+$0xFFFFEE00 ss:$0x1], $0xffff  }
0x25f: {  	v18 =	vld.idx.msk [tilespmem:v2+s10+$0xFFFFD000 ss:$0x1], $0xffff  }
0x260: {  	v19 =	vld.idx.msk [tilespmem:v2+s10+$0xFFFFD800 ss:$0x1], $0xffff  }
0x261: {  	v20 =	vld.idx.msk [tilespmem:v2+s10+$0xFFFFEC00 ss:$0x1], $0xffff  }
0x262: {  	v10 =	vadd.bf16 v10, v15;
	v55 =	vld.idx.msk [tilespmem:v2+s10+$0xFFFFF800 ss:$0x1], $0xffff  }
0x263: {  	v12 =	vadd.bf16 v12, v16;
	v15 =	vld.idx.msk [tilespmem:v2+s10+$0xFFFFF000 ss:$0x1], $0xffff  }
0x264: {  	v16 =	vld.idx.msk [tilespmem:v2+s10+$0xFFFFF400 ss:$0x1], $0xffff  }
0x265: {  	v7 =	vadd.bf16 v7, v11;
	v56 =	vld.idx.msk [tilespmem:v2+s10+$0xFFFFD400 ss:$0x1], $0xffff  }
0x266: {  	v10 =	vadd.bf16 v10, v12;
	v8 =	vadd.bf16 v8, v19;
	v11 =	vld.idx.msk [tilespmem:v2+s10+$0xFFFFCC00 ss:$0x1], $0xffff  }
0x267: {  	v7 =	vadd.bf16 v9, v7;
	v12 =	vld.idx.msk [tilespmem:v2+s10+$0xFFFFFC00 ss:$0x1], $0xffff  }
0x268: {  	v14 =	vadd.bf16 v14, v18;
	v9 =	vld.idx.msk [tilespmem:v2+s10+$0xFFFFFE00 ss:$0x1], $0xffff  }
0x269: {  	v7 =	vadd.bf16 v7, v10;
	v5 =	vadd.bf16 v5, v15  }
0x26a: {  	v3 =	vadd.bf16 v3, v55;
	v15 =	vadd.bf16 v17, v20;
	v10 =	vld.idx.msk [tilespmem:v2+s10+$0x0 ss:$0x1], $0xffff  }
0x26b: {  	v6 =	vadd.bf16 v6, v16;
	v13 =	vadd.bf16 v13, v56  }
0x26c: {  	v5 =	vadd.bf16 v5, v15;
	v4 =	vadd.bf16 v4, v11  }
0x26d: {  	v3 =	vadd.bf16 v3, v6;
	v8 =	vadd.bf16 v8, v13  }
0x26e: {  	v6 =	vadd.bf16 v9, v12;
	v4 =	vadd.bf16 v14, v4  }
0x26f: {  	v3 =	vadd.bf16 v3, v5  }
0x270: {  	v5 =	vadd.bf16 v10, v6;
	v4 =	vadd.bf16 v8, v4  }
0x271: {  	s1 =	sshra.s32 s1, $0x2  }
0x272: {  	v4 =	vadd.bf16 v7, v4;
	v3 =	vadd.bf16 v5, v3;
	_ =	sdelay $0x1  }
0x273: {  	v3 =	vadd.bf16 v3, v4;
	_ =	sdelay $0x1  }
0x274: {  	v4 =	vunpack.i.l.bf16.f32 v3  }
0x275: {  	v3 =	vunpack.i.u.bf16.f32 v3;
	[tilespmem:v1+s10+$0xFFFFFE00 ss:$0x1] =	vst.idx.msk $0xffff, v4  }
0x276: {  	[tilespmem:v1+s10+$0x0 ss:$0x1] =	vst.idx.msk $0xffff, v3;
	s10 =	smov.u32 s1  }
0x277: {  	v3 =	vld.idx.msk [tilespmem:v2+s10+$0xFFFFFA00 ss:$0x1], $0xffff  }
0x278: {  	v9 =	vld.idx.msk [tilespmem:v2+s10+$0xFFFFEA00 ss:$0x1], $0xffff  }
0x279: {  	v5 =	vld.idx.msk [tilespmem:v2+s10+$0xFFFFF200 ss:$0x1], $0xffff  }
0x27a: {  	v7 =	vld.idx.msk [tilespmem:v2+s10+$0xFFFFE600 ss:$0x1], $0xffff  }
0x27b: {  	v13 =	vld.idx.msk [tilespmem:v2+s10+$0xFFFFE800 ss:$0x1], $0xffff  }
0x27c: {  	v10 =	vld.idx.msk [tilespmem:v2+s10+$0xFFFFE200 ss:$0x1], $0xffff  }
.Ltmp4:
0x27d: {  	v4 =	vld.idx.msk [tilespmem:v2+s10+$0xFFFFCE00 ss:$0x1], $0xffff;
	(pc) =	sbr.rel @p1 .LBB2_12-.Ltmp4, $4  }
0x27e: {  	v8 =	vld.idx.msk [tilespmem:v2+s10+$0xFFFFDA00 ss:$0x1], $0xffff  }
0x27f: {  	v6 =	vld.idx.msk [tilespmem:v2+s10+$0xFFFFF600 ss:$0x1], $0xffff  }
0x280: {  	v11 =	vld.idx.msk [tilespmem:v2+s10+$0xFFFFE400 ss:$0x1], $0xffff  }
0x281: {  	v9 =	vadd.bf16 v9, v13;
	v12 =	vld.idx.msk [tilespmem:v2+s10+$0xFFFFDE00 ss:$0x1], $0xffff  }
0x282: {  	_ =	sdelay $0x3  }
0x283: {  	v13 =	vld.idx.msk [tilespmem:v2+s10+$0xFFFFD600 ss:$0x1], $0xffff  }
0x284: {  	v14 =	vld.idx.msk [tilespmem:v2+s10+$0xFFFFD200 ss:$0x1], $0xffff  }
0x285: {  	v15 =	vld.idx.msk [tilespmem:v2+s10+$0xFFFFE000 ss:$0x1], $0xffff  }
0x286: {  	v16 =	vld.idx.msk [tilespmem:v2+s10+$0xFFFFDC00 ss:$0x1], $0xffff  }
0x287: {  	v17 =	vld.idx.msk [tilespmem:v2+s10+$0xFFFFEE00 ss:$0x1], $0xffff  }
0x288: {  	v18 =	vld.idx.msk [tilespmem:v2+s10+$0xFFFFD000 ss:$0x1], $0xffff  }
0x289: {  	v19 =	vld.idx.msk [tilespmem:v2+s10+$0xFFFFD800 ss:$0x1], $0xffff  }
0x28a: {  	v20 =	vld.idx.msk [tilespmem:v2+s10+$0xFFFFEC00 ss:$0x1], $0xffff  }
0x28b: {  	v55 =	vld.idx.msk [tilespmem:v2+s10+$0xFFFFF800 ss:$0x1], $0xffff  }
0x28c: {  	v56 =	vld.idx.msk [tilespmem:v2+s10+$0xFFFFF000 ss:$0x1], $0xffff  }
0x28d: {  	v49 =	vld.idx.msk [tilespmem:v2+s10+$0xFFFFF400 ss:$0x1], $0xffff  }
0x28e: {  	v50 =	vld.idx.msk [tilespmem:v2+s10+$0xFFFFD400 ss:$0x1], $0xffff  }
0x28f: {  	v51 =	vld.idx.msk [tilespmem:v2+s10+$0xFFFFCC00 ss:$0x1], $0xffff  }
0x290: {  	v52 =	vld.idx.msk [tilespmem:v2+s10+$0xFFFFFC00 ss:$0x1], $0xffff;
	v7 =	vadd.bf16 v7, v11;
	v10 =	vadd.bf16 v10, v15  }
0x291: {  	v53 =	vld.idx.msk [tilespmem:v2+s10+$0xFFFFFE00 ss:$0x1], $0xffff;
	v12 =	vadd.bf16 v12, v16;
	v8 =	vadd.bf16 v8, v19  }
0x292: {  	v7 =	vadd.bf16 v9, v7;
	v14 =	vadd.bf16 v14, v18  }
0x293: {  	v5 =	vadd.bf16 v5, v56;
	v17 =	vadd.bf16 v17, v20  }
0x294: {  	v54 =	vld.idx.msk [tilespmem:v2+s10+$0x0 ss:$0x1], $0xffff;
	v3 =	vadd.bf16 v3, v55;
	v13 =	vadd.bf16 v13, v50  }
0x295: {  	v6 =	vadd.bf16 v6, v49;
	v4 =	vadd.bf16 v4, v51  }
0x296: {  	v55 =	vadd.bf16 v53, v52;
	v10 =	vadd.bf16 v10, v12  }
0x297: {  	v5 =	vadd.bf16 v5, v17;
	v8 =	vadd.bf16 v8, v13  }
0x298: {  	v3 =	vadd.bf16 v3, v6;
	v4 =	vadd.bf16 v14, v4  }
0x299: {  	v2 =	vadd.bf16 v54, v55;
	v7 =	vadd.bf16 v7, v10  }
0x29a: {  	v3 =	vadd.bf16 v3, v5;
	v4 =	vadd.bf16 v8, v4;
	_ =	sdelay $0x1  }
0x29b: {  	s22 =	sadd.s32 $0x1, s22;
	v4 =	vadd.bf16 v7, v4;
	v2 =	vadd.bf16 v2, v3  }
0x29c: {  	p1 =	sne.s32 s22, $0x8  }
.Ltmp5:
0x29d: {  	v2 =	vadd.bf16 v2, v4;
	(pc) =	sbr.rel @p1 .LBB2_11-.Ltmp5, $4  }
0x29e: {  	_ = 	snop  }
0x29f: {  	v56 =	vunpack.i.l.bf16.f32 v2  }
0x2a0: {  	v2 =	vunpack.i.u.bf16.f32 v2;
	[tilespmem:v1+s10+$0xFFFFFE00 ss:$0x1] =	vst.idx.msk $0xffff, v56  }
0x2a1: {  	s11 =	sadd.s32 $0x10, s11;
	s21 =	sadd.s32 $0x10, s21;
	[tilespmem:v1+s10+$0x0 ss:$0x1] =	vst.idx.msk $0xffff, v2  }
0x2a2: {  	p1 =	seq.s32 s18, $0x13  }
0x2a3: {  	s1 =	smul.u32 @!p1 $0x700, s18;
	_ =	sdelay $0x1  }
0x2a4: {  	s22 =	sshll.u32 s18, $0xC;
	s11 =	sshra.s32 @!p1 s1, $0x2  }
0x2a5: {  	s10 =	simm.s32 @!p1 $0x70;
	s13 =	simm.s32 @!p1 $0xE500;
	s1 =	sadd.s32 @!p1 $0xC3C0, s11  }
0x2a6: {  	[tilespmem:s13], [sflag:$0x1] =	stream.indirect.gather @!p1 [hbm4b:s4+s10], $0x80, s1, s10, $0xb8;
	[tilespmem:$0x1D500] =	vst v63  }
0x2a7: {  	s1 =	sadd.s32 s7, s22  }
0x2a8: {  	s1 =	sshrl.u32 s1, $0x3  }
0x2a9: {  	s1 =	sadd.s32 s5, s1  }
0x2aa: {  	[hbm4b:s1+s24] =	stream.strided.scatter [tilespmem:s26], [sflag:$0x5], $0x400, s25, s24, $0x38;
	[tilespmem:$0x1D500] =	vst v63  }
0x2ab: {  	_ =	swait.ge [sflag:s28], $0x3800  }
0x2ac: {  	[sflag:s28] =	ssyncset.done $0x0  }
0x2ad: {  	s1 =	simm.s32 @!p0 $0x6;
	[sflag:s28] =	ssyncadd.s32 $0xFFFFC800  }
0x2ae: {  	_ =	swait.ge @!p0 [sflag:s1], $0x400  }
0x2af: {  	s21 =	simm.s32 $0x0;
	[sflag:s1] =	ssyncset.done @!p0 $0x0  }
0x2b0: {  	s22 =	simm.s32 $0xE500;
	s10 =	simm.s32 $0x1CB00;
	[sflag:s1] =	ssyncadd.s32 @!p0 $0xFFFFFC00  }
.LBB2_15:
0x2b1: {  	v2 =	vmov s22;
	_ =	sdelay $0x3  }
0x2b2: {  	s13 =	simm.s32 $0x0  }
0x2b3: {  	v3 =	vld.idx.msk [tilespmem:v2+s13+$0x6600 ss:$0x1], $0xffff  }
0x2b4: {  	v9 =	vld.idx.msk [tilespmem:v2+s13+$0x5600 ss:$0x1], $0xffff  }
0x2b5: {  	v5 =	vld.idx.msk [tilespmem:v2+s13+$0x5E00 ss:$0x1], $0xffff  }
0x2b6: {  	v7 =	vld.idx.msk [tilespmem:v2+s13+$0x5200 ss:$0x1], $0xffff  }
0x2b7: {  	v13 =	vld.idx.msk [tilespmem:v2+s13+$0x5400 ss:$0x1], $0xffff  }
0x2b8: {  	v10 =	vld.idx.msk [tilespmem:v2+s13+$0x4E00 ss:$0x1], $0xffff  }
0x2b9: {  	v4 =	vld.idx.msk [tilespmem:v2+s13+$0x3A00 ss:$0x1], $0xffff  }
0x2ba: {  	v8 =	vld.idx.msk [tilespmem:v2+s13+$0x4600 ss:$0x1], $0xffff  }
0x2bb: {  	v6 =	vld.idx.msk [tilespmem:v2+s13+$0x6200 ss:$0x1], $0xffff  }
0x2bc: {  	v11 =	vld.idx.msk [tilespmem:v2+s13+$0x5000 ss:$0x1], $0xffff  }
0x2bd: {  	v1 =	vmov s10;
	s1 =	simm.s32 $0x200;
	v12 =	vld.idx.msk [tilespmem:v2+s13+$0x4A00 ss:$0x1], $0xffff;
	v9 =	vadd.bf16 v9, v13  }
.LBB2_16:
0x2be: {  	p2 =	sne.s32 s1, $0x600;
	v13 =	vld.idx.msk [tilespmem:v2+s13+$0x4200 ss:$0x1], $0xffff;
	s12 =	smov.u32 s1;
	s1 =	sadd.s32 $0x200, s1  }
0x2bf: {  	v14 =	vld.idx.msk [tilespmem:v2+s13+$0x3E00 ss:$0x1], $0xffff  }
0x2c0: {  	v15 =	vld.idx.msk [tilespmem:v2+s13+$0x4C00 ss:$0x1], $0xffff  }
0x2c1: {  	v16 =	vld.idx.msk [tilespmem:v2+s13+$0x4800 ss:$0x1], $0xffff  }
0x2c2: {  	v17 =	vld.idx.msk [tilespmem:v2+s13+$0x5A00 ss:$0x1], $0xffff  }
0x2c3: {  	v18 =	vld.idx.msk [tilespmem:v2+s13+$0x3C00 ss:$0x1], $0xffff  }
0x2c4: {  	v19 =	vld.idx.msk [tilespmem:v2+s13+$0x4400 ss:$0x1], $0xffff  }
0x2c5: {  	v20 =	vld.idx.msk [tilespmem:v2+s13+$0x5800 ss:$0x1], $0xffff  }
0x2c6: {  	v10 =	vadd.bf16 v10, v15;
	v55 =	vld.idx.msk [tilespmem:v2+s13+$0x6400 ss:$0x1], $0xffff  }
0x2c7: {  	v12 =	vadd.bf16 v12, v16;
	v15 =	vld.idx.msk [tilespmem:v2+s13+$0x5C00 ss:$0x1], $0xffff  }
0x2c8: {  	v16 =	vld.idx.msk [tilespmem:v2+s13+$0x6000 ss:$0x1], $0xffff  }
0x2c9: {  	v7 =	vadd.bf16 v7, v11;
	v56 =	vld.idx.msk [tilespmem:v2+s13+$0x4000 ss:$0x1], $0xffff  }
0x2ca: {  	v10 =	vadd.bf16 v10, v12;
	v8 =	vadd.bf16 v8, v19;
	v11 =	vld.idx.msk [tilespmem:v2+s13+$0x3800 ss:$0x1], $0xffff  }
0x2cb: {  	v7 =	vadd.bf16 v9, v7;
	v12 =	vld.idx.msk [tilespmem:v2+s13+$0x6800 ss:$0x1], $0xffff  }
0x2cc: {  	v14 =	vadd.bf16 v14, v18;
	v9 =	vld.idx.msk [tilespmem:v2+s13+$0x6A00 ss:$0x1], $0xffff  }
0x2cd: {  	v7 =	vadd.bf16 v7, v10;
	v5 =	vadd.bf16 v5, v15  }
0x2ce: {  	v3 =	vadd.bf16 v3, v55;
	v15 =	vadd.bf16 v17, v20;
	v10 =	vld.idx.msk [tilespmem:v2+s13+$0x6C00 ss:$0x1], $0xffff  }
0x2cf: {  	v6 =	vadd.bf16 v6, v16;
	v13 =	vadd.bf16 v13, v56  }
0x2d0: {  	v5 =	vadd.bf16 v5, v15;
	v4 =	vadd.bf16 v4, v11  }
0x2d1: {  	v3 =	vadd.bf16 v3, v6;
	v8 =	vadd.bf16 v8, v13  }
0x2d2: {  	v6 =	vadd.bf16 v9, v12;
	v4 =	vadd.bf16 v14, v4  }
0x2d3: {  	v3 =	vadd.bf16 v3, v5  }
0x2d4: {  	v5 =	vadd.bf16 v10, v6;
	v4 =	vadd.bf16 v8, v4  }
0x2d5: {  	s12 =	sshra.s32 s12, $0x2  }
0x2d6: {  	v4 =	vadd.bf16 v7, v4;
	v3 =	vadd.bf16 v5, v3;
	_ =	sdelay $0x1  }
0x2d7: {  	v3 =	vadd.bf16 v3, v4;
	_ =	sdelay $0x1  }
0x2d8: {  	v4 =	vunpack.i.l.bf16.f32 v3  }
0x2d9: {  	v3 =	vunpack.i.u.bf16.f32 v3;
	[tilespmem:v1+s13+$0xFFFFFE00 ss:$0x1] =	vst.idx.msk $0xffff, v4  }
0x2da: {  	[tilespmem:v1+s13+$0x0 ss:$0x1] =	vst.idx.msk $0xffff, v3;
	s13 =	smov.u32 s12  }
0x2db: {  	v3 =	vld.idx.msk [tilespmem:v2+s13+$0x6600 ss:$0x1], $0xffff  }
0x2dc: {  	v9 =	vld.idx.msk [tilespmem:v2+s13+$0x5600 ss:$0x1], $0xffff  }
0x2dd: {  	v5 =	vld.idx.msk [tilespmem:v2+s13+$0x5E00 ss:$0x1], $0xffff  }
0x2de: {  	v7 =	vld.idx.msk [tilespmem:v2+s13+$0x5200 ss:$0x1], $0xffff  }
0x2df: {  	v13 =	vld.idx.msk [tilespmem:v2+s13+$0x5400 ss:$0x1], $0xffff  }
0x2e0: {  	v10 =	vld.idx.msk [tilespmem:v2+s13+$0x4E00 ss:$0x1], $0xffff  }
.Ltmp6:
0x2e1: {  	v4 =	vld.idx.msk [tilespmem:v2+s13+$0x3A00 ss:$0x1], $0xffff;
	(pc) =	sbr.rel @p2 .LBB2_16-.Ltmp6, $4  }
0x2e2: {  	v8 =	vld.idx.msk [tilespmem:v2+s13+$0x4600 ss:$0x1], $0xffff  }
0x2e3: {  	v6 =	vld.idx.msk [tilespmem:v2+s13+$0x6200 ss:$0x1], $0xffff  }
0x2e4: {  	v11 =	vld.idx.msk [tilespmem:v2+s13+$0x5000 ss:$0x1], $0xffff  }
0x2e5: {  	v9 =	vadd.bf16 v9, v13;
	v12 =	vld.idx.msk [tilespmem:v2+s13+$0x4A00 ss:$0x1], $0xffff  }
0x2e6: {  	_ =	sdelay $0x3  }
0x2e7: {  	v13 =	vld.idx.msk [tilespmem:v2+s13+$0x4200 ss:$0x1], $0xffff  }
0x2e8: {  	v14 =	vld.idx.msk [tilespmem:v2+s13+$0x3E00 ss:$0x1], $0xffff  }
0x2e9: {  	v15 =	vld.idx.msk [tilespmem:v2+s13+$0x4C00 ss:$0x1], $0xffff  }
0x2ea: {  	v16 =	vld.idx.msk [tilespmem:v2+s13+$0x4800 ss:$0x1], $0xffff  }
0x2eb: {  	v17 =	vld.idx.msk [tilespmem:v2+s13+$0x5A00 ss:$0x1], $0xffff  }
0x2ec: {  	v18 =	vld.idx.msk [tilespmem:v2+s13+$0x3C00 ss:$0x1], $0xffff  }
0x2ed: {  	v19 =	vld.idx.msk [tilespmem:v2+s13+$0x4400 ss:$0x1], $0xffff  }
0x2ee: {  	v20 =	vld.idx.msk [tilespmem:v2+s13+$0x5800 ss:$0x1], $0xffff  }
0x2ef: {  	v55 =	vld.idx.msk [tilespmem:v2+s13+$0x6400 ss:$0x1], $0xffff  }
0x2f0: {  	v56 =	vld.idx.msk [tilespmem:v2+s13+$0x5C00 ss:$0x1], $0xffff  }
0x2f1: {  	v49 =	vld.idx.msk [tilespmem:v2+s13+$0x6000 ss:$0x1], $0xffff  }
0x2f2: {  	v50 =	vld.idx.msk [tilespmem:v2+s13+$0x4000 ss:$0x1], $0xffff  }
0x2f3: {  	v51 =	vld.idx.msk [tilespmem:v2+s13+$0x3800 ss:$0x1], $0xffff  }
0x2f4: {  	v52 =	vld.idx.msk [tilespmem:v2+s13+$0x6800 ss:$0x1], $0xffff;
	v7 =	vadd.bf16 v7, v11;
	v10 =	vadd.bf16 v10, v15  }
0x2f5: {  	v53 =	vld.idx.msk [tilespmem:v2+s13+$0x6A00 ss:$0x1], $0xffff;
	v12 =	vadd.bf16 v12, v16;
	v8 =	vadd.bf16 v8, v19  }
0x2f6: {  	v7 =	vadd.bf16 v9, v7;
	v14 =	vadd.bf16 v14, v18  }
0x2f7: {  	v5 =	vadd.bf16 v5, v56;
	v17 =	vadd.bf16 v17, v20  }
0x2f8: {  	v54 =	vld.idx.msk [tilespmem:v2+s13+$0x6C00 ss:$0x1], $0xffff;
	v3 =	vadd.bf16 v3, v55;
	v13 =	vadd.bf16 v13, v50  }
0x2f9: {  	v6 =	vadd.bf16 v6, v49;
	v4 =	vadd.bf16 v4, v51  }
0x2fa: {  	v55 =	vadd.bf16 v53, v52;
	v10 =	vadd.bf16 v10, v12  }
0x2fb: {  	v5 =	vadd.bf16 v5, v17;
	v8 =	vadd.bf16 v8, v13  }
0x2fc: {  	v3 =	vadd.bf16 v3, v6;
	v4 =	vadd.bf16 v14, v4  }
0x2fd: {  	v2 =	vadd.bf16 v54, v55;
	v7 =	vadd.bf16 v7, v10  }
0x2fe: {  	v3 =	vadd.bf16 v3, v5;
	v4 =	vadd.bf16 v8, v4;
	_ =	sdelay $0x1  }
0x2ff: {  	s21 =	sadd.s32 $0x1, s21;
	v4 =	vadd.bf16 v7, v4;
	v2 =	vadd.bf16 v2, v3  }
0x300: {  	p2 =	sne.s32 s21, $0x8  }
.Ltmp7:
0x301: {  	v2 =	vadd.bf16 v2, v4;
	(pc) =	sbr.rel @p2 .LBB2_15-.Ltmp7, $4  }
0x302: {  	_ = 	snop  }
0x303: {  	v56 =	vunpack.i.l.bf16.f32 v2  }
0x304: {  	v2 =	vunpack.i.u.bf16.f32 v2;
	[tilespmem:v1+s13+$0xFFFFFE00 ss:$0x1] =	vst.idx.msk $0xffff, v56  }
0x305: {  	s22 =	sadd.s32 $0x10, s22;
	s10 =	sadd.s32 $0x10, s10;
	[tilespmem:v1+s13+$0x0 ss:$0x1] =	vst.idx.msk $0xffff, v2  }
0x306: {  	s1 =	sadd.s32 @!p1 $0xC430, s11  }
0x307: {  	s10 =	simm.s32 @!p1 $0x70;
	s12 =	simm.s32 @!p1 $0x11D00;
	s22 =	sadd.s32 s19, s6  }
0x308: {  	[tilespmem:s12], [sflag:$0x2] =	stream.indirect.gather @!p1 [hbm4b:s4+s10], $0x80, s1, s10, $0xb8;
	[tilespmem:$0x1D500] =	vst v63  }
0x309: {  	s1 =	sshll.u32 s22, $0x5  }
0x30a: {  	s1 =	sadd.s32 s1, s8  }
0x30b: {  	[hbm4b:s1+s24] =	stream.strided.scatter [tilespmem:s29], [sflag:$0x6], $0x400, s25, s24, $0x38;
	[tilespmem:$0x1D500] =	vst v63  }
0x30c: {  	_ =	swait.ge [sflag:s30], $0x3800  }
0x30d: {  	[sflag:s30] =	ssyncset.done $0x0  }
0x30e: {  	s1 =	simm.s32 @!p0 $0x7;
	[sflag:s30] =	ssyncadd.s32 $0xFFFFC800  }
0x30f: {  	_ =	swait.ge @!p0 [sflag:s1], $0x400  }
0x310: {  	s21 =	simm.s32 $0x0;
	[sflag:s1] =	ssyncset.done @!p0 $0x0  }
0x311: {  	s22 =	simm.s32 $0xE500;
	s10 =	simm.s32 $0x1CF00;
	[sflag:s1] =	ssyncadd.s32 @!p0 $0xFFFFFC00  }
.LBB2_19:
0x312: {  	v2 =	vmov s22;
	_ =	sdelay $0x3  }
0x313: {  	s13 =	simm.s32 $0x0  }
0x314: {  	v3 =	vld.idx.msk [tilespmem:v2+s13+$0x9E00 ss:$0x1], $0xffff  }
0x315: {  	v9 =	vld.idx.msk [tilespmem:v2+s13+$0x8E00 ss:$0x1], $0xffff  }
0x316: {  	v5 =	vld.idx.msk [tilespmem:v2+s13+$0x9600 ss:$0x1], $0xffff  }
0x317: {  	v7 =	vld.idx.msk [tilespmem:v2+s13+$0x8A00 ss:$0x1], $0xffff  }
0x318: {  	v13 =	vld.idx.msk [tilespmem:v2+s13+$0x8C00 ss:$0x1], $0xffff  }
0x319: {  	v10 =	vld.idx.msk [tilespmem:v2+s13+$0x8600 ss:$0x1], $0xffff  }
0x31a: {  	v4 =	vld.idx.msk [tilespmem:v2+s13+$0x7200 ss:$0x1], $0xffff  }
0x31b: {  	v8 =	vld.idx.msk [tilespmem:v2+s13+$0x7E00 ss:$0x1], $0xffff  }
0x31c: {  	v6 =	vld.idx.msk [tilespmem:v2+s13+$0x9A00 ss:$0x1], $0xffff  }
0x31d: {  	v11 =	vld.idx.msk [tilespmem:v2+s13+$0x8800 ss:$0x1], $0xffff  }
0x31e: {  	v1 =	vmov s10;
	s1 =	simm.s32 $0x200;
	v12 =	vld.idx.msk [tilespmem:v2+s13+$0x8200 ss:$0x1], $0xffff;
	v9 =	vadd.bf16 v9, v13  }
.LBB2_20:
0x31f: {  	p2 =	sne.s32 s1, $0x600;
	v13 =	vld.idx.msk [tilespmem:v2+s13+$0x7A00 ss:$0x1], $0xffff;
	s12 =	smov.u32 s1;
	s1 =	sadd.s32 $0x200, s1  }
0x320: {  	v14 =	vld.idx.msk [tilespmem:v2+s13+$0x7600 ss:$0x1], $0xffff  }
0x321: {  	v15 =	vld.idx.msk [tilespmem:v2+s13+$0x8400 ss:$0x1], $0xffff  }
0x322: {  	v16 =	vld.idx.msk [tilespmem:v2+s13+$0x8000 ss:$0x1], $0xffff  }
0x323: {  	v17 =	vld.idx.msk [tilespmem:v2+s13+$0x9200 ss:$0x1], $0xffff  }
0x324: {  	v18 =	vld.idx.msk [tilespmem:v2+s13+$0x7400 ss:$0x1], $0xffff  }
0x325: {  	v19 =	vld.idx.msk [tilespmem:v2+s13+$0x7C00 ss:$0x1], $0xffff  }
0x326: {  	v20 =	vld.idx.msk [tilespmem:v2+s13+$0x9000 ss:$0x1], $0xffff  }
0x327: {  	v10 =	vadd.bf16 v10, v15;
	v55 =	vld.idx.msk [tilespmem:v2+s13+$0x9C00 ss:$0x1], $0xffff  }
0x328: {  	v12 =	vadd.bf16 v12, v16;
	v15 =	vld.idx.msk [tilespmem:v2+s13+$0x9400 ss:$0x1], $0xffff  }
0x329: {  	v16 =	vld.idx.msk [tilespmem:v2+s13+$0x9800 ss:$0x1], $0xffff  }
0x32a: {  	v7 =	vadd.bf16 v7, v11;
	v56 =	vld.idx.msk [tilespmem:v2+s13+$0x7800 ss:$0x1], $0xffff  }
0x32b: {  	v10 =	vadd.bf16 v10, v12;
	v8 =	vadd.bf16 v8, v19;
	v11 =	vld.idx.msk [tilespmem:v2+s13+$0x7000 ss:$0x1], $0xffff  }
0x32c: {  	v7 =	vadd.bf16 v9, v7;
	v12 =	vld.idx.msk [tilespmem:v2+s13+$0xA000 ss:$0x1], $0xffff  }
0x32d: {  	v14 =	vadd.bf16 v14, v18;
	v9 =	vld.idx.msk [tilespmem:v2+s13+$0xA200 ss:$0x1], $0xffff  }
0x32e: {  	v7 =	vadd.bf16 v7, v10;
	v5 =	vadd.bf16 v5, v15  }
0x32f: {  	v3 =	vadd.bf16 v3, v55;
	v15 =	vadd.bf16 v17, v20;
	v10 =	vld.idx.msk [tilespmem:v2+s13+$0xA400 ss:$0x1], $0xffff  }
0x330: {  	v6 =	vadd.bf16 v6, v16;
	v13 =	vadd.bf16 v13, v56  }
0x331: {  	v5 =	vadd.bf16 v5, v15;
	v4 =	vadd.bf16 v4, v11  }
0x332: {  	v3 =	vadd.bf16 v3, v6;
	v8 =	vadd.bf16 v8, v13  }
0x333: {  	v6 =	vadd.bf16 v9, v12;
	v4 =	vadd.bf16 v14, v4  }
0x334: {  	v3 =	vadd.bf16 v3, v5  }
0x335: {  	v5 =	vadd.bf16 v10, v6;
	v4 =	vadd.bf16 v8, v4  }
0x336: {  	s12 =	sshra.s32 s12, $0x2  }
0x337: {  	v4 =	vadd.bf16 v7, v4;
	v3 =	vadd.bf16 v5, v3;
	_ =	sdelay $0x1  }
0x338: {  	v3 =	vadd.bf16 v3, v4;
	_ =	sdelay $0x1  }
0x339: {  	v4 =	vunpack.i.l.bf16.f32 v3  }
0x33a: {  	v3 =	vunpack.i.u.bf16.f32 v3;
	[tilespmem:v1+s13+$0xFFFFFE00 ss:$0x1] =	vst.idx.msk $0xffff, v4  }
0x33b: {  	[tilespmem:v1+s13+$0x0 ss:$0x1] =	vst.idx.msk $0xffff, v3;
	s13 =	smov.u32 s12  }
0x33c: {  	v3 =	vld.idx.msk [tilespmem:v2+s13+$0x9E00 ss:$0x1], $0xffff  }
0x33d: {  	v9 =	vld.idx.msk [tilespmem:v2+s13+$0x8E00 ss:$0x1], $0xffff  }
0x33e: {  	v5 =	vld.idx.msk [tilespmem:v2+s13+$0x9600 ss:$0x1], $0xffff  }
0x33f: {  	v7 =	vld.idx.msk [tilespmem:v2+s13+$0x8A00 ss:$0x1], $0xffff  }
0x340: {  	v13 =	vld.idx.msk [tilespmem:v2+s13+$0x8C00 ss:$0x1], $0xffff  }
0x341: {  	v10 =	vld.idx.msk [tilespmem:v2+s13+$0x8600 ss:$0x1], $0xffff  }
.Ltmp8:
0x342: {  	v4 =	vld.idx.msk [tilespmem:v2+s13+$0x7200 ss:$0x1], $0xffff;
	(pc) =	sbr.rel @p2 .LBB2_20-.Ltmp8, $4  }
0x343: {  	v8 =	vld.idx.msk [tilespmem:v2+s13+$0x7E00 ss:$0x1], $0xffff  }
0x344: {  	v6 =	vld.idx.msk [tilespmem:v2+s13+$0x9A00 ss:$0x1], $0xffff  }
0x345: {  	v11 =	vld.idx.msk [tilespmem:v2+s13+$0x8800 ss:$0x1], $0xffff  }
0x346: {  	v9 =	vadd.bf16 v9, v13;
	v12 =	vld.idx.msk [tilespmem:v2+s13+$0x8200 ss:$0x1], $0xffff  }
0x347: {  	_ =	sdelay $0x3  }
0x348: {  	v13 =	vld.idx.msk [tilespmem:v2+s13+$0x7A00 ss:$0x1], $0xffff  }
0x349: {  	v14 =	vld.idx.msk [tilespmem:v2+s13+$0x7600 ss:$0x1], $0xffff  }
0x34a: {  	v15 =	vld.idx.msk [tilespmem:v2+s13+$0x8400 ss:$0x1], $0xffff  }
0x34b: {  	v16 =	vld.idx.msk [tilespmem:v2+s13+$0x8000 ss:$0x1], $0xffff  }
0x34c: {  	v17 =	vld.idx.msk [tilespmem:v2+s13+$0x9200 ss:$0x1], $0xffff  }
0x34d: {  	v18 =	vld.idx.msk [tilespmem:v2+s13+$0x7400 ss:$0x1], $0xffff  }
0x34e: {  	v19 =	vld.idx.msk [tilespmem:v2+s13+$0x7C00 ss:$0x1], $0xffff  }
0x34f: {  	v20 =	vld.idx.msk [tilespmem:v2+s13+$0x9000 ss:$0x1], $0xffff  }
0x350: {  	v55 =	vld.idx.msk [tilespmem:v2+s13+$0x9C00 ss:$0x1], $0xffff  }
0x351: {  	v56 =	vld.idx.msk [tilespmem:v2+s13+$0x9400 ss:$0x1], $0xffff  }
0x352: {  	v49 =	vld.idx.msk [tilespmem:v2+s13+$0x9800 ss:$0x1], $0xffff  }
0x353: {  	v50 =	vld.idx.msk [tilespmem:v2+s13+$0x7800 ss:$0x1], $0xffff  }
0x354: {  	v51 =	vld.idx.msk [tilespmem:v2+s13+$0x7000 ss:$0x1], $0xffff  }
0x355: {  	v52 =	vld.idx.msk [tilespmem:v2+s13+$0xA000 ss:$0x1], $0xffff;
	v7 =	vadd.bf16 v7, v11;
	v10 =	vadd.bf16 v10, v15  }
0x356: {  	v53 =	vld.idx.msk [tilespmem:v2+s13+$0xA200 ss:$0x1], $0xffff;
	v12 =	vadd.bf16 v12, v16;
	v8 =	vadd.bf16 v8, v19  }
0x357: {  	v7 =	vadd.bf16 v9, v7;
	v14 =	vadd.bf16 v14, v18  }
0x358: {  	v5 =	vadd.bf16 v5, v56;
	v17 =	vadd.bf16 v17, v20  }
0x359: {  	v54 =	vld.idx.msk [tilespmem:v2+s13+$0xA400 ss:$0x1], $0xffff;
	v3 =	vadd.bf16 v3, v55;
	v13 =	vadd.bf16 v13, v50  }
0x35a: {  	v6 =	vadd.bf16 v6, v49;
	v4 =	vadd.bf16 v4, v51  }
0x35b: {  	v55 =	vadd.bf16 v53, v52;
	v10 =	vadd.bf16 v10, v12  }
0x35c: {  	v5 =	vadd.bf16 v5, v17;
	v8 =	vadd.bf16 v8, v13  }
0x35d: {  	v3 =	vadd.bf16 v3, v6;
	v4 =	vadd.bf16 v14, v4  }
0x35e: {  	v2 =	vadd.bf16 v54, v55;
	v7 =	vadd.bf16 v7, v10  }
0x35f: {  	v3 =	vadd.bf16 v3, v5;
	v4 =	vadd.bf16 v8, v4;
	_ =	sdelay $0x1  }
0x360: {  	s21 =	sadd.s32 $0x1, s21;
	v4 =	vadd.bf16 v7, v4;
	v2 =	vadd.bf16 v2, v3  }
0x361: {  	p2 =	sne.s32 s21, $0x8  }
.Ltmp9:
0x362: {  	v2 =	vadd.bf16 v2, v4;
	(pc) =	sbr.rel @p2 .LBB2_19-.Ltmp9, $4  }
0x363: {  	_ = 	snop  }
0x364: {  	v56 =	vunpack.i.l.bf16.f32 v2  }
0x365: {  	v2 =	vunpack.i.u.bf16.f32 v2;
	[tilespmem:v1+s13+$0xFFFFFE00 ss:$0x1] =	vst.idx.msk $0xffff, v56  }
0x366: {  	s22 =	sadd.s32 $0x10, s22;
	s10 =	sadd.s32 $0x10, s10;
	[tilespmem:v1+s13+$0x0 ss:$0x1] =	vst.idx.msk $0xffff, v2  }
0x367: {  	s1 =	sadd.s32 @!p1 $0xC4A0, s11  }
0x368: {  	s10 =	simm.s32 @!p1 $0x70;
	s12 =	simm.s32 @!p1 $0x15500;
	s22 =	sadd.s32 s19, s9  }
0x369: {  	[tilespmem:s12], [sflag:$0x3] =	stream.indirect.gather @!p1 [hbm4b:s4+s10], $0x80, s1, s10, $0xb8;
	[tilespmem:$0x1D500] =	vst v63  }
0x36a: {  	s1 =	sshll.u32 s22, $0x5  }
0x36b: {  	s19 =	sand.u32 $0x1FFFFF00, s1  }
0x36c: {  	s1 =	sadd.s32 s5, s19  }
0x36d: {  	[hbm4b:s1+s24] =	stream.strided.scatter [tilespmem:s31], [sflag:$0x7], $0x400, s25, s24, $0x38;
	[tilespmem:$0x1D500] =	vst v63  }
0x36e: {  	_ =	swait.ge [sflag:s0], $0x3800  }
0x36f: {  	[sflag:s0] =	ssyncset.done $0x0  }
0x370: {  	s1 =	simm.s32 @!p0 $0x8;
	[sflag:s0] =	ssyncadd.s32 $0xFFFFC800  }
0x371: {  	_ =	swait.ge @!p0 [sflag:s1], $0x400  }
0x372: {  	s21 =	simm.s32 $0x0;
	[sflag:s1] =	ssyncset.done @!p0 $0x0  }
0x373: {  	s22 =	simm.s32 $0xE500;
	s10 =	simm.s32 $0x1D300;
	[sflag:s1] =	ssyncadd.s32 @!p0 $0xFFFFFC00  }
.LBB2_23:
0x374: {  	v2 =	vmov s22;
	_ =	sdelay $0x3  }
0x375: {  	s13 =	simm.s32 $0x0  }
0x376: {  	v3 =	vld.idx.msk [tilespmem:v2+s13+$0xD600 ss:$0x1], $0xffff  }
0x377: {  	v9 =	vld.idx.msk [tilespmem:v2+s13+$0xC600 ss:$0x1], $0xffff  }
0x378: {  	v5 =	vld.idx.msk [tilespmem:v2+s13+$0xCE00 ss:$0x1], $0xffff  }
0x379: {  	v7 =	vld.idx.msk [tilespmem:v2+s13+$0xC200 ss:$0x1], $0xffff  }
0x37a: {  	v13 =	vld.idx.msk [tilespmem:v2+s13+$0xC400 ss:$0x1], $0xffff  }
0x37b: {  	v10 =	vld.idx.msk [tilespmem:v2+s13+$0xBE00 ss:$0x1], $0xffff  }
0x37c: {  	v4 =	vld.idx.msk [tilespmem:v2+s13+$0xAA00 ss:$0x1], $0xffff  }
0x37d: {  	v8 =	vld.idx.msk [tilespmem:v2+s13+$0xB600 ss:$0x1], $0xffff  }
0x37e: {  	v6 =	vld.idx.msk [tilespmem:v2+s13+$0xD200 ss:$0x1], $0xffff  }
0x37f: {  	v11 =	vld.idx.msk [tilespmem:v2+s13+$0xC000 ss:$0x1], $0xffff  }
0x380: {  	v1 =	vmov s10;
	s1 =	simm.s32 $0x200;
	v12 =	vld.idx.msk [tilespmem:v2+s13+$0xBA00 ss:$0x1], $0xffff;
	v9 =	vadd.bf16 v9, v13  }
.LBB2_24:
0x381: {  	p0 =	sne.s32 s1, $0x600;
	v13 =	vld.idx.msk [tilespmem:v2+s13+$0xB200 ss:$0x1], $0xffff;
	s12 =	smov.u32 s1;
	s1 =	sadd.s32 $0x200, s1  }
0x382: {  	v14 =	vld.idx.msk [tilespmem:v2+s13+$0xAE00 ss:$0x1], $0xffff  }
0x383: {  	v15 =	vld.idx.msk [tilespmem:v2+s13+$0xBC00 ss:$0x1], $0xffff  }
0x384: {  	v16 =	vld.idx.msk [tilespmem:v2+s13+$0xB800 ss:$0x1], $0xffff  }
0x385: {  	v17 =	vld.idx.msk [tilespmem:v2+s13+$0xCA00 ss:$0x1], $0xffff  }
0x386: {  	v18 =	vld.idx.msk [tilespmem:v2+s13+$0xAC00 ss:$0x1], $0xffff  }
0x387: {  	v19 =	vld.idx.msk [tilespmem:v2+s13+$0xB400 ss:$0x1], $0xffff  }
0x388: {  	v20 =	vld.idx.msk [tilespmem:v2+s13+$0xC800 ss:$0x1], $0xffff  }
0x389: {  	v10 =	vadd.bf16 v10, v15;
	v55 =	vld.idx.msk [tilespmem:v2+s13+$0xD400 ss:$0x1], $0xffff  }
0x38a: {  	v12 =	vadd.bf16 v12, v16;
	v15 =	vld.idx.msk [tilespmem:v2+s13+$0xCC00 ss:$0x1], $0xffff  }
0x38b: {  	v16 =	vld.idx.msk [tilespmem:v2+s13+$0xD000 ss:$0x1], $0xffff  }
0x38c: {  	v7 =	vadd.bf16 v7, v11;
	v56 =	vld.idx.msk [tilespmem:v2+s13+$0xB000 ss:$0x1], $0xffff  }
0x38d: {  	v10 =	vadd.bf16 v10, v12;
	v8 =	vadd.bf16 v8, v19;
	v11 =	vld.idx.msk [tilespmem:v2+s13+$0xA800 ss:$0x1], $0xffff  }
0x38e: {  	v7 =	vadd.bf16 v9, v7;
	v12 =	vld.idx.msk [tilespmem:v2+s13+$0xD800 ss:$0x1], $0xffff  }
0x38f: {  	v14 =	vadd.bf16 v14, v18;
	v9 =	vld.idx.msk [tilespmem:v2+s13+$0xDA00 ss:$0x1], $0xffff  }
0x390: {  	v7 =	vadd.bf16 v7, v10;
	v5 =	vadd.bf16 v5, v15  }
0x391: {  	v3 =	vadd.bf16 v3, v55;
	v15 =	vadd.bf16 v17, v20;
	v10 =	vld.idx.msk [tilespmem:v2+s13+$0xDC00 ss:$0x1], $0xffff  }
0x392: {  	v6 =	vadd.bf16 v6, v16;
	v13 =	vadd.bf16 v13, v56  }
0x393: {  	v5 =	vadd.bf16 v5, v15;
	v4 =	vadd.bf16 v4, v11  }
0x394: {  	v3 =	vadd.bf16 v3, v6;
	v8 =	vadd.bf16 v8, v13  }
0x395: {  	v6 =	vadd.bf16 v9, v12;
	v4 =	vadd.bf16 v14, v4  }
0x396: {  	v3 =	vadd.bf16 v3, v5  }
0x397: {  	v5 =	vadd.bf16 v10, v6;
	v4 =	vadd.bf16 v8, v4  }
0x398: {  	s12 =	sshra.s32 s12, $0x2  }
0x399: {  	v4 =	vadd.bf16 v7, v4;
	v3 =	vadd.bf16 v5, v3;
	_ =	sdelay $0x1  }
0x39a: {  	v3 =	vadd.bf16 v3, v4;
	_ =	sdelay $0x1  }
0x39b: {  	v4 =	vunpack.i.l.bf16.f32 v3  }
0x39c: {  	v3 =	vunpack.i.u.bf16.f32 v3;
	[tilespmem:v1+s13+$0xFFFFFE00 ss:$0x1] =	vst.idx.msk $0xffff, v4  }
0x39d: {  	[tilespmem:v1+s13+$0x0 ss:$0x1] =	vst.idx.msk $0xffff, v3;
	s13 =	smov.u32 s12  }
0x39e: {  	v3 =	vld.idx.msk [tilespmem:v2+s13+$0xD600 ss:$0x1], $0xffff  }
0x39f: {  	v9 =	vld.idx.msk [tilespmem:v2+s13+$0xC600 ss:$0x1], $0xffff  }
0x3a0: {  	v5 =	vld.idx.msk [tilespmem:v2+s13+$0xCE00 ss:$0x1], $0xffff  }
0x3a1: {  	v7 =	vld.idx.msk [tilespmem:v2+s13+$0xC200 ss:$0x1], $0xffff  }
0x3a2: {  	v13 =	vld.idx.msk [tilespmem:v2+s13+$0xC400 ss:$0x1], $0xffff  }
0x3a3: {  	v10 =	vld.idx.msk [tilespmem:v2+s13+$0xBE00 ss:$0x1], $0xffff  }
.Ltmp10:
0x3a4: {  	v4 =	vld.idx.msk [tilespmem:v2+s13+$0xAA00 ss:$0x1], $0xffff;
	(pc) =	sbr.rel @p0 .LBB2_24-.Ltmp10, $4  }
0x3a5: {  	v8 =	vld.idx.msk [tilespmem:v2+s13+$0xB600 ss:$0x1], $0xffff  }
0x3a6: {  	v6 =	vld.idx.msk [tilespmem:v2+s13+$0xD200 ss:$0x1], $0xffff  }
0x3a7: {  	v11 =	vld.idx.msk [tilespmem:v2+s13+$0xC000 ss:$0x1], $0xffff  }
0x3a8: {  	v9 =	vadd.bf16 v9, v13;
	v12 =	vld.idx.msk [tilespmem:v2+s13+$0xBA00 ss:$0x1], $0xffff  }
0x3a9: {  	_ =	sdelay $0x3  }
0x3aa: {  	v13 =	vld.idx.msk [tilespmem:v2+s13+$0xB200 ss:$0x1], $0xffff  }
0x3ab: {  	v14 =	vld.idx.msk [tilespmem:v2+s13+$0xAE00 ss:$0x1], $0xffff  }
0x3ac: {  	v15 =	vld.idx.msk [tilespmem:v2+s13+$0xBC00 ss:$0x1], $0xffff  }
0x3ad: {  	v16 =	vld.idx.msk [tilespmem:v2+s13+$0xB800 ss:$0x1], $0xffff  }
0x3ae: {  	v17 =	vld.idx.msk [tilespmem:v2+s13+$0xCA00 ss:$0x1], $0xffff  }
0x3af: {  	v18 =	vld.idx.msk [tilespmem:v2+s13+$0xAC00 ss:$0x1], $0xffff  }
0x3b0: {  	v19 =	vld.idx.msk [tilespmem:v2+s13+$0xB400 ss:$0x1], $0xffff  }
0x3b1: {  	v20 =	vld.idx.msk [tilespmem:v2+s13+$0xC800 ss:$0x1], $0xffff  }
0x3b2: {  	v55 =	vld.idx.msk [tilespmem:v2+s13+$0xD400 ss:$0x1], $0xffff  }
0x3b3: {  	v56 =	vld.idx.msk [tilespmem:v2+s13+$0xCC00 ss:$0x1], $0xffff  }
0x3b4: {  	v49 =	vld.idx.msk [tilespmem:v2+s13+$0xD000 ss:$0x1], $0xffff  }
0x3b5: {  	v50 =	vld.idx.msk [tilespmem:v2+s13+$0xB000 ss:$0x1], $0xffff  }
0x3b6: {  	v51 =	vld.idx.msk [tilespmem:v2+s13+$0xA800 ss:$0x1], $0xffff  }
0x3b7: {  	v52 =	vld.idx.msk [tilespmem:v2+s13+$0xD800 ss:$0x1], $0xffff;
	v7 =	vadd.bf16 v7, v11;
	v10 =	vadd.bf16 v10, v15  }
0x3b8: {  	v53 =	vld.idx.msk [tilespmem:v2+s13+$0xDA00 ss:$0x1], $0xffff;
	v12 =	vadd.bf16 v12, v16;
	v8 =	vadd.bf16 v8, v19  }
0x3b9: {  	v7 =	vadd.bf16 v9, v7;
	v14 =	vadd.bf16 v14, v18  }
0x3ba: {  	v5 =	vadd.bf16 v5, v56;
	v17 =	vadd.bf16 v17, v20  }
0x3bb: {  	v54 =	vld.idx.msk [tilespmem:v2+s13+$0xDC00 ss:$0x1], $0xffff;
	v3 =	vadd.bf16 v3, v55;
	v13 =	vadd.bf16 v13, v50  }
0x3bc: {  	v6 =	vadd.bf16 v6, v49;
	v4 =	vadd.bf16 v4, v51  }
0x3bd: {  	v55 =	vadd.bf16 v53, v52;
	v10 =	vadd.bf16 v10, v12  }
0x3be: {  	v5 =	vadd.bf16 v5, v17;
	v8 =	vadd.bf16 v8, v13  }
0x3bf: {  	v3 =	vadd.bf16 v3, v6;
	v4 =	vadd.bf16 v14, v4  }
0x3c0: {  	v2 =	vadd.bf16 v54, v55;
	v7 =	vadd.bf16 v7, v10  }
0x3c1: {  	v3 =	vadd.bf16 v3, v5;
	v4 =	vadd.bf16 v8, v4;
	_ =	sdelay $0x1  }
0x3c2: {  	s21 =	sadd.s32 $0x1, s21;
	v4 =	vadd.bf16 v7, v4;
	v2 =	vadd.bf16 v2, v3  }
0x3c3: {  	p0 =	sne.s32 s21, $0x8  }
.Ltmp11:
0x3c4: {  	v2 =	vadd.bf16 v2, v4;
	(pc) =	sbr.rel @p0 .LBB2_23-.Ltmp11, $4  }
0x3c5: {  	_ = 	snop  }
0x3c6: {  	v56 =	vunpack.i.l.bf16.f32 v2  }
0x3c7: {  	v2 =	vunpack.i.u.bf16.f32 v2;
	[tilespmem:v1+s13+$0xFFFFFE00 ss:$0x1] =	vst.idx.msk $0xffff, v56  }
0x3c8: {  	s22 =	sadd.s32 $0x10, s22;
	s10 =	sadd.s32 $0x10, s10;
	[tilespmem:v1+s13+$0x0 ss:$0x1] =	vst.idx.msk $0xffff, v2  }
0x3c9: {  	s18 =	sadd.s32 $0x1, s18  }
0x3ca: {  	p0 =	sne.s32 s18, $0x14  }
.Ltmp12:
0x3cb: {  	_ = 	snop;
	(pc) =	sbr.rel @p0 .LBB2_10-.Ltmp12, $4  }
0x3cc: {  	s1 =	sadd.s32 @!p1 $0xC510, s11;
	s10 =	simm.s32 @!p1 $0x70;
	s11 =	simm.s32 @!p1 $0x18D00  }
0x3cd: {  	[tilespmem:s11], [sflag:$0x4] =	stream.indirect.gather @!p1 [hbm4b:s4+s10], $0x80, s1, s10, $0xb8;
	[tilespmem:$0x1D500] =	vst v63  }
0x3ce: {  	s22 =	sadd.s32 s19, s8  }
0x3cf: {  	[hbm4b:s22+s24] =	stream.strided.scatter [tilespmem:s3], [sflag:$0x8], $0x400, s25, s24, $0x38;
	[tilespmem:$0x1D500] =	vst v63  }
0x3d0: {  	s1 =	simm.s32 $0x5  }
0x3d1: {  	_ =	swait.ge [sflag:s1], $0x400  }
0x3d2: {  	[sflag:s1] =	ssyncset.done $0x0  }
0x3d3: {  	s21 =	simm.s32 $0x6;
	[sflag:s1] =	ssyncadd.s32 $0xFFFFFC00  }
0x3d4: {  	_ =	swait.ge [sflag:s21], $0x400  }
0x3d5: {  	[sflag:s21] =	ssyncset.done $0x0  }
0x3d6: {  	[sflag:s21] =	ssyncadd.s32 $0xFFFFFC00  }
0x3d7: {  	_ =	swait.ge [sflag:s16], $0x400  }
0x3d8: {  	[sflag:s16] =	ssyncset.done $0x0  }
0x3d9: {  	[sflag:s16] =	ssyncadd.s32 $0xFFFFFC00  }
0x3da: {  	_ =	swait.ge [sflag:s17], $0x400  }
0x3db: {  	v33 =	vld [tilespmem:$0x1FD10]  }
0x3dc: {  	v34 =	vld [tilespmem:$0x1FD20]  }
0x3dd: {  	v35 =	vld [tilespmem:$0x1FD30]  }
0x3de: {  	v36 =	vld [tilespmem:$0x1FD40]  }
0x3df: {  	v37 =	vld [tilespmem:$0x1FD50]  }
0x3e0: {  	v38 =	vld [tilespmem:$0x1FD60]  }
0x3e1: {  	v39 =	vld [tilespmem:$0x1FD70]  }
0x3e2: {  	v40 =	vld [tilespmem:$0x1FD80]  }
0x3e3: {  	v41 =	vld [tilespmem:$0x1FD90]  }
0x3e4: {  	v42 =	vld [tilespmem:$0x1FDA0]  }
0x3e5: {  	v18 =	vld [tilespmem:$0x1FDB0]  }
0x3e6: {  	v44 =	vld [tilespmem:$0x1FDC0]  }
0x3e7: {  	v45 =	vld [tilespmem:$0x1FDD0]  }
0x3e8: {  	v46 =	vld [tilespmem:$0x1FDE0]  }
0x3e9: {  	v47 =	vld [tilespmem:$0x1FDF0]  }
0x3ea: {  	v48 =	vld [tilespmem:$0x1FE00]  }
0x3eb: {  	v49 =	vld [tilespmem:$0x1FE10]  }
0x3ec: {  	v50 =	vld [tilespmem:$0x1FE20]  }
0x3ed: {  	v51 =	vld [tilespmem:$0x1FE30]  }
0x3ee: {  	v52 =	vld [tilespmem:$0x1FE40]  }
0x3ef: {  	v53 =	vld [tilespmem:$0x1FE50]  }
0x3f0: {  	v54 =	vld [tilespmem:$0x1FE60]  }
0x3f1: {  	v0 =	vld [tilespmem:$0x1FE70]  }
0x3f2: {  	v26 =	vld [tilespmem:$0x1FE80]  }
0x3f3: {  	v27 =	vld [tilespmem:$0x1FE90]  }
0x3f4: {  	v28 =	vld [tilespmem:$0x1FEA0]  }
0x3f5: {  	v29 =	vld [tilespmem:$0x1FEB0]  }
0x3f6: {  	v30 =	vld [tilespmem:$0x1FEC0]  }
0x3f7: {  	v31 =	vld [tilespmem:$0x1FED0]  }
0x3f8: {  	v32 =	vld [tilespmem:$0x1FEE0]  }
0x3f9: {  	v6 =	vld [tilespmem:$0x1FEF0]  }
0x3fa: {  	v7 =	vld [tilespmem:$0x1FF00]  }
0x3fb: {  	v8 =	vld [tilespmem:$0x1FF10]  }
0x3fc: {  	s2 =	sadd.s32 $0x1, s2;
	s22 =	rddreg [dreg:$0x3];
	v9 =	vld [tilespmem:$0x1FF20]  }
0x3fd: {  	v10 =	vld [tilespmem:$0x1FF30];
	p0 =	sne.s32 s2, s22  }
.Ltmp13:
0x3fe: {  	v11 =	vld [tilespmem:$0x1FF40];
	(pc) =	sbr.rel @p0 .LBB2_1-.Ltmp13, $4  }
0x3ff: {  	v12 =	vld [tilespmem:$0x1FF50]  }
0x400: {  	v13 =	vld [tilespmem:$0x1FF60]  }
0x401: {  	[sflag:s17] =	ssyncset.done $0x0;
	v14 =	vld [tilespmem:$0x1FF70]  }
0x402: {  	v1 =	vimm.s32 $0xFFFFFFFF;
	v16 =	vlaneseq.u32;
	v17 =	vmov v43;
	v15 =	vld [tilespmem:$0x1FF80];
	[sflag:s17] =	ssyncadd.s32 $0xFFFFFC00  }
0x403: {  	_ =	sfence.sel $0x180000  }
0x404: {  	[bflag:$0x0] =	sbarrier.arrive $0xFFFF  }
0x405: {  	_ =	strace $0x90000047  }
0x406: {  	s0 =	stileid.u32;
	[bflag:$0x2] =	sbarrier.arrive $0xFFFF  }
0x407: {  	p0 =	sne.s32 s0, $0x0;
	s0 =	rddreg [dreg:$0x2]  }
0x408: {  	s0 =	sadd.s32 @!p0 $0x100000, s0  }
0x409: {  	[sflag:s0] =	ssyncadd.tile.s32 @!p0 $0x1;
	_ =	shalt  }
.Lfunc_end2:
_tile_overlayer_lowered:
.L_overlay_start_2:
0x40a: {  	(tag) =	ssettag $0x2  }
0x40b: {  	s0 =	rddreg [dreg:$0x0];
	s2 =	stileid.u32  }
0x40c: {  	s1 =	rddreg [dreg:$0x1];
	p0 =	sne.s32 s2, $0x0  }
0x40d: {  	s3 =	rddreg [dreg:$0x2];
	[bflag:$0x3] =	sbarrier.arrive $0xFFFF;
	s2 =	simm.s32 @!p0 $0x1C09  }
0x40e: {  	[timem:s3], [sflag:s2] =	dma.local @!p0 [hbm:s0], s1  }
0x40f: {  	s0 =	simm.s32 @!p0 $0x9  }
0x410: {  	_ =	swait.ge @!p0 [sflag:s0], s1  }
0x411: {  	s1 =	ssub.s32 @!p0 $0x0, s1;
	[sflag:s0] =	ssyncset.done @!p0 $0x0  }
0x412: {  	[sflag:s0] =	ssyncadd.s32 @!p0 s1  }
0x413: {  	[bflag:$0x3] =	sbarrier.arrive $0xFFFF  }
0x414: {  	_ =	shalt  }

</sc_bundles>
